<compile_context>
chip_gen: v7x
topology: tpu7x:2x2x1
jax: 0.10.2.dev20260603
libtpu: 0.0.44.dev20260713+nightly
codegen_flags: <defaults>
</compile_context>

<pallas_src>
import jax
import jax.numpy as jnp
from jax import lax
from jax.experimental import pallas as pl
from jax.experimental.pallas import tpu as pltpu
from jax.experimental.pallas import tpu_sc as plsc

H, W = 1200, 120
QH, QW = 600, 60
NUMEL = H * W
QN = QH * QW
BS = 64
NB = 4096
LSTRIDE = NB + 1
NLANE = 16
CH = 9600
NCH = NUMEL // CH
QCH = QN // NCH
HROWS = CH // W
OROWS = QCH // QW
NW = 32
ROWS_PER_WORKER = BS // NW
UQ = 10
UM = 8
FMAX = 3.4e38


def _minmax_body(x_hbm, mm_hbm, buf0, buf1, mmv, sem0, sem1):
    wid = lax.axis_index("s") * 2 + lax.axis_index("c")
    x2 = x_hbm.reshape(BS * H, W)
    bufs = (buf0, buf1)
    sems = (sem0, sem1)
    iota = lax.broadcasted_iota(jnp.int32, (NLANE,), 0)
    nch = (ROWS_PER_WORKER * NUMEL) // CH
    base_h = wid * ROWS_PER_WORKER * H

    def start(c, par):
        return pltpu.async_copy(
            x2.at[pl.ds(base_h + c * HROWS, HROWS), :],
            bufs[par], sems[par])

    def wait(par):
        pltpu.make_async_copy(
            x2.at[pl.ds(0, HROWS), :], bufs[par], sems[par]).wait()

    def mm_chunk(par, carry):
        def mm_step(p, carry):
            cmn, cmx = carry
            vs = []
            for half in range(2):
                i = 2 * p + half
                vs += [bufs[par][i, pl.ds(c * NLANE, NLANE)]
                       for c in range(7)]
                vs.append(bufs[par][i, pl.ds(W - NLANE, NLANE)])
            cmn = [jnp.minimum(cmn[u], vs[u]) for u in range(2 * UM)]
            cmx = [jnp.maximum(cmx[u], vs[u]) for u in range(2 * UM)]
            return cmn, cmx
        return lax.fori_loop(0, HROWS // 2, mm_step, carry)

    mns = [jnp.full((NLANE,), FMAX, jnp.float32) for _ in range(2 * UM)]
    mxs = [jnp.full((NLANE,), -FMAX, jnp.float32) for _ in range(2 * UM)]
    start(0, 0)
    start(1, 1)

    def pair_body(p, carry):
        c = 2 * p
        wait(0)
        carry = mm_chunk(0, carry)

        @pl.when(c + 2 < nch)
        def _():
            start(c + 2, 0)
        wait(1)
        carry = mm_chunk(1, carry)

        @pl.when(c + 3 < nch)
        def _():
            start(c + 3, 1)
        return carry

    mns, mxs = lax.fori_loop(0, nch // 2, pair_body, (mns, mxs))
    while len(mns) > 1:
        mns = [jnp.minimum(mns[2 * p], mns[2 * p + 1])
               for p in range(len(mns) // 2)]
        mxs = [jnp.maximum(mxs[2 * p], mxs[2 * p + 1])
               for p in range(len(mxs) // 2)]
    mmv[pl.ds(0, NLANE)] = mns[0]
    pltpu.sync_copy(mmv, mm_hbm.at[pl.ds(wid * NLANE, NLANE)])
    mmv[pl.ds(0, NLANE)] = mxs[0]
    pltpu.sync_copy(mmv, mm_hbm.at[pl.ds((NW + wid) * NLANE, NLANE)])


def _sc_body(x_hbm, mn_hbm, sc_hbm, out_hbm,
             buf0, buf1, hist, cum, outbuf, mnv_ref, scv_ref, sem0, sem1):
    wid = lax.axis_index("s") * 2 + lax.axis_index("c")

    pltpu.sync_copy(mn_hbm, mnv_ref)
    pltpu.sync_copy(sc_hbm, scv_ref)
    mnv = mnv_ref[...]
    scv = scv_ref[...]

    iota = lax.broadcasted_iota(jnp.int32, (NLANE,), 0)
    laneoff = iota * LSTRIDE
    ones = jnp.ones((NLANE,), jnp.int32)
    zeros = jnp.zeros((NLANE,), jnp.int32)
    inv_n = jnp.float32(1.0 / NUMEL)
    sems = (sem0, sem1)
    bufs = (buf0, buf1)
    x2 = x_hbm.reshape(BS * H, W)

    def bins_of(v):
        c = jnp.maximum(v, jnp.float32(60.0))
        kf = plsc.bitcast(c, jnp.int32).astype(jnp.float32)
        b = ((kf - mnv) * scv).astype(jnp.int32)
        return jnp.minimum(b, NB - 1)

    def start(r, c, par):
        return pltpu.async_copy(
            x2.at[pl.ds(r * H + c * HROWS, HROWS), :],
            bufs[par], sems[par])

    def wait(par):
        pltpu.make_async_copy(
            x2.at[pl.ds(0, HROWS), :], bufs[par], sems[par]).wait()

    tail_mask = iota >= (8 * NLANE - W)

    def hist_chunk(par):
        def hist_step(p, _):
            vs = []
            for half in range(2):
                i = 2 * p + half
                vs += [bufs[par][i, pl.ds(c * NLANE, NLANE)]
                       for c in range(7)]
                vs.append(bufs[par][i, pl.ds(W - NLANE, NLANE)])
            idxs = [laneoff + bins_of(v) for v in vs]
            for u, idx in enumerate(idxs):
                if u % 8 == 7:
                    plsc.addupdate_scatter(hist, [idx], ones, mask=tail_mask)
                else:
                    plsc.addupdate_scatter(hist, [idx], ones)
            return 0
        lax.fori_loop(0, HROWS // 2, hist_step, 0)

    def q_chunk(par, r, c):
        def q_step(j, _):
            kks = [(j * UQ + u) * NLANE + iota for u in range(UQ)]
            qrs = [kk // QW for kk in kks]
            qcs = [kks[u] - qrs[u] * QW for u in range(UQ)]
            vs = [plsc.load_gather(bufs[par], [2 * qrs[u], 2 * qcs[u]])
                  for u in range(UQ)]
            rks = [plsc.load_gather(cum, [bins_of(v)]) for v in vs]
            for u in range(UQ):
                plsc.store_scatter(
                    outbuf, [qrs[u], qcs[u]],
                    rks[u].astype(jnp.float32) * inv_n)
            return 0
        lax.fori_loop(0, QCH // NLANE // UQ, q_step, 0)
        pltpu.sync_copy(outbuf, out_hbm.at[r, pl.ds(c * OROWS, OROWS), :])

    def row_body(rr, _):
        r = wid * ROWS_PER_WORKER + rr

        def zero_step(i, _):
            for u in range(17):
                hist[pl.ds((i * 17 + u) * NLANE, NLANE)] = zeros
            return 0
        lax.fori_loop(0, (NLANE * LSTRIDE) // NLANE // 17, zero_step, 0)

        start(r, 0, 0)
        start(r, 1, 1)

        def a_pair(p, _):
            c = 2 * p
            wait(0)
            hist_chunk(0)

            @pl.when(c + 2 < NCH)
            def _():
                start(r, c + 2, 0)
            wait(1)
            hist_chunk(1)

            @pl.when(c + 3 < NCH)
            def _():
                start(r, c + 3, 1)
            return 0
        lax.fori_loop(0, NCH // 2, a_pair, 0)
        wait(0)
        hist_chunk(0)

        def scan_step(i, carry):
            b0 = i * NLANE
            parts = [hist[pl.ds(lane * LSTRIDE + b0, NLANE)]
                     for lane in range(NLANE)]
            while len(parts) > 1:
                parts = [parts[2 * p] + parts[2 * p + 1]
                         for p in range(len(parts) // 2)]
            tot = parts[0]
            incl = plsc.cumsum(tot)
            cum[pl.ds(b0, NLANE)] = incl - tot + carry
            return carry + jnp.max(incl)
        lax.fori_loop(0, NB // NLANE, scan_step, jnp.int32(0))

        start(r, 0, 0)
        start(r, 1, 1)

        def c_pair(p, _):
            c = 2 * p
            wait(0)
            q_chunk(0, r, c)

            @pl.when(c + 2 < NCH)
            def _():
                start(r, c + 2, 0)
            wait(1)
            q_chunk(1, r, c + 1)

            @pl.when(c + 3 < NCH)
            def _():
                start(r, c + 3, 1)
            return 0
        lax.fori_loop(0, NCH // 2, c_pair, 0)
        wait(0)
        q_chunk(0, r, NCH - 1)
        return 0

    lax.fori_loop(0, ROWS_PER_WORKER, row_body, 0)


def kernel(x):
    x = x.reshape(-1, H, W)
    bs = x.shape[0]
    mesh = plsc.VectorSubcoreMesh(
        core_axis_name="c", subcore_axis_name="s",
        num_cores=2, num_subcores=16)

    sc_mm = pl.kernel(
        _minmax_body,
        out_type=jax.ShapeDtypeStruct((2 * NW * NLANE,), jnp.float32),
        mesh=mesh,
        scratch_types=[
            pltpu.VMEM((HROWS, W), jnp.float32),
            pltpu.VMEM((HROWS, W), jnp.float32),
            pltpu.VMEM((NLANE,), jnp.float32),
            pltpu.SemaphoreType.DMA,
            pltpu.SemaphoreType.DMA,
        ],
        compiler_params=pltpu.CompilerParams(needs_layout_passes=False),
    )
    mm = sc_mm(x)
    cmn = jnp.maximum(jnp.min(mm[:NW * NLANE]), 60.0)
    cmx = jnp.maximum(jnp.max(mm[NW * NLANE:]), 60.0)
    kmn = lax.bitcast_convert_type(cmn, jnp.int32).astype(jnp.float32)
    kmx = lax.bitcast_convert_type(cmx, jnp.int32).astype(jnp.float32)
    mnv = jnp.full((NLANE,), kmn, jnp.float32)
    scv = jnp.full(
        (NLANE,), jnp.float32(NB) / jnp.maximum(kmx - kmn, 1.0), jnp.float32)

    sc_eq = pl.kernel(
        _sc_body,
        out_type=jax.ShapeDtypeStruct((bs, QH, QW), jnp.float32),
        mesh=mesh,
        scratch_types=[
            pltpu.VMEM((HROWS, W), jnp.float32),
            pltpu.VMEM((HROWS, W), jnp.float32),
            pltpu.VMEM((NLANE * LSTRIDE,), jnp.int32),
            pltpu.VMEM((NB,), jnp.int32),
            pltpu.VMEM((OROWS, QW), jnp.float32),
            pltpu.VMEM((NLANE,), jnp.float32),
            pltpu.VMEM((NLANE,), jnp.float32),
            pltpu.SemaphoreType.DMA,
            pltpu.SemaphoreType.DMA,
        ],
        compiler_params=pltpu.CompilerParams(needs_layout_passes=False),
    )
    return sc_eq(x, mnv, scv)

# --- scband reference (transcript-rebuilt; emitter-appended) ---
"""Pipeline reference for scband-transform-76673756168821 (READ-ONLY COPY).

The authoritative reference and input builder live on the scoring server;
editing this copy changes nothing except your own understanding.
"""

import jax, jax.numpy as jnp
import numpy as np

OUT_H, OUT_W = 600, 60


def setup_inputs() -> dict:
    # fill=arange: distinct, monotonically increasing values so that clip(x, 60)
    # does not collapse the tensor to a constant (which would make MinMax 0/0).
    x = jnp.arange(64 * 1200 * 120, dtype=jnp.float32).reshape(64, 1200, 120)
    return {"x": x}


def _nearest_resize(x, out_h, out_w):
    # torch F.interpolate(mode='nearest'): src_idx = floor(dst_idx * in_size / out_size)
    in_h, in_w = x.shape[-2], x.shape[-1]
    ih = (jnp.arange(out_h) * in_h) // out_h
    iw = (jnp.arange(out_w) * in_w) // out_w
    return x[..., ih, :][..., iw]


def reference(x):
    x = x.reshape(-1, 1200, 120)
    # Clip: clip(x, min=60.0)
    x = jnp.clip(x, 60.0)
    # Log: clip(x, 0.001).log10()
    x = jnp.log10(jnp.clip(x, 0.001))
    # MinMax over the whole tensor
    x = (x - x.min()) / (x.max() - x.min())
    # Equalize: per-batch-row histogram equalization via sort + searchsorted
    shape = x.shape
    bs = shape[0]
    numel = shape[1] * shape[2]
    flat = x.reshape(bs, -1)
    sorted_seq = jnp.sort(flat, axis=-1)
    idx = jax.vmap(lambda s, v: jnp.searchsorted(s, v, side='left'))(sorted_seq, flat)
    x = (idx.astype(jnp.float32) / numel).reshape(shape)
    # interpolate(x.unsqueeze(1), out_shape).squeeze()
    x = _nearest_resize(x[:, None, :, :], OUT_H, OUT_W)
    return jnp.squeeze(x)

if __name__ == "__main__":
    import jax
    _d = setup_inputs()
    print(jax.jit(kernel)(*tuple(_d.values())))

</pallas_src>

<mosaic_0001>
#map = affine_map<(d0, d1) -> (0, 0, 0)>
#map1 = affine_map<(d0, d1) -> (0)>
module attributes {stable_mosaic.version = 14 : i64} {
  func.func @_minmax_body(%arg0: i32, %arg1: i32, %arg2: memref<64x1200x120xf32, #tpu.memory_space<hbm>>, %arg3: memref<1024xf32, #tpu.memory_space<hbm>>, %arg4: memref<80x120xf32, #tpu.memory_space<vmem>>, %arg5: memref<80x120xf32, #tpu.memory_space<vmem>>, %arg6: memref<16xf32, #tpu.memory_space<vmem>>, %arg7: memref<!tpu.dma_semaphore, #tpu.memory_space<semaphore_mem>>, %arg8: memref<!tpu.dma_semaphore, #tpu.memory_space<semaphore_mem>>) attributes {dimension_semantics = [#tpu.dimension_semantics<core_parallel>, #tpu.dimension_semantics<subcore_parallel>], iteration_bounds = array<i64: 2, 16>, scalar_prefetch = 0 : i64, scratch_operands = 5 : i64, tpu.core_type = #tpu.core_type<sc_vector_subcore>, window_params = [{transform_indices = #map}, {transform_indices = #map1}]} {
    %mul3A = arith.constant 2 : i32
    %mul3A_0 = arith.muli %arg1, %mul3A : i32
    %add3A = arith.addi %mul3A_0, %arg0 : i32
    %iota3A = tpu.iota {dimensions = array<i32: 0>} : vector<16xi32>
    %mul3A_1 = arith.constant 2 : i32
    %mul3A_2 = arith.muli %add3A, %mul3A_1 : i32
    %mul3A_3 = arith.constant 1200 : i32
    %mul3A_4 = arith.muli %mul3A_2, %mul3A_3 : i32
    %broadcast_in_dim3A = arith.constant 3.400000e+38 : f32
    %broadcast_in_dim3A_5 = vector.broadcast %broadcast_in_dim3A : f32 to vector<16xf32>
    %broadcast_in_dim3A_6 = arith.constant 3.400000e+38 : f32
    %broadcast_in_dim3A_7 = vector.broadcast %broadcast_in_dim3A_6 : f32 to vector<16xf32>
    %broadcast_in_dim3A_8 = arith.constant 3.400000e+38 : f32
    %broadcast_in_dim3A_9 = vector.broadcast %broadcast_in_dim3A_8 : f32 to vector<16xf32>
    %broadcast_in_dim3A_10 = arith.constant 3.400000e+38 : f32
    %broadcast_in_dim3A_11 = vector.broadcast %broadcast_in_dim3A_10 : f32 to vector<16xf32>
    %broadcast_in_dim3A_12 = arith.constant 3.400000e+38 : f32
    %broadcast_in_dim3A_13 = vector.broadcast %broadcast_in_dim3A_12 : f32 to vector<16xf32>
    %broadcast_in_dim3A_14 = arith.constant 3.400000e+38 : f32
    %broadcast_in_dim3A_15 = vector.broadcast %broadcast_in_dim3A_14 : f32 to vector<16xf32>
    %broadcast_in_dim3A_16 = arith.constant 3.400000e+38 : f32
    %broadcast_in_dim3A_17 = vector.broadcast %broadcast_in_dim3A_16 : f32 to vector<16xf32>
    %broadcast_in_dim3A_18 = arith.constant 3.400000e+38 : f32
    %broadcast_in_dim3A_19 = vector.broadcast %broadcast_in_dim3A_18 : f32 to vector<16xf32>
    %broadcast_in_dim3A_20 = arith.constant 3.400000e+38 : f32
    %broadcast_in_dim3A_21 = vector.broadcast %broadcast_in_dim3A_20 : f32 to vector<16xf32>
    %broadcast_in_dim3A_22 = arith.constant 3.400000e+38 : f32
    %broadcast_in_dim3A_23 = vector.broadcast %broadcast_in_dim3A_22 : f32 to vector<16xf32>
    %broadcast_in_dim3A_24 = arith.constant 3.400000e+38 : f32
    %broadcast_in_dim3A_25 = vector.broadcast %broadcast_in_dim3A_24 : f32 to vector<16xf32>
    %broadcast_in_dim3A_26 = arith.constant 3.400000e+38 : f32
    %broadcast_in_dim3A_27 = vector.broadcast %broadcast_in_dim3A_26 : f32 to vector<16xf32>
    %broadcast_in_dim3A_28 = arith.constant 3.400000e+38 : f32
    %broadcast_in_dim3A_29 = vector.broadcast %broadcast_in_dim3A_28 : f32 to vector<16xf32>
    %broadcast_in_dim3A_30 = arith.constant 3.400000e+38 : f32
    %broadcast_in_dim3A_31 = vector.broadcast %broadcast_in_dim3A_30 : f32 to vector<16xf32>
    %broadcast_in_dim3A_32 = arith.constant 3.400000e+38 : f32
    %broadcast_in_dim3A_33 = vector.broadcast %broadcast_in_dim3A_32 : f32 to vector<16xf32>
    %broadcast_in_dim3A_34 = arith.constant 3.400000e+38 : f32
    %broadcast_in_dim3A_35 = vector.broadcast %broadcast_in_dim3A_34 : f32 to vector<16xf32>
    %broadcast_in_dim3A_36 = arith.constant -3.400000e+38 : f32
    %broadcast_in_dim3A_37 = vector.broadcast %broadcast_in_dim3A_36 : f32 to vector<16xf32>
    %broadcast_in_dim3A_38 = arith.constant -3.400000e+38 : f32
    %broadcast_in_dim3A_39 = vector.broadcast %broadcast_in_dim3A_38 : f32 to vector<16xf32>
    %broadcast_in_dim3A_40 = arith.constant -3.400000e+38 : f32
    %broadcast_in_dim3A_41 = vector.broadcast %broadcast_in_dim3A_40 : f32 to vector<16xf32>
    %broadcast_in_dim3A_42 = arith.constant -3.400000e+38 : f32
    %broadcast_in_dim3A_43 = vector.broadcast %broadcast_in_dim3A_42 : f32 to vector<16xf32>
    %broadcast_in_dim3A_44 = arith.constant -3.400000e+38 : f32
    %broadcast_in_dim3A_45 = vector.broadcast %broadcast_in_dim3A_44 : f32 to vector<16xf32>
    %broadcast_in_dim3A_46 = arith.constant -3.400000e+38 : f32
    %broadcast_in_dim3A_47 = vector.broadcast %broadcast_in_dim3A_46 : f32 to vector<16xf32>
    %broadcast_in_dim3A_48 = arith.constant -3.400000e+38 : f32
    %broadcast_in_dim3A_49 = vector.broadcast %broadcast_in_dim3A_48 : f32 to vector<16xf32>
    %broadcast_in_dim3A_50 = arith.constant -3.400000e+38 : f32
    %broadcast_in_dim3A_51 = vector.broadcast %broadcast_in_dim3A_50 : f32 to vector<16xf32>
    %broadcast_in_dim3A_52 = arith.constant -3.400000e+38 : f32
    %broadcast_in_dim3A_53 = vector.broadcast %broadcast_in_dim3A_52 : f32 to vector<16xf32>
    %broadcast_in_dim3A_54 = arith.constant -3.400000e+38 : f32
    %broadcast_in_dim3A_55 = vector.broadcast %broadcast_in_dim3A_54 : f32 to vector<16xf32>
    %broadcast_in_dim3A_56 = arith.constant -3.400000e+38 : f32
    %broadcast_in_dim3A_57 = vector.broadcast %broadcast_in_dim3A_56 : f32 to vector<16xf32>
    %broadcast_in_dim3A_58 = arith.constant -3.400000e+38 : f32
    %broadcast_in_dim3A_59 = vector.broadcast %broadcast_in_dim3A_58 : f32 to vector<16xf32>
    %broadcast_in_dim3A_60 = arith.constant -3.400000e+38 : f32
    %broadcast_in_dim3A_61 = vector.broadcast %broadcast_in_dim3A_60 : f32 to vector<16xf32>
    %broadcast_in_dim3A_62 = arith.constant -3.400000e+38 : f32
    %broadcast_in_dim3A_63 = vector.broadcast %broadcast_in_dim3A_62 : f32 to vector<16xf32>
    %broadcast_in_dim3A_64 = arith.constant -3.400000e+38 : f32
    %broadcast_in_dim3A_65 = vector.broadcast %broadcast_in_dim3A_64 : f32 to vector<16xf32>
    %broadcast_in_dim3A_66 = arith.constant -3.400000e+38 : f32
    %broadcast_in_dim3A_67 = vector.broadcast %broadcast_in_dim3A_66 : f32 to vector<16xf32>
    %add3A_68 = arith.constant 0 : i32
    %add3A_69 = arith.addi %mul3A_4, %add3A_68 : i32
    %dma_start3A = tpu.memref_reshape %arg2 : memref<64x1200x120xf32, #tpu.memory_space<hbm>> -> memref<76800x120xf32, #tpu.memory_space<hbm>>
    %dma_start3A_70 = arith.constant 0 : i32
    %dma_start3A_71 = tpu.memref_slice %dma_start3A[%add3A_69, %dma_start3A_70] : memref<76800x120xf32, #tpu.memory_space<hbm>> -> memref<80x120xf32, #tpu.memory_space<hbm>>
    %dma_start3A_72 = tpu.memref_reshape %arg2 : memref<64x1200x120xf32, #tpu.memory_space<hbm>> -> memref<76800x120xf32, #tpu.memory_space<hbm>>
    %dma_start3A_73 = arith.constant 0 : i32
    %dma_start3A_74 = tpu.memref_slice %dma_start3A_72[%add3A_69, %dma_start3A_73] : memref<76800x120xf32, #tpu.memory_space<hbm>> -> memref<80x120xf32, #tpu.memory_space<hbm>>
    tpu.enqueue_dma source(%dma_start3A_74 : memref<80x120xf32, #tpu.memory_space<hbm>>) target(%arg4 : memref<80x120xf32, #tpu.memory_space<vmem>>) target_semaphore(%arg7 : memref<!tpu.dma_semaphore, #tpu.memory_space<semaphore_mem>>)
    %add3A_75 = arith.constant 80 : i32
    %add3A_76 = arith.addi %mul3A_4, %add3A_75 : i32
    %dma_start3A_77 = tpu.memref_reshape %arg2 : memref<64x1200x120xf32, #tpu.memory_space<hbm>> -> memref<76800x120xf32, #tpu.memory_space<hbm>>
    %dma_start3A_78 = arith.constant 0 : i32
    %dma_start3A_79 = tpu.memref_slice %dma_start3A_77[%add3A_76, %dma_start3A_78] : memref<76800x120xf32, #tpu.memory_space<hbm>> -> memref<80x120xf32, #tpu.memory_space<hbm>>
    %dma_start3A_80 = tpu.memref_reshape %arg2 : memref<64x1200x120xf32, #tpu.memory_space<hbm>> -> memref<76800x120xf32, #tpu.memory_space<hbm>>
    %dma_start3A_81 = arith.constant 0 : i32
    %dma_start3A_82 = tpu.memref_slice %dma_start3A_80[%add3A_76, %dma_start3A_81] : memref<76800x120xf32, #tpu.memory_space<hbm>> -> memref<80x120xf32, #tpu.memory_space<hbm>>
    tpu.enqueue_dma source(%dma_start3A_82 : memref<80x120xf32, #tpu.memory_space<hbm>>) target(%arg5 : memref<80x120xf32, #tpu.memory_space<vmem>>) target_semaphore(%arg8 : memref<!tpu.dma_semaphore, #tpu.memory_space<semaphore_mem>>)
    %scan3A = arith.constant 0 : i32
    %scan3A_83 = arith.constant 15 : i32
    %scan3A_84 = arith.addi %scan3A, %scan3A_83 : i32
    %scan3A_85 = arith.constant 1 : i32
    %scan3A_86:32 = scf.for %scan3A_125 = %scan3A to %scan3A_84 step %scan3A_85 iter_args(%scan3A_126 = %broadcast_in_dim3A_5, %scan3A_127 = %broadcast_in_dim3A_7, %scan3A_128 = %broadcast_in_dim3A_9, %scan3A_129 = %broadcast_in_dim3A_11, %scan3A_130 = %broadcast_in_dim3A_13, %scan3A_131 = %broadcast_in_dim3A_15, %scan3A_132 = %broadcast_in_dim3A_17, %scan3A_133 = %broadcast_in_dim3A_19, %scan3A_134 = %broadcast_in_dim3A_21, %scan3A_135 = %broadcast_in_dim3A_23, %scan3A_136 = %broadcast_in_dim3A_25, %scan3A_137 = %broadcast_in_dim3A_27, %scan3A_138 = %broadcast_in_dim3A_29, %scan3A_139 = %broadcast_in_dim3A_31, %scan3A_140 = %broadcast_in_dim3A_33, %scan3A_141 = %broadcast_in_dim3A_35, %scan3A_142 = %broadcast_in_dim3A_37, %scan3A_143 = %broadcast_in_dim3A_39, %scan3A_144 = %broadcast_in_dim3A_41, %scan3A_145 = %broadcast_in_dim3A_43, %scan3A_146 = %broadcast_in_dim3A_45, %scan3A_147 = %broadcast_in_dim3A_47, %scan3A_148 = %broadcast_in_dim3A_49, %scan3A_149 = %broadcast_in_dim3A_51, %scan3A_150 = %broadcast_in_dim3A_53, %scan3A_151 = %broadcast_in_dim3A_55, %scan3A_152 = %broadcast_in_dim3A_57, %scan3A_153 = %broadcast_in_dim3A_59, %scan3A_154 = %broadcast_in_dim3A_61, %scan3A_155 = %broadcast_in_dim3A_63, %scan3A_156 = %broadcast_in_dim3A_65, %scan3A_157 = %broadcast_in_dim3A_67) -> (vector<16xf32>, vector<16xf32>, vector<16xf32>, vector<16xf32>, vector<16xf32>, vector<16xf32>, vector<16xf32>, vector<16xf32>, vector<16xf32>, vector<16xf32>, vector<16xf32>, vector<16xf32>, vector<16xf32>, vector<16xf32>, vector<16xf32>, vector<16xf32>, vector<16xf32>, vector<16xf32>, vector<16xf32>, vector<16xf32>, vector<16xf32>, vector<16xf32>, vector<16xf32>, vector<16xf32>, vector<16xf32>, vector<16xf32>, vector<16xf32>, vector<16xf32>, vector<16xf32>, vector<16xf32>, vector<16xf32>, vector<16xf32>)  : i32 {
      %mul3A_158 = arith.constant 2 : i32
      %mul3A_159 = arith.muli %mul3A_158, %scan3A_125 : i32
      %dma_wait3A = tpu.memref_reshape %arg2 : memref<64x1200x120xf32, #tpu.memory_space<hbm>> -> memref<76800x120xf32, #tpu.memory_space<hbm>>
      %dma_wait3A_160 = arith.constant 0 : i32
      %dma_wait3A_161 = arith.constant 0 : i32
      %dma_wait3A_162 = tpu.memref_slice %dma_wait3A[%dma_wait3A_160, %dma_wait3A_161] : memref<76800x120xf32, #tpu.memory_space<hbm>> -> memref<80x120xf32, #tpu.memory_space<hbm>>
      %dma_wait3A_163 = tpu.memref_reshape %arg2 : memref<64x1200x120xf32, #tpu.memory_space<hbm>> -> memref<76800x120xf32, #tpu.memory_space<hbm>>
      %dma_wait3A_164 = arith.constant 0 : i32
      %dma_wait3A_165 = arith.constant 0 : i32
      %dma_wait3A_166 = tpu.memref_slice %dma_wait3A_163[%dma_wait3A_164, %dma_wait3A_165] : memref<76800x120xf32, #tpu.memory_space<hbm>> -> memref<80x120xf32, #tpu.memory_space<hbm>>
      tpu.wait_dma2 semaphore(%arg7 : memref<!tpu.dma_semaphore, #tpu.memory_space<semaphore_mem>>) src(%dma_wait3A_166 : memref<80x120xf32, #tpu.memory_space<hbm>>) dst(%arg4 : memref<80x120xf32, #tpu.memory_space<vmem>>)
      %scan3A_167 = arith.constant 0 : i32
      %scan3A_168 = arith.constant 40 : i32
      %scan3A_169 = arith.addi %scan3A_167, %scan3A_168 : i32
      %scan3A_170 = arith.constant 1 : i32
      %scan3A_171:32 = scf.for %scan3A_198 = %scan3A_167 to %scan3A_169 step %scan3A_170 iter_args(%scan3A_199 = %scan3A_126, %scan3A_200 = %scan3A_127, %scan3A_201 = %scan3A_128, %scan3A_202 = %scan3A_129, %scan3A_203 = %scan3A_130, %scan3A_204 = %scan3A_131, %scan3A_205 = %scan3A_132, %scan3A_206 = %scan3A_133, %scan3A_207 = %scan3A_134, %scan3A_208 = %scan3A_135, %scan3A_209 = %scan3A_136, %scan3A_210 = %scan3A_137, %scan3A_211 = %scan3A_138, %scan3A_212 = %scan3A_139, %scan3A_213 = %scan3A_140, %scan3A_214 = %scan3A_141, %scan3A_215 = %scan3A_142, %scan3A_216 = %scan3A_143, %scan3A_217 = %scan3A_144, %scan3A_218 = %scan3A_145, %scan3A_219 = %scan3A_146, %scan3A_220 = %scan3A_147, %scan3A_221 = %scan3A_148, %scan3A_222 = %scan3A_149, %scan3A_223 = %scan3A_150, %scan3A_224 = %scan3A_151, %scan3A_225 = %scan3A_152, %scan3A_226 = %scan3A_153, %scan3A_227 = %scan3A_154, %scan3A_228 = %scan3A_155, %scan3A_229 = %scan3A_156, %scan3A_230 = %scan3A_157) -> (vector<16xf32>, vector<16xf32>, vector<16xf32>, vector<16xf32>, vector<16xf32>, vector<16xf32>, vector<16xf32>, vector<16xf32>, vector<16xf32>, vector<16xf32>, vector<16xf32>, vector<16xf32>, vector<16xf32>, vector<16xf32>, vector<16xf32>, vector<16xf32>, vector<16xf32>, vector<16xf32>, vector<16xf32>, vector<16xf32>, vector<16xf32>, vector<16xf32>, vector<16xf32>, vector<16xf32>, vector<16xf32>, vector<16xf32>, vector<16xf32>, vector<16xf32>, vector<16xf32>, vector<16xf32>, vector<16xf32>, vector<16xf32>)  : i32 {
        %mul3A_231 = arith.constant 2 : i32
        %mul3A_232 = arith.muli %mul3A_231, %scan3A_198 : i32
        %add3A_233 = arith.constant 0 : i32
        %add3A_234 = arith.addi %mul3A_232, %add3A_233 : i32
        %get3A = arith.index_cast %add3A_234 : i32 to index
        %get3A_235 = arith.constant 0 : index
        %get3A_236 = tpu.vector_load %arg4[%get3A, %get3A_235] {strides = array<i32>} : memref<80x120xf32, #tpu.memory_space<vmem>>, vector<16xf32>,
        %get3A_237 = arith.index_cast %add3A_234 : i32 to index
        %get3A_238 = arith.constant 16 : index
        %get3A_239 = tpu.vector_load %arg4[%get3A_237, %get3A_238] {strides = array<i32>} : memref<80x120xf32, #tpu.memory_space<vmem>>, vector<16xf32>,
        %get3A_240 = arith.index_cast %add3A_234 : i32 to index
        %get3A_241 = arith.constant 32 : index
        %get3A_242 = tpu.vector_load %arg4[%get3A_240, %get3A_241] {strides = array<i32>} : memref<80x120xf32, #tpu.memory_space<vmem>>, vector<16xf32>,
        %get3A_243 = arith.index_cast %add3A_234 : i32 to index
        %get3A_244 = arith.constant 48 : index
        %get3A_245 = tpu.vector_load %arg4[%get3A_243, %get3A_244] {strides = array<i32>} : memref<80x120xf32, #tpu.memory_space<vmem>>, vector<16xf32>,
        %get3A_246 = arith.index_cast %add3A_234 : i32 to index
        %get3A_247 = arith.constant 64 : index
        %get3A_248 = tpu.vector_load %arg4[%get3A_246, %get3A_247] {strides = array<i32>} : memref<80x120xf32, #tpu.memory_space<vmem>>, vector<16xf32>,
        %get3A_249 = arith.index_cast %add3A_234 : i32 to index
        %get3A_250 = arith.constant 80 : index
        %get3A_251 = tpu.vector_load %arg4[%get3A_249, %get3A_250] {strides = array<i32>} : memref<80x120xf32, #tpu.memory_space<vmem>>, vector<16xf32>,
        %get3A_252 = arith.index_cast %add3A_234 : i32 to index
        %get3A_253 = arith.constant 96 : index
        %get3A_254 = tpu.vector_load %arg4[%get3A_252, %get3A_253] {strides = array<i32>} : memref<80x120xf32, #tpu.memory_space<vmem>>, vector<16xf32>,
        %get3A_255 = arith.index_cast %add3A_234 : i32 to index
        %get3A_256 = arith.constant 104 : index
        %get3A_257 = tpu.vector_load %arg4[%get3A_255, %get3A_256] {strides = array<i32>} : memref<80x120xf32, #tpu.memory_space<vmem>>, vector<16xf32>,
        %mul3A_258 = arith.constant 2 : i32
        %mul3A_259 = arith.muli %mul3A_258, %scan3A_198 : i32
        %add3A_260 = arith.constant 1 : i32
        %add3A_261 = arith.addi %mul3A_259, %add3A_260 : i32
        %get3A_262 = arith.index_cast %add3A_261 : i32 to index
        %get3A_263 = arith.constant 0 : index
        %get3A_264 = tpu.vector_load %arg4[%get3A_262, %get3A_263] {strides = array<i32>} : memref<80x120xf32, #tpu.memory_space<vmem>>, vector<16xf32>,
        %get3A_265 = arith.index_cast %add3A_261 : i32 to index
        %get3A_266 = arith.constant 16 : index
        %get3A_267 = tpu.vector_load %arg4[%get3A_265, %get3A_266] {strides = array<i32>} : memref<80x120xf32, #tpu.memory_space<vmem>>, vector<16xf32>,
        %get3A_268 = arith.index_cast %add3A_261 : i32 to index
        %get3A_269 = arith.constant 32 : index
        %get3A_270 = tpu.vector_load %arg4[%get3A_268, %get3A_269] {strides = array<i32>} : memref<80x120xf32, #tpu.memory_space<vmem>>, vector<16xf32>,
        %get3A_271 = arith.index_cast %add3A_261 : i32 to index
        %get3A_272 = arith.constant 48 : index
        %get3A_273 = tpu.vector_load %arg4[%get3A_271, %get3A_272] {strides = array<i32>} : memref<80x120xf32, #tpu.memory_space<vmem>>, vector<16xf32>,
        %get3A_274 = arith.index_cast %add3A_261 : i32 to index
        %get3A_275 = arith.constant 64 : index
        %get3A_276 = tpu.vector_load %arg4[%get3A_274, %get3A_275] {strides = array<i32>} : memref<80x120xf32, #tpu.memory_space<vmem>>, vector<16xf32>,
        %get3A_277 = arith.index_cast %add3A_261 : i32 to index
        %get3A_278 = arith.constant 80 : index
        %get3A_279 = tpu.vector_load %arg4[%get3A_277, %get3A_278] {strides = array<i32>} : memref<80x120xf32, #tpu.memory_space<vmem>>, vector<16xf32>,
        %get3A_280 = arith.index_cast %add3A_261 : i32 to index
        %get3A_281 = arith.constant 96 : index
        %get3A_282 = tpu.vector_load %arg4[%get3A_280, %get3A_281] {strides = array<i32>} : memref<80x120xf32, #tpu.memory_space<vmem>>, vector<16xf32>,
        %get3A_283 = arith.index_cast %add3A_261 : i32 to index
        %get3A_284 = arith.constant 104 : index
        %get3A_285 = tpu.vector_load %arg4[%get3A_283, %get3A_284] {strides = array<i32>} : memref<80x120xf32, #tpu.memory_space<vmem>>, vector<16xf32>,
        %min3A_286 = arith.minimumf %scan3A_199, %get3A_236 : vector<16xf32>
        %min3A_287 = arith.minimumf %scan3A_200, %get3A_239 : vector<16xf32>
        %min3A_288 = arith.minimumf %scan3A_201, %get3A_242 : vector<16xf32>
        %min3A_289 = arith.minimumf %scan3A_202, %get3A_245 : vector<16xf32>
        %min3A_290 = arith.minimumf %scan3A_203, %get3A_248 : vector<16xf32>
        %min3A_291 = arith.minimumf %scan3A_204, %get3A_251 : vector<16xf32>
        %min3A_292 = arith.minimumf %scan3A_205, %get3A_254 : vector<16xf32>
        %min3A_293 = arith.minimumf %scan3A_206, %get3A_257 : vector<16xf32>
        %min3A_294 = arith.minimumf %scan3A_207, %get3A_264 : vector<16xf32>
        %min3A_295 = arith.minimumf %scan3A_208, %get3A_267 : vector<16xf32>
        %min3A_296 = arith.minimumf %scan3A_209, %get3A_270 : vector<16xf32>
        %min3A_297 = arith.minimumf %scan3A_210, %get3A_273 : vector<16xf32>
        %min3A_298 = arith.minimumf %scan3A_211, %get3A_276 : vector<16xf32>
        %min3A_299 = arith.minimumf %scan3A_212, %get3A_279 : vector<16xf32>
        %min3A_300 = arith.minimumf %scan3A_213, %get3A_282 : vector<16xf32>
        %min3A_301 = arith.minimumf %scan3A_214, %get3A_285 : vector<16xf32>
        %max3A_302 = arith.maximumf %scan3A_215, %get3A_236 : vector<16xf32>
        %max3A_303 = arith.maximumf %scan3A_216, %get3A_239 : vector<16xf32>
        %max3A_304 = arith.maximumf %scan3A_217, %get3A_242 : vector<16xf32>
        %max3A_305 = arith.maximumf %scan3A_218, %get3A_245 : vector<16xf32>
        %max3A_306 = arith.maximumf %scan3A_219, %get3A_248 : vector<16xf32>
        %max3A_307 = arith.maximumf %scan3A_220, %get3A_251 : vector<16xf32>
        %max3A_308 = arith.maximumf %scan3A_221, %get3A_254 : vector<16xf32>
        %max3A_309 = arith.maximumf %scan3A_222, %get3A_257 : vector<16xf32>
        %max3A_310 = arith.maximumf %scan3A_223, %get3A_264 : vector<16xf32>
        %max3A_311 = arith.maximumf %scan3A_224, %get3A_267 : vector<16xf32>
        %max3A_312 = arith.maximumf %scan3A_225, %get3A_270 : vector<16xf32>
        %max3A_313 = arith.maximumf %scan3A_226, %get3A_273 : vector<16xf32>
        %max3A_314 = arith.maximumf %scan3A_227, %get3A_276 : vector<16xf32>
        %max3A_315 = arith.maximumf %scan3A_228, %get3A_279 : vector<16xf32>
        %max3A_316 = arith.maximumf %scan3A_229, %get3A_282 : vector<16xf32>
        %max3A_317 = arith.maximumf %scan3A_230, %get3A_285 : vector<16xf32>
        scf.yield %min3A_286, %min3A_287, %min3A_288, %min3A_289, %min3A_290, %min3A_291, %min3A_292, %min3A_293, %min3A_294, %min3A_295, %min3A_296, %min3A_297, %min3A_298, %min3A_299, %min3A_300, %min3A_301, %max3A_302, %max3A_303, %max3A_304, %max3A_305, %max3A_306, %max3A_307, %max3A_308, %max3A_309, %max3A_310, %max3A_311, %max3A_312, %max3A_313, %max3A_314, %max3A_315, %max3A_316, %max3A_317 : vector<16xf32>, vector<16xf32>, vector<16xf32>, vector<16xf32>, vector<16xf32>, vector<16xf32>, vector<16xf32>, vector<16xf32>, vector<16xf32>, vector<16xf32>, vector<16xf32>, vector<16xf32>, vector<16xf32>, vector<16xf32>, vector<16xf32>, vector<16xf32>, vector<16xf32>, vector<16xf32>, vector<16xf32>, vector<16xf32>, vector<16xf32>, vector<16xf32>, vector<16xf32>, vector<16xf32>, vector<16xf32>, vector<16xf32>, vector<16xf32>, vector<16xf32>, vector<16xf32>, vector<16xf32>, vector<16xf32>, vector<16xf32>
      }
      %scan3A_172 = arith.constant 40 : i32
      %add3A_173 = arith.constant 2 : i32
      %add3A_174 = arith.addi %mul3A_159, %add3A_173 : i32
      %lt3A = arith.constant 30 : i32
      %lt3A_175 = arith.cmpi slt, %add3A_174, %lt3A : i32
      %convert_element_type3A = arith.extui %lt3A_175 : i1 to i32
      %cond3A = arith.constant 0 : i32
      %cond3A_176 = arith.cmpi ne, %convert_element_type3A, %cond3A : i32
      scf.if %cond3A_176 {
        %add3A_198 = arith.constant 2 : i32
        %add3A_199 = arith.addi %mul3A_159, %add3A_198 : i32
        %mul3A_200 = arith.constant 80 : i32
        %mul3A_201 = arith.muli %add3A_199, %mul3A_200 : i32
        %add3A_202 = arith.addi %mul3A_4, %mul3A_201 : i32
        %dma_start3A_203 = tpu.memref_reshape %arg2 : memref<64x1200x120xf32, #tpu.memory_space<hbm>> -> memref<76800x120xf32, #tpu.memory_space<hbm>>
        %dma_start3A_204 = arith.constant 0 : i32
        %dma_start3A_205 = tpu.memref_slice %dma_start3A_203[%add3A_202, %dma_start3A_204] : memref<76800x120xf32, #tpu.memory_space<hbm>> -> memref<80x120xf32, #tpu.memory_space<hbm>>
        %dma_start3A_206 = tpu.memref_reshape %arg2 : memref<64x1200x120xf32, #tpu.memory_space<hbm>> -> memref<76800x120xf32, #tpu.memory_space<hbm>>
        %dma_start3A_207 = arith.constant 0 : i32
        %dma_start3A_208 = tpu.memref_slice %dma_start3A_206[%add3A_202, %dma_start3A_207] : memref<76800x120xf32, #tpu.memory_space<hbm>> -> memref<80x120xf32, #tpu.memory_space<hbm>>
        tpu.enqueue_dma source(%dma_start3A_208 : memref<80x120xf32, #tpu.memory_space<hbm>>) target(%arg4 : memref<80x120xf32, #tpu.memory_space<vmem>>) target_semaphore(%arg7 : memref<!tpu.dma_semaphore, #tpu.memory_space<semaphore_mem>>)
      } else {
      }
      %dma_wait3A_177 = tpu.memref_reshape %arg2 : memref<64x1200x120xf32, #tpu.memory_space<hbm>> -> memref<76800x120xf32, #tpu.memory_space<hbm>>
      %dma_wait3A_178 = arith.constant 0 : i32
      %dma_wait3A_179 = arith.constant 0 : i32
      %dma_wait3A_180 = tpu.memref_slice %dma_wait3A_177[%dma_wait3A_178, %dma_wait3A_179] : memref<76800x120xf32, #tpu.memory_space<hbm>> -> memref<80x120xf32, #tpu.memory_space<hbm>>
      %dma_wait3A_181 = tpu.memref_reshape %arg2 : memref<64x1200x120xf32, #tpu.memory_space<hbm>> -> memref<76800x120xf32, #tpu.memory_space<hbm>>
      %dma_wait3A_182 = arith.constant 0 : i32
      %dma_wait3A_183 = arith.constant 0 : i32
      %dma_wait3A_184 = tpu.memref_slice %dma_wait3A_181[%dma_wait3A_182, %dma_wait3A_183] : memref<76800x120xf32, #tpu.memory_space<hbm>> -> memref<80x120xf32, #tpu.memory_space<hbm>>
      tpu.wait_dma2 semaphore(%arg8 : memref<!tpu.dma_semaphore, #tpu.memory_space<semaphore_mem>>) src(%dma_wait3A_184 : memref<80x120xf32, #tpu.memory_space<hbm>>) dst(%arg5 : memref<80x120xf32, #tpu.memory_space<vmem>>)
      %scan3A_185 = arith.constant 0 : i32
      %scan3A_186 = arith.constant 40 : i32
      %scan3A_187 = arith.addi %scan3A_185, %scan3A_186 : i32
      %scan3A_188 = arith.constant 1 : i32
      %scan3A_189:32 = scf.for %scan3A_198 = %scan3A_185 to %scan3A_187 step %scan3A_188 iter_args(%scan3A_199 = %scan3A_171#0, %scan3A_200 = %scan3A_171#1, %scan3A_201 = %scan3A_171#2, %scan3A_202 = %scan3A_171#3, %scan3A_203 = %scan3A_171#4, %scan3A_204 = %scan3A_171#5, %scan3A_205 = %scan3A_171#6, %scan3A_206 = %scan3A_171#7, %scan3A_207 = %scan3A_171#8, %scan3A_208 = %scan3A_171#9, %scan3A_209 = %scan3A_171#10, %scan3A_210 = %scan3A_171#11, %scan3A_211 = %scan3A_171#12, %scan3A_212 = %scan3A_171#13, %scan3A_213 = %scan3A_171#14, %scan3A_214 = %scan3A_171#15, %scan3A_215 = %scan3A_171#16, %scan3A_216 = %scan3A_171#17, %scan3A_217 = %scan3A_171#18, %scan3A_218 = %scan3A_171#19, %scan3A_219 = %scan3A_171#20, %scan3A_220 = %scan3A_171#21, %scan3A_221 = %scan3A_171#22, %scan3A_222 = %scan3A_171#23, %scan3A_223 = %scan3A_171#24, %scan3A_224 = %scan3A_171#25, %scan3A_225 = %scan3A_171#26, %scan3A_226 = %scan3A_171#27, %scan3A_227 = %scan3A_171#28, %scan3A_228 = %scan3A_171#29, %scan3A_229 = %scan3A_171#30, %scan3A_230 = %scan3A_171#31) -> (vector<16xf32>, vector<16xf32>, vector<16xf32>, vector<16xf32>, vector<16xf32>, vector<16xf32>, vector<16xf32>, vector<16xf32>, vector<16xf32>, vector<16xf32>, vector<16xf32>, vector<16xf32>, vector<16xf32>, vector<16xf32>, vector<16xf32>, vector<16xf32>, vector<16xf32>, vector<16xf32>, vector<16xf32>, vector<16xf32>, vector<16xf32>, vector<16xf32>, vector<16xf32>, vector<16xf32>, vector<16xf32>, vector<16xf32>, vector<16xf32>, vector<16xf32>, vector<16xf32>, vector<16xf32>, vector<16xf32>, vector<16xf32>)  : i32 {
        %mul3A_231 = arith.constant 2 : i32
        %mul3A_232 = arith.muli %mul3A_231, %scan3A_198 : i32
        %add3A_233 = arith.constant 0 : i32
        %add3A_234 = arith.addi %mul3A_232, %add3A_233 : i32
        %get3A = arith.index_cast %add3A_234 : i32 to index
        %get3A_235 = arith.constant 0 : index
        %get3A_236 = tpu.vector_load %arg5[%get3A, %get3A_235] {strides = array<i32>} : memref<80x120xf32, #tpu.memory_space<vmem>>, vector<16xf32>,
        %get3A_237 = arith.index_cast %add3A_234 : i32 to index
        %get3A_238 = arith.constant 16 : index
        %get3A_239 = tpu.vector_load %arg5[%get3A_237, %get3A_238] {strides = array<i32>} : memref<80x120xf32, #tpu.memory_space<vmem>>, vector<16xf32>,
        %get3A_240 = arith.index_cast %add3A_234 : i32 to index
        %get3A_241 = arith.constant 32 : index
        %get3A_242 = tpu.vector_load %arg5[%get3A_240, %get3A_241] {strides = array<i32>} : memref<80x120xf32, #tpu.memory_space<vmem>>, vector<16xf32>,
        %get3A_243 = arith.index_cast %add3A_234 : i32 to index
        %get3A_244 = arith.constant 48 : index
        %get3A_245 = tpu.vector_load %arg5[%get3A_243, %get3A_244] {strides = array<i32>} : memref<80x120xf32, #tpu.memory_space<vmem>>, vector<16xf32>,
        %get3A_246 = arith.index_cast %add3A_234 : i32 to index
        %get3A_247 = arith.constant 64 : index
        %get3A_248 = tpu.vector_load %arg5[%get3A_246, %get3A_247] {strides = array<i32>} : memref<80x120xf32, #tpu.memory_space<vmem>>, vector<16xf32>,
        %get3A_249 = arith.index_cast %add3A_234 : i32 to index
        %get3A_250 = arith.constant 80 : index
        %get3A_251 = tpu.vector_load %arg5[%get3A_249, %get3A_250] {strides = array<i32>} : memref<80x120xf32, #tpu.memory_space<vmem>>, vector<16xf32>,
        %get3A_252 = arith.index_cast %add3A_234 : i32 to index
        %get3A_253 = arith.constant 96 : index
        %get3A_254 = tpu.vector_load %arg5[%get3A_252, %get3A_253] {strides = array<i32>} : memref<80x120xf32, #tpu.memory_space<vmem>>, vector<16xf32>,
        %get3A_255 = arith.index_cast %add3A_234 : i32 to index
        %get3A_256 = arith.constant 104 : index
        %get3A_257 = tpu.vector_load %arg5[%get3A_255, %get3A_256] {strides = array<i32>} : memref<80x120xf32, #tpu.memory_space<vmem>>, vector<16xf32>,
        %mul3A_258 = arith.constant 2 : i32
        %mul3A_259 = arith.muli %mul3A_258, %scan3A_198 : i32
        %add3A_260 = arith.constant 1 : i32
        %add3A_261 = arith.addi %mul3A_259, %add3A_260 : i32
        %get3A_262 = arith.index_cast %add3A_261 : i32 to index
        %get3A_263 = arith.constant 0 : index
        %get3A_264 = tpu.vector_load %arg5[%get3A_262, %get3A_263] {strides = array<i32>} : memref<80x120xf32, #tpu.memory_space<vmem>>, vector<16xf32>,
        %get3A_265 = arith.index_cast %add3A_261 : i32 to index
        %get3A_266 = arith.constant 16 : index
        %get3A_267 = tpu.vector_load %arg5[%get3A_265, %get3A_266] {strides = array<i32>} : memref<80x120xf32, #tpu.memory_space<vmem>>, vector<16xf32>,
        %get3A_268 = arith.index_cast %add3A_261 : i32 to index
        %get3A_269 = arith.constant 32 : index
        %get3A_270 = tpu.vector_load %arg5[%get3A_268, %get3A_269] {strides = array<i32>} : memref<80x120xf32, #tpu.memory_space<vmem>>, vector<16xf32>,
        %get3A_271 = arith.index_cast %add3A_261 : i32 to index
        %get3A_272 = arith.constant 48 : index
        %get3A_273 = tpu.vector_load %arg5[%get3A_271, %get3A_272] {strides = array<i32>} : memref<80x120xf32, #tpu.memory_space<vmem>>, vector<16xf32>,
        %get3A_274 = arith.index_cast %add3A_261 : i32 to index
        %get3A_275 = arith.constant 64 : index
        %get3A_276 = tpu.vector_load %arg5[%get3A_274, %get3A_275] {strides = array<i32>} : memref<80x120xf32, #tpu.memory_space<vmem>>, vector<16xf32>,
        %get3A_277 = arith.index_cast %add3A_261 : i32 to index
        %get3A_278 = arith.constant 80 : index
        %get3A_279 = tpu.vector_load %arg5[%get3A_277, %get3A_278] {strides = array<i32>} : memref<80x120xf32, #tpu.memory_space<vmem>>, vector<16xf32>,
        %get3A_280 = arith.index_cast %add3A_261 : i32 to index
        %get3A_281 = arith.constant 96 : index
        %get3A_282 = tpu.vector_load %arg5[%get3A_280, %get3A_281] {strides = array<i32>} : memref<80x120xf32, #tpu.memory_space<vmem>>, vector<16xf32>,
        %get3A_283 = arith.index_cast %add3A_261 : i32 to index
        %get3A_284 = arith.constant 104 : index
        %get3A_285 = tpu.vector_load %arg5[%get3A_283, %get3A_284] {strides = array<i32>} : memref<80x120xf32, #tpu.memory_space<vmem>>, vector<16xf32>,
        %min3A_286 = arith.minimumf %scan3A_199, %get3A_236 : vector<16xf32>
        %min3A_287 = arith.minimumf %scan3A_200, %get3A_239 : vector<16xf32>
        %min3A_288 = arith.minimumf %scan3A_201, %get3A_242 : vector<16xf32>
        %min3A_289 = arith.minimumf %scan3A_202, %get3A_245 : vector<16xf32>
        %min3A_290 = arith.minimumf %scan3A_203, %get3A_248 : vector<16xf32>
        %min3A_291 = arith.minimumf %scan3A_204, %get3A_251 : vector<16xf32>
        %min3A_292 = arith.minimumf %scan3A_205, %get3A_254 : vector<16xf32>
        %min3A_293 = arith.minimumf %scan3A_206, %get3A_257 : vector<16xf32>
        %min3A_294 = arith.minimumf %scan3A_207, %get3A_264 : vector<16xf32>
        %min3A_295 = arith.minimumf %scan3A_208, %get3A_267 : vector<16xf32>
        %min3A_296 = arith.minimumf %scan3A_209, %get3A_270 : vector<16xf32>
        %min3A_297 = arith.minimumf %scan3A_210, %get3A_273 : vector<16xf32>
        %min3A_298 = arith.minimumf %scan3A_211, %get3A_276 : vector<16xf32>
        %min3A_299 = arith.minimumf %scan3A_212, %get3A_279 : vector<16xf32>
        %min3A_300 = arith.minimumf %scan3A_213, %get3A_282 : vector<16xf32>
        %min3A_301 = arith.minimumf %scan3A_214, %get3A_285 : vector<16xf32>
        %max3A_302 = arith.maximumf %scan3A_215, %get3A_236 : vector<16xf32>
        %max3A_303 = arith.maximumf %scan3A_216, %get3A_239 : vector<16xf32>
        %max3A_304 = arith.maximumf %scan3A_217, %get3A_242 : vector<16xf32>
        %max3A_305 = arith.maximumf %scan3A_218, %get3A_245 : vector<16xf32>
        %max3A_306 = arith.maximumf %scan3A_219, %get3A_248 : vector<16xf32>
        %max3A_307 = arith.maximumf %scan3A_220, %get3A_251 : vector<16xf32>
        %max3A_308 = arith.maximumf %scan3A_221, %get3A_254 : vector<16xf32>
        %max3A_309 = arith.maximumf %scan3A_222, %get3A_257 : vector<16xf32>
        %max3A_310 = arith.maximumf %scan3A_223, %get3A_264 : vector<16xf32>
        %max3A_311 = arith.maximumf %scan3A_224, %get3A_267 : vector<16xf32>
        %max3A_312 = arith.maximumf %scan3A_225, %get3A_270 : vector<16xf32>
        %max3A_313 = arith.maximumf %scan3A_226, %get3A_273 : vector<16xf32>
        %max3A_314 = arith.maximumf %scan3A_227, %get3A_276 : vector<16xf32>
        %max3A_315 = arith.maximumf %scan3A_228, %get3A_279 : vector<16xf32>
        %max3A_316 = arith.maximumf %scan3A_229, %get3A_282 : vector<16xf32>
        %max3A_317 = arith.maximumf %scan3A_230, %get3A_285 : vector<16xf32>
        scf.yield %min3A_286, %min3A_287, %min3A_288, %min3A_289, %min3A_290, %min3A_291, %min3A_292, %min3A_293, %min3A_294, %min3A_295, %min3A_296, %min3A_297, %min3A_298, %min3A_299, %min3A_300, %min3A_301, %max3A_302, %max3A_303, %max3A_304, %max3A_305, %max3A_306, %max3A_307, %max3A_308, %max3A_309, %max3A_310, %max3A_311, %max3A_312, %max3A_313, %max3A_314, %max3A_315, %max3A_316, %max3A_317 : vector<16xf32>, vector<16xf32>, vector<16xf32>, vector<16xf32>, vector<16xf32>, vector<16xf32>, vector<16xf32>, vector<16xf32>, vector<16xf32>, vector<16xf32>, vector<16xf32>, vector<16xf32>, vector<16xf32>, vector<16xf32>, vector<16xf32>, vector<16xf32>, vector<16xf32>, vector<16xf32>, vector<16xf32>, vector<16xf32>, vector<16xf32>, vector<16xf32>, vector<16xf32>, vector<16xf32>, vector<16xf32>, vector<16xf32>, vector<16xf32>, vector<16xf32>, vector<16xf32>, vector<16xf32>, vector<16xf32>, vector<16xf32>
      }
      %scan3A_190 = arith.constant 40 : i32
      %add3A_191 = arith.constant 3 : i32
      %add3A_192 = arith.addi %mul3A_159, %add3A_191 : i32
      %lt3A_193 = arith.constant 30 : i32
      %lt3A_194 = arith.cmpi slt, %add3A_192, %lt3A_193 : i32
      %convert_element_type3A_195 = arith.extui %lt3A_194 : i1 to i32
      %cond3A_196 = arith.constant 0 : i32
      %cond3A_197 = arith.cmpi ne, %convert_element_type3A_195, %cond3A_196 : i32
      scf.if %cond3A_197 {
        %add3A_198 = arith.constant 3 : i32
        %add3A_199 = arith.addi %mul3A_159, %add3A_198 : i32
        %mul3A_200 = arith.constant 80 : i32
        %mul3A_201 = arith.muli %add3A_199, %mul3A_200 : i32
        %add3A_202 = arith.addi %mul3A_4, %mul3A_201 : i32
        %dma_start3A_203 = tpu.memref_reshape %arg2 : memref<64x1200x120xf32, #tpu.memory_space<hbm>> -> memref<76800x120xf32, #tpu.memory_space<hbm>>
        %dma_start3A_204 = arith.constant 0 : i32
        %dma_start3A_205 = tpu.memref_slice %dma_start3A_203[%add3A_202, %dma_start3A_204] : memref<76800x120xf32, #tpu.memory_space<hbm>> -> memref<80x120xf32, #tpu.memory_space<hbm>>
        %dma_start3A_206 = tpu.memref_reshape %arg2 : memref<64x1200x120xf32, #tpu.memory_space<hbm>> -> memref<76800x120xf32, #tpu.memory_space<hbm>>
        %dma_start3A_207 = arith.constant 0 : i32
        %dma_start3A_208 = tpu.memref_slice %dma_start3A_206[%add3A_202, %dma_start3A_207] : memref<76800x120xf32, #tpu.memory_space<hbm>> -> memref<80x120xf32, #tpu.memory_space<hbm>>
        tpu.enqueue_dma source(%dma_start3A_208 : memref<80x120xf32, #tpu.memory_space<hbm>>) target(%arg5 : memref<80x120xf32, #tpu.memory_space<vmem>>) target_semaphore(%arg8 : memref<!tpu.dma_semaphore, #tpu.memory_space<semaphore_mem>>)
      } else {
      }
      scf.yield %scan3A_189#0, %scan3A_189#1, %scan3A_189#2, %scan3A_189#3, %scan3A_189#4, %scan3A_189#5, %scan3A_189#6, %scan3A_189#7, %scan3A_189#8, %scan3A_189#9, %scan3A_189#10, %scan3A_189#11, %scan3A_189#12, %scan3A_189#13, %scan3A_189#14, %scan3A_189#15, %scan3A_189#16, %scan3A_189#17, %scan3A_189#18, %scan3A_189#19, %scan3A_189#20, %scan3A_189#21, %scan3A_189#22, %scan3A_189#23, %scan3A_189#24, %scan3A_189#25, %scan3A_189#26, %scan3A_189#27, %scan3A_189#28, %scan3A_189#29, %scan3A_189#30, %scan3A_189#31 : vector<16xf32>, vector<16xf32>, vector<16xf32>, vector<16xf32>, vector<16xf32>, vector<16xf32>, vector<16xf32>, vector<16xf32>, vector<16xf32>, vector<16xf32>, vector<16xf32>, vector<16xf32>, vector<16xf32>, vector<16xf32>, vector<16xf32>, vector<16xf32>, vector<16xf32>, vector<16xf32>, vector<16xf32>, vector<16xf32>, vector<16xf32>, vector<16xf32>, vector<16xf32>, vector<16xf32>, vector<16xf32>, vector<16xf32>, vector<16xf32>, vector<16xf32>, vector<16xf32>, vector<16xf32>, vector<16xf32>, vector<16xf32>
    }
    %scan3A_87 = arith.constant 15 : i32
    %min3A = arith.minimumf %scan3A_86#0, %scan3A_86#1 : vector<16xf32>
    %min3A_88 = arith.minimumf %scan3A_86#2, %scan3A_86#3 : vector<16xf32>
    %min3A_89 = arith.minimumf %scan3A_86#4, %scan3A_86#5 : vector<16xf32>
    %min3A_90 = arith.minimumf %scan3A_86#6, %scan3A_86#7 : vector<16xf32>
    %min3A_91 = arith.minimumf %scan3A_86#8, %scan3A_86#9 : vector<16xf32>
    %min3A_92 = arith.minimumf %scan3A_86#10, %scan3A_86#11 : vector<16xf32>
    %min3A_93 = arith.minimumf %scan3A_86#12, %scan3A_86#13 : vector<16xf32>
    %min3A_94 = arith.minimumf %scan3A_86#14, %scan3A_86#15 : vector<16xf32>
    %max3A = arith.maximumf %scan3A_86#16, %scan3A_86#17 : vector<16xf32>
    %max3A_95 = arith.maximumf %scan3A_86#18, %scan3A_86#19 : vector<16xf32>
    %max3A_96 = arith.maximumf %scan3A_86#20, %scan3A_86#21 : vector<16xf32>
    %max3A_97 = arith.maximumf %scan3A_86#22, %scan3A_86#23 : vector<16xf32>
    %max3A_98 = arith.maximumf %scan3A_86#24, %scan3A_86#25 : vector<16xf32>
    %max3A_99 = arith.maximumf %scan3A_86#26, %scan3A_86#27 : vector<16xf32>
    %max3A_100 = arith.maximumf %scan3A_86#28, %scan3A_86#29 : vector<16xf32>
    %max3A_101 = arith.maximumf %scan3A_86#30, %scan3A_86#31 : vector<16xf32>
    %min3A_102 = arith.minimumf %min3A, %min3A_88 : vector<16xf32>
    %min3A_103 = arith.minimumf %min3A_89, %min3A_90 : vector<16xf32>
    %min3A_104 = arith.minimumf %min3A_91, %min3A_92 : vector<16xf32>
    %min3A_105 = arith.minimumf %min3A_93, %min3A_94 : vector<16xf32>
    %max3A_106 = arith.maximumf %max3A, %max3A_95 : vector<16xf32>
    %max3A_107 = arith.maximumf %max3A_96, %max3A_97 : vector<16xf32>
    %max3A_108 = arith.maximumf %max3A_98, %max3A_99 : vector<16xf32>
    %max3A_109 = arith.maximumf %max3A_100, %max3A_101 : vector<16xf32>
    %min3A_110 = arith.minimumf %min3A_102, %min3A_103 : vector<16xf32>
    %min3A_111 = arith.minimumf %min3A_104, %min3A_105 : vector<16xf32>
    %max3A_112 = arith.maximumf %max3A_106, %max3A_107 : vector<16xf32>
    %max3A_113 = arith.maximumf %max3A_108, %max3A_109 : vector<16xf32>
    %min3A_114 = arith.minimumf %min3A_110, %min3A_111 : vector<16xf32>
    %max3A_115 = arith.maximumf %max3A_112, %max3A_113 : vector<16xf32>
    %swap3A = arith.constant 0 : index
    %swap3A_116 = tpu.vector_load %arg6[%swap3A] {strides = array<i32>} : memref<16xf32, #tpu.memory_space<vmem>>, vector<16xf32>,
    tpu.vector_store %arg6[%swap3A], %min3A_114 {strides = array<i32>} : memref<16xf32, #tpu.memory_space<vmem>>, vector<16xf32>,
    %mul3A_117 = arith.constant 16 : i32
    %mul3A_118 = arith.muli %add3A, %mul3A_117 : i32
    "tpu.region"() ({
      %run_scoped3A = tpu.sem_alloc : memref<!tpu.dma_semaphore, #tpu.memory_space<semaphore_mem>>
      %dma_start3A_125 = tpu.memref_slice %arg3[%mul3A_118] : memref<1024xf32, #tpu.memory_space<hbm>> -> memref<16xf32, #tpu.memory_space<hbm>>
      %dma_start3A_126 = tpu.memref_slice %arg3[%mul3A_118] : memref<1024xf32, #tpu.memory_space<hbm>> -> memref<16xf32, #tpu.memory_space<hbm>>
      tpu.enqueue_dma source(%arg6 : memref<16xf32, #tpu.memory_space<vmem>>) target(%dma_start3A_126 : memref<16xf32, #tpu.memory_space<hbm>>) target_semaphore(%run_scoped3A : memref<!tpu.dma_semaphore, #tpu.memory_space<semaphore_mem>>)
      %dma_wait3A = tpu.memref_slice %arg3[%mul3A_118] : memref<1024xf32, #tpu.memory_space<hbm>> -> memref<16xf32, #tpu.memory_space<hbm>>
      %dma_wait3A_127 = tpu.memref_slice %arg3[%mul3A_118] : memref<1024xf32, #tpu.memory_space<hbm>> -> memref<16xf32, #tpu.memory_space<hbm>>
      tpu.wait_dma2 semaphore(%run_scoped3A : memref<!tpu.dma_semaphore, #tpu.memory_space<semaphore_mem>>) src(%arg6 : memref<16xf32, #tpu.memory_space<vmem>>) dst(%dma_wait3A_127 : memref<16xf32, #tpu.memory_space<hbm>>)
      tpu.yield
    }) : () -> ()
    %swap3A_119 = arith.constant 0 : index
    %swap3A_120 = tpu.vector_load %arg6[%swap3A_119] {strides = array<i32>} : memref<16xf32, #tpu.memory_space<vmem>>, vector<16xf32>,
    tpu.vector_store %arg6[%swap3A_119], %max3A_115 {strides = array<i32>} : memref<16xf32, #tpu.memory_space<vmem>>, vector<16xf32>,
    %add3A_121 = arith.constant 32 : i32
    %add3A_122 = arith.addi %add3A_121, %add3A : i32
    %mul3A_123 = arith.constant 16 : i32
    %mul3A_124 = arith.muli %add3A_122, %mul3A_123 : i32
    "tpu.region"() ({
      %run_scoped3A = tpu.sem_alloc : memref<!tpu.dma_semaphore, #tpu.memory_space<semaphore_mem>>
      %dma_start3A_125 = tpu.memref_slice %arg3[%mul3A_124] : memref<1024xf32, #tpu.memory_space<hbm>> -> memref<16xf32, #tpu.memory_space<hbm>>
      %dma_start3A_126 = tpu.memref_slice %arg3[%mul3A_124] : memref<1024xf32, #tpu.memory_space<hbm>> -> memref<16xf32, #tpu.memory_space<hbm>>
      tpu.enqueue_dma source(%arg6 : memref<16xf32, #tpu.memory_space<vmem>>) target(%dma_start3A_126 : memref<16xf32, #tpu.memory_space<hbm>>) target_semaphore(%run_scoped3A : memref<!tpu.dma_semaphore, #tpu.memory_space<semaphore_mem>>)
      %dma_wait3A = tpu.memref_slice %arg3[%mul3A_124] : memref<1024xf32, #tpu.memory_space<hbm>> -> memref<16xf32, #tpu.memory_space<hbm>>
      %dma_wait3A_127 = tpu.memref_slice %arg3[%mul3A_124] : memref<1024xf32, #tpu.memory_space<hbm>> -> memref<16xf32, #tpu.memory_space<hbm>>
      tpu.wait_dma2 semaphore(%run_scoped3A : memref<!tpu.dma_semaphore, #tpu.memory_space<semaphore_mem>>) src(%arg6 : memref<16xf32, #tpu.memory_space<vmem>>) dst(%dma_wait3A_127 : memref<16xf32, #tpu.memory_space<hbm>>)
      tpu.yield
    }) : () -> ()
    return
  }
}

#map = affine_map<(d0, d1) -> (0, 0, 0)>
#map1 = affine_map<(d0, d1) -> (0)>
module attributes {stable_mosaic.version = 14 : i64} {
  func.func @_sc_body(%arg0: i32, %arg1: i32, %arg2: memref<64x1200x120xf32, #tpu.memory_space<hbm>>, %arg3: memref<16xf32, #tpu.memory_space<hbm>>, %arg4: memref<16xf32, #tpu.memory_space<hbm>>, %arg5: memref<64x600x60xf32, #tpu.memory_space<hbm>>, %arg6: memref<80x120xf32, #tpu.memory_space<vmem>>, %arg7: memref<80x120xf32, #tpu.memory_space<vmem>>, %arg8: memref<65552xi32, #tpu.memory_space<vmem>>, %arg9: memref<4096xi32, #tpu.memory_space<vmem>>, %arg10: memref<40x60xf32, #tpu.memory_space<vmem>>, %arg11: memref<16xf32, #tpu.memory_space<vmem>>, %arg12: memref<16xf32, #tpu.memory_space<vmem>>, %arg13: memref<!tpu.dma_semaphore, #tpu.memory_space<semaphore_mem>>, %arg14: memref<!tpu.dma_semaphore, #tpu.memory_space<semaphore_mem>>) attributes {dimension_semantics = [#tpu.dimension_semantics<core_parallel>, #tpu.dimension_semantics<subcore_parallel>], iteration_bounds = array<i64: 2, 16>, scalar_prefetch = 0 : i64, scratch_operands = 9 : i64, tpu.core_type = #tpu.core_type<sc_vector_subcore>, window_params = [{transform_indices = #map}, {transform_indices = #map1}, {transform_indices = #map1}, {transform_indices = #map}]} {
    %mul3A = arith.constant 2 : i32
    %mul3A_0 = arith.muli %arg1, %mul3A : i32
    %add3A = arith.addi %mul3A_0, %arg0 : i32
    "tpu.region"() ({
      %run_scoped3A = tpu.sem_alloc : memref<!tpu.dma_semaphore, #tpu.memory_space<semaphore_mem>>
      tpu.enqueue_dma source(%arg3 : memref<16xf32, #tpu.memory_space<hbm>>) target(%arg11 : memref<16xf32, #tpu.memory_space<vmem>>) target_semaphore(%run_scoped3A : memref<!tpu.dma_semaphore, #tpu.memory_space<semaphore_mem>>)
      tpu.wait_dma2 semaphore(%run_scoped3A : memref<!tpu.dma_semaphore, #tpu.memory_space<semaphore_mem>>) src(%arg3 : memref<16xf32, #tpu.memory_space<hbm>>) dst(%arg11 : memref<16xf32, #tpu.memory_space<vmem>>)
      tpu.yield
    }) : () -> ()
    "tpu.region"() ({
      %run_scoped3A = tpu.sem_alloc : memref<!tpu.dma_semaphore, #tpu.memory_space<semaphore_mem>>
      tpu.enqueue_dma source(%arg4 : memref<16xf32, #tpu.memory_space<hbm>>) target(%arg12 : memref<16xf32, #tpu.memory_space<vmem>>) target_semaphore(%run_scoped3A : memref<!tpu.dma_semaphore, #tpu.memory_space<semaphore_mem>>)
      tpu.wait_dma2 semaphore(%run_scoped3A : memref<!tpu.dma_semaphore, #tpu.memory_space<semaphore_mem>>) src(%arg4 : memref<16xf32, #tpu.memory_space<hbm>>) dst(%arg12 : memref<16xf32, #tpu.memory_space<vmem>>)
      tpu.yield
    }) : () -> ()
    %get3A = arith.constant 0 : index
    %get3A_1 = tpu.vector_load %arg11[%get3A] {strides = array<i32>} : memref<16xf32, #tpu.memory_space<vmem>>, vector<16xf32>,
    %get3A_2 = arith.constant 0 : index
    %get3A_3 = tpu.vector_load %arg12[%get3A_2] {strides = array<i32>} : memref<16xf32, #tpu.memory_space<vmem>>, vector<16xf32>,
    %iota3A = tpu.iota {dimensions = array<i32: 0>} : vector<16xi32>
    %mul3A_4 = arith.constant 4097 : i32
    %mul3A_5 = vector.broadcast %mul3A_4 : i32 to vector<16xi32>
    %mul3A_6 = arith.muli %iota3A, %mul3A_5 : vector<16xi32>
    %broadcast_in_dim3A = arith.constant 1 : i32
    %broadcast_in_dim3A_7 = vector.broadcast %broadcast_in_dim3A : i32 to vector<16xi32>
    %broadcast_in_dim3A_8 = arith.constant 0 : i32
    %broadcast_in_dim3A_9 = vector.broadcast %broadcast_in_dim3A_8 : i32 to vector<16xi32>
    %ge3A = arith.constant 8 : i32
    %ge3A_10 = vector.broadcast %ge3A : i32 to vector<16xi32>
    %ge3A_11 = arith.cmpi sge, %iota3A, %ge3A_10 : vector<16xi32>
    %scan3A = arith.constant 6.94444452E-6 : f32
    %scan3A_12 = arith.constant 0 : i32
    %scan3A_13 = arith.constant 0 : i32
    %scan3A_14 = arith.constant 2 : i32
    %scan3A_15 = arith.addi %scan3A_13, %scan3A_14 : i32
    %scan3A_16 = arith.constant 1 : i32
    %scan3A_17 = scf.for %scan3A_19 = %scan3A_13 to %scan3A_15 step %scan3A_16 iter_args(%scan3A_20 = %scan3A_12) -> (i32)  : i32 {
      %mul3A_21 = arith.constant 2 : i32
      %mul3A_22 = arith.muli %add3A, %mul3A_21 : i32
      %add3A_23 = arith.addi %mul3A_22, %scan3A_19 : i32
      %scan3A_24 = arith.constant 0 : i32
      %scan3A_25 = arith.constant 0 : i32
      %scan3A_26 = arith.constant 241 : i32
      %scan3A_27 = arith.addi %scan3A_25, %scan3A_26 : i32
      %scan3A_28 = arith.constant 1 : i32
      %scan3A_29 = scf.for %scan3A_121 = %scan3A_25 to %scan3A_27 step %scan3A_28 iter_args(%scan3A_122 = %scan3A_24) -> (i32)  : i32 {
        %mul3A_123 = arith.constant 17 : i32
        %mul3A_124 = arith.muli %scan3A_121, %mul3A_123 : i32
        %add3A_125 = arith.constant 0 : i32
        %add3A_126 = arith.addi %mul3A_124, %add3A_125 : i32
        %mul3A_127 = arith.constant 16 : i32
        %mul3A_128 = arith.muli %add3A_126, %mul3A_127 : i32
        %swap3A = arith.index_cast %mul3A_128 : i32 to index
        %swap3A_129 = tpu.vector_load %arg8[%swap3A] {strides = array<i32>} : memref<65552xi32, #tpu.memory_space<vmem>>, vector<16xi32>,
        tpu.vector_store %arg8[%swap3A], %broadcast_in_dim3A_9 {strides = array<i32>} : memref<65552xi32, #tpu.memory_space<vmem>>, vector<16xi32>,
        %mul3A_130 = arith.constant 17 : i32
        %mul3A_131 = arith.muli %scan3A_121, %mul3A_130 : i32
        %add3A_132 = arith.constant 1 : i32
        %add3A_133 = arith.addi %mul3A_131, %add3A_132 : i32
        %mul3A_134 = arith.constant 16 : i32
        %mul3A_135 = arith.muli %add3A_133, %mul3A_134 : i32
        %swap3A_136 = arith.index_cast %mul3A_135 : i32 to index
        %swap3A_137 = tpu.vector_load %arg8[%swap3A_136] {strides = array<i32>} : memref<65552xi32, #tpu.memory_space<vmem>>, vector<16xi32>,
        tpu.vector_store %arg8[%swap3A_136], %broadcast_in_dim3A_9 {strides = array<i32>} : memref<65552xi32, #tpu.memory_space<vmem>>, vector<16xi32>,
        %mul3A_138 = arith.constant 17 : i32
        %mul3A_139 = arith.muli %scan3A_121, %mul3A_138 : i32
        %add3A_140 = arith.constant 2 : i32
        %add3A_141 = arith.addi %mul3A_139, %add3A_140 : i32
        %mul3A_142 = arith.constant 16 : i32
        %mul3A_143 = arith.muli %add3A_141, %mul3A_142 : i32
        %swap3A_144 = arith.index_cast %mul3A_143 : i32 to index
        %swap3A_145 = tpu.vector_load %arg8[%swap3A_144] {strides = array<i32>} : memref<65552xi32, #tpu.memory_space<vmem>>, vector<16xi32>,
        tpu.vector_store %arg8[%swap3A_144], %broadcast_in_dim3A_9 {strides = array<i32>} : memref<65552xi32, #tpu.memory_space<vmem>>, vector<16xi32>,
        %mul3A_146 = arith.constant 17 : i32
        %mul3A_147 = arith.muli %scan3A_121, %mul3A_146 : i32
        %add3A_148 = arith.constant 3 : i32
        %add3A_149 = arith.addi %mul3A_147, %add3A_148 : i32
        %mul3A_150 = arith.constant 16 : i32
        %mul3A_151 = arith.muli %add3A_149, %mul3A_150 : i32
        %swap3A_152 = arith.index_cast %mul3A_151 : i32 to index
        %swap3A_153 = tpu.vector_load %arg8[%swap3A_152] {strides = array<i32>} : memref<65552xi32, #tpu.memory_space<vmem>>, vector<16xi32>,
        tpu.vector_store %arg8[%swap3A_152], %broadcast_in_dim3A_9 {strides = array<i32>} : memref<65552xi32, #tpu.memory_space<vmem>>, vector<16xi32>,
        %mul3A_154 = arith.constant 17 : i32
        %mul3A_155 = arith.muli %scan3A_121, %mul3A_154 : i32
        %add3A_156 = arith.constant 4 : i32
        %add3A_157 = arith.addi %mul3A_155, %add3A_156 : i32
        %mul3A_158 = arith.constant 16 : i32
        %mul3A_159 = arith.muli %add3A_157, %mul3A_158 : i32
        %swap3A_160 = arith.index_cast %mul3A_159 : i32 to index
        %swap3A_161 = tpu.vector_load %arg8[%swap3A_160] {strides = array<i32>} : memref<65552xi32, #tpu.memory_space<vmem>>, vector<16xi32>,
        tpu.vector_store %arg8[%swap3A_160], %broadcast_in_dim3A_9 {strides = array<i32>} : memref<65552xi32, #tpu.memory_space<vmem>>, vector<16xi32>,
        %mul3A_162 = arith.constant 17 : i32
        %mul3A_163 = arith.muli %scan3A_121, %mul3A_162 : i32
        %add3A_164 = arith.constant 5 : i32
        %add3A_165 = arith.addi %mul3A_163, %add3A_164 : i32
        %mul3A_166 = arith.constant 16 : i32
        %mul3A_167 = arith.muli %add3A_165, %mul3A_166 : i32
        %swap3A_168 = arith.index_cast %mul3A_167 : i32 to index
        %swap3A_169 = tpu.vector_load %arg8[%swap3A_168] {strides = array<i32>} : memref<65552xi32, #tpu.memory_space<vmem>>, vector<16xi32>,
        tpu.vector_store %arg8[%swap3A_168], %broadcast_in_dim3A_9 {strides = array<i32>} : memref<65552xi32, #tpu.memory_space<vmem>>, vector<16xi32>,
        %mul3A_170 = arith.constant 17 : i32
        %mul3A_171 = arith.muli %scan3A_121, %mul3A_170 : i32
        %add3A_172 = arith.constant 6 : i32
        %add3A_173 = arith.addi %mul3A_171, %add3A_172 : i32
        %mul3A_174 = arith.constant 16 : i32
        %mul3A_175 = arith.muli %add3A_173, %mul3A_174 : i32
        %swap3A_176 = arith.index_cast %mul3A_175 : i32 to index
        %swap3A_177 = tpu.vector_load %arg8[%swap3A_176] {strides = array<i32>} : memref<65552xi32, #tpu.memory_space<vmem>>, vector<16xi32>,
        tpu.vector_store %arg8[%swap3A_176], %broadcast_in_dim3A_9 {strides = array<i32>} : memref<65552xi32, #tpu.memory_space<vmem>>, vector<16xi32>,
        %mul3A_178 = arith.constant 17 : i32
        %mul3A_179 = arith.muli %scan3A_121, %mul3A_178 : i32
        %add3A_180 = arith.constant 7 : i32
        %add3A_181 = arith.addi %mul3A_179, %add3A_180 : i32
        %mul3A_182 = arith.constant 16 : i32
        %mul3A_183 = arith.muli %add3A_181, %mul3A_182 : i32
        %swap3A_184 = arith.index_cast %mul3A_183 : i32 to index
        %swap3A_185 = tpu.vector_load %arg8[%swap3A_184] {strides = array<i32>} : memref<65552xi32, #tpu.memory_space<vmem>>, vector<16xi32>,
        tpu.vector_store %arg8[%swap3A_184], %broadcast_in_dim3A_9 {strides = array<i32>} : memref<65552xi32, #tpu.memory_space<vmem>>, vector<16xi32>,
        %mul3A_186 = arith.constant 17 : i32
        %mul3A_187 = arith.muli %scan3A_121, %mul3A_186 : i32
        %add3A_188 = arith.constant 8 : i32
        %add3A_189 = arith.addi %mul3A_187, %add3A_188 : i32
        %mul3A_190 = arith.constant 16 : i32
        %mul3A_191 = arith.muli %add3A_189, %mul3A_190 : i32
        %swap3A_192 = arith.index_cast %mul3A_191 : i32 to index
        %swap3A_193 = tpu.vector_load %arg8[%swap3A_192] {strides = array<i32>} : memref<65552xi32, #tpu.memory_space<vmem>>, vector<16xi32>,
        tpu.vector_store %arg8[%swap3A_192], %broadcast_in_dim3A_9 {strides = array<i32>} : memref<65552xi32, #tpu.memory_space<vmem>>, vector<16xi32>,
        %mul3A_194 = arith.constant 17 : i32
        %mul3A_195 = arith.muli %scan3A_121, %mul3A_194 : i32
        %add3A_196 = arith.constant 9 : i32
        %add3A_197 = arith.addi %mul3A_195, %add3A_196 : i32
        %mul3A_198 = arith.constant 16 : i32
        %mul3A_199 = arith.muli %add3A_197, %mul3A_198 : i32
        %swap3A_200 = arith.index_cast %mul3A_199 : i32 to index
        %swap3A_201 = tpu.vector_load %arg8[%swap3A_200] {strides = array<i32>} : memref<65552xi32, #tpu.memory_space<vmem>>, vector<16xi32>,
        tpu.vector_store %arg8[%swap3A_200], %broadcast_in_dim3A_9 {strides = array<i32>} : memref<65552xi32, #tpu.memory_space<vmem>>, vector<16xi32>,
        %mul3A_202 = arith.constant 17 : i32
        %mul3A_203 = arith.muli %scan3A_121, %mul3A_202 : i32
        %add3A_204 = arith.constant 10 : i32
        %add3A_205 = arith.addi %mul3A_203, %add3A_204 : i32
        %mul3A_206 = arith.constant 16 : i32
        %mul3A_207 = arith.muli %add3A_205, %mul3A_206 : i32
        %swap3A_208 = arith.index_cast %mul3A_207 : i32 to index
        %swap3A_209 = tpu.vector_load %arg8[%swap3A_208] {strides = array<i32>} : memref<65552xi32, #tpu.memory_space<vmem>>, vector<16xi32>,
        tpu.vector_store %arg8[%swap3A_208], %broadcast_in_dim3A_9 {strides = array<i32>} : memref<65552xi32, #tpu.memory_space<vmem>>, vector<16xi32>,
        %mul3A_210 = arith.constant 17 : i32
        %mul3A_211 = arith.muli %scan3A_121, %mul3A_210 : i32
        %add3A_212 = arith.constant 11 : i32
        %add3A_213 = arith.addi %mul3A_211, %add3A_212 : i32
        %mul3A_214 = arith.constant 16 : i32
        %mul3A_215 = arith.muli %add3A_213, %mul3A_214 : i32
        %swap3A_216 = arith.index_cast %mul3A_215 : i32 to index
        %swap3A_217 = tpu.vector_load %arg8[%swap3A_216] {strides = array<i32>} : memref<65552xi32, #tpu.memory_space<vmem>>, vector<16xi32>,
        tpu.vector_store %arg8[%swap3A_216], %broadcast_in_dim3A_9 {strides = array<i32>} : memref<65552xi32, #tpu.memory_space<vmem>>, vector<16xi32>,
        %mul3A_218 = arith.constant 17 : i32
        %mul3A_219 = arith.muli %scan3A_121, %mul3A_218 : i32
        %add3A_220 = arith.constant 12 : i32
        %add3A_221 = arith.addi %mul3A_219, %add3A_220 : i32
        %mul3A_222 = arith.constant 16 : i32
        %mul3A_223 = arith.muli %add3A_221, %mul3A_222 : i32
        %swap3A_224 = arith.index_cast %mul3A_223 : i32 to index
        %swap3A_225 = tpu.vector_load %arg8[%swap3A_224] {strides = array<i32>} : memref<65552xi32, #tpu.memory_space<vmem>>, vector<16xi32>,
        tpu.vector_store %arg8[%swap3A_224], %broadcast_in_dim3A_9 {strides = array<i32>} : memref<65552xi32, #tpu.memory_space<vmem>>, vector<16xi32>,
        %mul3A_226 = arith.constant 17 : i32
        %mul3A_227 = arith.muli %scan3A_121, %mul3A_226 : i32
        %add3A_228 = arith.constant 13 : i32
        %add3A_229 = arith.addi %mul3A_227, %add3A_228 : i32
        %mul3A_230 = arith.constant 16 : i32
        %mul3A_231 = arith.muli %add3A_229, %mul3A_230 : i32
        %swap3A_232 = arith.index_cast %mul3A_231 : i32 to index
        %swap3A_233 = tpu.vector_load %arg8[%swap3A_232] {strides = array<i32>} : memref<65552xi32, #tpu.memory_space<vmem>>, vector<16xi32>,
        tpu.vector_store %arg8[%swap3A_232], %broadcast_in_dim3A_9 {strides = array<i32>} : memref<65552xi32, #tpu.memory_space<vmem>>, vector<16xi32>,
        %mul3A_234 = arith.constant 17 : i32
        %mul3A_235 = arith.muli %scan3A_121, %mul3A_234 : i32
        %add3A_236 = arith.constant 14 : i32
        %add3A_237 = arith.addi %mul3A_235, %add3A_236 : i32
        %mul3A_238 = arith.constant 16 : i32
        %mul3A_239 = arith.muli %add3A_237, %mul3A_238 : i32
        %swap3A_240 = arith.index_cast %mul3A_239 : i32 to index
        %swap3A_241 = tpu.vector_load %arg8[%swap3A_240] {strides = array<i32>} : memref<65552xi32, #tpu.memory_space<vmem>>, vector<16xi32>,
        tpu.vector_store %arg8[%swap3A_240], %broadcast_in_dim3A_9 {strides = array<i32>} : memref<65552xi32, #tpu.memory_space<vmem>>, vector<16xi32>,
        %mul3A_242 = arith.constant 17 : i32
        %mul3A_243 = arith.muli %scan3A_121, %mul3A_242 : i32
        %add3A_244 = arith.constant 15 : i32
        %add3A_245 = arith.addi %mul3A_243, %add3A_244 : i32
        %mul3A_246 = arith.constant 16 : i32
        %mul3A_247 = arith.muli %add3A_245, %mul3A_246 : i32
        %swap3A_248 = arith.index_cast %mul3A_247 : i32 to index
        %swap3A_249 = tpu.vector_load %arg8[%swap3A_248] {strides = array<i32>} : memref<65552xi32, #tpu.memory_space<vmem>>, vector<16xi32>,
        tpu.vector_store %arg8[%swap3A_248], %broadcast_in_dim3A_9 {strides = array<i32>} : memref<65552xi32, #tpu.memory_space<vmem>>, vector<16xi32>,
        %mul3A_250 = arith.constant 17 : i32
        %mul3A_251 = arith.muli %scan3A_121, %mul3A_250 : i32
        %add3A_252 = arith.constant 16 : i32
        %add3A_253 = arith.addi %mul3A_251, %add3A_252 : i32
        %mul3A_254 = arith.constant 16 : i32
        %mul3A_255 = arith.muli %add3A_253, %mul3A_254 : i32
        %swap3A_256 = arith.index_cast %mul3A_255 : i32 to index
        %swap3A_257 = tpu.vector_load %arg8[%swap3A_256] {strides = array<i32>} : memref<65552xi32, #tpu.memory_space<vmem>>, vector<16xi32>,
        tpu.vector_store %arg8[%swap3A_256], %broadcast_in_dim3A_9 {strides = array<i32>} : memref<65552xi32, #tpu.memory_space<vmem>>, vector<16xi32>,
        %scan3A_258 = arith.constant 0 : i32
        scf.yield %scan3A_258 : i32
      }
      %scan3A_30 = arith.constant 241 : i32
      %mul3A_31 = arith.constant 1200 : i32
      %mul3A_32 = arith.muli %add3A_23, %mul3A_31 : i32
      %add3A_33 = arith.constant 0 : i32
      %add3A_34 = arith.addi %mul3A_32, %add3A_33 : i32
      %dma_start3A = tpu.memref_reshape %arg2 : memref<64x1200x120xf32, #tpu.memory_space<hbm>> -> memref<76800x120xf32, #tpu.memory_space<hbm>>
      %dma_start3A_35 = arith.constant 0 : i32
      %dma_start3A_36 = tpu.memref_slice %dma_start3A[%add3A_34, %dma_start3A_35] : memref<76800x120xf32, #tpu.memory_space<hbm>> -> memref<80x120xf32, #tpu.memory_space<hbm>>
      %dma_start3A_37 = tpu.memref_reshape %arg2 : memref<64x1200x120xf32, #tpu.memory_space<hbm>> -> memref<76800x120xf32, #tpu.memory_space<hbm>>
      %dma_start3A_38 = arith.constant 0 : i32
      %dma_start3A_39 = tpu.memref_slice %dma_start3A_37[%add3A_34, %dma_start3A_38] : memref<76800x120xf32, #tpu.memory_space<hbm>> -> memref<80x120xf32, #tpu.memory_space<hbm>>
      tpu.enqueue_dma source(%dma_start3A_39 : memref<80x120xf32, #tpu.memory_space<hbm>>) target(%arg6 : memref<80x120xf32, #tpu.memory_space<vmem>>) target_semaphore(%arg13 : memref<!tpu.dma_semaphore, #tpu.memory_space<semaphore_mem>>)
      %mul3A_40 = arith.constant 1200 : i32
      %mul3A_41 = arith.muli %add3A_23, %mul3A_40 : i32
      %add3A_42 = arith.constant 80 : i32
      %add3A_43 = arith.addi %mul3A_41, %add3A_42 : i32
      %dma_start3A_44 = tpu.memref_reshape %arg2 : memref<64x1200x120xf32, #tpu.memory_space<hbm>> -> memref<76800x120xf32, #tpu.memory_space<hbm>>
      %dma_start3A_45 = arith.constant 0 : i32
      %dma_start3A_46 = tpu.memref_slice %dma_start3A_44[%add3A_43, %dma_start3A_45] : memref<76800x120xf32, #tpu.memory_space<hbm>> -> memref<80x120xf32, #tpu.memory_space<hbm>>
      %dma_start3A_47 = tpu.memref_reshape %arg2 : memref<64x1200x120xf32, #tpu.memory_space<hbm>> -> memref<76800x120xf32, #tpu.memory_space<hbm>>
      %dma_start3A_48 = arith.constant 0 : i32
      %dma_start3A_49 = tpu.memref_slice %dma_start3A_47[%add3A_43, %dma_start3A_48] : memref<76800x120xf32, #tpu.memory_space<hbm>> -> memref<80x120xf32, #tpu.memory_space<hbm>>
      tpu.enqueue_dma source(%dma_start3A_49 : memref<80x120xf32, #tpu.memory_space<hbm>>) target(%arg7 : memref<80x120xf32, #tpu.memory_space<vmem>>) target_semaphore(%arg14 : memref<!tpu.dma_semaphore, #tpu.memory_space<semaphore_mem>>)
      %scan3A_50 = arith.constant 0 : i32
      %scan3A_51 = arith.constant 0 : i32
      %scan3A_52 = arith.constant 7 : i32
      %scan3A_53 = arith.addi %scan3A_51, %scan3A_52 : i32
      %scan3A_54 = arith.constant 1 : i32
      %scan3A_55 = scf.for %scan3A_121 = %scan3A_51 to %scan3A_53 step %scan3A_54 iter_args(%scan3A_122 = %scan3A_50) -> (i32)  : i32 {
        %mul3A_123 = arith.constant 2 : i32
        %mul3A_124 = arith.muli %mul3A_123, %scan3A_121 : i32
        %dma_wait3A_125 = tpu.memref_reshape %arg2 : memref<64x1200x120xf32, #tpu.memory_space<hbm>> -> memref<76800x120xf32, #tpu.memory_space<hbm>>
        %dma_wait3A_126 = arith.constant 0 : i32
        %dma_wait3A_127 = arith.constant 0 : i32
        %dma_wait3A_128 = tpu.memref_slice %dma_wait3A_125[%dma_wait3A_126, %dma_wait3A_127] : memref<76800x120xf32, #tpu.memory_space<hbm>> -> memref<80x120xf32, #tpu.memory_space<hbm>>
        %dma_wait3A_129 = tpu.memref_reshape %arg2 : memref<64x1200x120xf32, #tpu.memory_space<hbm>> -> memref<76800x120xf32, #tpu.memory_space<hbm>>
        %dma_wait3A_130 = arith.constant 0 : i32
        %dma_wait3A_131 = arith.constant 0 : i32
        %dma_wait3A_132 = tpu.memref_slice %dma_wait3A_129[%dma_wait3A_130, %dma_wait3A_131] : memref<76800x120xf32, #tpu.memory_space<hbm>> -> memref<80x120xf32, #tpu.memory_space<hbm>>
        tpu.wait_dma2 semaphore(%arg13 : memref<!tpu.dma_semaphore, #tpu.memory_space<semaphore_mem>>) src(%dma_wait3A_132 : memref<80x120xf32, #tpu.memory_space<hbm>>) dst(%arg6 : memref<80x120xf32, #tpu.memory_space<vmem>>)
        %scan3A_133 = arith.constant 0 : i32
        %scan3A_134 = arith.constant 0 : i32
        %scan3A_135 = arith.constant 40 : i32
        %scan3A_136 = arith.addi %scan3A_134, %scan3A_135 : i32
        %scan3A_137 = arith.constant 1 : i32
        %scan3A_138 = scf.for %scan3A_167 = %scan3A_134 to %scan3A_136 step %scan3A_137 iter_args(%scan3A_168 = %scan3A_133) -> (i32)  : i32 {
          %mul3A_169 = arith.constant 2 : i32
          %mul3A_170 = arith.muli %mul3A_169, %scan3A_167 : i32
          %add3A_171 = arith.constant 0 : i32
          %add3A_172 = arith.addi %mul3A_170, %add3A_171 : i32
          %get3A_173 = arith.index_cast %add3A_172 : i32 to index
          %get3A_174 = arith.constant 0 : index
          %get3A_175 = tpu.vector_load %arg6[%get3A_173, %get3A_174] {strides = array<i32>} : memref<80x120xf32, #tpu.memory_space<vmem>>, vector<16xf32>,
          %get3A_176 = arith.index_cast %add3A_172 : i32 to index
          %get3A_177 = arith.constant 16 : index
          %get3A_178 = tpu.vector_load %arg6[%get3A_176, %get3A_177] {strides = array<i32>} : memref<80x120xf32, #tpu.memory_space<vmem>>, vector<16xf32>,
          %get3A_179 = arith.index_cast %add3A_172 : i32 to index
          %get3A_180 = arith.constant 32 : index
          %get3A_181 = tpu.vector_load %arg6[%get3A_179, %get3A_180] {strides = array<i32>} : memref<80x120xf32, #tpu.memory_space<vmem>>, vector<16xf32>,
          %get3A_182 = arith.index_cast %add3A_172 : i32 to index
          %get3A_183 = arith.constant 48 : index
          %get3A_184 = tpu.vector_load %arg6[%get3A_182, %get3A_183] {strides = array<i32>} : memref<80x120xf32, #tpu.memory_space<vmem>>, vector<16xf32>,
          %get3A_185 = arith.index_cast %add3A_172 : i32 to index
          %get3A_186 = arith.constant 64 : index
          %get3A_187 = tpu.vector_load %arg6[%get3A_185, %get3A_186] {strides = array<i32>} : memref<80x120xf32, #tpu.memory_space<vmem>>, vector<16xf32>,
          %get3A_188 = arith.index_cast %add3A_172 : i32 to index
          %get3A_189 = arith.constant 80 : index
          %get3A_190 = tpu.vector_load %arg6[%get3A_188, %get3A_189] {strides = array<i32>} : memref<80x120xf32, #tpu.memory_space<vmem>>, vector<16xf32>,
          %get3A_191 = arith.index_cast %add3A_172 : i32 to index
          %get3A_192 = arith.constant 96 : index
          %get3A_193 = tpu.vector_load %arg6[%get3A_191, %get3A_192] {strides = array<i32>} : memref<80x120xf32, #tpu.memory_space<vmem>>, vector<16xf32>,
          %get3A_194 = arith.index_cast %add3A_172 : i32 to index
          %get3A_195 = arith.constant 104 : index
          %get3A_196 = tpu.vector_load %arg6[%get3A_194, %get3A_195] {strides = array<i32>} : memref<80x120xf32, #tpu.memory_space<vmem>>, vector<16xf32>,
          %mul3A_197 = arith.constant 2 : i32
          %mul3A_198 = arith.muli %mul3A_197, %scan3A_167 : i32
          %add3A_199 = arith.constant 1 : i32
          %add3A_200 = arith.addi %mul3A_198, %add3A_199 : i32
          %get3A_201 = arith.index_cast %add3A_200 : i32 to index
          %get3A_202 = arith.constant 0 : index
          %get3A_203 = tpu.vector_load %arg6[%get3A_201, %get3A_202] {strides = array<i32>} : memref<80x120xf32, #tpu.memory_space<vmem>>, vector<16xf32>,
          %get3A_204 = arith.index_cast %add3A_200 : i32 to index
          %get3A_205 = arith.constant 16 : index
          %get3A_206 = tpu.vector_load %arg6[%get3A_204, %get3A_205] {strides = array<i32>} : memref<80x120xf32, #tpu.memory_space<vmem>>, vector<16xf32>,
          %get3A_207 = arith.index_cast %add3A_200 : i32 to index
          %get3A_208 = arith.constant 32 : index
          %get3A_209 = tpu.vector_load %arg6[%get3A_207, %get3A_208] {strides = array<i32>} : memref<80x120xf32, #tpu.memory_space<vmem>>, vector<16xf32>,
          %get3A_210 = arith.index_cast %add3A_200 : i32 to index
          %get3A_211 = arith.constant 48 : index
          %get3A_212 = tpu.vector_load %arg6[%get3A_210, %get3A_211] {strides = array<i32>} : memref<80x120xf32, #tpu.memory_space<vmem>>, vector<16xf32>,
          %get3A_213 = arith.index_cast %add3A_200 : i32 to index
          %get3A_214 = arith.constant 64 : index
          %get3A_215 = tpu.vector_load %arg6[%get3A_213, %get3A_214] {strides = array<i32>} : memref<80x120xf32, #tpu.memory_space<vmem>>, vector<16xf32>,
          %get3A_216 = arith.index_cast %add3A_200 : i32 to index
          %get3A_217 = arith.constant 80 : index
          %get3A_218 = tpu.vector_load %arg6[%get3A_216, %get3A_217] {strides = array<i32>} : memref<80x120xf32, #tpu.memory_space<vmem>>, vector<16xf32>,
          %get3A_219 = arith.index_cast %add3A_200 : i32 to index
          %get3A_220 = arith.constant 96 : index
          %get3A_221 = tpu.vector_load %arg6[%get3A_219, %get3A_220] {strides = array<i32>} : memref<80x120xf32, #tpu.memory_space<vmem>>, vector<16xf32>,
          %get3A_222 = arith.index_cast %add3A_200 : i32 to index
          %get3A_223 = arith.constant 104 : index
          %get3A_224 = tpu.vector_load %arg6[%get3A_222, %get3A_223] {strides = array<i32>} : memref<80x120xf32, #tpu.memory_space<vmem>>, vector<16xf32>,
          %max3A = arith.constant 6.000000e+01 : f32
          %max3A_225 = vector.broadcast %max3A : f32 to vector<16xf32>
          %max3A_226 = arith.maximumf %get3A_175, %max3A_225 : vector<16xf32>
          %bitcast3A = vector.bitcast %max3A_226 : vector<16xf32> to vector<16xi32>
          %convert_element_type3A_227 = arith.sitofp %bitcast3A : vector<16xi32> to vector<16xf32>
          %sub3A = arith.subf %convert_element_type3A_227, %get3A_1 : vector<16xf32>
          %mul3A_228 = arith.mulf %sub3A, %get3A_3 : vector<16xf32>
          %convert_element_type3A_229 = arith.fptosi %mul3A_228 : vector<16xf32> to vector<16xi32>
          %min3A = arith.constant 4095 : i32
          %min3A_230 = vector.broadcast %min3A : i32 to vector<16xi32>
          %min3A_231 = arith.minsi %convert_element_type3A_229, %min3A_230 : vector<16xi32>
          %add3A_232 = arith.addi %mul3A_6, %min3A_231 : vector<16xi32>
          %max3A_233 = arith.constant 6.000000e+01 : f32
          %max3A_234 = vector.broadcast %max3A_233 : f32 to vector<16xf32>
          %max3A_235 = arith.maximumf %get3A_178, %max3A_234 : vector<16xf32>
          %bitcast3A_236 = vector.bitcast %max3A_235 : vector<16xf32> to vector<16xi32>
          %convert_element_type3A_237 = arith.sitofp %bitcast3A_236 : vector<16xi32> to vector<16xf32>
          %sub3A_238 = arith.subf %convert_element_type3A_237, %get3A_1 : vector<16xf32>
          %mul3A_239 = arith.mulf %sub3A_238, %get3A_3 : vector<16xf32>
          %convert_element_type3A_240 = arith.fptosi %mul3A_239 : vector<16xf32> to vector<16xi32>
          %min3A_241 = arith.constant 4095 : i32
          %min3A_242 = vector.broadcast %min3A_241 : i32 to vector<16xi32>
          %min3A_243 = arith.minsi %convert_element_type3A_240, %min3A_242 : vector<16xi32>
          %add3A_244 = arith.addi %mul3A_6, %min3A_243 : vector<16xi32>
          %max3A_245 = arith.constant 6.000000e+01 : f32
          %max3A_246 = vector.broadcast %max3A_245 : f32 to vector<16xf32>
          %max3A_247 = arith.maximumf %get3A_181, %max3A_246 : vector<16xf32>
          %bitcast3A_248 = vector.bitcast %max3A_247 : vector<16xf32> to vector<16xi32>
          %convert_element_type3A_249 = arith.sitofp %bitcast3A_248 : vector<16xi32> to vector<16xf32>
          %sub3A_250 = arith.subf %convert_element_type3A_249, %get3A_1 : vector<16xf32>
          %mul3A_251 = arith.mulf %sub3A_250, %get3A_3 : vector<16xf32>
          %convert_element_type3A_252 = arith.fptosi %mul3A_251 : vector<16xf32> to vector<16xi32>
          %min3A_253 = arith.constant 4095 : i32
          %min3A_254 = vector.broadcast %min3A_253 : i32 to vector<16xi32>
          %min3A_255 = arith.minsi %convert_element_type3A_252, %min3A_254 : vector<16xi32>
          %add3A_256 = arith.addi %mul3A_6, %min3A_255 : vector<16xi32>
          %max3A_257 = arith.constant 6.000000e+01 : f32
          %max3A_258 = vector.broadcast %max3A_257 : f32 to vector<16xf32>
          %max3A_259 = arith.maximumf %get3A_184, %max3A_258 : vector<16xf32>
          %bitcast3A_260 = vector.bitcast %max3A_259 : vector<16xf32> to vector<16xi32>
          %convert_element_type3A_261 = arith.sitofp %bitcast3A_260 : vector<16xi32> to vector<16xf32>
          %sub3A_262 = arith.subf %convert_element_type3A_261, %get3A_1 : vector<16xf32>
          %mul3A_263 = arith.mulf %sub3A_262, %get3A_3 : vector<16xf32>
          %convert_element_type3A_264 = arith.fptosi %mul3A_263 : vector<16xf32> to vector<16xi32>
          %min3A_265 = arith.constant 4095 : i32
          %min3A_266 = vector.broadcast %min3A_265 : i32 to vector<16xi32>
          %min3A_267 = arith.minsi %convert_element_type3A_264, %min3A_266 : vector<16xi32>
          %add3A_268 = arith.addi %mul3A_6, %min3A_267 : vector<16xi32>
          %max3A_269 = arith.constant 6.000000e+01 : f32
          %max3A_270 = vector.broadcast %max3A_269 : f32 to vector<16xf32>
          %max3A_271 = arith.maximumf %get3A_187, %max3A_270 : vector<16xf32>
          %bitcast3A_272 = vector.bitcast %max3A_271 : vector<16xf32> to vector<16xi32>
          %convert_element_type3A_273 = arith.sitofp %bitcast3A_272 : vector<16xi32> to vector<16xf32>
          %sub3A_274 = arith.subf %convert_element_type3A_273, %get3A_1 : vector<16xf32>
          %mul3A_275 = arith.mulf %sub3A_274, %get3A_3 : vector<16xf32>
          %convert_element_type3A_276 = arith.fptosi %mul3A_275 : vector<16xf32> to vector<16xi32>
          %min3A_277 = arith.constant 4095 : i32
          %min3A_278 = vector.broadcast %min3A_277 : i32 to vector<16xi32>
          %min3A_279 = arith.minsi %convert_element_type3A_276, %min3A_278 : vector<16xi32>
          %add3A_280 = arith.addi %mul3A_6, %min3A_279 : vector<16xi32>
          %max3A_281 = arith.constant 6.000000e+01 : f32
          %max3A_282 = vector.broadcast %max3A_281 : f32 to vector<16xf32>
          %max3A_283 = arith.maximumf %get3A_190, %max3A_282 : vector<16xf32>
          %bitcast3A_284 = vector.bitcast %max3A_283 : vector<16xf32> to vector<16xi32>
          %convert_element_type3A_285 = arith.sitofp %bitcast3A_284 : vector<16xi32> to vector<16xf32>
          %sub3A_286 = arith.subf %convert_element_type3A_285, %get3A_1 : vector<16xf32>
          %mul3A_287 = arith.mulf %sub3A_286, %get3A_3 : vector<16xf32>
          %convert_element_type3A_288 = arith.fptosi %mul3A_287 : vector<16xf32> to vector<16xi32>
          %min3A_289 = arith.constant 4095 : i32
          %min3A_290 = vector.broadcast %min3A_289 : i32 to vector<16xi32>
          %min3A_291 = arith.minsi %convert_element_type3A_288, %min3A_290 : vector<16xi32>
          %add3A_292 = arith.addi %mul3A_6, %min3A_291 : vector<16xi32>
          %max3A_293 = arith.constant 6.000000e+01 : f32
          %max3A_294 = vector.broadcast %max3A_293 : f32 to vector<16xf32>
          %max3A_295 = arith.maximumf %get3A_193, %max3A_294 : vector<16xf32>
          %bitcast3A_296 = vector.bitcast %max3A_295 : vector<16xf32> to vector<16xi32>
          %convert_element_type3A_297 = arith.sitofp %bitcast3A_296 : vector<16xi32> to vector<16xf32>
          %sub3A_298 = arith.subf %convert_element_type3A_297, %get3A_1 : vector<16xf32>
          %mul3A_299 = arith.mulf %sub3A_298, %get3A_3 : vector<16xf32>
          %convert_element_type3A_300 = arith.fptosi %mul3A_299 : vector<16xf32> to vector<16xi32>
          %min3A_301 = arith.constant 4095 : i32
          %min3A_302 = vector.broadcast %min3A_301 : i32 to vector<16xi32>
          %min3A_303 = arith.minsi %convert_element_type3A_300, %min3A_302 : vector<16xi32>
          %add3A_304 = arith.addi %mul3A_6, %min3A_303 : vector<16xi32>
          %max3A_305 = arith.constant 6.000000e+01 : f32
          %max3A_306 = vector.broadcast %max3A_305 : f32 to vector<16xf32>
          %max3A_307 = arith.maximumf %get3A_196, %max3A_306 : vector<16xf32>
          %bitcast3A_308 = vector.bitcast %max3A_307 : vector<16xf32> to vector<16xi32>
          %convert_element_type3A_309 = arith.sitofp %bitcast3A_308 : vector<16xi32> to vector<16xf32>
          %sub3A_310 = arith.subf %convert_element_type3A_309, %get3A_1 : vector<16xf32>
          %mul3A_311 = arith.mulf %sub3A_310, %get3A_3 : vector<16xf32>
          %convert_element_type3A_312 = arith.fptosi %mul3A_311 : vector<16xf32> to vector<16xi32>
          %min3A_313 = arith.constant 4095 : i32
          %min3A_314 = vector.broadcast %min3A_313 : i32 to vector<16xi32>
          %min3A_315 = arith.minsi %convert_element_type3A_312, %min3A_314 : vector<16xi32>
          %add3A_316 = arith.addi %mul3A_6, %min3A_315 : vector<16xi32>
          %max3A_317 = arith.constant 6.000000e+01 : f32
          %max3A_318 = vector.broadcast %max3A_317 : f32 to vector<16xf32>
          %max3A_319 = arith.maximumf %get3A_203, %max3A_318 : vector<16xf32>
          %bitcast3A_320 = vector.bitcast %max3A_319 : vector<16xf32> to vector<16xi32>
          %convert_element_type3A_321 = arith.sitofp %bitcast3A_320 : vector<16xi32> to vector<16xf32>
          %sub3A_322 = arith.subf %convert_element_type3A_321, %get3A_1 : vector<16xf32>
          %mul3A_323 = arith.mulf %sub3A_322, %get3A_3 : vector<16xf32>
          %convert_element_type3A_324 = arith.fptosi %mul3A_323 : vector<16xf32> to vector<16xi32>
          %min3A_325 = arith.constant 4095 : i32
          %min3A_326 = vector.broadcast %min3A_325 : i32 to vector<16xi32>
          %min3A_327 = arith.minsi %convert_element_type3A_324, %min3A_326 : vector<16xi32>
          %add3A_328 = arith.addi %mul3A_6, %min3A_327 : vector<16xi32>
          %max3A_329 = arith.constant 6.000000e+01 : f32
          %max3A_330 = vector.broadcast %max3A_329 : f32 to vector<16xf32>
          %max3A_331 = arith.maximumf %get3A_206, %max3A_330 : vector<16xf32>
          %bitcast3A_332 = vector.bitcast %max3A_331 : vector<16xf32> to vector<16xi32>
          %convert_element_type3A_333 = arith.sitofp %bitcast3A_332 : vector<16xi32> to vector<16xf32>
          %sub3A_334 = arith.subf %convert_element_type3A_333, %get3A_1 : vector<16xf32>
          %mul3A_335 = arith.mulf %sub3A_334, %get3A_3 : vector<16xf32>
          %convert_element_type3A_336 = arith.fptosi %mul3A_335 : vector<16xf32> to vector<16xi32>
          %min3A_337 = arith.constant 4095 : i32
          %min3A_338 = vector.broadcast %min3A_337 : i32 to vector<16xi32>
          %min3A_339 = arith.minsi %convert_element_type3A_336, %min3A_338 : vector<16xi32>
          %add3A_340 = arith.addi %mul3A_6, %min3A_339 : vector<16xi32>
          %max3A_341 = arith.constant 6.000000e+01 : f32
          %max3A_342 = vector.broadcast %max3A_341 : f32 to vector<16xf32>
          %max3A_343 = arith.maximumf %get3A_209, %max3A_342 : vector<16xf32>
          %bitcast3A_344 = vector.bitcast %max3A_343 : vector<16xf32> to vector<16xi32>
          %convert_element_type3A_345 = arith.sitofp %bitcast3A_344 : vector<16xi32> to vector<16xf32>
          %sub3A_346 = arith.subf %convert_element_type3A_345, %get3A_1 : vector<16xf32>
          %mul3A_347 = arith.mulf %sub3A_346, %get3A_3 : vector<16xf32>
          %convert_element_type3A_348 = arith.fptosi %mul3A_347 : vector<16xf32> to vector<16xi32>
          %min3A_349 = arith.constant 4095 : i32
          %min3A_350 = vector.broadcast %min3A_349 : i32 to vector<16xi32>
          %min3A_351 = arith.minsi %convert_element_type3A_348, %min3A_350 : vector<16xi32>
          %add3A_352 = arith.addi %mul3A_6, %min3A_351 : vector<16xi32>
          %max3A_353 = arith.constant 6.000000e+01 : f32
          %max3A_354 = vector.broadcast %max3A_353 : f32 to vector<16xf32>
          %max3A_355 = arith.maximumf %get3A_212, %max3A_354 : vector<16xf32>
          %bitcast3A_356 = vector.bitcast %max3A_355 : vector<16xf32> to vector<16xi32>
          %convert_element_type3A_357 = arith.sitofp %bitcast3A_356 : vector<16xi32> to vector<16xf32>
          %sub3A_358 = arith.subf %convert_element_type3A_357, %get3A_1 : vector<16xf32>
          %mul3A_359 = arith.mulf %sub3A_358, %get3A_3 : vector<16xf32>
          %convert_element_type3A_360 = arith.fptosi %mul3A_359 : vector<16xf32> to vector<16xi32>
          %min3A_361 = arith.constant 4095 : i32
          %min3A_362 = vector.broadcast %min3A_361 : i32 to vector<16xi32>
          %min3A_363 = arith.minsi %convert_element_type3A_360, %min3A_362 : vector<16xi32>
          %add3A_364 = arith.addi %mul3A_6, %min3A_363 : vector<16xi32>
          %max3A_365 = arith.constant 6.000000e+01 : f32
          %max3A_366 = vector.broadcast %max3A_365 : f32 to vector<16xf32>
          %max3A_367 = arith.maximumf %get3A_215, %max3A_366 : vector<16xf32>
          %bitcast3A_368 = vector.bitcast %max3A_367 : vector<16xf32> to vector<16xi32>
          %convert_element_type3A_369 = arith.sitofp %bitcast3A_368 : vector<16xi32> to vector<16xf32>
          %sub3A_370 = arith.subf %convert_element_type3A_369, %get3A_1 : vector<16xf32>
          %mul3A_371 = arith.mulf %sub3A_370, %get3A_3 : vector<16xf32>
          %convert_element_type3A_372 = arith.fptosi %mul3A_371 : vector<16xf32> to vector<16xi32>
          %min3A_373 = arith.constant 4095 : i32
          %min3A_374 = vector.broadcast %min3A_373 : i32 to vector<16xi32>
          %min3A_375 = arith.minsi %convert_element_type3A_372, %min3A_374 : vector<16xi32>
          %add3A_376 = arith.addi %mul3A_6, %min3A_375 : vector<16xi32>
          %max3A_377 = arith.constant 6.000000e+01 : f32
          %max3A_378 = vector.broadcast %max3A_377 : f32 to vector<16xf32>
          %max3A_379 = arith.maximumf %get3A_218, %max3A_378 : vector<16xf32>
          %bitcast3A_380 = vector.bitcast %max3A_379 : vector<16xf32> to vector<16xi32>
          %convert_element_type3A_381 = arith.sitofp %bitcast3A_380 : vector<16xi32> to vector<16xf32>
          %sub3A_382 = arith.subf %convert_element_type3A_381, %get3A_1 : vector<16xf32>
          %mul3A_383 = arith.mulf %sub3A_382, %get3A_3 : vector<16xf32>
          %convert_element_type3A_384 = arith.fptosi %mul3A_383 : vector<16xf32> to vector<16xi32>
          %min3A_385 = arith.constant 4095 : i32
          %min3A_386 = vector.broadcast %min3A_385 : i32 to vector<16xi32>
          %min3A_387 = arith.minsi %convert_element_type3A_384, %min3A_386 : vector<16xi32>
          %add3A_388 = arith.addi %mul3A_6, %min3A_387 : vector<16xi32>
          %max3A_389 = arith.constant 6.000000e+01 : f32
          %max3A_390 = vector.broadcast %max3A_389 : f32 to vector<16xf32>
          %max3A_391 = arith.maximumf %get3A_221, %max3A_390 : vector<16xf32>
          %bitcast3A_392 = vector.bitcast %max3A_391 : vector<16xf32> to vector<16xi32>
          %convert_element_type3A_393 = arith.sitofp %bitcast3A_392 : vector<16xi32> to vector<16xf32>
          %sub3A_394 = arith.subf %convert_element_type3A_393, %get3A_1 : vector<16xf32>
          %mul3A_395 = arith.mulf %sub3A_394, %get3A_3 : vector<16xf32>
          %convert_element_type3A_396 = arith.fptosi %mul3A_395 : vector<16xf32> to vector<16xi32>
          %min3A_397 = arith.constant 4095 : i32
          %min3A_398 = vector.broadcast %min3A_397 : i32 to vector<16xi32>
          %min3A_399 = arith.minsi %convert_element_type3A_396, %min3A_398 : vector<16xi32>
          %add3A_400 = arith.addi %mul3A_6, %min3A_399 : vector<16xi32>
          %max3A_401 = arith.constant 6.000000e+01 : f32
          %max3A_402 = vector.broadcast %max3A_401 : f32 to vector<16xf32>
          %max3A_403 = arith.maximumf %get3A_224, %max3A_402 : vector<16xf32>
          %bitcast3A_404 = vector.bitcast %max3A_403 : vector<16xf32> to vector<16xi32>
          %convert_element_type3A_405 = arith.sitofp %bitcast3A_404 : vector<16xi32> to vector<16xf32>
          %sub3A_406 = arith.subf %convert_element_type3A_405, %get3A_1 : vector<16xf32>
          %mul3A_407 = arith.mulf %sub3A_406, %get3A_3 : vector<16xf32>
          %convert_element_type3A_408 = arith.fptosi %mul3A_407 : vector<16xf32> to vector<16xi32>
          %min3A_409 = arith.constant 4095 : i32
          %min3A_410 = vector.broadcast %min3A_409 : i32 to vector<16xi32>
          %min3A_411 = arith.minsi %convert_element_type3A_408, %min3A_410 : vector<16xi32>
          %add3A_412 = arith.addi %mul3A_6, %min3A_411 : vector<16xi32>
          tpu.vector_store_idx %arg8[%add3A_232], %broadcast_in_dim3A_7 {add = true} : memref<65552xi32, #tpu.memory_space<vmem>>[vector<16xi32>], vector<16xi32>,
          tpu.vector_store_idx %arg8[%add3A_244], %broadcast_in_dim3A_7 {add = true} : memref<65552xi32, #tpu.memory_space<vmem>>[vector<16xi32>], vector<16xi32>,
          tpu.vector_store_idx %arg8[%add3A_256], %broadcast_in_dim3A_7 {add = true} : memref<65552xi32, #tpu.memory_space<vmem>>[vector<16xi32>], vector<16xi32>,
          tpu.vector_store_idx %arg8[%add3A_268], %broadcast_in_dim3A_7 {add = true} : memref<65552xi32, #tpu.memory_space<vmem>>[vector<16xi32>], vector<16xi32>,
          tpu.vector_store_idx %arg8[%add3A_280], %broadcast_in_dim3A_7 {add = true} : memref<65552xi32, #tpu.memory_space<vmem>>[vector<16xi32>], vector<16xi32>,
          tpu.vector_store_idx %arg8[%add3A_292], %broadcast_in_dim3A_7 {add = true} : memref<65552xi32, #tpu.memory_space<vmem>>[vector<16xi32>], vector<16xi32>,
          tpu.vector_store_idx %arg8[%add3A_304], %broadcast_in_dim3A_7 {add = true} : memref<65552xi32, #tpu.memory_space<vmem>>[vector<16xi32>], vector<16xi32>,
          tpu.vector_store_idx %arg8[%add3A_316], %broadcast_in_dim3A_7 masked %ge3A_11 {add = true} : memref<65552xi32, #tpu.memory_space<vmem>>[vector<16xi32>], vector<16xi32>, vector<16xi1>
          tpu.vector_store_idx %arg8[%add3A_328], %broadcast_in_dim3A_7 {add = true} : memref<65552xi32, #tpu.memory_space<vmem>>[vector<16xi32>], vector<16xi32>,
          tpu.vector_store_idx %arg8[%add3A_340], %broadcast_in_dim3A_7 {add = true} : memref<65552xi32, #tpu.memory_space<vmem>>[vector<16xi32>], vector<16xi32>,
          tpu.vector_store_idx %arg8[%add3A_352], %broadcast_in_dim3A_7 {add = true} : memref<65552xi32, #tpu.memory_space<vmem>>[vector<16xi32>], vector<16xi32>,
          tpu.vector_store_idx %arg8[%add3A_364], %broadcast_in_dim3A_7 {add = true} : memref<65552xi32, #tpu.memory_space<vmem>>[vector<16xi32>], vector<16xi32>,
          tpu.vector_store_idx %arg8[%add3A_376], %broadcast_in_dim3A_7 {add = true} : memref<65552xi32, #tpu.memory_space<vmem>>[vector<16xi32>], vector<16xi32>,
          tpu.vector_store_idx %arg8[%add3A_388], %broadcast_in_dim3A_7 {add = true} : memref<65552xi32, #tpu.memory_space<vmem>>[vector<16xi32>], vector<16xi32>,
          tpu.vector_store_idx %arg8[%add3A_400], %broadcast_in_dim3A_7 {add = true} : memref<65552xi32, #tpu.memory_space<vmem>>[vector<16xi32>], vector<16xi32>,
          tpu.vector_store_idx %arg8[%add3A_412], %broadcast_in_dim3A_7 masked %ge3A_11 {add = true} : memref<65552xi32, #tpu.memory_space<vmem>>[vector<16xi32>], vector<16xi32>, vector<16xi1>
          %scan3A_413 = arith.constant 0 : i32
          scf.yield %scan3A_413 : i32
        }
        %scan3A_139 = arith.constant 40 : i32
        %add3A_140 = arith.constant 2 : i32
        %add3A_141 = arith.addi %mul3A_124, %add3A_140 : i32
        %lt3A = arith.constant 15 : i32
        %lt3A_142 = arith.cmpi slt, %add3A_141, %lt3A : i32
        %convert_element_type3A = arith.extui %lt3A_142 : i1 to i32
        %cond3A = arith.constant 0 : i32
        %cond3A_143 = arith.cmpi ne, %convert_element_type3A, %cond3A : i32
        scf.if %cond3A_143 {
          %add3A_167 = arith.constant 2 : i32
          %add3A_168 = arith.addi %mul3A_124, %add3A_167 : i32
          %mul3A_169 = arith.constant 1200 : i32
          %mul3A_170 = arith.muli %add3A_23, %mul3A_169 : i32
          %mul3A_171 = arith.constant 80 : i32
          %mul3A_172 = arith.muli %add3A_168, %mul3A_171 : i32
          %add3A_173 = arith.addi %mul3A_170, %mul3A_172 : i32
          %dma_start3A_174 = tpu.memref_reshape %arg2 : memref<64x1200x120xf32, #tpu.memory_space<hbm>> -> memref<76800x120xf32, #tpu.memory_space<hbm>>
          %dma_start3A_175 = arith.constant 0 : i32
          %dma_start3A_176 = tpu.memref_slice %dma_start3A_174[%add3A_173, %dma_start3A_175] : memref<76800x120xf32, #tpu.memory_space<hbm>> -> memref<80x120xf32, #tpu.memory_space<hbm>>
          %dma_start3A_177 = tpu.memref_reshape %arg2 : memref<64x1200x120xf32, #tpu.memory_space<hbm>> -> memref<76800x120xf32, #tpu.memory_space<hbm>>
          %dma_start3A_178 = arith.constant 0 : i32
          %dma_start3A_179 = tpu.memref_slice %dma_start3A_177[%add3A_173, %dma_start3A_178] : memref<76800x120xf32, #tpu.memory_space<hbm>> -> memref<80x120xf32, #tpu.memory_space<hbm>>
          tpu.enqueue_dma source(%dma_start3A_179 : memref<80x120xf32, #tpu.memory_space<hbm>>) target(%arg6 : memref<80x120xf32, #tpu.memory_space<vmem>>) target_semaphore(%arg13 : memref<!tpu.dma_semaphore, #tpu.memory_space<semaphore_mem>>)
        } else {
        }
        %dma_wait3A_144 = tpu.memref_reshape %arg2 : memref<64x1200x120xf32, #tpu.memory_space<hbm>> -> memref<76800x120xf32, #tpu.memory_space<hbm>>
        %dma_wait3A_145 = arith.constant 0 : i32
        %dma_wait3A_146 = arith.constant 0 : i32
        %dma_wait3A_147 = tpu.memref_slice %dma_wait3A_144[%dma_wait3A_145, %dma_wait3A_146] : memref<76800x120xf32, #tpu.memory_space<hbm>> -> memref<80x120xf32, #tpu.memory_space<hbm>>
        %dma_wait3A_148 = tpu.memref_reshape %arg2 : memref<64x1200x120xf32, #tpu.memory_space<hbm>> -> memref<76800x120xf32, #tpu.memory_space<hbm>>
        %dma_wait3A_149 = arith.constant 0 : i32
        %dma_wait3A_150 = arith.constant 0 : i32
        %dma_wait3A_151 = tpu.memref_slice %dma_wait3A_148[%dma_wait3A_149, %dma_wait3A_150] : memref<76800x120xf32, #tpu.memory_space<hbm>> -> memref<80x120xf32, #tpu.memory_space<hbm>>
        tpu.wait_dma2 semaphore(%arg14 : memref<!tpu.dma_semaphore, #tpu.memory_space<semaphore_mem>>) src(%dma_wait3A_151 : memref<80x120xf32, #tpu.memory_space<hbm>>) dst(%arg7 : memref<80x120xf32, #tpu.memory_space<vmem>>)
        %scan3A_152 = arith.constant 0 : i32
        %scan3A_153 = arith.constant 0 : i32
        %scan3A_154 = arith.constant 40 : i32
        %scan3A_155 = arith.addi %scan3A_153, %scan3A_154 : i32
        %scan3A_156 = arith.constant 1 : i32
        %scan3A_157 = scf.for %scan3A_167 = %scan3A_153 to %scan3A_155 step %scan3A_156 iter_args(%scan3A_168 = %scan3A_152) -> (i32)  : i32 {
          %mul3A_169 = arith.constant 2 : i32
          %mul3A_170 = arith.muli %mul3A_169, %scan3A_167 : i32
          %add3A_171 = arith.constant 0 : i32
          %add3A_172 = arith.addi %mul3A_170, %add3A_171 : i32
          %get3A_173 = arith.index_cast %add3A_172 : i32 to index
          %get3A_174 = arith.constant 0 : index
          %get3A_175 = tpu.vector_load %arg7[%get3A_173, %get3A_174] {strides = array<i32>} : memref<80x120xf32, #tpu.memory_space<vmem>>, vector<16xf32>,
          %get3A_176 = arith.index_cast %add3A_172 : i32 to index
          %get3A_177 = arith.constant 16 : index
          %get3A_178 = tpu.vector_load %arg7[%get3A_176, %get3A_177] {strides = array<i32>} : memref<80x120xf32, #tpu.memory_space<vmem>>, vector<16xf32>,
          %get3A_179 = arith.index_cast %add3A_172 : i32 to index
          %get3A_180 = arith.constant 32 : index
          %get3A_181 = tpu.vector_load %arg7[%get3A_179, %get3A_180] {strides = array<i32>} : memref<80x120xf32, #tpu.memory_space<vmem>>, vector<16xf32>,
          %get3A_182 = arith.index_cast %add3A_172 : i32 to index
          %get3A_183 = arith.constant 48 : index
          %get3A_184 = tpu.vector_load %arg7[%get3A_182, %get3A_183] {strides = array<i32>} : memref<80x120xf32, #tpu.memory_space<vmem>>, vector<16xf32>,
          %get3A_185 = arith.index_cast %add3A_172 : i32 to index
          %get3A_186 = arith.constant 64 : index
          %get3A_187 = tpu.vector_load %arg7[%get3A_185, %get3A_186] {strides = array<i32>} : memref<80x120xf32, #tpu.memory_space<vmem>>, vector<16xf32>,
          %get3A_188 = arith.index_cast %add3A_172 : i32 to index
          %get3A_189 = arith.constant 80 : index
          %get3A_190 = tpu.vector_load %arg7[%get3A_188, %get3A_189] {strides = array<i32>} : memref<80x120xf32, #tpu.memory_space<vmem>>, vector<16xf32>,
          %get3A_191 = arith.index_cast %add3A_172 : i32 to index
          %get3A_192 = arith.constant 96 : index
          %get3A_193 = tpu.vector_load %arg7[%get3A_191, %get3A_192] {strides = array<i32>} : memref<80x120xf32, #tpu.memory_space<vmem>>, vector<16xf32>,
          %get3A_194 = arith.index_cast %add3A_172 : i32 to index
          %get3A_195 = arith.constant 104 : index
          %get3A_196 = tpu.vector_load %arg7[%get3A_194, %get3A_195] {strides = array<i32>} : memref<80x120xf32, #tpu.memory_space<vmem>>, vector<16xf32>,
          %mul3A_197 = arith.constant 2 : i32
          %mul3A_198 = arith.muli %mul3A_197, %scan3A_167 : i32
          %add3A_199 = arith.constant 1 : i32
          %add3A_200 = arith.addi %mul3A_198, %add3A_199 : i32
          %get3A_201 = arith.index_cast %add3A_200 : i32 to index
          %get3A_202 = arith.constant 0 : index
          %get3A_203 = tpu.vector_load %arg7[%get3A_201, %get3A_202] {strides = array<i32>} : memref<80x120xf32, #tpu.memory_space<vmem>>, vector<16xf32>,
          %get3A_204 = arith.index_cast %add3A_200 : i32 to index
          %get3A_205 = arith.constant 16 : index
          %get3A_206 = tpu.vector_load %arg7[%get3A_204, %get3A_205] {strides = array<i32>} : memref<80x120xf32, #tpu.memory_space<vmem>>, vector<16xf32>,
          %get3A_207 = arith.index_cast %add3A_200 : i32 to index
          %get3A_208 = arith.constant 32 : index
          %get3A_209 = tpu.vector_load %arg7[%get3A_207, %get3A_208] {strides = array<i32>} : memref<80x120xf32, #tpu.memory_space<vmem>>, vector<16xf32>,
          %get3A_210 = arith.index_cast %add3A_200 : i32 to index
          %get3A_211 = arith.constant 48 : index
          %get3A_212 = tpu.vector_load %arg7[%get3A_210, %get3A_211] {strides = array<i32>} : memref<80x120xf32, #tpu.memory_space<vmem>>, vector<16xf32>,
          %get3A_213 = arith.index_cast %add3A_200 : i32 to index
          %get3A_214 = arith.constant 64 : index
          %get3A_215 = tpu.vector_load %arg7[%get3A_213, %get3A_214] {strides = array<i32>} : memref<80x120xf32, #tpu.memory_space<vmem>>, vector<16xf32>,
          %get3A_216 = arith.index_cast %add3A_200 : i32 to index
          %get3A_217 = arith.constant 80 : index
          %get3A_218 = tpu.vector_load %arg7[%get3A_216, %get3A_217] {strides = array<i32>} : memref<80x120xf32, #tpu.memory_space<vmem>>, vector<16xf32>,
          %get3A_219 = arith.index_cast %add3A_200 : i32 to index
          %get3A_220 = arith.constant 96 : index
          %get3A_221 = tpu.vector_load %arg7[%get3A_219, %get3A_220] {strides = array<i32>} : memref<80x120xf32, #tpu.memory_space<vmem>>, vector<16xf32>,
          %get3A_222 = arith.index_cast %add3A_200 : i32 to index
          %get3A_223 = arith.constant 104 : index
          %get3A_224 = tpu.vector_load %arg7[%get3A_222, %get3A_223] {strides = array<i32>} : memref<80x120xf32, #tpu.memory_space<vmem>>, vector<16xf32>,
          %max3A = arith.constant 6.000000e+01 : f32
          %max3A_225 = vector.broadcast %max3A : f32 to vector<16xf32>
          %max3A_226 = arith.maximumf %get3A_175, %max3A_225 : vector<16xf32>
          %bitcast3A = vector.bitcast %max3A_226 : vector<16xf32> to vector<16xi32>
          %convert_element_type3A_227 = arith.sitofp %bitcast3A : vector<16xi32> to vector<16xf32>
          %sub3A = arith.subf %convert_element_type3A_227, %get3A_1 : vector<16xf32>
          %mul3A_228 = arith.mulf %sub3A, %get3A_3 : vector<16xf32>
          %convert_element_type3A_229 = arith.fptosi %mul3A_228 : vector<16xf32> to vector<16xi32>
          %min3A = arith.constant 4095 : i32
          %min3A_230 = vector.broadcast %min3A : i32 to vector<16xi32>
          %min3A_231 = arith.minsi %convert_element_type3A_229, %min3A_230 : vector<16xi32>
          %add3A_232 = arith.addi %mul3A_6, %min3A_231 : vector<16xi32>
          %max3A_233 = arith.constant 6.000000e+01 : f32
          %max3A_234 = vector.broadcast %max3A_233 : f32 to vector<16xf32>
          %max3A_235 = arith.maximumf %get3A_178, %max3A_234 : vector<16xf32>
          %bitcast3A_236 = vector.bitcast %max3A_235 : vector<16xf32> to vector<16xi32>
          %convert_element_type3A_237 = arith.sitofp %bitcast3A_236 : vector<16xi32> to vector<16xf32>
          %sub3A_238 = arith.subf %convert_element_type3A_237, %get3A_1 : vector<16xf32>
          %mul3A_239 = arith.mulf %sub3A_238, %get3A_3 : vector<16xf32>
          %convert_element_type3A_240 = arith.fptosi %mul3A_239 : vector<16xf32> to vector<16xi32>
          %min3A_241 = arith.constant 4095 : i32
          %min3A_242 = vector.broadcast %min3A_241 : i32 to vector<16xi32>
          %min3A_243 = arith.minsi %convert_element_type3A_240, %min3A_242 : vector<16xi32>
          %add3A_244 = arith.addi %mul3A_6, %min3A_243 : vector<16xi32>
          %max3A_245 = arith.constant 6.000000e+01 : f32
          %max3A_246 = vector.broadcast %max3A_245 : f32 to vector<16xf32>
          %max3A_247 = arith.maximumf %get3A_181, %max3A_246 : vector<16xf32>
          %bitcast3A_248 = vector.bitcast %max3A_247 : vector<16xf32> to vector<16xi32>
          %convert_element_type3A_249 = arith.sitofp %bitcast3A_248 : vector<16xi32> to vector<16xf32>
          %sub3A_250 = arith.subf %convert_element_type3A_249, %get3A_1 : vector<16xf32>
          %mul3A_251 = arith.mulf %sub3A_250, %get3A_3 : vector<16xf32>
          %convert_element_type3A_252 = arith.fptosi %mul3A_251 : vector<16xf32> to vector<16xi32>
          %min3A_253 = arith.constant 4095 : i32
          %min3A_254 = vector.broadcast %min3A_253 : i32 to vector<16xi32>
          %min3A_255 = arith.minsi %convert_element_type3A_252, %min3A_254 : vector<16xi32>
          %add3A_256 = arith.addi %mul3A_6, %min3A_255 : vector<16xi32>
          %max3A_257 = arith.constant 6.000000e+01 : f32
          %max3A_258 = vector.broadcast %max3A_257 : f32 to vector<16xf32>
          %max3A_259 = arith.maximumf %get3A_184, %max3A_258 : vector<16xf32>
          %bitcast3A_260 = vector.bitcast %max3A_259 : vector<16xf32> to vector<16xi32>
          %convert_element_type3A_261 = arith.sitofp %bitcast3A_260 : vector<16xi32> to vector<16xf32>
          %sub3A_262 = arith.subf %convert_element_type3A_261, %get3A_1 : vector<16xf32>
          %mul3A_263 = arith.mulf %sub3A_262, %get3A_3 : vector<16xf32>
          %convert_element_type3A_264 = arith.fptosi %mul3A_263 : vector<16xf32> to vector<16xi32>
          %min3A_265 = arith.constant 4095 : i32
          %min3A_266 = vector.broadcast %min3A_265 : i32 to vector<16xi32>
          %min3A_267 = arith.minsi %convert_element_type3A_264, %min3A_266 : vector<16xi32>
          %add3A_268 = arith.addi %mul3A_6, %min3A_267 : vector<16xi32>
          %max3A_269 = arith.constant 6.000000e+01 : f32
          %max3A_270 = vector.broadcast %max3A_269 : f32 to vector<16xf32>
          %max3A_271 = arith.maximumf %get3A_187, %max3A_270 : vector<16xf32>
          %bitcast3A_272 = vector.bitcast %max3A_271 : vector<16xf32> to vector<16xi32>
          %convert_element_type3A_273 = arith.sitofp %bitcast3A_272 : vector<16xi32> to vector<16xf32>
          %sub3A_274 = arith.subf %convert_element_type3A_273, %get3A_1 : vector<16xf32>
          %mul3A_275 = arith.mulf %sub3A_274, %get3A_3 : vector<16xf32>
          %convert_element_type3A_276 = arith.fptosi %mul3A_275 : vector<16xf32> to vector<16xi32>
          %min3A_277 = arith.constant 4095 : i32
          %min3A_278 = vector.broadcast %min3A_277 : i32 to vector<16xi32>
          %min3A_279 = arith.minsi %convert_element_type3A_276, %min3A_278 : vector<16xi32>
          %add3A_280 = arith.addi %mul3A_6, %min3A_279 : vector<16xi32>
          %max3A_281 = arith.constant 6.000000e+01 : f32
          %max3A_282 = vector.broadcast %max3A_281 : f32 to vector<16xf32>
          %max3A_283 = arith.maximumf %get3A_190, %max3A_282 : vector<16xf32>
          %bitcast3A_284 = vector.bitcast %max3A_283 : vector<16xf32> to vector<16xi32>
          %convert_element_type3A_285 = arith.sitofp %bitcast3A_284 : vector<16xi32> to vector<16xf32>
          %sub3A_286 = arith.subf %convert_element_type3A_285, %get3A_1 : vector<16xf32>
          %mul3A_287 = arith.mulf %sub3A_286, %get3A_3 : vector<16xf32>
          %convert_element_type3A_288 = arith.fptosi %mul3A_287 : vector<16xf32> to vector<16xi32>
          %min3A_289 = arith.constant 4095 : i32
          %min3A_290 = vector.broadcast %min3A_289 : i32 to vector<16xi32>
          %min3A_291 = arith.minsi %convert_element_type3A_288, %min3A_290 : vector<16xi32>
          %add3A_292 = arith.addi %mul3A_6, %min3A_291 : vector<16xi32>
          %max3A_293 = arith.constant 6.000000e+01 : f32
          %max3A_294 = vector.broadcast %max3A_293 : f32 to vector<16xf32>
          %max3A_295 = arith.maximumf %get3A_193, %max3A_294 : vector<16xf32>
          %bitcast3A_296 = vector.bitcast %max3A_295 : vector<16xf32> to vector<16xi32>
          %convert_element_type3A_297 = arith.sitofp %bitcast3A_296 : vector<16xi32> to vector<16xf32>
          %sub3A_298 = arith.subf %convert_element_type3A_297, %get3A_1 : vector<16xf32>
          %mul3A_299 = arith.mulf %sub3A_298, %get3A_3 : vector<16xf32>
          %convert_element_type3A_300 = arith.fptosi %mul3A_299 : vector<16xf32> to vector<16xi32>
          %min3A_301 = arith.constant 4095 : i32
          %min3A_302 = vector.broadcast %min3A_301 : i32 to vector<16xi32>
          %min3A_303 = arith.minsi %convert_element_type3A_300, %min3A_302 : vector<16xi32>
          %add3A_304 = arith.addi %mul3A_6, %min3A_303 : vector<16xi32>
          %max3A_305 = arith.constant 6.000000e+01 : f32
          %max3A_306 = vector.broadcast %max3A_305 : f32 to vector<16xf32>
          %max3A_307 = arith.maximumf %get3A_196, %max3A_306 : vector<16xf32>
          %bitcast3A_308 = vector.bitcast %max3A_307 : vector<16xf32> to vector<16xi32>
          %convert_element_type3A_309 = arith.sitofp %bitcast3A_308 : vector<16xi32> to vector<16xf32>
          %sub3A_310 = arith.subf %convert_element_type3A_309, %get3A_1 : vector<16xf32>
          %mul3A_311 = arith.mulf %sub3A_310, %get3A_3 : vector<16xf32>
          %convert_element_type3A_312 = arith.fptosi %mul3A_311 : vector<16xf32> to vector<16xi32>
          %min3A_313 = arith.constant 4095 : i32
          %min3A_314 = vector.broadcast %min3A_313 : i32 to vector<16xi32>
          %min3A_315 = arith.minsi %convert_element_type3A_312, %min3A_314 : vector<16xi32>
          %add3A_316 = arith.addi %mul3A_6, %min3A_315 : vector<16xi32>
          %max3A_317 = arith.constant 6.000000e+01 : f32
          %max3A_318 = vector.broadcast %max3A_317 : f32 to vector<16xf32>
          %max3A_319 = arith.maximumf %get3A_203, %max3A_318 : vector<16xf32>
          %bitcast3A_320 = vector.bitcast %max3A_319 : vector<16xf32> to vector<16xi32>
          %convert_element_type3A_321 = arith.sitofp %bitcast3A_320 : vector<16xi32> to vector<16xf32>
          %sub3A_322 = arith.subf %convert_element_type3A_321, %get3A_1 : vector<16xf32>
          %mul3A_323 = arith.mulf %sub3A_322, %get3A_3 : vector<16xf32>
          %convert_element_type3A_324 = arith.fptosi %mul3A_323 : vector<16xf32> to vector<16xi32>
          %min3A_325 = arith.constant 4095 : i32
          %min3A_326 = vector.broadcast %min3A_325 : i32 to vector<16xi32>
          %min3A_327 = arith.minsi %convert_element_type3A_324, %min3A_326 : vector<16xi32>
          %add3A_328 = arith.addi %mul3A_6, %min3A_327 : vector<16xi32>
          %max3A_329 = arith.constant 6.000000e+01 : f32
          %max3A_330 = vector.broadcast %max3A_329 : f32 to vector<16xf32>
          %max3A_331 = arith.maximumf %get3A_206, %max3A_330 : vector<16xf32>
          %bitcast3A_332 = vector.bitcast %max3A_331 : vector<16xf32> to vector<16xi32>
          %convert_element_type3A_333 = arith.sitofp %bitcast3A_332 : vector<16xi32> to vector<16xf32>
          %sub3A_334 = arith.subf %convert_element_type3A_333, %get3A_1 : vector<16xf32>
          %mul3A_335 = arith.mulf %sub3A_334, %get3A_3 : vector<16xf32>
          %convert_element_type3A_336 = arith.fptosi %mul3A_335 : vector<16xf32> to vector<16xi32>
          %min3A_337 = arith.constant 4095 : i32
          %min3A_338 = vector.broadcast %min3A_337 : i32 to vector<16xi32>
          %min3A_339 = arith.minsi %convert_element_type3A_336, %min3A_338 : vector<16xi32>
          %add3A_340 = arith.addi %mul3A_6, %min3A_339 : vector<16xi32>
          %max3A_341 = arith.constant 6.000000e+01 : f32
          %max3A_342 = vector.broadcast %max3A_341 : f32 to vector<16xf32>
          %max3A_343 = arith.maximumf %get3A_209, %max3A_342 : vector<16xf32>
          %bitcast3A_344 = vector.bitcast %max3A_343 : vector<16xf32> to vector<16xi32>
          %convert_element_type3A_345 = arith.sitofp %bitcast3A_344 : vector<16xi32> to vector<16xf32>
          %sub3A_346 = arith.subf %convert_element_type3A_345, %get3A_1 : vector<16xf32>
          %mul3A_347 = arith.mulf %sub3A_346, %get3A_3 : vector<16xf32>
          %convert_element_type3A_348 = arith.fptosi %mul3A_347 : vector<16xf32> to vector<16xi32>
          %min3A_349 = arith.constant 4095 : i32
          %min3A_350 = vector.broadcast %min3A_349 : i32 to vector<16xi32>
          %min3A_351 = arith.minsi %convert_element_type3A_348, %min3A_350 : vector<16xi32>
          %add3A_352 = arith.addi %mul3A_6, %min3A_351 : vector<16xi32>
          %max3A_353 = arith.constant 6.000000e+01 : f32
          %max3A_354 = vector.broadcast %max3A_353 : f32 to vector<16xf32>
          %max3A_355 = arith.maximumf %get3A_212, %max3A_354 : vector<16xf32>
          %bitcast3A_356 = vector.bitcast %max3A_355 : vector<16xf32> to vector<16xi32>
          %convert_element_type3A_357 = arith.sitofp %bitcast3A_356 : vector<16xi32> to vector<16xf32>
          %sub3A_358 = arith.subf %convert_element_type3A_357, %get3A_1 : vector<16xf32>
          %mul3A_359 = arith.mulf %sub3A_358, %get3A_3 : vector<16xf32>
          %convert_element_type3A_360 = arith.fptosi %mul3A_359 : vector<16xf32> to vector<16xi32>
          %min3A_361 = arith.constant 4095 : i32
          %min3A_362 = vector.broadcast %min3A_361 : i32 to vector<16xi32>
          %min3A_363 = arith.minsi %convert_element_type3A_360, %min3A_362 : vector<16xi32>
          %add3A_364 = arith.addi %mul3A_6, %min3A_363 : vector<16xi32>
          %max3A_365 = arith.constant 6.000000e+01 : f32
          %max3A_366 = vector.broadcast %max3A_365 : f32 to vector<16xf32>
          %max3A_367 = arith.maximumf %get3A_215, %max3A_366 : vector<16xf32>
          %bitcast3A_368 = vector.bitcast %max3A_367 : vector<16xf32> to vector<16xi32>
          %convert_element_type3A_369 = arith.sitofp %bitcast3A_368 : vector<16xi32> to vector<16xf32>
          %sub3A_370 = arith.subf %convert_element_type3A_369, %get3A_1 : vector<16xf32>
          %mul3A_371 = arith.mulf %sub3A_370, %get3A_3 : vector<16xf32>
          %convert_element_type3A_372 = arith.fptosi %mul3A_371 : vector<16xf32> to vector<16xi32>
          %min3A_373 = arith.constant 4095 : i32
          %min3A_374 = vector.broadcast %min3A_373 : i32 to vector<16xi32>
          %min3A_375 = arith.minsi %convert_element_type3A_372, %min3A_374 : vector<16xi32>
          %add3A_376 = arith.addi %mul3A_6, %min3A_375 : vector<16xi32>
          %max3A_377 = arith.constant 6.000000e+01 : f32
          %max3A_378 = vector.broadcast %max3A_377 : f32 to vector<16xf32>
          %max3A_379 = arith.maximumf %get3A_218, %max3A_378 : vector<16xf32>
          %bitcast3A_380 = vector.bitcast %max3A_379 : vector<16xf32> to vector<16xi32>
          %convert_element_type3A_381 = arith.sitofp %bitcast3A_380 : vector<16xi32> to vector<16xf32>
          %sub3A_382 = arith.subf %convert_element_type3A_381, %get3A_1 : vector<16xf32>
          %mul3A_383 = arith.mulf %sub3A_382, %get3A_3 : vector<16xf32>
          %convert_element_type3A_384 = arith.fptosi %mul3A_383 : vector<16xf32> to vector<16xi32>
          %min3A_385 = arith.constant 4095 : i32
          %min3A_386 = vector.broadcast %min3A_385 : i32 to vector<16xi32>
          %min3A_387 = arith.minsi %convert_element_type3A_384, %min3A_386 : vector<16xi32>
          %add3A_388 = arith.addi %mul3A_6, %min3A_387 : vector<16xi32>
          %max3A_389 = arith.constant 6.000000e+01 : f32
          %max3A_390 = vector.broadcast %max3A_389 : f32 to vector<16xf32>
          %max3A_391 = arith.maximumf %get3A_221, %max3A_390 : vector<16xf32>
          %bitcast3A_392 = vector.bitcast %max3A_391 : vector<16xf32> to vector<16xi32>
          %convert_element_type3A_393 = arith.sitofp %bitcast3A_392 : vector<16xi32> to vector<16xf32>
          %sub3A_394 = arith.subf %convert_element_type3A_393, %get3A_1 : vector<16xf32>
          %mul3A_395 = arith.mulf %sub3A_394, %get3A_3 : vector<16xf32>
          %convert_element_type3A_396 = arith.fptosi %mul3A_395 : vector<16xf32> to vector<16xi32>
          %min3A_397 = arith.constant 4095 : i32
          %min3A_398 = vector.broadcast %min3A_397 : i32 to vector<16xi32>
          %min3A_399 = arith.minsi %convert_element_type3A_396, %min3A_398 : vector<16xi32>
          %add3A_400 = arith.addi %mul3A_6, %min3A_399 : vector<16xi32>
          %max3A_401 = arith.constant 6.000000e+01 : f32
          %max3A_402 = vector.broadcast %max3A_401 : f32 to vector<16xf32>
          %max3A_403 = arith.maximumf %get3A_224, %max3A_402 : vector<16xf32>
          %bitcast3A_404 = vector.bitcast %max3A_403 : vector<16xf32> to vector<16xi32>
          %convert_element_type3A_405 = arith.sitofp %bitcast3A_404 : vector<16xi32> to vector<16xf32>
          %sub3A_406 = arith.subf %convert_element_type3A_405, %get3A_1 : vector<16xf32>
          %mul3A_407 = arith.mulf %sub3A_406, %get3A_3 : vector<16xf32>
          %convert_element_type3A_408 = arith.fptosi %mul3A_407 : vector<16xf32> to vector<16xi32>
          %min3A_409 = arith.constant 4095 : i32
          %min3A_410 = vector.broadcast %min3A_409 : i32 to vector<16xi32>
          %min3A_411 = arith.minsi %convert_element_type3A_408, %min3A_410 : vector<16xi32>
          %add3A_412 = arith.addi %mul3A_6, %min3A_411 : vector<16xi32>
          tpu.vector_store_idx %arg8[%add3A_232], %broadcast_in_dim3A_7 {add = true} : memref<65552xi32, #tpu.memory_space<vmem>>[vector<16xi32>], vector<16xi32>,
          tpu.vector_store_idx %arg8[%add3A_244], %broadcast_in_dim3A_7 {add = true} : memref<65552xi32, #tpu.memory_space<vmem>>[vector<16xi32>], vector<16xi32>,
          tpu.vector_store_idx %arg8[%add3A_256], %broadcast_in_dim3A_7 {add = true} : memref<65552xi32, #tpu.memory_space<vmem>>[vector<16xi32>], vector<16xi32>,
          tpu.vector_store_idx %arg8[%add3A_268], %broadcast_in_dim3A_7 {add = true} : memref<65552xi32, #tpu.memory_space<vmem>>[vector<16xi32>], vector<16xi32>,
          tpu.vector_store_idx %arg8[%add3A_280], %broadcast_in_dim3A_7 {add = true} : memref<65552xi32, #tpu.memory_space<vmem>>[vector<16xi32>], vector<16xi32>,
          tpu.vector_store_idx %arg8[%add3A_292], %broadcast_in_dim3A_7 {add = true} : memref<65552xi32, #tpu.memory_space<vmem>>[vector<16xi32>], vector<16xi32>,
          tpu.vector_store_idx %arg8[%add3A_304], %broadcast_in_dim3A_7 {add = true} : memref<65552xi32, #tpu.memory_space<vmem>>[vector<16xi32>], vector<16xi32>,
          tpu.vector_store_idx %arg8[%add3A_316], %broadcast_in_dim3A_7 masked %ge3A_11 {add = true} : memref<65552xi32, #tpu.memory_space<vmem>>[vector<16xi32>], vector<16xi32>, vector<16xi1>
          tpu.vector_store_idx %arg8[%add3A_328], %broadcast_in_dim3A_7 {add = true} : memref<65552xi32, #tpu.memory_space<vmem>>[vector<16xi32>], vector<16xi32>,
          tpu.vector_store_idx %arg8[%add3A_340], %broadcast_in_dim3A_7 {add = true} : memref<65552xi32, #tpu.memory_space<vmem>>[vector<16xi32>], vector<16xi32>,
          tpu.vector_store_idx %arg8[%add3A_352], %broadcast_in_dim3A_7 {add = true} : memref<65552xi32, #tpu.memory_space<vmem>>[vector<16xi32>], vector<16xi32>,
          tpu.vector_store_idx %arg8[%add3A_364], %broadcast_in_dim3A_7 {add = true} : memref<65552xi32, #tpu.memory_space<vmem>>[vector<16xi32>], vector<16xi32>,
          tpu.vector_store_idx %arg8[%add3A_376], %broadcast_in_dim3A_7 {add = true} : memref<65552xi32, #tpu.memory_space<vmem>>[vector<16xi32>], vector<16xi32>,
          tpu.vector_store_idx %arg8[%add3A_388], %broadcast_in_dim3A_7 {add = true} : memref<65552xi32, #tpu.memory_space<vmem>>[vector<16xi32>], vector<16xi32>,
          tpu.vector_store_idx %arg8[%add3A_400], %broadcast_in_dim3A_7 {add = true} : memref<65552xi32, #tpu.memory_space<vmem>>[vector<16xi32>], vector<16xi32>,
          tpu.vector_store_idx %arg8[%add3A_412], %broadcast_in_dim3A_7 masked %ge3A_11 {add = true} : memref<65552xi32, #tpu.memory_space<vmem>>[vector<16xi32>], vector<16xi32>, vector<16xi1>
          %scan3A_413 = arith.constant 0 : i32
          scf.yield %scan3A_413 : i32
        }
        %scan3A_158 = arith.constant 40 : i32
        %add3A_159 = arith.constant 3 : i32
        %add3A_160 = arith.addi %mul3A_124, %add3A_159 : i32
        %lt3A_161 = arith.constant 15 : i32
        %lt3A_162 = arith.cmpi slt, %add3A_160, %lt3A_161 : i32
        %convert_element_type3A_163 = arith.extui %lt3A_162 : i1 to i32
        %cond3A_164 = arith.constant 0 : i32
        %cond3A_165 = arith.cmpi ne, %convert_element_type3A_163, %cond3A_164 : i32
        scf.if %cond3A_165 {
          %add3A_167 = arith.constant 3 : i32
          %add3A_168 = arith.addi %mul3A_124, %add3A_167 : i32
          %mul3A_169 = arith.constant 1200 : i32
          %mul3A_170 = arith.muli %add3A_23, %mul3A_169 : i32
          %mul3A_171 = arith.constant 80 : i32
          %mul3A_172 = arith.muli %add3A_168, %mul3A_171 : i32
          %add3A_173 = arith.addi %mul3A_170, %mul3A_172 : i32
          %dma_start3A_174 = tpu.memref_reshape %arg2 : memref<64x1200x120xf32, #tpu.memory_space<hbm>> -> memref<76800x120xf32, #tpu.memory_space<hbm>>
          %dma_start3A_175 = arith.constant 0 : i32
          %dma_start3A_176 = tpu.memref_slice %dma_start3A_174[%add3A_173, %dma_start3A_175] : memref<76800x120xf32, #tpu.memory_space<hbm>> -> memref<80x120xf32, #tpu.memory_space<hbm>>
          %dma_start3A_177 = tpu.memref_reshape %arg2 : memref<64x1200x120xf32, #tpu.memory_space<hbm>> -> memref<76800x120xf32, #tpu.memory_space<hbm>>
          %dma_start3A_178 = arith.constant 0 : i32
          %dma_start3A_179 = tpu.memref_slice %dma_start3A_177[%add3A_173, %dma_start3A_178] : memref<76800x120xf32, #tpu.memory_space<hbm>> -> memref<80x120xf32, #tpu.memory_space<hbm>>
          tpu.enqueue_dma source(%dma_start3A_179 : memref<80x120xf32, #tpu.memory_space<hbm>>) target(%arg7 : memref<80x120xf32, #tpu.memory_space<vmem>>) target_semaphore(%arg14 : memref<!tpu.dma_semaphore, #tpu.memory_space<semaphore_mem>>)
        } else {
        }
        %scan3A_166 = arith.constant 0 : i32
        scf.yield %scan3A_166 : i32
      }
      %scan3A_56 = arith.constant 7 : i32
      %dma_wait3A = tpu.memref_reshape %arg2 : memref<64x1200x120xf32, #tpu.memory_space<hbm>> -> memref<76800x120xf32, #tpu.memory_space<hbm>>
      %dma_wait3A_57 = arith.constant 0 : i32
      %dma_wait3A_58 = arith.constant 0 : i32
      %dma_wait3A_59 = tpu.memref_slice %dma_wait3A[%dma_wait3A_57, %dma_wait3A_58] : memref<76800x120xf32, #tpu.memory_space<hbm>> -> memref<80x120xf32, #tpu.memory_space<hbm>>
      %dma_wait3A_60 = tpu.memref_reshape %arg2 : memref<64x1200x120xf32, #tpu.memory_space<hbm>> -> memref<76800x120xf32, #tpu.memory_space<hbm>>
      %dma_wait3A_61 = arith.constant 0 : i32
      %dma_wait3A_62 = arith.constant 0 : i32
      %dma_wait3A_63 = tpu.memref_slice %dma_wait3A_60[%dma_wait3A_61, %dma_wait3A_62] : memref<76800x120xf32, #tpu.memory_space<hbm>> -> memref<80x120xf32, #tpu.memory_space<hbm>>
      tpu.wait_dma2 semaphore(%arg13 : memref<!tpu.dma_semaphore, #tpu.memory_space<semaphore_mem>>) src(%dma_wait3A_63 : memref<80x120xf32, #tpu.memory_space<hbm>>) dst(%arg6 : memref<80x120xf32, #tpu.memory_space<vmem>>)
      %scan3A_64 = arith.constant 0 : i32
      %scan3A_65 = arith.constant 0 : i32
      %scan3A_66 = arith.constant 40 : i32
      %scan3A_67 = arith.addi %scan3A_65, %scan3A_66 : i32
      %scan3A_68 = arith.constant 1 : i32
      %scan3A_69 = scf.for %scan3A_121 = %scan3A_65 to %scan3A_67 step %scan3A_68 iter_args(%scan3A_122 = %scan3A_64) -> (i32)  : i32 {
        %mul3A_123 = arith.constant 2 : i32
        %mul3A_124 = arith.muli %mul3A_123, %scan3A_121 : i32
        %add3A_125 = arith.constant 0 : i32
        %add3A_126 = arith.addi %mul3A_124, %add3A_125 : i32
        %get3A_127 = arith.index_cast %add3A_126 : i32 to index
        %get3A_128 = arith.constant 0 : index
        %get3A_129 = tpu.vector_load %arg6[%get3A_127, %get3A_128] {strides = array<i32>} : memref<80x120xf32, #tpu.memory_space<vmem>>, vector<16xf32>,
        %get3A_130 = arith.index_cast %add3A_126 : i32 to index
        %get3A_131 = arith.constant 16 : index
        %get3A_132 = tpu.vector_load %arg6[%get3A_130, %get3A_131] {strides = array<i32>} : memref<80x120xf32, #tpu.memory_space<vmem>>, vector<16xf32>,
        %get3A_133 = arith.index_cast %add3A_126 : i32 to index
        %get3A_134 = arith.constant 32 : index
        %get3A_135 = tpu.vector_load %arg6[%get3A_133, %get3A_134] {strides = array<i32>} : memref<80x120xf32, #tpu.memory_space<vmem>>, vector<16xf32>,
        %get3A_136 = arith.index_cast %add3A_126 : i32 to index
        %get3A_137 = arith.constant 48 : index
        %get3A_138 = tpu.vector_load %arg6[%get3A_136, %get3A_137] {strides = array<i32>} : memref<80x120xf32, #tpu.memory_space<vmem>>, vector<16xf32>,
        %get3A_139 = arith.index_cast %add3A_126 : i32 to index
        %get3A_140 = arith.constant 64 : index
        %get3A_141 = tpu.vector_load %arg6[%get3A_139, %get3A_140] {strides = array<i32>} : memref<80x120xf32, #tpu.memory_space<vmem>>, vector<16xf32>,
        %get3A_142 = arith.index_cast %add3A_126 : i32 to index
        %get3A_143 = arith.constant 80 : index
        %get3A_144 = tpu.vector_load %arg6[%get3A_142, %get3A_143] {strides = array<i32>} : memref<80x120xf32, #tpu.memory_space<vmem>>, vector<16xf32>,
        %get3A_145 = arith.index_cast %add3A_126 : i32 to index
        %get3A_146 = arith.constant 96 : index
        %get3A_147 = tpu.vector_load %arg6[%get3A_145, %get3A_146] {strides = array<i32>} : memref<80x120xf32, #tpu.memory_space<vmem>>, vector<16xf32>,
        %get3A_148 = arith.index_cast %add3A_126 : i32 to index
        %get3A_149 = arith.constant 104 : index
        %get3A_150 = tpu.vector_load %arg6[%get3A_148, %get3A_149] {strides = array<i32>} : memref<80x120xf32, #tpu.memory_space<vmem>>, vector<16xf32>,
        %mul3A_151 = arith.constant 2 : i32
        %mul3A_152 = arith.muli %mul3A_151, %scan3A_121 : i32
        %add3A_153 = arith.constant 1 : i32
        %add3A_154 = arith.addi %mul3A_152, %add3A_153 : i32
        %get3A_155 = arith.index_cast %add3A_154 : i32 to index
        %get3A_156 = arith.constant 0 : index
        %get3A_157 = tpu.vector_load %arg6[%get3A_155, %get3A_156] {strides = array<i32>} : memref<80x120xf32, #tpu.memory_space<vmem>>, vector<16xf32>,
        %get3A_158 = arith.index_cast %add3A_154 : i32 to index
        %get3A_159 = arith.constant 16 : index
        %get3A_160 = tpu.vector_load %arg6[%get3A_158, %get3A_159] {strides = array<i32>} : memref<80x120xf32, #tpu.memory_space<vmem>>, vector<16xf32>,
        %get3A_161 = arith.index_cast %add3A_154 : i32 to index
        %get3A_162 = arith.constant 32 : index
        %get3A_163 = tpu.vector_load %arg6[%get3A_161, %get3A_162] {strides = array<i32>} : memref<80x120xf32, #tpu.memory_space<vmem>>, vector<16xf32>,
        %get3A_164 = arith.index_cast %add3A_154 : i32 to index
        %get3A_165 = arith.constant 48 : index
        %get3A_166 = tpu.vector_load %arg6[%get3A_164, %get3A_165] {strides = array<i32>} : memref<80x120xf32, #tpu.memory_space<vmem>>, vector<16xf32>,
        %get3A_167 = arith.index_cast %add3A_154 : i32 to index
        %get3A_168 = arith.constant 64 : index
        %get3A_169 = tpu.vector_load %arg6[%get3A_167, %get3A_168] {strides = array<i32>} : memref<80x120xf32, #tpu.memory_space<vmem>>, vector<16xf32>,
        %get3A_170 = arith.index_cast %add3A_154 : i32 to index
        %get3A_171 = arith.constant 80 : index
        %get3A_172 = tpu.vector_load %arg6[%get3A_170, %get3A_171] {strides = array<i32>} : memref<80x120xf32, #tpu.memory_space<vmem>>, vector<16xf32>,
        %get3A_173 = arith.index_cast %add3A_154 : i32 to index
        %get3A_174 = arith.constant 96 : index
        %get3A_175 = tpu.vector_load %arg6[%get3A_173, %get3A_174] {strides = array<i32>} : memref<80x120xf32, #tpu.memory_space<vmem>>, vector<16xf32>,
        %get3A_176 = arith.index_cast %add3A_154 : i32 to index
        %get3A_177 = arith.constant 104 : index
        %get3A_178 = tpu.vector_load %arg6[%get3A_176, %get3A_177] {strides = array<i32>} : memref<80x120xf32, #tpu.memory_space<vmem>>, vector<16xf32>,
        %max3A = arith.constant 6.000000e+01 : f32
        %max3A_179 = vector.broadcast %max3A : f32 to vector<16xf32>
        %max3A_180 = arith.maximumf %get3A_129, %max3A_179 : vector<16xf32>
        %bitcast3A = vector.bitcast %max3A_180 : vector<16xf32> to vector<16xi32>
        %convert_element_type3A = arith.sitofp %bitcast3A : vector<16xi32> to vector<16xf32>
        %sub3A = arith.subf %convert_element_type3A, %get3A_1 : vector<16xf32>
        %mul3A_181 = arith.mulf %sub3A, %get3A_3 : vector<16xf32>
        %convert_element_type3A_182 = arith.fptosi %mul3A_181 : vector<16xf32> to vector<16xi32>
        %min3A = arith.constant 4095 : i32
        %min3A_183 = vector.broadcast %min3A : i32 to vector<16xi32>
        %min3A_184 = arith.minsi %convert_element_type3A_182, %min3A_183 : vector<16xi32>
        %add3A_185 = arith.addi %mul3A_6, %min3A_184 : vector<16xi32>
        %max3A_186 = arith.constant 6.000000e+01 : f32
        %max3A_187 = vector.broadcast %max3A_186 : f32 to vector<16xf32>
        %max3A_188 = arith.maximumf %get3A_132, %max3A_187 : vector<16xf32>
        %bitcast3A_189 = vector.bitcast %max3A_188 : vector<16xf32> to vector<16xi32>
        %convert_element_type3A_190 = arith.sitofp %bitcast3A_189 : vector<16xi32> to vector<16xf32>
        %sub3A_191 = arith.subf %convert_element_type3A_190, %get3A_1 : vector<16xf32>
        %mul3A_192 = arith.mulf %sub3A_191, %get3A_3 : vector<16xf32>
        %convert_element_type3A_193 = arith.fptosi %mul3A_192 : vector<16xf32> to vector<16xi32>
        %min3A_194 = arith.constant 4095 : i32
        %min3A_195 = vector.broadcast %min3A_194 : i32 to vector<16xi32>
        %min3A_196 = arith.minsi %convert_element_type3A_193, %min3A_195 : vector<16xi32>
        %add3A_197 = arith.addi %mul3A_6, %min3A_196 : vector<16xi32>
        %max3A_198 = arith.constant 6.000000e+01 : f32
        %max3A_199 = vector.broadcast %max3A_198 : f32 to vector<16xf32>
        %max3A_200 = arith.maximumf %get3A_135, %max3A_199 : vector<16xf32>
        %bitcast3A_201 = vector.bitcast %max3A_200 : vector<16xf32> to vector<16xi32>
        %convert_element_type3A_202 = arith.sitofp %bitcast3A_201 : vector<16xi32> to vector<16xf32>
        %sub3A_203 = arith.subf %convert_element_type3A_202, %get3A_1 : vector<16xf32>
        %mul3A_204 = arith.mulf %sub3A_203, %get3A_3 : vector<16xf32>
        %convert_element_type3A_205 = arith.fptosi %mul3A_204 : vector<16xf32> to vector<16xi32>
        %min3A_206 = arith.constant 4095 : i32
        %min3A_207 = vector.broadcast %min3A_206 : i32 to vector<16xi32>
        %min3A_208 = arith.minsi %convert_element_type3A_205, %min3A_207 : vector<16xi32>
        %add3A_209 = arith.addi %mul3A_6, %min3A_208 : vector<16xi32>
        %max3A_210 = arith.constant 6.000000e+01 : f32
        %max3A_211 = vector.broadcast %max3A_210 : f32 to vector<16xf32>
        %max3A_212 = arith.maximumf %get3A_138, %max3A_211 : vector<16xf32>
        %bitcast3A_213 = vector.bitcast %max3A_212 : vector<16xf32> to vector<16xi32>
        %convert_element_type3A_214 = arith.sitofp %bitcast3A_213 : vector<16xi32> to vector<16xf32>
        %sub3A_215 = arith.subf %convert_element_type3A_214, %get3A_1 : vector<16xf32>
        %mul3A_216 = arith.mulf %sub3A_215, %get3A_3 : vector<16xf32>
        %convert_element_type3A_217 = arith.fptosi %mul3A_216 : vector<16xf32> to vector<16xi32>
        %min3A_218 = arith.constant 4095 : i32
        %min3A_219 = vector.broadcast %min3A_218 : i32 to vector<16xi32>
        %min3A_220 = arith.minsi %convert_element_type3A_217, %min3A_219 : vector<16xi32>
        %add3A_221 = arith.addi %mul3A_6, %min3A_220 : vector<16xi32>
        %max3A_222 = arith.constant 6.000000e+01 : f32
        %max3A_223 = vector.broadcast %max3A_222 : f32 to vector<16xf32>
        %max3A_224 = arith.maximumf %get3A_141, %max3A_223 : vector<16xf32>
        %bitcast3A_225 = vector.bitcast %max3A_224 : vector<16xf32> to vector<16xi32>
        %convert_element_type3A_226 = arith.sitofp %bitcast3A_225 : vector<16xi32> to vector<16xf32>
        %sub3A_227 = arith.subf %convert_element_type3A_226, %get3A_1 : vector<16xf32>
        %mul3A_228 = arith.mulf %sub3A_227, %get3A_3 : vector<16xf32>
        %convert_element_type3A_229 = arith.fptosi %mul3A_228 : vector<16xf32> to vector<16xi32>
        %min3A_230 = arith.constant 4095 : i32
        %min3A_231 = vector.broadcast %min3A_230 : i32 to vector<16xi32>
        %min3A_232 = arith.minsi %convert_element_type3A_229, %min3A_231 : vector<16xi32>
        %add3A_233 = arith.addi %mul3A_6, %min3A_232 : vector<16xi32>
        %max3A_234 = arith.constant 6.000000e+01 : f32
        %max3A_235 = vector.broadcast %max3A_234 : f32 to vector<16xf32>
        %max3A_236 = arith.maximumf %get3A_144, %max3A_235 : vector<16xf32>
        %bitcast3A_237 = vector.bitcast %max3A_236 : vector<16xf32> to vector<16xi32>
        %convert_element_type3A_238 = arith.sitofp %bitcast3A_237 : vector<16xi32> to vector<16xf32>
        %sub3A_239 = arith.subf %convert_element_type3A_238, %get3A_1 : vector<16xf32>
        %mul3A_240 = arith.mulf %sub3A_239, %get3A_3 : vector<16xf32>
        %convert_element_type3A_241 = arith.fptosi %mul3A_240 : vector<16xf32> to vector<16xi32>
        %min3A_242 = arith.constant 4095 : i32
        %min3A_243 = vector.broadcast %min3A_242 : i32 to vector<16xi32>
        %min3A_244 = arith.minsi %convert_element_type3A_241, %min3A_243 : vector<16xi32>
        %add3A_245 = arith.addi %mul3A_6, %min3A_244 : vector<16xi32>
        %max3A_246 = arith.constant 6.000000e+01 : f32
        %max3A_247 = vector.broadcast %max3A_246 : f32 to vector<16xf32>
        %max3A_248 = arith.maximumf %get3A_147, %max3A_247 : vector<16xf32>
        %bitcast3A_249 = vector.bitcast %max3A_248 : vector<16xf32> to vector<16xi32>
        %convert_element_type3A_250 = arith.sitofp %bitcast3A_249 : vector<16xi32> to vector<16xf32>
        %sub3A_251 = arith.subf %convert_element_type3A_250, %get3A_1 : vector<16xf32>
        %mul3A_252 = arith.mulf %sub3A_251, %get3A_3 : vector<16xf32>
        %convert_element_type3A_253 = arith.fptosi %mul3A_252 : vector<16xf32> to vector<16xi32>
        %min3A_254 = arith.constant 4095 : i32
        %min3A_255 = vector.broadcast %min3A_254 : i32 to vector<16xi32>
        %min3A_256 = arith.minsi %convert_element_type3A_253, %min3A_255 : vector<16xi32>
        %add3A_257 = arith.addi %mul3A_6, %min3A_256 : vector<16xi32>
        %max3A_258 = arith.constant 6.000000e+01 : f32
        %max3A_259 = vector.broadcast %max3A_258 : f32 to vector<16xf32>
        %max3A_260 = arith.maximumf %get3A_150, %max3A_259 : vector<16xf32>
        %bitcast3A_261 = vector.bitcast %max3A_260 : vector<16xf32> to vector<16xi32>
        %convert_element_type3A_262 = arith.sitofp %bitcast3A_261 : vector<16xi32> to vector<16xf32>
        %sub3A_263 = arith.subf %convert_element_type3A_262, %get3A_1 : vector<16xf32>
        %mul3A_264 = arith.mulf %sub3A_263, %get3A_3 : vector<16xf32>
        %convert_element_type3A_265 = arith.fptosi %mul3A_264 : vector<16xf32> to vector<16xi32>
        %min3A_266 = arith.constant 4095 : i32
        %min3A_267 = vector.broadcast %min3A_266 : i32 to vector<16xi32>
        %min3A_268 = arith.minsi %convert_element_type3A_265, %min3A_267 : vector<16xi32>
        %add3A_269 = arith.addi %mul3A_6, %min3A_268 : vector<16xi32>
        %max3A_270 = arith.constant 6.000000e+01 : f32
        %max3A_271 = vector.broadcast %max3A_270 : f32 to vector<16xf32>
        %max3A_272 = arith.maximumf %get3A_157, %max3A_271 : vector<16xf32>
        %bitcast3A_273 = vector.bitcast %max3A_272 : vector<16xf32> to vector<16xi32>
        %convert_element_type3A_274 = arith.sitofp %bitcast3A_273 : vector<16xi32> to vector<16xf32>
        %sub3A_275 = arith.subf %convert_element_type3A_274, %get3A_1 : vector<16xf32>
        %mul3A_276 = arith.mulf %sub3A_275, %get3A_3 : vector<16xf32>
        %convert_element_type3A_277 = arith.fptosi %mul3A_276 : vector<16xf32> to vector<16xi32>
        %min3A_278 = arith.constant 4095 : i32
        %min3A_279 = vector.broadcast %min3A_278 : i32 to vector<16xi32>
        %min3A_280 = arith.minsi %convert_element_type3A_277, %min3A_279 : vector<16xi32>
        %add3A_281 = arith.addi %mul3A_6, %min3A_280 : vector<16xi32>
        %max3A_282 = arith.constant 6.000000e+01 : f32
        %max3A_283 = vector.broadcast %max3A_282 : f32 to vector<16xf32>
        %max3A_284 = arith.maximumf %get3A_160, %max3A_283 : vector<16xf32>
        %bitcast3A_285 = vector.bitcast %max3A_284 : vector<16xf32> to vector<16xi32>
        %convert_element_type3A_286 = arith.sitofp %bitcast3A_285 : vector<16xi32> to vector<16xf32>
        %sub3A_287 = arith.subf %convert_element_type3A_286, %get3A_1 : vector<16xf32>
        %mul3A_288 = arith.mulf %sub3A_287, %get3A_3 : vector<16xf32>
        %convert_element_type3A_289 = arith.fptosi %mul3A_288 : vector<16xf32> to vector<16xi32>
        %min3A_290 = arith.constant 4095 : i32
        %min3A_291 = vector.broadcast %min3A_290 : i32 to vector<16xi32>
        %min3A_292 = arith.minsi %convert_element_type3A_289, %min3A_291 : vector<16xi32>
        %add3A_293 = arith.addi %mul3A_6, %min3A_292 : vector<16xi32>
        %max3A_294 = arith.constant 6.000000e+01 : f32
        %max3A_295 = vector.broadcast %max3A_294 : f32 to vector<16xf32>
        %max3A_296 = arith.maximumf %get3A_163, %max3A_295 : vector<16xf32>
        %bitcast3A_297 = vector.bitcast %max3A_296 : vector<16xf32> to vector<16xi32>
        %convert_element_type3A_298 = arith.sitofp %bitcast3A_297 : vector<16xi32> to vector<16xf32>
        %sub3A_299 = arith.subf %convert_element_type3A_298, %get3A_1 : vector<16xf32>
        %mul3A_300 = arith.mulf %sub3A_299, %get3A_3 : vector<16xf32>
        %convert_element_type3A_301 = arith.fptosi %mul3A_300 : vector<16xf32> to vector<16xi32>
        %min3A_302 = arith.constant 4095 : i32
        %min3A_303 = vector.broadcast %min3A_302 : i32 to vector<16xi32>
        %min3A_304 = arith.minsi %convert_element_type3A_301, %min3A_303 : vector<16xi32>
        %add3A_305 = arith.addi %mul3A_6, %min3A_304 : vector<16xi32>
        %max3A_306 = arith.constant 6.000000e+01 : f32
        %max3A_307 = vector.broadcast %max3A_306 : f32 to vector<16xf32>
        %max3A_308 = arith.maximumf %get3A_166, %max3A_307 : vector<16xf32>
        %bitcast3A_309 = vector.bitcast %max3A_308 : vector<16xf32> to vector<16xi32>
        %convert_element_type3A_310 = arith.sitofp %bitcast3A_309 : vector<16xi32> to vector<16xf32>
        %sub3A_311 = arith.subf %convert_element_type3A_310, %get3A_1 : vector<16xf32>
        %mul3A_312 = arith.mulf %sub3A_311, %get3A_3 : vector<16xf32>
        %convert_element_type3A_313 = arith.fptosi %mul3A_312 : vector<16xf32> to vector<16xi32>
        %min3A_314 = arith.constant 4095 : i32
        %min3A_315 = vector.broadcast %min3A_314 : i32 to vector<16xi32>
        %min3A_316 = arith.minsi %convert_element_type3A_313, %min3A_315 : vector<16xi32>
        %add3A_317 = arith.addi %mul3A_6, %min3A_316 : vector<16xi32>
        %max3A_318 = arith.constant 6.000000e+01 : f32
        %max3A_319 = vector.broadcast %max3A_318 : f32 to vector<16xf32>
        %max3A_320 = arith.maximumf %get3A_169, %max3A_319 : vector<16xf32>
        %bitcast3A_321 = vector.bitcast %max3A_320 : vector<16xf32> to vector<16xi32>
        %convert_element_type3A_322 = arith.sitofp %bitcast3A_321 : vector<16xi32> to vector<16xf32>
        %sub3A_323 = arith.subf %convert_element_type3A_322, %get3A_1 : vector<16xf32>
        %mul3A_324 = arith.mulf %sub3A_323, %get3A_3 : vector<16xf32>
        %convert_element_type3A_325 = arith.fptosi %mul3A_324 : vector<16xf32> to vector<16xi32>
        %min3A_326 = arith.constant 4095 : i32
        %min3A_327 = vector.broadcast %min3A_326 : i32 to vector<16xi32>
        %min3A_328 = arith.minsi %convert_element_type3A_325, %min3A_327 : vector<16xi32>
        %add3A_329 = arith.addi %mul3A_6, %min3A_328 : vector<16xi32>
        %max3A_330 = arith.constant 6.000000e+01 : f32
        %max3A_331 = vector.broadcast %max3A_330 : f32 to vector<16xf32>
        %max3A_332 = arith.maximumf %get3A_172, %max3A_331 : vector<16xf32>
        %bitcast3A_333 = vector.bitcast %max3A_332 : vector<16xf32> to vector<16xi32>
        %convert_element_type3A_334 = arith.sitofp %bitcast3A_333 : vector<16xi32> to vector<16xf32>
        %sub3A_335 = arith.subf %convert_element_type3A_334, %get3A_1 : vector<16xf32>
        %mul3A_336 = arith.mulf %sub3A_335, %get3A_3 : vector<16xf32>
        %convert_element_type3A_337 = arith.fptosi %mul3A_336 : vector<16xf32> to vector<16xi32>
        %min3A_338 = arith.constant 4095 : i32
        %min3A_339 = vector.broadcast %min3A_338 : i32 to vector<16xi32>
        %min3A_340 = arith.minsi %convert_element_type3A_337, %min3A_339 : vector<16xi32>
        %add3A_341 = arith.addi %mul3A_6, %min3A_340 : vector<16xi32>
        %max3A_342 = arith.constant 6.000000e+01 : f32
        %max3A_343 = vector.broadcast %max3A_342 : f32 to vector<16xf32>
        %max3A_344 = arith.maximumf %get3A_175, %max3A_343 : vector<16xf32>
        %bitcast3A_345 = vector.bitcast %max3A_344 : vector<16xf32> to vector<16xi32>
        %convert_element_type3A_346 = arith.sitofp %bitcast3A_345 : vector<16xi32> to vector<16xf32>
        %sub3A_347 = arith.subf %convert_element_type3A_346, %get3A_1 : vector<16xf32>
        %mul3A_348 = arith.mulf %sub3A_347, %get3A_3 : vector<16xf32>
        %convert_element_type3A_349 = arith.fptosi %mul3A_348 : vector<16xf32> to vector<16xi32>
        %min3A_350 = arith.constant 4095 : i32
        %min3A_351 = vector.broadcast %min3A_350 : i32 to vector<16xi32>
        %min3A_352 = arith.minsi %convert_element_type3A_349, %min3A_351 : vector<16xi32>
        %add3A_353 = arith.addi %mul3A_6, %min3A_352 : vector<16xi32>
        %max3A_354 = arith.constant 6.000000e+01 : f32
        %max3A_355 = vector.broadcast %max3A_354 : f32 to vector<16xf32>
        %max3A_356 = arith.maximumf %get3A_178, %max3A_355 : vector<16xf32>
        %bitcast3A_357 = vector.bitcast %max3A_356 : vector<16xf32> to vector<16xi32>
        %convert_element_type3A_358 = arith.sitofp %bitcast3A_357 : vector<16xi32> to vector<16xf32>
        %sub3A_359 = arith.subf %convert_element_type3A_358, %get3A_1 : vector<16xf32>
        %mul3A_360 = arith.mulf %sub3A_359, %get3A_3 : vector<16xf32>
        %convert_element_type3A_361 = arith.fptosi %mul3A_360 : vector<16xf32> to vector<16xi32>
        %min3A_362 = arith.constant 4095 : i32
        %min3A_363 = vector.broadcast %min3A_362 : i32 to vector<16xi32>
        %min3A_364 = arith.minsi %convert_element_type3A_361, %min3A_363 : vector<16xi32>
        %add3A_365 = arith.addi %mul3A_6, %min3A_364 : vector<16xi32>
        tpu.vector_store_idx %arg8[%add3A_185], %broadcast_in_dim3A_7 {add = true} : memref<65552xi32, #tpu.memory_space<vmem>>[vector<16xi32>], vector<16xi32>,
        tpu.vector_store_idx %arg8[%add3A_197], %broadcast_in_dim3A_7 {add = true} : memref<65552xi32, #tpu.memory_space<vmem>>[vector<16xi32>], vector<16xi32>,
        tpu.vector_store_idx %arg8[%add3A_209], %broadcast_in_dim3A_7 {add = true} : memref<65552xi32, #tpu.memory_space<vmem>>[vector<16xi32>], vector<16xi32>,
        tpu.vector_store_idx %arg8[%add3A_221], %broadcast_in_dim3A_7 {add = true} : memref<65552xi32, #tpu.memory_space<vmem>>[vector<16xi32>], vector<16xi32>,
        tpu.vector_store_idx %arg8[%add3A_233], %broadcast_in_dim3A_7 {add = true} : memref<65552xi32, #tpu.memory_space<vmem>>[vector<16xi32>], vector<16xi32>,
        tpu.vector_store_idx %arg8[%add3A_245], %broadcast_in_dim3A_7 {add = true} : memref<65552xi32, #tpu.memory_space<vmem>>[vector<16xi32>], vector<16xi32>,
        tpu.vector_store_idx %arg8[%add3A_257], %broadcast_in_dim3A_7 {add = true} : memref<65552xi32, #tpu.memory_space<vmem>>[vector<16xi32>], vector<16xi32>,
        tpu.vector_store_idx %arg8[%add3A_269], %broadcast_in_dim3A_7 masked %ge3A_11 {add = true} : memref<65552xi32, #tpu.memory_space<vmem>>[vector<16xi32>], vector<16xi32>, vector<16xi1>
        tpu.vector_store_idx %arg8[%add3A_281], %broadcast_in_dim3A_7 {add = true} : memref<65552xi32, #tpu.memory_space<vmem>>[vector<16xi32>], vector<16xi32>,
        tpu.vector_store_idx %arg8[%add3A_293], %broadcast_in_dim3A_7 {add = true} : memref<65552xi32, #tpu.memory_space<vmem>>[vector<16xi32>], vector<16xi32>,
        tpu.vector_store_idx %arg8[%add3A_305], %broadcast_in_dim3A_7 {add = true} : memref<65552xi32, #tpu.memory_space<vmem>>[vector<16xi32>], vector<16xi32>,
        tpu.vector_store_idx %arg8[%add3A_317], %broadcast_in_dim3A_7 {add = true} : memref<65552xi32, #tpu.memory_space<vmem>>[vector<16xi32>], vector<16xi32>,
        tpu.vector_store_idx %arg8[%add3A_329], %broadcast_in_dim3A_7 {add = true} : memref<65552xi32, #tpu.memory_space<vmem>>[vector<16xi32>], vector<16xi32>,
        tpu.vector_store_idx %arg8[%add3A_341], %broadcast_in_dim3A_7 {add = true} : memref<65552xi32, #tpu.memory_space<vmem>>[vector<16xi32>], vector<16xi32>,
        tpu.vector_store_idx %arg8[%add3A_353], %broadcast_in_dim3A_7 {add = true} : memref<65552xi32, #tpu.memory_space<vmem>>[vector<16xi32>], vector<16xi32>,
        tpu.vector_store_idx %arg8[%add3A_365], %broadcast_in_dim3A_7 masked %ge3A_11 {add = true} : memref<65552xi32, #tpu.memory_space<vmem>>[vector<16xi32>], vector<16xi32>, vector<16xi1>
        %scan3A_366 = arith.constant 0 : i32
        scf.yield %scan3A_366 : i32
      }
      %scan3A_70 = arith.constant 40 : i32
      %scan3A_71 = arith.constant 0 : i32
      %scan3A_72 = arith.constant 0 : i32
      %scan3A_73 = arith.constant 256 : i32
      %scan3A_74 = arith.addi %scan3A_72, %scan3A_73 : i32
      %scan3A_75 = arith.constant 1 : i32
      %scan3A_76 = scf.for %scan3A_121 = %scan3A_72 to %scan3A_74 step %scan3A_75 iter_args(%scan3A_122 = %scan3A_71) -> (i32)  : i32 {
        %mul3A_123 = arith.constant 16 : i32
        %mul3A_124 = arith.muli %scan3A_121, %mul3A_123 : i32
        %add3A_125 = arith.constant 0 : i32
        %add3A_126 = arith.addi %add3A_125, %mul3A_124 : i32
        %get3A_127 = arith.index_cast %add3A_126 : i32 to index
        %get3A_128 = tpu.vector_load %arg8[%get3A_127] {strides = array<i32>} : memref<65552xi32, #tpu.memory_space<vmem>>, vector<16xi32>,
        %add3A_129 = arith.constant 4097 : i32
        %add3A_130 = arith.addi %add3A_129, %mul3A_124 : i32
        %get3A_131 = arith.index_cast %add3A_130 : i32 to index
        %get3A_132 = tpu.vector_load %arg8[%get3A_131] {strides = array<i32>} : memref<65552xi32, #tpu.memory_space<vmem>>, vector<16xi32>,
        %add3A_133 = arith.constant 8194 : i32
        %add3A_134 = arith.addi %add3A_133, %mul3A_124 : i32
        %get3A_135 = arith.index_cast %add3A_134 : i32 to index
        %get3A_136 = tpu.vector_load %arg8[%get3A_135] {strides = array<i32>} : memref<65552xi32, #tpu.memory_space<vmem>>, vector<16xi32>,
        %add3A_137 = arith.constant 12291 : i32
        %add3A_138 = arith.addi %add3A_137, %mul3A_124 : i32
        %get3A_139 = arith.index_cast %add3A_138 : i32 to index
        %get3A_140 = tpu.vector_load %arg8[%get3A_139] {strides = array<i32>} : memref<65552xi32, #tpu.memory_space<vmem>>, vector<16xi32>,
        %add3A_141 = arith.constant 16388 : i32
        %add3A_142 = arith.addi %add3A_141, %mul3A_124 : i32
        %get3A_143 = arith.index_cast %add3A_142 : i32 to index
        %get3A_144 = tpu.vector_load %arg8[%get3A_143] {strides = array<i32>} : memref<65552xi32, #tpu.memory_space<vmem>>, vector<16xi32>,
        %add3A_145 = arith.constant 20485 : i32
        %add3A_146 = arith.addi %add3A_145, %mul3A_124 : i32
        %get3A_147 = arith.index_cast %add3A_146 : i32 to index
        %get3A_148 = tpu.vector_load %arg8[%get3A_147] {strides = array<i32>} : memref<65552xi32, #tpu.memory_space<vmem>>, vector<16xi32>,
        %add3A_149 = arith.constant 24582 : i32
        %add3A_150 = arith.addi %add3A_149, %mul3A_124 : i32
        %get3A_151 = arith.index_cast %add3A_150 : i32 to index
        %get3A_152 = tpu.vector_load %arg8[%get3A_151] {strides = array<i32>} : memref<65552xi32, #tpu.memory_space<vmem>>, vector<16xi32>,
        %add3A_153 = arith.constant 28679 : i32
        %add3A_154 = arith.addi %add3A_153, %mul3A_124 : i32
        %get3A_155 = arith.index_cast %add3A_154 : i32 to index
        %get3A_156 = tpu.vector_load %arg8[%get3A_155] {strides = array<i32>} : memref<65552xi32, #tpu.memory_space<vmem>>, vector<16xi32>,
        %add3A_157 = arith.constant 32776 : i32
        %add3A_158 = arith.addi %add3A_157, %mul3A_124 : i32
        %get3A_159 = arith.index_cast %add3A_158 : i32 to index
        %get3A_160 = tpu.vector_load %arg8[%get3A_159] {strides = array<i32>} : memref<65552xi32, #tpu.memory_space<vmem>>, vector<16xi32>,
        %add3A_161 = arith.constant 36873 : i32
        %add3A_162 = arith.addi %add3A_161, %mul3A_124 : i32
        %get3A_163 = arith.index_cast %add3A_162 : i32 to index
        %get3A_164 = tpu.vector_load %arg8[%get3A_163] {strides = array<i32>} : memref<65552xi32, #tpu.memory_space<vmem>>, vector<16xi32>,
        %add3A_165 = arith.constant 40970 : i32
        %add3A_166 = arith.addi %add3A_165, %mul3A_124 : i32
        %get3A_167 = arith.index_cast %add3A_166 : i32 to index
        %get3A_168 = tpu.vector_load %arg8[%get3A_167] {strides = array<i32>} : memref<65552xi32, #tpu.memory_space<vmem>>, vector<16xi32>,
        %add3A_169 = arith.constant 45067 : i32
        %add3A_170 = arith.addi %add3A_169, %mul3A_124 : i32
        %get3A_171 = arith.index_cast %add3A_170 : i32 to index
        %get3A_172 = tpu.vector_load %arg8[%get3A_171] {strides = array<i32>} : memref<65552xi32, #tpu.memory_space<vmem>>, vector<16xi32>,
        %add3A_173 = arith.constant 49164 : i32
        %add3A_174 = arith.addi %add3A_173, %mul3A_124 : i32
        %get3A_175 = arith.index_cast %add3A_174 : i32 to index
        %get3A_176 = tpu.vector_load %arg8[%get3A_175] {strides = array<i32>} : memref<65552xi32, #tpu.memory_space<vmem>>, vector<16xi32>,
        %add3A_177 = arith.constant 53261 : i32
        %add3A_178 = arith.addi %add3A_177, %mul3A_124 : i32
        %get3A_179 = arith.index_cast %add3A_178 : i32 to index
        %get3A_180 = tpu.vector_load %arg8[%get3A_179] {strides = array<i32>} : memref<65552xi32, #tpu.memory_space<vmem>>, vector<16xi32>,
        %add3A_181 = arith.constant 57358 : i32
        %add3A_182 = arith.addi %add3A_181, %mul3A_124 : i32
        %get3A_183 = arith.index_cast %add3A_182 : i32 to index
        %get3A_184 = tpu.vector_load %arg8[%get3A_183] {strides = array<i32>} : memref<65552xi32, #tpu.memory_space<vmem>>, vector<16xi32>,
        %add3A_185 = arith.constant 61455 : i32
        %add3A_186 = arith.addi %add3A_185, %mul3A_124 : i32
        %get3A_187 = arith.index_cast %add3A_186 : i32 to index
        %get3A_188 = tpu.vector_load %arg8[%get3A_187] {strides = array<i32>} : memref<65552xi32, #tpu.memory_space<vmem>>, vector<16xi32>,
        %add3A_189 = arith.addi %get3A_128, %get3A_132 : vector<16xi32>
        %add3A_190 = arith.addi %get3A_136, %get3A_140 : vector<16xi32>
        %add3A_191 = arith.addi %get3A_144, %get3A_148 : vector<16xi32>
        %add3A_192 = arith.addi %get3A_152, %get3A_156 : vector<16xi32>
        %add3A_193 = arith.addi %get3A_160, %get3A_164 : vector<16xi32>
        %add3A_194 = arith.addi %get3A_168, %get3A_172 : vector<16xi32>
        %add3A_195 = arith.addi %get3A_176, %get3A_180 : vector<16xi32>
        %add3A_196 = arith.addi %get3A_184, %get3A_188 : vector<16xi32>
        %add3A_197 = arith.addi %add3A_189, %add3A_190 : vector<16xi32>
        %add3A_198 = arith.addi %add3A_191, %add3A_192 : vector<16xi32>
        %add3A_199 = arith.addi %add3A_193, %add3A_194 : vector<16xi32>
        %add3A_200 = arith.addi %add3A_195, %add3A_196 : vector<16xi32>
        %add3A_201 = arith.addi %add3A_197, %add3A_198 : vector<16xi32>
        %add3A_202 = arith.addi %add3A_199, %add3A_200 : vector<16xi32>
        %add3A_203 = arith.addi %add3A_201, %add3A_202 : vector<16xi32>
        %broadcast_in_dim3A_204 = arith.constant true
        %broadcast_in_dim3A_205 = vector.broadcast %broadcast_in_dim3A_204 : i1 to vector<16xi1>
        %masked_cumsum3A = tpu.scan <sum>, %add3A_203 masked %broadcast_in_dim3A_205 : vector<16xi32>, vector<16xi1> -> vector<16xi32>
        %sub3A = arith.subi %masked_cumsum3A, %add3A_203 : vector<16xi32>
        %add3A_206 = vector.broadcast %scan3A_122 : i32 to vector<16xi32>
        %add3A_207 = arith.addi %sub3A, %add3A_206 : vector<16xi32>
        %swap3A = arith.index_cast %mul3A_124 : i32 to index
        %swap3A_208 = tpu.vector_load %arg9[%swap3A] {strides = array<i32>} : memref<4096xi32, #tpu.memory_space<vmem>>, vector<16xi32>,
        tpu.vector_store %arg9[%swap3A], %add3A_207 {strides = array<i32>} : memref<4096xi32, #tpu.memory_space<vmem>>, vector<16xi32>,
        %reduce_max3A = arith.constant true
        %reduce_max3A_209 = vector.broadcast %reduce_max3A : i1 to vector<16xi1>
        %reduce_max3A_210 = arith.constant -2147483648 : i32
        %reduce_max3A_211 = vector.broadcast %reduce_max3A_210 : i32 to vector<16xi32>
        %reduce_max3A_212 = arith.xori %masked_cumsum3A, %reduce_max3A_211 : vector<16xi32>
        %reduce_max3A_213 = tpu.scan <max>, %reduce_max3A_212 masked %reduce_max3A_209 : vector<16xi32>, vector<16xi1> -> vector<16xi32>
        %reduce_max3A_214 = arith.xori %reduce_max3A_213, %reduce_max3A_211 : vector<16xi32>
        %reduce_max3A_215 = vector.extract %reduce_max3A_214[15] : i32 from vector<16xi32>
        %add3A_216 = arith.addi %scan3A_122, %reduce_max3A_215 : i32
        scf.yield %add3A_216 : i32
      }
      %scan3A_77 = arith.constant 256 : i32
      %mul3A_78 = arith.constant 1200 : i32
      %mul3A_79 = arith.muli %add3A_23, %mul3A_78 : i32
      %add3A_80 = arith.constant 0 : i32
      %add3A_81 = arith.addi %mul3A_79, %add3A_80 : i32
      %dma_start3A_82 = tpu.memref_reshape %arg2 : memref<64x1200x120xf32, #tpu.memory_space<hbm>> -> memref<76800x120xf32, #tpu.memory_space<hbm>>
      %dma_start3A_83 = arith.constant 0 : i32
      %dma_start3A_84 = tpu.memref_slice %dma_start3A_82[%add3A_81, %dma_start3A_83] : memref<76800x120xf32, #tpu.memory_space<hbm>> -> memref<80x120xf32, #tpu.memory_space<hbm>>
      %dma_start3A_85 = tpu.memref_reshape %arg2 : memref<64x1200x120xf32, #tpu.memory_space<hbm>> -> memref<76800x120xf32, #tpu.memory_space<hbm>>
      %dma_start3A_86 = arith.constant 0 : i32
      %dma_start3A_87 = tpu.memref_slice %dma_start3A_85[%add3A_81, %dma_start3A_86] : memref<76800x120xf32, #tpu.memory_space<hbm>> -> memref<80x120xf32, #tpu.memory_space<hbm>>
      tpu.enqueue_dma source(%dma_start3A_87 : memref<80x120xf32, #tpu.memory_space<hbm>>) target(%arg6 : memref<80x120xf32, #tpu.memory_space<vmem>>) target_semaphore(%arg13 : memref<!tpu.dma_semaphore, #tpu.memory_space<semaphore_mem>>)
      %mul3A_88 = arith.constant 1200 : i32
      %mul3A_89 = arith.muli %add3A_23, %mul3A_88 : i32
      %add3A_90 = arith.constant 80 : i32
      %add3A_91 = arith.addi %mul3A_89, %add3A_90 : i32
      %dma_start3A_92 = tpu.memref_reshape %arg2 : memref<64x1200x120xf32, #tpu.memory_space<hbm>> -> memref<76800x120xf32, #tpu.memory_space<hbm>>
      %dma_start3A_93 = arith.constant 0 : i32
      %dma_start3A_94 = tpu.memref_slice %dma_start3A_92[%add3A_91, %dma_start3A_93] : memref<76800x120xf32, #tpu.memory_space<hbm>> -> memref<80x120xf32, #tpu.memory_space<hbm>>
      %dma_start3A_95 = tpu.memref_reshape %arg2 : memref<64x1200x120xf32, #tpu.memory_space<hbm>> -> memref<76800x120xf32, #tpu.memory_space<hbm>>
      %dma_start3A_96 = arith.constant 0 : i32
      %dma_start3A_97 = tpu.memref_slice %dma_start3A_95[%add3A_91, %dma_start3A_96] : memref<76800x120xf32, #tpu.memory_space<hbm>> -> memref<80x120xf32, #tpu.memory_space<hbm>>
      tpu.enqueue_dma source(%dma_start3A_97 : memref<80x120xf32, #tpu.memory_space<hbm>>) target(%arg7 : memref<80x120xf32, #tpu.memory_space<vmem>>) target_semaphore(%arg14 : memref<!tpu.dma_semaphore, #tpu.memory_space<semaphore_mem>>)
      %scan3A_98 = arith.constant 0 : i32
      %scan3A_99 = arith.constant 0 : i32
      %scan3A_100 = arith.constant 7 : i32
      %scan3A_101 = arith.addi %scan3A_99, %scan3A_100 : i32
      %scan3A_102 = arith.constant 1 : i32
      %scan3A_103 = scf.for %scan3A_121 = %scan3A_99 to %scan3A_101 step %scan3A_102 iter_args(%scan3A_122 = %scan3A_98) -> (i32)  : i32 {
        %mul3A_123 = arith.constant 2 : i32
        %mul3A_124 = arith.muli %mul3A_123, %scan3A_121 : i32
        %dma_wait3A_125 = tpu.memref_reshape %arg2 : memref<64x1200x120xf32, #tpu.memory_space<hbm>> -> memref<76800x120xf32, #tpu.memory_space<hbm>>
        %dma_wait3A_126 = arith.constant 0 : i32
        %dma_wait3A_127 = arith.constant 0 : i32
        %dma_wait3A_128 = tpu.memref_slice %dma_wait3A_125[%dma_wait3A_126, %dma_wait3A_127] : memref<76800x120xf32, #tpu.memory_space<hbm>> -> memref<80x120xf32, #tpu.memory_space<hbm>>
        %dma_wait3A_129 = tpu.memref_reshape %arg2 : memref<64x1200x120xf32, #tpu.memory_space<hbm>> -> memref<76800x120xf32, #tpu.memory_space<hbm>>
        %dma_wait3A_130 = arith.constant 0 : i32
        %dma_wait3A_131 = arith.constant 0 : i32
        %dma_wait3A_132 = tpu.memref_slice %dma_wait3A_129[%dma_wait3A_130, %dma_wait3A_131] : memref<76800x120xf32, #tpu.memory_space<hbm>> -> memref<80x120xf32, #tpu.memory_space<hbm>>
        tpu.wait_dma2 semaphore(%arg13 : memref<!tpu.dma_semaphore, #tpu.memory_space<semaphore_mem>>) src(%dma_wait3A_132 : memref<80x120xf32, #tpu.memory_space<hbm>>) dst(%arg6 : memref<80x120xf32, #tpu.memory_space<vmem>>)
        %scan3A_133 = arith.constant 0 : i32
        %scan3A_134 = arith.constant 0 : i32
        %scan3A_135 = arith.constant 15 : i32
        %scan3A_136 = arith.addi %scan3A_134, %scan3A_135 : i32
        %scan3A_137 = arith.constant 1 : i32
        %scan3A_138 = scf.for %scan3A_173 = %scan3A_134 to %scan3A_136 step %scan3A_137 iter_args(%scan3A_174 = %scan3A_133) -> (i32)  : i32 {
          %mul3A_175 = arith.constant 10 : i32
          %mul3A_176 = arith.muli %scan3A_173, %mul3A_175 : i32
          %add3A_177 = arith.constant 0 : i32
          %add3A_178 = arith.addi %mul3A_176, %add3A_177 : i32
          %mul3A_179 = arith.constant 16 : i32
          %mul3A_180 = arith.muli %add3A_178, %mul3A_179 : i32
          %add3A_181 = vector.broadcast %mul3A_180 : i32 to vector<16xi32>
          %add3A_182 = arith.addi %add3A_181, %iota3A : vector<16xi32>
          %mul3A_183 = arith.constant 10 : i32
          %mul3A_184 = arith.muli %scan3A_173, %mul3A_183 : i32
          %add3A_185 = arith.constant 1 : i32
          %add3A_186 = arith.addi %mul3A_184, %add3A_185 : i32
          %mul3A_187 = arith.constant 16 : i32
          %mul3A_188 = arith.muli %add3A_186, %mul3A_187 : i32
          %add3A_189 = vector.broadcast %mul3A_188 : i32 to vector<16xi32>
          %add3A_190 = arith.addi %add3A_189, %iota3A : vector<16xi32>
          %mul3A_191 = arith.constant 10 : i32
          %mul3A_192 = arith.muli %scan3A_173, %mul3A_191 : i32
          %add3A_193 = arith.constant 2 : i32
          %add3A_194 = arith.addi %mul3A_192, %add3A_193 : i32
          %mul3A_195 = arith.constant 16 : i32
          %mul3A_196 = arith.muli %add3A_194, %mul3A_195 : i32
          %add3A_197 = vector.broadcast %mul3A_196 : i32 to vector<16xi32>
          %add3A_198 = arith.addi %add3A_197, %iota3A : vector<16xi32>
          %mul3A_199 = arith.constant 10 : i32
          %mul3A_200 = arith.muli %scan3A_173, %mul3A_199 : i32
          %add3A_201 = arith.constant 3 : i32
          %add3A_202 = arith.addi %mul3A_200, %add3A_201 : i32
          %mul3A_203 = arith.constant 16 : i32
          %mul3A_204 = arith.muli %add3A_202, %mul3A_203 : i32
          %add3A_205 = vector.broadcast %mul3A_204 : i32 to vector<16xi32>
          %add3A_206 = arith.addi %add3A_205, %iota3A : vector<16xi32>
          %mul3A_207 = arith.constant 10 : i32
          %mul3A_208 = arith.muli %scan3A_173, %mul3A_207 : i32
          %add3A_209 = arith.constant 4 : i32
          %add3A_210 = arith.addi %mul3A_208, %add3A_209 : i32
          %mul3A_211 = arith.constant 16 : i32
          %mul3A_212 = arith.muli %add3A_210, %mul3A_211 : i32
          %add3A_213 = vector.broadcast %mul3A_212 : i32 to vector<16xi32>
          %add3A_214 = arith.addi %add3A_213, %iota3A : vector<16xi32>
          %mul3A_215 = arith.constant 10 : i32
          %mul3A_216 = arith.muli %scan3A_173, %mul3A_215 : i32
          %add3A_217 = arith.constant 5 : i32
          %add3A_218 = arith.addi %mul3A_216, %add3A_217 : i32
          %mul3A_219 = arith.constant 16 : i32
          %mul3A_220 = arith.muli %add3A_218, %mul3A_219 : i32
          %add3A_221 = vector.broadcast %mul3A_220 : i32 to vector<16xi32>
          %add3A_222 = arith.addi %add3A_221, %iota3A : vector<16xi32>
          %mul3A_223 = arith.constant 10 : i32
          %mul3A_224 = arith.muli %scan3A_173, %mul3A_223 : i32
          %add3A_225 = arith.constant 6 : i32
          %add3A_226 = arith.addi %mul3A_224, %add3A_225 : i32
          %mul3A_227 = arith.constant 16 : i32
          %mul3A_228 = arith.muli %add3A_226, %mul3A_227 : i32
          %add3A_229 = vector.broadcast %mul3A_228 : i32 to vector<16xi32>
          %add3A_230 = arith.addi %add3A_229, %iota3A : vector<16xi32>
          %mul3A_231 = arith.constant 10 : i32
          %mul3A_232 = arith.muli %scan3A_173, %mul3A_231 : i32
          %add3A_233 = arith.constant 7 : i32
          %add3A_234 = arith.addi %mul3A_232, %add3A_233 : i32
          %mul3A_235 = arith.constant 16 : i32
          %mul3A_236 = arith.muli %add3A_234, %mul3A_235 : i32
          %add3A_237 = vector.broadcast %mul3A_236 : i32 to vector<16xi32>
          %add3A_238 = arith.addi %add3A_237, %iota3A : vector<16xi32>
          %mul3A_239 = arith.constant 10 : i32
          %mul3A_240 = arith.muli %scan3A_173, %mul3A_239 : i32
          %add3A_241 = arith.constant 8 : i32
          %add3A_242 = arith.addi %mul3A_240, %add3A_241 : i32
          %mul3A_243 = arith.constant 16 : i32
          %mul3A_244 = arith.muli %add3A_242, %mul3A_243 : i32
          %add3A_245 = vector.broadcast %mul3A_244 : i32 to vector<16xi32>
          %add3A_246 = arith.addi %add3A_245, %iota3A : vector<16xi32>
          %mul3A_247 = arith.constant 10 : i32
          %mul3A_248 = arith.muli %scan3A_173, %mul3A_247 : i32
          %add3A_249 = arith.constant 9 : i32
          %add3A_250 = arith.addi %mul3A_248, %add3A_249 : i32
          %mul3A_251 = arith.constant 16 : i32
          %mul3A_252 = arith.muli %add3A_250, %mul3A_251 : i32
          %add3A_253 = vector.broadcast %mul3A_252 : i32 to vector<16xi32>
          %add3A_254 = arith.addi %add3A_253, %iota3A : vector<16xi32>
          %jit3A = arith.constant 60 : i32
          %div3A = vector.broadcast %jit3A : i32 to vector<16xi32>
          %div3A_255 = arith.divsi %add3A_182, %div3A : vector<16xi32>
          %sign3A = arith.constant 0 : i32
          %sign3A_256 = vector.broadcast %sign3A : i32 to vector<16xi32>
          %sign3A_257 = arith.cmpi sgt, %add3A_182, %sign3A_256 : vector<16xi32>
          %sign3A_258 = arith.extui %sign3A_257 : vector<16xi1> to vector<16xi32>
          %sign3A_259 = arith.constant 0 : i32
          %sign3A_260 = vector.broadcast %sign3A_259 : i32 to vector<16xi32>
          %sign3A_261 = arith.cmpi slt, %add3A_182, %sign3A_260 : vector<16xi32>
          %sign3A_262 = arith.extui %sign3A_261 : vector<16xi1> to vector<16xi32>
          %sign3A_263 = arith.subi %sign3A_258, %sign3A_262 : vector<16xi32>
          %sign3A_264 = arith.constant 0 : i32
          %sign3A_265 = arith.cmpi sgt, %jit3A, %sign3A_264 : i32
          %sign3A_266 = arith.extui %sign3A_265 : i1 to i32
          %sign3A_267 = arith.constant 0 : i32
          %sign3A_268 = arith.cmpi slt, %jit3A, %sign3A_267 : i32
          %sign3A_269 = arith.extui %sign3A_268 : i1 to i32
          %sign3A_270 = arith.subi %sign3A_266, %sign3A_269 : i32
          %ne3A = vector.broadcast %sign3A_270 : i32 to vector<16xi32>
          %ne3A_271 = arith.cmpi ne, %sign3A_263, %ne3A : vector<16xi32>
          %rem3A = vector.broadcast %jit3A : i32 to vector<16xi32>
          %rem3A_272 = arith.remsi %add3A_182, %rem3A : vector<16xi32>
          %ne3A_273 = arith.constant 0 : i32
          %ne3A_274 = vector.broadcast %ne3A_273 : i32 to vector<16xi32>
          %ne3A_275 = arith.cmpi ne, %rem3A_272, %ne3A_274 : vector<16xi32>
          %and3A = arith.andi %ne3A_271, %ne3A_275 : vector<16xi1>
          %sub3A = arith.constant 1 : i32
          %sub3A_276 = vector.broadcast %sub3A : i32 to vector<16xi32>
          %sub3A_277 = arith.subi %div3A_255, %sub3A_276 : vector<16xi32>
          %select_n3A = arith.select %and3A, %sub3A_277, %div3A_255 : vector<16xi1>, vector<16xi32>
          %jit3A_278 = arith.constant 60 : i32
          %div3A_279 = vector.broadcast %jit3A_278 : i32 to vector<16xi32>
          %div3A_280 = arith.divsi %add3A_190, %div3A_279 : vector<16xi32>
          %sign3A_281 = arith.constant 0 : i32
          %sign3A_282 = vector.broadcast %sign3A_281 : i32 to vector<16xi32>
          %sign3A_283 = arith.cmpi sgt, %add3A_190, %sign3A_282 : vector<16xi32>
          %sign3A_284 = arith.extui %sign3A_283 : vector<16xi1> to vector<16xi32>
          %sign3A_285 = arith.constant 0 : i32
          %sign3A_286 = vector.broadcast %sign3A_285 : i32 to vector<16xi32>
          %sign3A_287 = arith.cmpi slt, %add3A_190, %sign3A_286 : vector<16xi32>
          %sign3A_288 = arith.extui %sign3A_287 : vector<16xi1> to vector<16xi32>
          %sign3A_289 = arith.subi %sign3A_284, %sign3A_288 : vector<16xi32>
          %sign3A_290 = arith.constant 0 : i32
          %sign3A_291 = arith.cmpi sgt, %jit3A_278, %sign3A_290 : i32
          %sign3A_292 = arith.extui %sign3A_291 : i1 to i32
          %sign3A_293 = arith.constant 0 : i32
          %sign3A_294 = arith.cmpi slt, %jit3A_278, %sign3A_293 : i32
          %sign3A_295 = arith.extui %sign3A_294 : i1 to i32
          %sign3A_296 = arith.subi %sign3A_292, %sign3A_295 : i32
          %ne3A_297 = vector.broadcast %sign3A_296 : i32 to vector<16xi32>
          %ne3A_298 = arith.cmpi ne, %sign3A_289, %ne3A_297 : vector<16xi32>
          %rem3A_299 = vector.broadcast %jit3A_278 : i32 to vector<16xi32>
          %rem3A_300 = arith.remsi %add3A_190, %rem3A_299 : vector<16xi32>
          %ne3A_301 = arith.constant 0 : i32
          %ne3A_302 = vector.broadcast %ne3A_301 : i32 to vector<16xi32>
          %ne3A_303 = arith.cmpi ne, %rem3A_300, %ne3A_302 : vector<16xi32>
          %and3A_304 = arith.andi %ne3A_298, %ne3A_303 : vector<16xi1>
          %sub3A_305 = arith.constant 1 : i32
          %sub3A_306 = vector.broadcast %sub3A_305 : i32 to vector<16xi32>
          %sub3A_307 = arith.subi %div3A_280, %sub3A_306 : vector<16xi32>
          %select_n3A_308 = arith.select %and3A_304, %sub3A_307, %div3A_280 : vector<16xi1>, vector<16xi32>
          %jit3A_309 = arith.constant 60 : i32
          %div3A_310 = vector.broadcast %jit3A_309 : i32 to vector<16xi32>
          %div3A_311 = arith.divsi %add3A_198, %div3A_310 : vector<16xi32>
          %sign3A_312 = arith.constant 0 : i32
          %sign3A_313 = vector.broadcast %sign3A_312 : i32 to vector<16xi32>
          %sign3A_314 = arith.cmpi sgt, %add3A_198, %sign3A_313 : vector<16xi32>
          %sign3A_315 = arith.extui %sign3A_314 : vector<16xi1> to vector<16xi32>
          %sign3A_316 = arith.constant 0 : i32
          %sign3A_317 = vector.broadcast %sign3A_316 : i32 to vector<16xi32>
          %sign3A_318 = arith.cmpi slt, %add3A_198, %sign3A_317 : vector<16xi32>
          %sign3A_319 = arith.extui %sign3A_318 : vector<16xi1> to vector<16xi32>
          %sign3A_320 = arith.subi %sign3A_315, %sign3A_319 : vector<16xi32>
          %sign3A_321 = arith.constant 0 : i32
          %sign3A_322 = arith.cmpi sgt, %jit3A_309, %sign3A_321 : i32
          %sign3A_323 = arith.extui %sign3A_322 : i1 to i32
          %sign3A_324 = arith.constant 0 : i32
          %sign3A_325 = arith.cmpi slt, %jit3A_309, %sign3A_324 : i32
          %sign3A_326 = arith.extui %sign3A_325 : i1 to i32
          %sign3A_327 = arith.subi %sign3A_323, %sign3A_326 : i32
          %ne3A_328 = vector.broadcast %sign3A_327 : i32 to vector<16xi32>
          %ne3A_329 = arith.cmpi ne, %sign3A_320, %ne3A_328 : vector<16xi32>
          %rem3A_330 = vector.broadcast %jit3A_309 : i32 to vector<16xi32>
          %rem3A_331 = arith.remsi %add3A_198, %rem3A_330 : vector<16xi32>
          %ne3A_332 = arith.constant 0 : i32
          %ne3A_333 = vector.broadcast %ne3A_332 : i32 to vector<16xi32>
          %ne3A_334 = arith.cmpi ne, %rem3A_331, %ne3A_333 : vector<16xi32>
          %and3A_335 = arith.andi %ne3A_329, %ne3A_334 : vector<16xi1>
          %sub3A_336 = arith.constant 1 : i32
          %sub3A_337 = vector.broadcast %sub3A_336 : i32 to vector<16xi32>
          %sub3A_338 = arith.subi %div3A_311, %sub3A_337 : vector<16xi32>
          %select_n3A_339 = arith.select %and3A_335, %sub3A_338, %div3A_311 : vector<16xi1>, vector<16xi32>
          %jit3A_340 = arith.constant 60 : i32
          %div3A_341 = vector.broadcast %jit3A_340 : i32 to vector<16xi32>
          %div3A_342 = arith.divsi %add3A_206, %div3A_341 : vector<16xi32>
          %sign3A_343 = arith.constant 0 : i32
          %sign3A_344 = vector.broadcast %sign3A_343 : i32 to vector<16xi32>
          %sign3A_345 = arith.cmpi sgt, %add3A_206, %sign3A_344 : vector<16xi32>
          %sign3A_346 = arith.extui %sign3A_345 : vector<16xi1> to vector<16xi32>
          %sign3A_347 = arith.constant 0 : i32
          %sign3A_348 = vector.broadcast %sign3A_347 : i32 to vector<16xi32>
          %sign3A_349 = arith.cmpi slt, %add3A_206, %sign3A_348 : vector<16xi32>
          %sign3A_350 = arith.extui %sign3A_349 : vector<16xi1> to vector<16xi32>
          %sign3A_351 = arith.subi %sign3A_346, %sign3A_350 : vector<16xi32>
          %sign3A_352 = arith.constant 0 : i32
          %sign3A_353 = arith.cmpi sgt, %jit3A_340, %sign3A_352 : i32
          %sign3A_354 = arith.extui %sign3A_353 : i1 to i32
          %sign3A_355 = arith.constant 0 : i32
          %sign3A_356 = arith.cmpi slt, %jit3A_340, %sign3A_355 : i32
          %sign3A_357 = arith.extui %sign3A_356 : i1 to i32
          %sign3A_358 = arith.subi %sign3A_354, %sign3A_357 : i32
          %ne3A_359 = vector.broadcast %sign3A_358 : i32 to vector<16xi32>
          %ne3A_360 = arith.cmpi ne, %sign3A_351, %ne3A_359 : vector<16xi32>
          %rem3A_361 = vector.broadcast %jit3A_340 : i32 to vector<16xi32>
          %rem3A_362 = arith.remsi %add3A_206, %rem3A_361 : vector<16xi32>
          %ne3A_363 = arith.constant 0 : i32
          %ne3A_364 = vector.broadcast %ne3A_363 : i32 to vector<16xi32>
          %ne3A_365 = arith.cmpi ne, %rem3A_362, %ne3A_364 : vector<16xi32>
          %and3A_366 = arith.andi %ne3A_360, %ne3A_365 : vector<16xi1>
          %sub3A_367 = arith.constant 1 : i32
          %sub3A_368 = vector.broadcast %sub3A_367 : i32 to vector<16xi32>
          %sub3A_369 = arith.subi %div3A_342, %sub3A_368 : vector<16xi32>
          %select_n3A_370 = arith.select %and3A_366, %sub3A_369, %div3A_342 : vector<16xi1>, vector<16xi32>
          %jit3A_371 = arith.constant 60 : i32
          %div3A_372 = vector.broadcast %jit3A_371 : i32 to vector<16xi32>
          %div3A_373 = arith.divsi %add3A_214, %div3A_372 : vector<16xi32>
          %sign3A_374 = arith.constant 0 : i32
          %sign3A_375 = vector.broadcast %sign3A_374 : i32 to vector<16xi32>
          %sign3A_376 = arith.cmpi sgt, %add3A_214, %sign3A_375 : vector<16xi32>
          %sign3A_377 = arith.extui %sign3A_376 : vector<16xi1> to vector<16xi32>
          %sign3A_378 = arith.constant 0 : i32
          %sign3A_379 = vector.broadcast %sign3A_378 : i32 to vector<16xi32>
          %sign3A_380 = arith.cmpi slt, %add3A_214, %sign3A_379 : vector<16xi32>
          %sign3A_381 = arith.extui %sign3A_380 : vector<16xi1> to vector<16xi32>
          %sign3A_382 = arith.subi %sign3A_377, %sign3A_381 : vector<16xi32>
          %sign3A_383 = arith.constant 0 : i32
          %sign3A_384 = arith.cmpi sgt, %jit3A_371, %sign3A_383 : i32
          %sign3A_385 = arith.extui %sign3A_384 : i1 to i32
          %sign3A_386 = arith.constant 0 : i32
          %sign3A_387 = arith.cmpi slt, %jit3A_371, %sign3A_386 : i32
          %sign3A_388 = arith.extui %sign3A_387 : i1 to i32
          %sign3A_389 = arith.subi %sign3A_385, %sign3A_388 : i32
          %ne3A_390 = vector.broadcast %sign3A_389 : i32 to vector<16xi32>
          %ne3A_391 = arith.cmpi ne, %sign3A_382, %ne3A_390 : vector<16xi32>
          %rem3A_392 = vector.broadcast %jit3A_371 : i32 to vector<16xi32>
          %rem3A_393 = arith.remsi %add3A_214, %rem3A_392 : vector<16xi32>
          %ne3A_394 = arith.constant 0 : i32
          %ne3A_395 = vector.broadcast %ne3A_394 : i32 to vector<16xi32>
          %ne3A_396 = arith.cmpi ne, %rem3A_393, %ne3A_395 : vector<16xi32>
          %and3A_397 = arith.andi %ne3A_391, %ne3A_396 : vector<16xi1>
          %sub3A_398 = arith.constant 1 : i32
          %sub3A_399 = vector.broadcast %sub3A_398 : i32 to vector<16xi32>
          %sub3A_400 = arith.subi %div3A_373, %sub3A_399 : vector<16xi32>
          %select_n3A_401 = arith.select %and3A_397, %sub3A_400, %div3A_373 : vector<16xi1>, vector<16xi32>
          %jit3A_402 = arith.constant 60 : i32
          %div3A_403 = vector.broadcast %jit3A_402 : i32 to vector<16xi32>
          %div3A_404 = arith.divsi %add3A_222, %div3A_403 : vector<16xi32>
          %sign3A_405 = arith.constant 0 : i32
          %sign3A_406 = vector.broadcast %sign3A_405 : i32 to vector<16xi32>
          %sign3A_407 = arith.cmpi sgt, %add3A_222, %sign3A_406 : vector<16xi32>
          %sign3A_408 = arith.extui %sign3A_407 : vector<16xi1> to vector<16xi32>
          %sign3A_409 = arith.constant 0 : i32
          %sign3A_410 = vector.broadcast %sign3A_409 : i32 to vector<16xi32>
          %sign3A_411 = arith.cmpi slt, %add3A_222, %sign3A_410 : vector<16xi32>
          %sign3A_412 = arith.extui %sign3A_411 : vector<16xi1> to vector<16xi32>
          %sign3A_413 = arith.subi %sign3A_408, %sign3A_412 : vector<16xi32>
          %sign3A_414 = arith.constant 0 : i32
          %sign3A_415 = arith.cmpi sgt, %jit3A_402, %sign3A_414 : i32
          %sign3A_416 = arith.extui %sign3A_415 : i1 to i32
          %sign3A_417 = arith.constant 0 : i32
          %sign3A_418 = arith.cmpi slt, %jit3A_402, %sign3A_417 : i32
          %sign3A_419 = arith.extui %sign3A_418 : i1 to i32
          %sign3A_420 = arith.subi %sign3A_416, %sign3A_419 : i32
          %ne3A_421 = vector.broadcast %sign3A_420 : i32 to vector<16xi32>
          %ne3A_422 = arith.cmpi ne, %sign3A_413, %ne3A_421 : vector<16xi32>
          %rem3A_423 = vector.broadcast %jit3A_402 : i32 to vector<16xi32>
          %rem3A_424 = arith.remsi %add3A_222, %rem3A_423 : vector<16xi32>
          %ne3A_425 = arith.constant 0 : i32
          %ne3A_426 = vector.broadcast %ne3A_425 : i32 to vector<16xi32>
          %ne3A_427 = arith.cmpi ne, %rem3A_424, %ne3A_426 : vector<16xi32>
          %and3A_428 = arith.andi %ne3A_422, %ne3A_427 : vector<16xi1>
          %sub3A_429 = arith.constant 1 : i32
          %sub3A_430 = vector.broadcast %sub3A_429 : i32 to vector<16xi32>
          %sub3A_431 = arith.subi %div3A_404, %sub3A_430 : vector<16xi32>
          %select_n3A_432 = arith.select %and3A_428, %sub3A_431, %div3A_404 : vector<16xi1>, vector<16xi32>
          %jit3A_433 = arith.constant 60 : i32
          %div3A_434 = vector.broadcast %jit3A_433 : i32 to vector<16xi32>
          %div3A_435 = arith.divsi %add3A_230, %div3A_434 : vector<16xi32>
          %sign3A_436 = arith.constant 0 : i32
          %sign3A_437 = vector.broadcast %sign3A_436 : i32 to vector<16xi32>
          %sign3A_438 = arith.cmpi sgt, %add3A_230, %sign3A_437 : vector<16xi32>
          %sign3A_439 = arith.extui %sign3A_438 : vector<16xi1> to vector<16xi32>
          %sign3A_440 = arith.constant 0 : i32
          %sign3A_441 = vector.broadcast %sign3A_440 : i32 to vector<16xi32>
          %sign3A_442 = arith.cmpi slt, %add3A_230, %sign3A_441 : vector<16xi32>
          %sign3A_443 = arith.extui %sign3A_442 : vector<16xi1> to vector<16xi32>
          %sign3A_444 = arith.subi %sign3A_439, %sign3A_443 : vector<16xi32>
          %sign3A_445 = arith.constant 0 : i32
          %sign3A_446 = arith.cmpi sgt, %jit3A_433, %sign3A_445 : i32
          %sign3A_447 = arith.extui %sign3A_446 : i1 to i32
          %sign3A_448 = arith.constant 0 : i32
          %sign3A_449 = arith.cmpi slt, %jit3A_433, %sign3A_448 : i32
          %sign3A_450 = arith.extui %sign3A_449 : i1 to i32
          %sign3A_451 = arith.subi %sign3A_447, %sign3A_450 : i32
          %ne3A_452 = vector.broadcast %sign3A_451 : i32 to vector<16xi32>
          %ne3A_453 = arith.cmpi ne, %sign3A_444, %ne3A_452 : vector<16xi32>
          %rem3A_454 = vector.broadcast %jit3A_433 : i32 to vector<16xi32>
          %rem3A_455 = arith.remsi %add3A_230, %rem3A_454 : vector<16xi32>
          %ne3A_456 = arith.constant 0 : i32
          %ne3A_457 = vector.broadcast %ne3A_456 : i32 to vector<16xi32>
          %ne3A_458 = arith.cmpi ne, %rem3A_455, %ne3A_457 : vector<16xi32>
          %and3A_459 = arith.andi %ne3A_453, %ne3A_458 : vector<16xi1>
          %sub3A_460 = arith.constant 1 : i32
          %sub3A_461 = vector.broadcast %sub3A_460 : i32 to vector<16xi32>
          %sub3A_462 = arith.subi %div3A_435, %sub3A_461 : vector<16xi32>
          %select_n3A_463 = arith.select %and3A_459, %sub3A_462, %div3A_435 : vector<16xi1>, vector<16xi32>
          %jit3A_464 = arith.constant 60 : i32
          %div3A_465 = vector.broadcast %jit3A_464 : i32 to vector<16xi32>
          %div3A_466 = arith.divsi %add3A_238, %div3A_465 : vector<16xi32>
          %sign3A_467 = arith.constant 0 : i32
          %sign3A_468 = vector.broadcast %sign3A_467 : i32 to vector<16xi32>
          %sign3A_469 = arith.cmpi sgt, %add3A_238, %sign3A_468 : vector<16xi32>
          %sign3A_470 = arith.extui %sign3A_469 : vector<16xi1> to vector<16xi32>
          %sign3A_471 = arith.constant 0 : i32
          %sign3A_472 = vector.broadcast %sign3A_471 : i32 to vector<16xi32>
          %sign3A_473 = arith.cmpi slt, %add3A_238, %sign3A_472 : vector<16xi32>
          %sign3A_474 = arith.extui %sign3A_473 : vector<16xi1> to vector<16xi32>
          %sign3A_475 = arith.subi %sign3A_470, %sign3A_474 : vector<16xi32>
          %sign3A_476 = arith.constant 0 : i32
          %sign3A_477 = arith.cmpi sgt, %jit3A_464, %sign3A_476 : i32
          %sign3A_478 = arith.extui %sign3A_477 : i1 to i32
          %sign3A_479 = arith.constant 0 : i32
          %sign3A_480 = arith.cmpi slt, %jit3A_464, %sign3A_479 : i32
          %sign3A_481 = arith.extui %sign3A_480 : i1 to i32
          %sign3A_482 = arith.subi %sign3A_478, %sign3A_481 : i32
          %ne3A_483 = vector.broadcast %sign3A_482 : i32 to vector<16xi32>
          %ne3A_484 = arith.cmpi ne, %sign3A_475, %ne3A_483 : vector<16xi32>
          %rem3A_485 = vector.broadcast %jit3A_464 : i32 to vector<16xi32>
          %rem3A_486 = arith.remsi %add3A_238, %rem3A_485 : vector<16xi32>
          %ne3A_487 = arith.constant 0 : i32
          %ne3A_488 = vector.broadcast %ne3A_487 : i32 to vector<16xi32>
          %ne3A_489 = arith.cmpi ne, %rem3A_486, %ne3A_488 : vector<16xi32>
          %and3A_490 = arith.andi %ne3A_484, %ne3A_489 : vector<16xi1>
          %sub3A_491 = arith.constant 1 : i32
          %sub3A_492 = vector.broadcast %sub3A_491 : i32 to vector<16xi32>
          %sub3A_493 = arith.subi %div3A_466, %sub3A_492 : vector<16xi32>
          %select_n3A_494 = arith.select %and3A_490, %sub3A_493, %div3A_466 : vector<16xi1>, vector<16xi32>
          %jit3A_495 = arith.constant 60 : i32
          %div3A_496 = vector.broadcast %jit3A_495 : i32 to vector<16xi32>
          %div3A_497 = arith.divsi %add3A_246, %div3A_496 : vector<16xi32>
          %sign3A_498 = arith.constant 0 : i32
          %sign3A_499 = vector.broadcast %sign3A_498 : i32 to vector<16xi32>
          %sign3A_500 = arith.cmpi sgt, %add3A_246, %sign3A_499 : vector<16xi32>
          %sign3A_501 = arith.extui %sign3A_500 : vector<16xi1> to vector<16xi32>
          %sign3A_502 = arith.constant 0 : i32
          %sign3A_503 = vector.broadcast %sign3A_502 : i32 to vector<16xi32>
          %sign3A_504 = arith.cmpi slt, %add3A_246, %sign3A_503 : vector<16xi32>
          %sign3A_505 = arith.extui %sign3A_504 : vector<16xi1> to vector<16xi32>
          %sign3A_506 = arith.subi %sign3A_501, %sign3A_505 : vector<16xi32>
          %sign3A_507 = arith.constant 0 : i32
          %sign3A_508 = arith.cmpi sgt, %jit3A_495, %sign3A_507 : i32
          %sign3A_509 = arith.extui %sign3A_508 : i1 to i32
          %sign3A_510 = arith.constant 0 : i32
          %sign3A_511 = arith.cmpi slt, %jit3A_495, %sign3A_510 : i32
          %sign3A_512 = arith.extui %sign3A_511 : i1 to i32
          %sign3A_513 = arith.subi %sign3A_509, %sign3A_512 : i32
          %ne3A_514 = vector.broadcast %sign3A_513 : i32 to vector<16xi32>
          %ne3A_515 = arith.cmpi ne, %sign3A_506, %ne3A_514 : vector<16xi32>
          %rem3A_516 = vector.broadcast %jit3A_495 : i32 to vector<16xi32>
          %rem3A_517 = arith.remsi %add3A_246, %rem3A_516 : vector<16xi32>
          %ne3A_518 = arith.constant 0 : i32
          %ne3A_519 = vector.broadcast %ne3A_518 : i32 to vector<16xi32>
          %ne3A_520 = arith.cmpi ne, %rem3A_517, %ne3A_519 : vector<16xi32>
          %and3A_521 = arith.andi %ne3A_515, %ne3A_520 : vector<16xi1>
          %sub3A_522 = arith.constant 1 : i32
          %sub3A_523 = vector.broadcast %sub3A_522 : i32 to vector<16xi32>
          %sub3A_524 = arith.subi %div3A_497, %sub3A_523 : vector<16xi32>
          %select_n3A_525 = arith.select %and3A_521, %sub3A_524, %div3A_497 : vector<16xi1>, vector<16xi32>
          %jit3A_526 = arith.constant 60 : i32
          %div3A_527 = vector.broadcast %jit3A_526 : i32 to vector<16xi32>
          %div3A_528 = arith.divsi %add3A_254, %div3A_527 : vector<16xi32>
          %sign3A_529 = arith.constant 0 : i32
          %sign3A_530 = vector.broadcast %sign3A_529 : i32 to vector<16xi32>
          %sign3A_531 = arith.cmpi sgt, %add3A_254, %sign3A_530 : vector<16xi32>
          %sign3A_532 = arith.extui %sign3A_531 : vector<16xi1> to vector<16xi32>
          %sign3A_533 = arith.constant 0 : i32
          %sign3A_534 = vector.broadcast %sign3A_533 : i32 to vector<16xi32>
          %sign3A_535 = arith.cmpi slt, %add3A_254, %sign3A_534 : vector<16xi32>
          %sign3A_536 = arith.extui %sign3A_535 : vector<16xi1> to vector<16xi32>
          %sign3A_537 = arith.subi %sign3A_532, %sign3A_536 : vector<16xi32>
          %sign3A_538 = arith.constant 0 : i32
          %sign3A_539 = arith.cmpi sgt, %jit3A_526, %sign3A_538 : i32
          %sign3A_540 = arith.extui %sign3A_539 : i1 to i32
          %sign3A_541 = arith.constant 0 : i32
          %sign3A_542 = arith.cmpi slt, %jit3A_526, %sign3A_541 : i32
          %sign3A_543 = arith.extui %sign3A_542 : i1 to i32
          %sign3A_544 = arith.subi %sign3A_540, %sign3A_543 : i32
          %ne3A_545 = vector.broadcast %sign3A_544 : i32 to vector<16xi32>
          %ne3A_546 = arith.cmpi ne, %sign3A_537, %ne3A_545 : vector<16xi32>
          %rem3A_547 = vector.broadcast %jit3A_526 : i32 to vector<16xi32>
          %rem3A_548 = arith.remsi %add3A_254, %rem3A_547 : vector<16xi32>
          %ne3A_549 = arith.constant 0 : i32
          %ne3A_550 = vector.broadcast %ne3A_549 : i32 to vector<16xi32>
          %ne3A_551 = arith.cmpi ne, %rem3A_548, %ne3A_550 : vector<16xi32>
          %and3A_552 = arith.andi %ne3A_546, %ne3A_551 : vector<16xi1>
          %sub3A_553 = arith.constant 1 : i32
          %sub3A_554 = vector.broadcast %sub3A_553 : i32 to vector<16xi32>
          %sub3A_555 = arith.subi %div3A_528, %sub3A_554 : vector<16xi32>
          %select_n3A_556 = arith.select %and3A_552, %sub3A_555, %div3A_528 : vector<16xi1>, vector<16xi32>
          %mul3A_557 = arith.constant 60 : i32
          %mul3A_558 = vector.broadcast %mul3A_557 : i32 to vector<16xi32>
          %mul3A_559 = arith.muli %select_n3A, %mul3A_558 : vector<16xi32>
          %sub3A_560 = arith.subi %add3A_182, %mul3A_559 : vector<16xi32>
          %mul3A_561 = arith.constant 60 : i32
          %mul3A_562 = vector.broadcast %mul3A_561 : i32 to vector<16xi32>
          %mul3A_563 = arith.muli %select_n3A_308, %mul3A_562 : vector<16xi32>
          %sub3A_564 = arith.subi %add3A_190, %mul3A_563 : vector<16xi32>
          %mul3A_565 = arith.constant 60 : i32
          %mul3A_566 = vector.broadcast %mul3A_565 : i32 to vector<16xi32>
          %mul3A_567 = arith.muli %select_n3A_339, %mul3A_566 : vector<16xi32>
          %sub3A_568 = arith.subi %add3A_198, %mul3A_567 : vector<16xi32>
          %mul3A_569 = arith.constant 60 : i32
          %mul3A_570 = vector.broadcast %mul3A_569 : i32 to vector<16xi32>
          %mul3A_571 = arith.muli %select_n3A_370, %mul3A_570 : vector<16xi32>
          %sub3A_572 = arith.subi %add3A_206, %mul3A_571 : vector<16xi32>
          %mul3A_573 = arith.constant 60 : i32
          %mul3A_574 = vector.broadcast %mul3A_573 : i32 to vector<16xi32>
          %mul3A_575 = arith.muli %select_n3A_401, %mul3A_574 : vector<16xi32>
          %sub3A_576 = arith.subi %add3A_214, %mul3A_575 : vector<16xi32>
          %mul3A_577 = arith.constant 60 : i32
          %mul3A_578 = vector.broadcast %mul3A_577 : i32 to vector<16xi32>
          %mul3A_579 = arith.muli %select_n3A_432, %mul3A_578 : vector<16xi32>
          %sub3A_580 = arith.subi %add3A_222, %mul3A_579 : vector<16xi32>
          %mul3A_581 = arith.constant 60 : i32
          %mul3A_582 = vector.broadcast %mul3A_581 : i32 to vector<16xi32>
          %mul3A_583 = arith.muli %select_n3A_463, %mul3A_582 : vector<16xi32>
          %sub3A_584 = arith.subi %add3A_230, %mul3A_583 : vector<16xi32>
          %mul3A_585 = arith.constant 60 : i32
          %mul3A_586 = vector.broadcast %mul3A_585 : i32 to vector<16xi32>
          %mul3A_587 = arith.muli %select_n3A_494, %mul3A_586 : vector<16xi32>
          %sub3A_588 = arith.subi %add3A_238, %mul3A_587 : vector<16xi32>
          %mul3A_589 = arith.constant 60 : i32
          %mul3A_590 = vector.broadcast %mul3A_589 : i32 to vector<16xi32>
          %mul3A_591 = arith.muli %select_n3A_525, %mul3A_590 : vector<16xi32>
          %sub3A_592 = arith.subi %add3A_246, %mul3A_591 : vector<16xi32>
          %mul3A_593 = arith.constant 60 : i32
          %mul3A_594 = vector.broadcast %mul3A_593 : i32 to vector<16xi32>
          %mul3A_595 = arith.muli %select_n3A_556, %mul3A_594 : vector<16xi32>
          %sub3A_596 = arith.subi %add3A_254, %mul3A_595 : vector<16xi32>
          %mul3A_597 = arith.constant 2 : i32
          %mul3A_598 = vector.broadcast %mul3A_597 : i32 to vector<16xi32>
          %mul3A_599 = arith.muli %mul3A_598, %select_n3A : vector<16xi32>
          %mul3A_600 = arith.constant 2 : i32
          %mul3A_601 = vector.broadcast %mul3A_600 : i32 to vector<16xi32>
          %mul3A_602 = arith.muli %mul3A_601, %sub3A_560 : vector<16xi32>
          %gather3A = tpu.vector_load_idx %arg6[%mul3A_599, %mul3A_602] : memref<80x120xf32, #tpu.memory_space<vmem>>[vector<16xi32>, vector<16xi32>], vector<16xf32>,
          %mul3A_603 = arith.constant 2 : i32
          %mul3A_604 = vector.broadcast %mul3A_603 : i32 to vector<16xi32>
          %mul3A_605 = arith.muli %mul3A_604, %select_n3A_308 : vector<16xi32>
          %mul3A_606 = arith.constant 2 : i32
          %mul3A_607 = vector.broadcast %mul3A_606 : i32 to vector<16xi32>
          %mul3A_608 = arith.muli %mul3A_607, %sub3A_564 : vector<16xi32>
          %gather3A_609 = tpu.vector_load_idx %arg6[%mul3A_605, %mul3A_608] : memref<80x120xf32, #tpu.memory_space<vmem>>[vector<16xi32>, vector<16xi32>], vector<16xf32>,
          %mul3A_610 = arith.constant 2 : i32
          %mul3A_611 = vector.broadcast %mul3A_610 : i32 to vector<16xi32>
          %mul3A_612 = arith.muli %mul3A_611, %select_n3A_339 : vector<16xi32>
          %mul3A_613 = arith.constant 2 : i32
          %mul3A_614 = vector.broadcast %mul3A_613 : i32 to vector<16xi32>
          %mul3A_615 = arith.muli %mul3A_614, %sub3A_568 : vector<16xi32>
          %gather3A_616 = tpu.vector_load_idx %arg6[%mul3A_612, %mul3A_615] : memref<80x120xf32, #tpu.memory_space<vmem>>[vector<16xi32>, vector<16xi32>], vector<16xf32>,
          %mul3A_617 = arith.constant 2 : i32
          %mul3A_618 = vector.broadcast %mul3A_617 : i32 to vector<16xi32>
          %mul3A_619 = arith.muli %mul3A_618, %select_n3A_370 : vector<16xi32>
          %mul3A_620 = arith.constant 2 : i32
          %mul3A_621 = vector.broadcast %mul3A_620 : i32 to vector<16xi32>
          %mul3A_622 = arith.muli %mul3A_621, %sub3A_572 : vector<16xi32>
          %gather3A_623 = tpu.vector_load_idx %arg6[%mul3A_619, %mul3A_622] : memref<80x120xf32, #tpu.memory_space<vmem>>[vector<16xi32>, vector<16xi32>], vector<16xf32>,
          %mul3A_624 = arith.constant 2 : i32
          %mul3A_625 = vector.broadcast %mul3A_624 : i32 to vector<16xi32>
          %mul3A_626 = arith.muli %mul3A_625, %select_n3A_401 : vector<16xi32>
          %mul3A_627 = arith.constant 2 : i32
          %mul3A_628 = vector.broadcast %mul3A_627 : i32 to vector<16xi32>
          %mul3A_629 = arith.muli %mul3A_628, %sub3A_576 : vector<16xi32>
          %gather3A_630 = tpu.vector_load_idx %arg6[%mul3A_626, %mul3A_629] : memref<80x120xf32, #tpu.memory_space<vmem>>[vector<16xi32>, vector<16xi32>], vector<16xf32>,
          %mul3A_631 = arith.constant 2 : i32
          %mul3A_632 = vector.broadcast %mul3A_631 : i32 to vector<16xi32>
          %mul3A_633 = arith.muli %mul3A_632, %select_n3A_432 : vector<16xi32>
          %mul3A_634 = arith.constant 2 : i32
          %mul3A_635 = vector.broadcast %mul3A_634 : i32 to vector<16xi32>
          %mul3A_636 = arith.muli %mul3A_635, %sub3A_580 : vector<16xi32>
          %gather3A_637 = tpu.vector_load_idx %arg6[%mul3A_633, %mul3A_636] : memref<80x120xf32, #tpu.memory_space<vmem>>[vector<16xi32>, vector<16xi32>], vector<16xf32>,
          %mul3A_638 = arith.constant 2 : i32
          %mul3A_639 = vector.broadcast %mul3A_638 : i32 to vector<16xi32>
          %mul3A_640 = arith.muli %mul3A_639, %select_n3A_463 : vector<16xi32>
          %mul3A_641 = arith.constant 2 : i32
          %mul3A_642 = vector.broadcast %mul3A_641 : i32 to vector<16xi32>
          %mul3A_643 = arith.muli %mul3A_642, %sub3A_584 : vector<16xi32>
          %gather3A_644 = tpu.vector_load_idx %arg6[%mul3A_640, %mul3A_643] : memref<80x120xf32, #tpu.memory_space<vmem>>[vector<16xi32>, vector<16xi32>], vector<16xf32>,
          %mul3A_645 = arith.constant 2 : i32
          %mul3A_646 = vector.broadcast %mul3A_645 : i32 to vector<16xi32>
          %mul3A_647 = arith.muli %mul3A_646, %select_n3A_494 : vector<16xi32>
          %mul3A_648 = arith.constant 2 : i32
          %mul3A_649 = vector.broadcast %mul3A_648 : i32 to vector<16xi32>
          %mul3A_650 = arith.muli %mul3A_649, %sub3A_588 : vector<16xi32>
          %gather3A_651 = tpu.vector_load_idx %arg6[%mul3A_647, %mul3A_650] : memref<80x120xf32, #tpu.memory_space<vmem>>[vector<16xi32>, vector<16xi32>], vector<16xf32>,
          %mul3A_652 = arith.constant 2 : i32
          %mul3A_653 = vector.broadcast %mul3A_652 : i32 to vector<16xi32>
          %mul3A_654 = arith.muli %mul3A_653, %select_n3A_525 : vector<16xi32>
          %mul3A_655 = arith.constant 2 : i32
          %mul3A_656 = vector.broadcast %mul3A_655 : i32 to vector<16xi32>
          %mul3A_657 = arith.muli %mul3A_656, %sub3A_592 : vector<16xi32>
          %gather3A_658 = tpu.vector_load_idx %arg6[%mul3A_654, %mul3A_657] : memref<80x120xf32, #tpu.memory_space<vmem>>[vector<16xi32>, vector<16xi32>], vector<16xf32>,
          %mul3A_659 = arith.constant 2 : i32
          %mul3A_660 = vector.broadcast %mul3A_659 : i32 to vector<16xi32>
          %mul3A_661 = arith.muli %mul3A_660, %select_n3A_556 : vector<16xi32>
          %mul3A_662 = arith.constant 2 : i32
          %mul3A_663 = vector.broadcast %mul3A_662 : i32 to vector<16xi32>
          %mul3A_664 = arith.muli %mul3A_663, %sub3A_596 : vector<16xi32>
          %gather3A_665 = tpu.vector_load_idx %arg6[%mul3A_661, %mul3A_664] : memref<80x120xf32, #tpu.memory_space<vmem>>[vector<16xi32>, vector<16xi32>], vector<16xf32>,
          %max3A = arith.constant 6.000000e+01 : f32
          %max3A_666 = vector.broadcast %max3A : f32 to vector<16xf32>
          %max3A_667 = arith.maximumf %gather3A, %max3A_666 : vector<16xf32>
          %bitcast3A = vector.bitcast %max3A_667 : vector<16xf32> to vector<16xi32>
          %convert_element_type3A_668 = arith.sitofp %bitcast3A : vector<16xi32> to vector<16xf32>
          %sub3A_669 = arith.subf %convert_element_type3A_668, %get3A_1 : vector<16xf32>
          %mul3A_670 = arith.mulf %sub3A_669, %get3A_3 : vector<16xf32>
          %convert_element_type3A_671 = arith.fptosi %mul3A_670 : vector<16xf32> to vector<16xi32>
          %min3A = arith.constant 4095 : i32
          %min3A_672 = vector.broadcast %min3A : i32 to vector<16xi32>
          %min3A_673 = arith.minsi %convert_element_type3A_671, %min3A_672 : vector<16xi32>
          %gather3A_674 = tpu.vector_load_idx %arg9[%min3A_673] : memref<4096xi32, #tpu.memory_space<vmem>>[vector<16xi32>], vector<16xi32>,
          %max3A_675 = arith.constant 6.000000e+01 : f32
          %max3A_676 = vector.broadcast %max3A_675 : f32 to vector<16xf32>
          %max3A_677 = arith.maximumf %gather3A_609, %max3A_676 : vector<16xf32>
          %bitcast3A_678 = vector.bitcast %max3A_677 : vector<16xf32> to vector<16xi32>
          %convert_element_type3A_679 = arith.sitofp %bitcast3A_678 : vector<16xi32> to vector<16xf32>
          %sub3A_680 = arith.subf %convert_element_type3A_679, %get3A_1 : vector<16xf32>
          %mul3A_681 = arith.mulf %sub3A_680, %get3A_3 : vector<16xf32>
          %convert_element_type3A_682 = arith.fptosi %mul3A_681 : vector<16xf32> to vector<16xi32>
          %min3A_683 = arith.constant 4095 : i32
          %min3A_684 = vector.broadcast %min3A_683 : i32 to vector<16xi32>
          %min3A_685 = arith.minsi %convert_element_type3A_682, %min3A_684 : vector<16xi32>
          %gather3A_686 = tpu.vector_load_idx %arg9[%min3A_685] : memref<4096xi32, #tpu.memory_space<vmem>>[vector<16xi32>], vector<16xi32>,
          %max3A_687 = arith.constant 6.000000e+01 : f32
          %max3A_688 = vector.broadcast %max3A_687 : f32 to vector<16xf32>
          %max3A_689 = arith.maximumf %gather3A_616, %max3A_688 : vector<16xf32>
          %bitcast3A_690 = vector.bitcast %max3A_689 : vector<16xf32> to vector<16xi32>
          %convert_element_type3A_691 = arith.sitofp %bitcast3A_690 : vector<16xi32> to vector<16xf32>
          %sub3A_692 = arith.subf %convert_element_type3A_691, %get3A_1 : vector<16xf32>
          %mul3A_693 = arith.mulf %sub3A_692, %get3A_3 : vector<16xf32>
          %convert_element_type3A_694 = arith.fptosi %mul3A_693 : vector<16xf32> to vector<16xi32>
          %min3A_695 = arith.constant 4095 : i32
          %min3A_696 = vector.broadcast %min3A_695 : i32 to vector<16xi32>
          %min3A_697 = arith.minsi %convert_element_type3A_694, %min3A_696 : vector<16xi32>
          %gather3A_698 = tpu.vector_load_idx %arg9[%min3A_697] : memref<4096xi32, #tpu.memory_space<vmem>>[vector<16xi32>], vector<16xi32>,
          %max3A_699 = arith.constant 6.000000e+01 : f32
          %max3A_700 = vector.broadcast %max3A_699 : f32 to vector<16xf32>
          %max3A_701 = arith.maximumf %gather3A_623, %max3A_700 : vector<16xf32>
          %bitcast3A_702 = vector.bitcast %max3A_701 : vector<16xf32> to vector<16xi32>
          %convert_element_type3A_703 = arith.sitofp %bitcast3A_702 : vector<16xi32> to vector<16xf32>
          %sub3A_704 = arith.subf %convert_element_type3A_703, %get3A_1 : vector<16xf32>
          %mul3A_705 = arith.mulf %sub3A_704, %get3A_3 : vector<16xf32>
          %convert_element_type3A_706 = arith.fptosi %mul3A_705 : vector<16xf32> to vector<16xi32>
          %min3A_707 = arith.constant 4095 : i32
          %min3A_708 = vector.broadcast %min3A_707 : i32 to vector<16xi32>
          %min3A_709 = arith.minsi %convert_element_type3A_706, %min3A_708 : vector<16xi32>
          %gather3A_710 = tpu.vector_load_idx %arg9[%min3A_709] : memref<4096xi32, #tpu.memory_space<vmem>>[vector<16xi32>], vector<16xi32>,
          %max3A_711 = arith.constant 6.000000e+01 : f32
          %max3A_712 = vector.broadcast %max3A_711 : f32 to vector<16xf32>
          %max3A_713 = arith.maximumf %gather3A_630, %max3A_712 : vector<16xf32>
          %bitcast3A_714 = vector.bitcast %max3A_713 : vector<16xf32> to vector<16xi32>
          %convert_element_type3A_715 = arith.sitofp %bitcast3A_714 : vector<16xi32> to vector<16xf32>
          %sub3A_716 = arith.subf %convert_element_type3A_715, %get3A_1 : vector<16xf32>
          %mul3A_717 = arith.mulf %sub3A_716, %get3A_3 : vector<16xf32>
          %convert_element_type3A_718 = arith.fptosi %mul3A_717 : vector<16xf32> to vector<16xi32>
          %min3A_719 = arith.constant 4095 : i32
          %min3A_720 = vector.broadcast %min3A_719 : i32 to vector<16xi32>
          %min3A_721 = arith.minsi %convert_element_type3A_718, %min3A_720 : vector<16xi32>
          %gather3A_722 = tpu.vector_load_idx %arg9[%min3A_721] : memref<4096xi32, #tpu.memory_space<vmem>>[vector<16xi32>], vector<16xi32>,
          %max3A_723 = arith.constant 6.000000e+01 : f32
          %max3A_724 = vector.broadcast %max3A_723 : f32 to vector<16xf32>
          %max3A_725 = arith.maximumf %gather3A_637, %max3A_724 : vector<16xf32>
          %bitcast3A_726 = vector.bitcast %max3A_725 : vector<16xf32> to vector<16xi32>
          %convert_element_type3A_727 = arith.sitofp %bitcast3A_726 : vector<16xi32> to vector<16xf32>
          %sub3A_728 = arith.subf %convert_element_type3A_727, %get3A_1 : vector<16xf32>
          %mul3A_729 = arith.mulf %sub3A_728, %get3A_3 : vector<16xf32>
          %convert_element_type3A_730 = arith.fptosi %mul3A_729 : vector<16xf32> to vector<16xi32>
          %min3A_731 = arith.constant 4095 : i32
          %min3A_732 = vector.broadcast %min3A_731 : i32 to vector<16xi32>
          %min3A_733 = arith.minsi %convert_element_type3A_730, %min3A_732 : vector<16xi32>
          %gather3A_734 = tpu.vector_load_idx %arg9[%min3A_733] : memref<4096xi32, #tpu.memory_space<vmem>>[vector<16xi32>], vector<16xi32>,
          %max3A_735 = arith.constant 6.000000e+01 : f32
          %max3A_736 = vector.broadcast %max3A_735 : f32 to vector<16xf32>
          %max3A_737 = arith.maximumf %gather3A_644, %max3A_736 : vector<16xf32>
          %bitcast3A_738 = vector.bitcast %max3A_737 : vector<16xf32> to vector<16xi32>
          %convert_element_type3A_739 = arith.sitofp %bitcast3A_738 : vector<16xi32> to vector<16xf32>
          %sub3A_740 = arith.subf %convert_element_type3A_739, %get3A_1 : vector<16xf32>
          %mul3A_741 = arith.mulf %sub3A_740, %get3A_3 : vector<16xf32>
          %convert_element_type3A_742 = arith.fptosi %mul3A_741 : vector<16xf32> to vector<16xi32>
          %min3A_743 = arith.constant 4095 : i32
          %min3A_744 = vector.broadcast %min3A_743 : i32 to vector<16xi32>
          %min3A_745 = arith.minsi %convert_element_type3A_742, %min3A_744 : vector<16xi32>
          %gather3A_746 = tpu.vector_load_idx %arg9[%min3A_745] : memref<4096xi32, #tpu.memory_space<vmem>>[vector<16xi32>], vector<16xi32>,
          %max3A_747 = arith.constant 6.000000e+01 : f32
          %max3A_748 = vector.broadcast %max3A_747 : f32 to vector<16xf32>
          %max3A_749 = arith.maximumf %gather3A_651, %max3A_748 : vector<16xf32>
          %bitcast3A_750 = vector.bitcast %max3A_749 : vector<16xf32> to vector<16xi32>
          %convert_element_type3A_751 = arith.sitofp %bitcast3A_750 : vector<16xi32> to vector<16xf32>
          %sub3A_752 = arith.subf %convert_element_type3A_751, %get3A_1 : vector<16xf32>
          %mul3A_753 = arith.mulf %sub3A_752, %get3A_3 : vector<16xf32>
          %convert_element_type3A_754 = arith.fptosi %mul3A_753 : vector<16xf32> to vector<16xi32>
          %min3A_755 = arith.constant 4095 : i32
          %min3A_756 = vector.broadcast %min3A_755 : i32 to vector<16xi32>
          %min3A_757 = arith.minsi %convert_element_type3A_754, %min3A_756 : vector<16xi32>
          %gather3A_758 = tpu.vector_load_idx %arg9[%min3A_757] : memref<4096xi32, #tpu.memory_space<vmem>>[vector<16xi32>], vector<16xi32>,
          %max3A_759 = arith.constant 6.000000e+01 : f32
          %max3A_760 = vector.broadcast %max3A_759 : f32 to vector<16xf32>
          %max3A_761 = arith.maximumf %gather3A_658, %max3A_760 : vector<16xf32>
          %bitcast3A_762 = vector.bitcast %max3A_761 : vector<16xf32> to vector<16xi32>
          %convert_element_type3A_763 = arith.sitofp %bitcast3A_762 : vector<16xi32> to vector<16xf32>
          %sub3A_764 = arith.subf %convert_element_type3A_763, %get3A_1 : vector<16xf32>
          %mul3A_765 = arith.mulf %sub3A_764, %get3A_3 : vector<16xf32>
          %convert_element_type3A_766 = arith.fptosi %mul3A_765 : vector<16xf32> to vector<16xi32>
          %min3A_767 = arith.constant 4095 : i32
          %min3A_768 = vector.broadcast %min3A_767 : i32 to vector<16xi32>
          %min3A_769 = arith.minsi %convert_element_type3A_766, %min3A_768 : vector<16xi32>
          %gather3A_770 = tpu.vector_load_idx %arg9[%min3A_769] : memref<4096xi32, #tpu.memory_space<vmem>>[vector<16xi32>], vector<16xi32>,
          %max3A_771 = arith.constant 6.000000e+01 : f32
          %max3A_772 = vector.broadcast %max3A_771 : f32 to vector<16xf32>
          %max3A_773 = arith.maximumf %gather3A_665, %max3A_772 : vector<16xf32>
          %bitcast3A_774 = vector.bitcast %max3A_773 : vector<16xf32> to vector<16xi32>
          %convert_element_type3A_775 = arith.sitofp %bitcast3A_774 : vector<16xi32> to vector<16xf32>
          %sub3A_776 = arith.subf %convert_element_type3A_775, %get3A_1 : vector<16xf32>
          %mul3A_777 = arith.mulf %sub3A_776, %get3A_3 : vector<16xf32>
          %convert_element_type3A_778 = arith.fptosi %mul3A_777 : vector<16xf32> to vector<16xi32>
          %min3A_779 = arith.constant 4095 : i32
          %min3A_780 = vector.broadcast %min3A_779 : i32 to vector<16xi32>
          %min3A_781 = arith.minsi %convert_element_type3A_778, %min3A_780 : vector<16xi32>
          %gather3A_782 = tpu.vector_load_idx %arg9[%min3A_781] : memref<4096xi32, #tpu.memory_space<vmem>>[vector<16xi32>], vector<16xi32>,
          %convert_element_type3A_783 = arith.sitofp %gather3A_674 : vector<16xi32> to vector<16xf32>
          %mul3A_784 = vector.broadcast %scan3A : f32 to vector<16xf32>
          %mul3A_785 = arith.mulf %convert_element_type3A_783, %mul3A_784 : vector<16xf32>
          tpu.vector_store_idx %arg10[%select_n3A, %sub3A_560], %mul3A_785 : memref<40x60xf32, #tpu.memory_space<vmem>>[vector<16xi32>, vector<16xi32>], vector<16xf32>,
          %convert_element_type3A_786 = arith.sitofp %gather3A_686 : vector<16xi32> to vector<16xf32>
          %mul3A_787 = vector.broadcast %scan3A : f32 to vector<16xf32>
          %mul3A_788 = arith.mulf %convert_element_type3A_786, %mul3A_787 : vector<16xf32>
          tpu.vector_store_idx %arg10[%select_n3A_308, %sub3A_564], %mul3A_788 : memref<40x60xf32, #tpu.memory_space<vmem>>[vector<16xi32>, vector<16xi32>], vector<16xf32>,
          %convert_element_type3A_789 = arith.sitofp %gather3A_698 : vector<16xi32> to vector<16xf32>
          %mul3A_790 = vector.broadcast %scan3A : f32 to vector<16xf32>
          %mul3A_791 = arith.mulf %convert_element_type3A_789, %mul3A_790 : vector<16xf32>
          tpu.vector_store_idx %arg10[%select_n3A_339, %sub3A_568], %mul3A_791 : memref<40x60xf32, #tpu.memory_space<vmem>>[vector<16xi32>, vector<16xi32>], vector<16xf32>,
          %convert_element_type3A_792 = arith.sitofp %gather3A_710 : vector<16xi32> to vector<16xf32>
          %mul3A_793 = vector.broadcast %scan3A : f32 to vector<16xf32>
          %mul3A_794 = arith.mulf %convert_element_type3A_792, %mul3A_793 : vector<16xf32>
          tpu.vector_store_idx %arg10[%select_n3A_370, %sub3A_572], %mul3A_794 : memref<40x60xf32, #tpu.memory_space<vmem>>[vector<16xi32>, vector<16xi32>], vector<16xf32>,
          %convert_element_type3A_795 = arith.sitofp %gather3A_722 : vector<16xi32> to vector<16xf32>
          %mul3A_796 = vector.broadcast %scan3A : f32 to vector<16xf32>
          %mul3A_797 = arith.mulf %convert_element_type3A_795, %mul3A_796 : vector<16xf32>
          tpu.vector_store_idx %arg10[%select_n3A_401, %sub3A_576], %mul3A_797 : memref<40x60xf32, #tpu.memory_space<vmem>>[vector<16xi32>, vector<16xi32>], vector<16xf32>,
          %convert_element_type3A_798 = arith.sitofp %gather3A_734 : vector<16xi32> to vector<16xf32>
          %mul3A_799 = vector.broadcast %scan3A : f32 to vector<16xf32>
          %mul3A_800 = arith.mulf %convert_element_type3A_798, %mul3A_799 : vector<16xf32>
          tpu.vector_store_idx %arg10[%select_n3A_432, %sub3A_580], %mul3A_800 : memref<40x60xf32, #tpu.memory_space<vmem>>[vector<16xi32>, vector<16xi32>], vector<16xf32>,
          %convert_element_type3A_801 = arith.sitofp %gather3A_746 : vector<16xi32> to vector<16xf32>
          %mul3A_802 = vector.broadcast %scan3A : f32 to vector<16xf32>
          %mul3A_803 = arith.mulf %convert_element_type3A_801, %mul3A_802 : vector<16xf32>
          tpu.vector_store_idx %arg10[%select_n3A_463, %sub3A_584], %mul3A_803 : memref<40x60xf32, #tpu.memory_space<vmem>>[vector<16xi32>, vector<16xi32>], vector<16xf32>,
          %convert_element_type3A_804 = arith.sitofp %gather3A_758 : vector<16xi32> to vector<16xf32>
          %mul3A_805 = vector.broadcast %scan3A : f32 to vector<16xf32>
          %mul3A_806 = arith.mulf %convert_element_type3A_804, %mul3A_805 : vector<16xf32>
          tpu.vector_store_idx %arg10[%select_n3A_494, %sub3A_588], %mul3A_806 : memref<40x60xf32, #tpu.memory_space<vmem>>[vector<16xi32>, vector<16xi32>], vector<16xf32>,
          %convert_element_type3A_807 = arith.sitofp %gather3A_770 : vector<16xi32> to vector<16xf32>
          %mul3A_808 = vector.broadcast %scan3A : f32 to vector<16xf32>
          %mul3A_809 = arith.mulf %convert_element_type3A_807, %mul3A_808 : vector<16xf32>
          tpu.vector_store_idx %arg10[%select_n3A_525, %sub3A_592], %mul3A_809 : memref<40x60xf32, #tpu.memory_space<vmem>>[vector<16xi32>, vector<16xi32>], vector<16xf32>,
          %convert_element_type3A_810 = arith.sitofp %gather3A_782 : vector<16xi32> to vector<16xf32>
          %mul3A_811 = vector.broadcast %scan3A : f32 to vector<16xf32>
          %mul3A_812 = arith.mulf %convert_element_type3A_810, %mul3A_811 : vector<16xf32>
          tpu.vector_store_idx %arg10[%select_n3A_556, %sub3A_596], %mul3A_812 : memref<40x60xf32, #tpu.memory_space<vmem>>[vector<16xi32>, vector<16xi32>], vector<16xf32>,
          %scan3A_813 = arith.constant 0 : i32
          scf.yield %scan3A_813 : i32
        }
        %scan3A_139 = arith.constant 15 : i32
        %mul3A_140 = arith.constant 40 : i32
        %mul3A_141 = arith.muli %mul3A_124, %mul3A_140 : i32
        "tpu.region"() ({
          %run_scoped3A = tpu.sem_alloc : memref<!tpu.dma_semaphore, #tpu.memory_space<semaphore_mem>>
          %dma_start3A_173 = arith.constant 0 : i32
          %dma_start3A_174 = tpu.memref_slice %arg5[%add3A_23, %mul3A_141, %dma_start3A_173] : memref<64x600x60xf32, #tpu.memory_space<hbm>> -> memref<1x40x60xf32, #tpu.memory_space<hbm>>
          %dma_start3A_175 = tpu.memref_squeeze %dma_start3A_174 : memref<1x40x60xf32, #tpu.memory_space<hbm>> -> memref<40x60xf32, #tpu.memory_space<hbm>>
          %dma_start3A_176 = arith.constant 0 : i32
          %dma_start3A_177 = tpu.memref_slice %arg5[%add3A_23, %mul3A_141, %dma_start3A_176] : memref<64x600x60xf32, #tpu.memory_space<hbm>> -> memref<1x40x60xf32, #tpu.memory_space<hbm>>
          %dma_start3A_178 = tpu.memref_squeeze %dma_start3A_177 : memref<1x40x60xf32, #tpu.memory_space<hbm>> -> memref<40x60xf32, #tpu.memory_space<hbm>>
          tpu.enqueue_dma source(%arg10 : memref<40x60xf32, #tpu.memory_space<vmem>>) target(%dma_start3A_178 : memref<40x60xf32, #tpu.memory_space<hbm>>) target_semaphore(%run_scoped3A : memref<!tpu.dma_semaphore, #tpu.memory_space<semaphore_mem>>)
          %dma_wait3A_179 = arith.constant 0 : i32
          %dma_wait3A_180 = tpu.memref_slice %arg5[%add3A_23, %mul3A_141, %dma_wait3A_179] : memref<64x600x60xf32, #tpu.memory_space<hbm>> -> memref<1x40x60xf32, #tpu.memory_space<hbm>>
          %dma_wait3A_181 = tpu.memref_squeeze %dma_wait3A_180 : memref<1x40x60xf32, #tpu.memory_space<hbm>> -> memref<40x60xf32, #tpu.memory_space<hbm>>
          %dma_wait3A_182 = arith.constant 0 : i32
          %dma_wait3A_183 = tpu.memref_slice %arg5[%add3A_23, %mul3A_141, %dma_wait3A_182] : memref<64x600x60xf32, #tpu.memory_space<hbm>> -> memref<1x40x60xf32, #tpu.memory_space<hbm>>
          %dma_wait3A_184 = tpu.memref_squeeze %dma_wait3A_183 : memref<1x40x60xf32, #tpu.memory_space<hbm>> -> memref<40x60xf32, #tpu.memory_space<hbm>>
          tpu.wait_dma2 semaphore(%run_scoped3A : memref<!tpu.dma_semaphore, #tpu.memory_space<semaphore_mem>>) src(%arg10 : memref<40x60xf32, #tpu.memory_space<vmem>>) dst(%dma_wait3A_184 : memref<40x60xf32, #tpu.memory_space<hbm>>)
          tpu.yield
        }) : () -> ()
        %add3A_142 = arith.constant 2 : i32
        %add3A_143 = arith.addi %mul3A_124, %add3A_142 : i32
        %lt3A = arith.constant 15 : i32
        %lt3A_144 = arith.cmpi slt, %add3A_143, %lt3A : i32
        %convert_element_type3A = arith.extui %lt3A_144 : i1 to i32
        %cond3A = arith.constant 0 : i32
        %cond3A_145 = arith.cmpi ne, %convert_element_type3A, %cond3A : i32
        scf.if %cond3A_145 {
          %add3A_173 = arith.constant 2 : i32
          %add3A_174 = arith.addi %mul3A_124, %add3A_173 : i32
          %mul3A_175 = arith.constant 1200 : i32
          %mul3A_176 = arith.muli %add3A_23, %mul3A_175 : i32
          %mul3A_177 = arith.constant 80 : i32
          %mul3A_178 = arith.muli %add3A_174, %mul3A_177 : i32
          %add3A_179 = arith.addi %mul3A_176, %mul3A_178 : i32
          %dma_start3A_180 = tpu.memref_reshape %arg2 : memref<64x1200x120xf32, #tpu.memory_space<hbm>> -> memref<76800x120xf32, #tpu.memory_space<hbm>>
          %dma_start3A_181 = arith.constant 0 : i32
          %dma_start3A_182 = tpu.memref_slice %dma_start3A_180[%add3A_179, %dma_start3A_181] : memref<76800x120xf32, #tpu.memory_space<hbm>> -> memref<80x120xf32, #tpu.memory_space<hbm>>
          %dma_start3A_183 = tpu.memref_reshape %arg2 : memref<64x1200x120xf32, #tpu.memory_space<hbm>> -> memref<76800x120xf32, #tpu.memory_space<hbm>>
          %dma_start3A_184 = arith.constant 0 : i32
          %dma_start3A_185 = tpu.memref_slice %dma_start3A_183[%add3A_179, %dma_start3A_184] : memref<76800x120xf32, #tpu.memory_space<hbm>> -> memref<80x120xf32, #tpu.memory_space<hbm>>
          tpu.enqueue_dma source(%dma_start3A_185 : memref<80x120xf32, #tpu.memory_space<hbm>>) target(%arg6 : memref<80x120xf32, #tpu.memory_space<vmem>>) target_semaphore(%arg13 : memref<!tpu.dma_semaphore, #tpu.memory_space<semaphore_mem>>)
        } else {
        }
        %dma_wait3A_146 = tpu.memref_reshape %arg2 : memref<64x1200x120xf32, #tpu.memory_space<hbm>> -> memref<76800x120xf32, #tpu.memory_space<hbm>>
        %dma_wait3A_147 = arith.constant 0 : i32
        %dma_wait3A_148 = arith.constant 0 : i32
        %dma_wait3A_149 = tpu.memref_slice %dma_wait3A_146[%dma_wait3A_147, %dma_wait3A_148] : memref<76800x120xf32, #tpu.memory_space<hbm>> -> memref<80x120xf32, #tpu.memory_space<hbm>>
        %dma_wait3A_150 = tpu.memref_reshape %arg2 : memref<64x1200x120xf32, #tpu.memory_space<hbm>> -> memref<76800x120xf32, #tpu.memory_space<hbm>>
        %dma_wait3A_151 = arith.constant 0 : i32
        %dma_wait3A_152 = arith.constant 0 : i32
        %dma_wait3A_153 = tpu.memref_slice %dma_wait3A_150[%dma_wait3A_151, %dma_wait3A_152] : memref<76800x120xf32, #tpu.memory_space<hbm>> -> memref<80x120xf32, #tpu.memory_space<hbm>>
        tpu.wait_dma2 semaphore(%arg14 : memref<!tpu.dma_semaphore, #tpu.memory_space<semaphore_mem>>) src(%dma_wait3A_153 : memref<80x120xf32, #tpu.memory_space<hbm>>) dst(%arg7 : memref<80x120xf32, #tpu.memory_space<vmem>>)
        %add3A_154 = arith.constant 1 : i32
        %add3A_155 = arith.addi %mul3A_124, %add3A_154 : i32
        %scan3A_156 = arith.constant 0 : i32
        %scan3A_157 = arith.constant 0 : i32
        %scan3A_158 = arith.constant 15 : i32
        %scan3A_159 = arith.addi %scan3A_157, %scan3A_158 : i32
        %scan3A_160 = arith.constant 1 : i32
        %scan3A_161 = scf.for %scan3A_173 = %scan3A_157 to %scan3A_159 step %scan3A_160 iter_args(%scan3A_174 = %scan3A_156) -> (i32)  : i32 {
          %mul3A_175 = arith.constant 10 : i32
          %mul3A_176 = arith.muli %scan3A_173, %mul3A_175 : i32
          %add3A_177 = arith.constant 0 : i32
          %add3A_178 = arith.addi %mul3A_176, %add3A_177 : i32
          %mul3A_179 = arith.constant 16 : i32
          %mul3A_180 = arith.muli %add3A_178, %mul3A_179 : i32
          %add3A_181 = vector.broadcast %mul3A_180 : i32 to vector<16xi32>
          %add3A_182 = arith.addi %add3A_181, %iota3A : vector<16xi32>
          %mul3A_183 = arith.constant 10 : i32
          %mul3A_184 = arith.muli %scan3A_173, %mul3A_183 : i32
          %add3A_185 = arith.constant 1 : i32
          %add3A_186 = arith.addi %mul3A_184, %add3A_185 : i32
          %mul3A_187 = arith.constant 16 : i32
          %mul3A_188 = arith.muli %add3A_186, %mul3A_187 : i32
          %add3A_189 = vector.broadcast %mul3A_188 : i32 to vector<16xi32>
          %add3A_190 = arith.addi %add3A_189, %iota3A : vector<16xi32>
          %mul3A_191 = arith.constant 10 : i32
          %mul3A_192 = arith.muli %scan3A_173, %mul3A_191 : i32
          %add3A_193 = arith.constant 2 : i32
          %add3A_194 = arith.addi %mul3A_192, %add3A_193 : i32
          %mul3A_195 = arith.constant 16 : i32
          %mul3A_196 = arith.muli %add3A_194, %mul3A_195 : i32
          %add3A_197 = vector.broadcast %mul3A_196 : i32 to vector<16xi32>
          %add3A_198 = arith.addi %add3A_197, %iota3A : vector<16xi32>
          %mul3A_199 = arith.constant 10 : i32
          %mul3A_200 = arith.muli %scan3A_173, %mul3A_199 : i32
          %add3A_201 = arith.constant 3 : i32
          %add3A_202 = arith.addi %mul3A_200, %add3A_201 : i32
          %mul3A_203 = arith.constant 16 : i32
          %mul3A_204 = arith.muli %add3A_202, %mul3A_203 : i32
          %add3A_205 = vector.broadcast %mul3A_204 : i32 to vector<16xi32>
          %add3A_206 = arith.addi %add3A_205, %iota3A : vector<16xi32>
          %mul3A_207 = arith.constant 10 : i32
          %mul3A_208 = arith.muli %scan3A_173, %mul3A_207 : i32
          %add3A_209 = arith.constant 4 : i32
          %add3A_210 = arith.addi %mul3A_208, %add3A_209 : i32
          %mul3A_211 = arith.constant 16 : i32
          %mul3A_212 = arith.muli %add3A_210, %mul3A_211 : i32
          %add3A_213 = vector.broadcast %mul3A_212 : i32 to vector<16xi32>
          %add3A_214 = arith.addi %add3A_213, %iota3A : vector<16xi32>
          %mul3A_215 = arith.constant 10 : i32
          %mul3A_216 = arith.muli %scan3A_173, %mul3A_215 : i32
          %add3A_217 = arith.constant 5 : i32
          %add3A_218 = arith.addi %mul3A_216, %add3A_217 : i32
          %mul3A_219 = arith.constant 16 : i32
          %mul3A_220 = arith.muli %add3A_218, %mul3A_219 : i32
          %add3A_221 = vector.broadcast %mul3A_220 : i32 to vector<16xi32>
          %add3A_222 = arith.addi %add3A_221, %iota3A : vector<16xi32>
          %mul3A_223 = arith.constant 10 : i32
          %mul3A_224 = arith.muli %scan3A_173, %mul3A_223 : i32
          %add3A_225 = arith.constant 6 : i32
          %add3A_226 = arith.addi %mul3A_224, %add3A_225 : i32
          %mul3A_227 = arith.constant 16 : i32
          %mul3A_228 = arith.muli %add3A_226, %mul3A_227 : i32
          %add3A_229 = vector.broadcast %mul3A_228 : i32 to vector<16xi32>
          %add3A_230 = arith.addi %add3A_229, %iota3A : vector<16xi32>
          %mul3A_231 = arith.constant 10 : i32
          %mul3A_232 = arith.muli %scan3A_173, %mul3A_231 : i32
          %add3A_233 = arith.constant 7 : i32
          %add3A_234 = arith.addi %mul3A_232, %add3A_233 : i32
          %mul3A_235 = arith.constant 16 : i32
          %mul3A_236 = arith.muli %add3A_234, %mul3A_235 : i32
          %add3A_237 = vector.broadcast %mul3A_236 : i32 to vector<16xi32>
          %add3A_238 = arith.addi %add3A_237, %iota3A : vector<16xi32>
          %mul3A_239 = arith.constant 10 : i32
          %mul3A_240 = arith.muli %scan3A_173, %mul3A_239 : i32
          %add3A_241 = arith.constant 8 : i32
          %add3A_242 = arith.addi %mul3A_240, %add3A_241 : i32
          %mul3A_243 = arith.constant 16 : i32
          %mul3A_244 = arith.muli %add3A_242, %mul3A_243 : i32
          %add3A_245 = vector.broadcast %mul3A_244 : i32 to vector<16xi32>
          %add3A_246 = arith.addi %add3A_245, %iota3A : vector<16xi32>
          %mul3A_247 = arith.constant 10 : i32
          %mul3A_248 = arith.muli %scan3A_173, %mul3A_247 : i32
          %add3A_249 = arith.constant 9 : i32
          %add3A_250 = arith.addi %mul3A_248, %add3A_249 : i32
          %mul3A_251 = arith.constant 16 : i32
          %mul3A_252 = arith.muli %add3A_250, %mul3A_251 : i32
          %add3A_253 = vector.broadcast %mul3A_252 : i32 to vector<16xi32>
          %add3A_254 = arith.addi %add3A_253, %iota3A : vector<16xi32>
          %jit3A = arith.constant 60 : i32
          %div3A = vector.broadcast %jit3A : i32 to vector<16xi32>
          %div3A_255 = arith.divsi %add3A_182, %div3A : vector<16xi32>
          %sign3A = arith.constant 0 : i32
          %sign3A_256 = vector.broadcast %sign3A : i32 to vector<16xi32>
          %sign3A_257 = arith.cmpi sgt, %add3A_182, %sign3A_256 : vector<16xi32>
          %sign3A_258 = arith.extui %sign3A_257 : vector<16xi1> to vector<16xi32>
          %sign3A_259 = arith.constant 0 : i32
          %sign3A_260 = vector.broadcast %sign3A_259 : i32 to vector<16xi32>
          %sign3A_261 = arith.cmpi slt, %add3A_182, %sign3A_260 : vector<16xi32>
          %sign3A_262 = arith.extui %sign3A_261 : vector<16xi1> to vector<16xi32>
          %sign3A_263 = arith.subi %sign3A_258, %sign3A_262 : vector<16xi32>
          %sign3A_264 = arith.constant 0 : i32
          %sign3A_265 = arith.cmpi sgt, %jit3A, %sign3A_264 : i32
          %sign3A_266 = arith.extui %sign3A_265 : i1 to i32
          %sign3A_267 = arith.constant 0 : i32
          %sign3A_268 = arith.cmpi slt, %jit3A, %sign3A_267 : i32
          %sign3A_269 = arith.extui %sign3A_268 : i1 to i32
          %sign3A_270 = arith.subi %sign3A_266, %sign3A_269 : i32
          %ne3A = vector.broadcast %sign3A_270 : i32 to vector<16xi32>
          %ne3A_271 = arith.cmpi ne, %sign3A_263, %ne3A : vector<16xi32>
          %rem3A = vector.broadcast %jit3A : i32 to vector<16xi32>
          %rem3A_272 = arith.remsi %add3A_182, %rem3A : vector<16xi32>
          %ne3A_273 = arith.constant 0 : i32
          %ne3A_274 = vector.broadcast %ne3A_273 : i32 to vector<16xi32>
          %ne3A_275 = arith.cmpi ne, %rem3A_272, %ne3A_274 : vector<16xi32>
          %and3A = arith.andi %ne3A_271, %ne3A_275 : vector<16xi1>
          %sub3A = arith.constant 1 : i32
          %sub3A_276 = vector.broadcast %sub3A : i32 to vector<16xi32>
          %sub3A_277 = arith.subi %div3A_255, %sub3A_276 : vector<16xi32>
          %select_n3A = arith.select %and3A, %sub3A_277, %div3A_255 : vector<16xi1>, vector<16xi32>
          %jit3A_278 = arith.constant 60 : i32
          %div3A_279 = vector.broadcast %jit3A_278 : i32 to vector<16xi32>
          %div3A_280 = arith.divsi %add3A_190, %div3A_279 : vector<16xi32>
          %sign3A_281 = arith.constant 0 : i32
          %sign3A_282 = vector.broadcast %sign3A_281 : i32 to vector<16xi32>
          %sign3A_283 = arith.cmpi sgt, %add3A_190, %sign3A_282 : vector<16xi32>
          %sign3A_284 = arith.extui %sign3A_283 : vector<16xi1> to vector<16xi32>
          %sign3A_285 = arith.constant 0 : i32
          %sign3A_286 = vector.broadcast %sign3A_285 : i32 to vector<16xi32>
          %sign3A_287 = arith.cmpi slt, %add3A_190, %sign3A_286 : vector<16xi32>
          %sign3A_288 = arith.extui %sign3A_287 : vector<16xi1> to vector<16xi32>
          %sign3A_289 = arith.subi %sign3A_284, %sign3A_288 : vector<16xi32>
          %sign3A_290 = arith.constant 0 : i32
          %sign3A_291 = arith.cmpi sgt, %jit3A_278, %sign3A_290 : i32
          %sign3A_292 = arith.extui %sign3A_291 : i1 to i32
          %sign3A_293 = arith.constant 0 : i32
          %sign3A_294 = arith.cmpi slt, %jit3A_278, %sign3A_293 : i32
          %sign3A_295 = arith.extui %sign3A_294 : i1 to i32
          %sign3A_296 = arith.subi %sign3A_292, %sign3A_295 : i32
          %ne3A_297 = vector.broadcast %sign3A_296 : i32 to vector<16xi32>
          %ne3A_298 = arith.cmpi ne, %sign3A_289, %ne3A_297 : vector<16xi32>
          %rem3A_299 = vector.broadcast %jit3A_278 : i32 to vector<16xi32>
          %rem3A_300 = arith.remsi %add3A_190, %rem3A_299 : vector<16xi32>
          %ne3A_301 = arith.constant 0 : i32
          %ne3A_302 = vector.broadcast %ne3A_301 : i32 to vector<16xi32>
          %ne3A_303 = arith.cmpi ne, %rem3A_300, %ne3A_302 : vector<16xi32>
          %and3A_304 = arith.andi %ne3A_298, %ne3A_303 : vector<16xi1>
          %sub3A_305 = arith.constant 1 : i32
          %sub3A_306 = vector.broadcast %sub3A_305 : i32 to vector<16xi32>
          %sub3A_307 = arith.subi %div3A_280, %sub3A_306 : vector<16xi32>
          %select_n3A_308 = arith.select %and3A_304, %sub3A_307, %div3A_280 : vector<16xi1>, vector<16xi32>
          %jit3A_309 = arith.constant 60 : i32
          %div3A_310 = vector.broadcast %jit3A_309 : i32 to vector<16xi32>
          %div3A_311 = arith.divsi %add3A_198, %div3A_310 : vector<16xi32>
          %sign3A_312 = arith.constant 0 : i32
          %sign3A_313 = vector.broadcast %sign3A_312 : i32 to vector<16xi32>
          %sign3A_314 = arith.cmpi sgt, %add3A_198, %sign3A_313 : vector<16xi32>
          %sign3A_315 = arith.extui %sign3A_314 : vector<16xi1> to vector<16xi32>
          %sign3A_316 = arith.constant 0 : i32
          %sign3A_317 = vector.broadcast %sign3A_316 : i32 to vector<16xi32>
          %sign3A_318 = arith.cmpi slt, %add3A_198, %sign3A_317 : vector<16xi32>
          %sign3A_319 = arith.extui %sign3A_318 : vector<16xi1> to vector<16xi32>
          %sign3A_320 = arith.subi %sign3A_315, %sign3A_319 : vector<16xi32>
          %sign3A_321 = arith.constant 0 : i32
          %sign3A_322 = arith.cmpi sgt, %jit3A_309, %sign3A_321 : i32
          %sign3A_323 = arith.extui %sign3A_322 : i1 to i32
          %sign3A_324 = arith.constant 0 : i32
          %sign3A_325 = arith.cmpi slt, %jit3A_309, %sign3A_324 : i32
          %sign3A_326 = arith.extui %sign3A_325 : i1 to i32
          %sign3A_327 = arith.subi %sign3A_323, %sign3A_326 : i32
          %ne3A_328 = vector.broadcast %sign3A_327 : i32 to vector<16xi32>
          %ne3A_329 = arith.cmpi ne, %sign3A_320, %ne3A_328 : vector<16xi32>
          %rem3A_330 = vector.broadcast %jit3A_309 : i32 to vector<16xi32>
          %rem3A_331 = arith.remsi %add3A_198, %rem3A_330 : vector<16xi32>
          %ne3A_332 = arith.constant 0 : i32
          %ne3A_333 = vector.broadcast %ne3A_332 : i32 to vector<16xi32>
          %ne3A_334 = arith.cmpi ne, %rem3A_331, %ne3A_333 : vector<16xi32>
          %and3A_335 = arith.andi %ne3A_329, %ne3A_334 : vector<16xi1>
          %sub3A_336 = arith.constant 1 : i32
          %sub3A_337 = vector.broadcast %sub3A_336 : i32 to vector<16xi32>
          %sub3A_338 = arith.subi %div3A_311, %sub3A_337 : vector<16xi32>
          %select_n3A_339 = arith.select %and3A_335, %sub3A_338, %div3A_311 : vector<16xi1>, vector<16xi32>
          %jit3A_340 = arith.constant 60 : i32
          %div3A_341 = vector.broadcast %jit3A_340 : i32 to vector<16xi32>
          %div3A_342 = arith.divsi %add3A_206, %div3A_341 : vector<16xi32>
          %sign3A_343 = arith.constant 0 : i32
          %sign3A_344 = vector.broadcast %sign3A_343 : i32 to vector<16xi32>
          %sign3A_345 = arith.cmpi sgt, %add3A_206, %sign3A_344 : vector<16xi32>
          %sign3A_346 = arith.extui %sign3A_345 : vector<16xi1> to vector<16xi32>
          %sign3A_347 = arith.constant 0 : i32
          %sign3A_348 = vector.broadcast %sign3A_347 : i32 to vector<16xi32>
          %sign3A_349 = arith.cmpi slt, %add3A_206, %sign3A_348 : vector<16xi32>
          %sign3A_350 = arith.extui %sign3A_349 : vector<16xi1> to vector<16xi32>
          %sign3A_351 = arith.subi %sign3A_346, %sign3A_350 : vector<16xi32>
          %sign3A_352 = arith.constant 0 : i32
          %sign3A_353 = arith.cmpi sgt, %jit3A_340, %sign3A_352 : i32
          %sign3A_354 = arith.extui %sign3A_353 : i1 to i32
          %sign3A_355 = arith.constant 0 : i32
          %sign3A_356 = arith.cmpi slt, %jit3A_340, %sign3A_355 : i32
          %sign3A_357 = arith.extui %sign3A_356 : i1 to i32
          %sign3A_358 = arith.subi %sign3A_354, %sign3A_357 : i32
          %ne3A_359 = vector.broadcast %sign3A_358 : i32 to vector<16xi32>
          %ne3A_360 = arith.cmpi ne, %sign3A_351, %ne3A_359 : vector<16xi32>
          %rem3A_361 = vector.broadcast %jit3A_340 : i32 to vector<16xi32>
          %rem3A_362 = arith.remsi %add3A_206, %rem3A_361 : vector<16xi32>
          %ne3A_363 = arith.constant 0 : i32
          %ne3A_364 = vector.broadcast %ne3A_363 : i32 to vector<16xi32>
          %ne3A_365 = arith.cmpi ne, %rem3A_362, %ne3A_364 : vector<16xi32>
          %and3A_366 = arith.andi %ne3A_360, %ne3A_365 : vector<16xi1>
          %sub3A_367 = arith.constant 1 : i32
          %sub3A_368 = vector.broadcast %sub3A_367 : i32 to vector<16xi32>
          %sub3A_369 = arith.subi %div3A_342, %sub3A_368 : vector<16xi32>
          %select_n3A_370 = arith.select %and3A_366, %sub3A_369, %div3A_342 : vector<16xi1>, vector<16xi32>
          %jit3A_371 = arith.constant 60 : i32
          %div3A_372 = vector.broadcast %jit3A_371 : i32 to vector<16xi32>
          %div3A_373 = arith.divsi %add3A_214, %div3A_372 : vector<16xi32>
          %sign3A_374 = arith.constant 0 : i32
          %sign3A_375 = vector.broadcast %sign3A_374 : i32 to vector<16xi32>
          %sign3A_376 = arith.cmpi sgt, %add3A_214, %sign3A_375 : vector<16xi32>
          %sign3A_377 = arith.extui %sign3A_376 : vector<16xi1> to vector<16xi32>
          %sign3A_378 = arith.constant 0 : i32
          %sign3A_379 = vector.broadcast %sign3A_378 : i32 to vector<16xi32>
          %sign3A_380 = arith.cmpi slt, %add3A_214, %sign3A_379 : vector<16xi32>
          %sign3A_381 = arith.extui %sign3A_380 : vector<16xi1> to vector<16xi32>
          %sign3A_382 = arith.subi %sign3A_377, %sign3A_381 : vector<16xi32>
          %sign3A_383 = arith.constant 0 : i32
          %sign3A_384 = arith.cmpi sgt, %jit3A_371, %sign3A_383 : i32
          %sign3A_385 = arith.extui %sign3A_384 : i1 to i32
          %sign3A_386 = arith.constant 0 : i32
          %sign3A_387 = arith.cmpi slt, %jit3A_371, %sign3A_386 : i32
          %sign3A_388 = arith.extui %sign3A_387 : i1 to i32
          %sign3A_389 = arith.subi %sign3A_385, %sign3A_388 : i32
          %ne3A_390 = vector.broadcast %sign3A_389 : i32 to vector<16xi32>
          %ne3A_391 = arith.cmpi ne, %sign3A_382, %ne3A_390 : vector<16xi32>
          %rem3A_392 = vector.broadcast %jit3A_371 : i32 to vector<16xi32>
          %rem3A_393 = arith.remsi %add3A_214, %rem3A_392 : vector<16xi32>
          %ne3A_394 = arith.constant 0 : i32
          %ne3A_395 = vector.broadcast %ne3A_394 : i32 to vector<16xi32>
          %ne3A_396 = arith.cmpi ne, %rem3A_393, %ne3A_395 : vector<16xi32>
          %and3A_397 = arith.andi %ne3A_391, %ne3A_396 : vector<16xi1>
          %sub3A_398 = arith.constant 1 : i32
          %sub3A_399 = vector.broadcast %sub3A_398 : i32 to vector<16xi32>
          %sub3A_400 = arith.subi %div3A_373, %sub3A_399 : vector<16xi32>
          %select_n3A_401 = arith.select %and3A_397, %sub3A_400, %div3A_373 : vector<16xi1>, vector<16xi32>
          %jit3A_402 = arith.constant 60 : i32
          %div3A_403 = vector.broadcast %jit3A_402 : i32 to vector<16xi32>
          %div3A_404 = arith.divsi %add3A_222, %div3A_403 : vector<16xi32>
          %sign3A_405 = arith.constant 0 : i32
          %sign3A_406 = vector.broadcast %sign3A_405 : i32 to vector<16xi32>
          %sign3A_407 = arith.cmpi sgt, %add3A_222, %sign3A_406 : vector<16xi32>
          %sign3A_408 = arith.extui %sign3A_407 : vector<16xi1> to vector<16xi32>
          %sign3A_409 = arith.constant 0 : i32
          %sign3A_410 = vector.broadcast %sign3A_409 : i32 to vector<16xi32>
          %sign3A_411 = arith.cmpi slt, %add3A_222, %sign3A_410 : vector<16xi32>
          %sign3A_412 = arith.extui %sign3A_411 : vector<16xi1> to vector<16xi32>
          %sign3A_413 = arith.subi %sign3A_408, %sign3A_412 : vector<16xi32>
          %sign3A_414 = arith.constant 0 : i32
          %sign3A_415 = arith.cmpi sgt, %jit3A_402, %sign3A_414 : i32
          %sign3A_416 = arith.extui %sign3A_415 : i1 to i32
          %sign3A_417 = arith.constant 0 : i32
          %sign3A_418 = arith.cmpi slt, %jit3A_402, %sign3A_417 : i32
          %sign3A_419 = arith.extui %sign3A_418 : i1 to i32
          %sign3A_420 = arith.subi %sign3A_416, %sign3A_419 : i32
          %ne3A_421 = vector.broadcast %sign3A_420 : i32 to vector<16xi32>
          %ne3A_422 = arith.cmpi ne, %sign3A_413, %ne3A_421 : vector<16xi32>
          %rem3A_423 = vector.broadcast %jit3A_402 : i32 to vector<16xi32>
          %rem3A_424 = arith.remsi %add3A_222, %rem3A_423 : vector<16xi32>
          %ne3A_425 = arith.constant 0 : i32
          %ne3A_426 = vector.broadcast %ne3A_425 : i32 to vector<16xi32>
          %ne3A_427 = arith.cmpi ne, %rem3A_424, %ne3A_426 : vector<16xi32>
          %and3A_428 = arith.andi %ne3A_422, %ne3A_427 : vector<16xi1>
          %sub3A_429 = arith.constant 1 : i32
          %sub3A_430 = vector.broadcast %sub3A_429 : i32 to vector<16xi32>
          %sub3A_431 = arith.subi %div3A_404, %sub3A_430 : vector<16xi32>
          %select_n3A_432 = arith.select %and3A_428, %sub3A_431, %div3A_404 : vector<16xi1>, vector<16xi32>
          %jit3A_433 = arith.constant 60 : i32
          %div3A_434 = vector.broadcast %jit3A_433 : i32 to vector<16xi32>
          %div3A_435 = arith.divsi %add3A_230, %div3A_434 : vector<16xi32>
          %sign3A_436 = arith.constant 0 : i32
          %sign3A_437 = vector.broadcast %sign3A_436 : i32 to vector<16xi32>
          %sign3A_438 = arith.cmpi sgt, %add3A_230, %sign3A_437 : vector<16xi32>
          %sign3A_439 = arith.extui %sign3A_438 : vector<16xi1> to vector<16xi32>
          %sign3A_440 = arith.constant 0 : i32
          %sign3A_441 = vector.broadcast %sign3A_440 : i32 to vector<16xi32>
          %sign3A_442 = arith.cmpi slt, %add3A_230, %sign3A_441 : vector<16xi32>
          %sign3A_443 = arith.extui %sign3A_442 : vector<16xi1> to vector<16xi32>
          %sign3A_444 = arith.subi %sign3A_439, %sign3A_443 : vector<16xi32>
          %sign3A_445 = arith.constant 0 : i32
          %sign3A_446 = arith.cmpi sgt, %jit3A_433, %sign3A_445 : i32
          %sign3A_447 = arith.extui %sign3A_446 : i1 to i32
          %sign3A_448 = arith.constant 0 : i32
          %sign3A_449 = arith.cmpi slt, %jit3A_433, %sign3A_448 : i32
          %sign3A_450 = arith.extui %sign3A_449 : i1 to i32
          %sign3A_451 = arith.subi %sign3A_447, %sign3A_450 : i32
          %ne3A_452 = vector.broadcast %sign3A_451 : i32 to vector<16xi32>
          %ne3A_453 = arith.cmpi ne, %sign3A_444, %ne3A_452 : vector<16xi32>
          %rem3A_454 = vector.broadcast %jit3A_433 : i32 to vector<16xi32>
          %rem3A_455 = arith.remsi %add3A_230, %rem3A_454 : vector<16xi32>
          %ne3A_456 = arith.constant 0 : i32
          %ne3A_457 = vector.broadcast %ne3A_456 : i32 to vector<16xi32>
          %ne3A_458 = arith.cmpi ne, %rem3A_455, %ne3A_457 : vector<16xi32>
          %and3A_459 = arith.andi %ne3A_453, %ne3A_458 : vector<16xi1>
          %sub3A_460 = arith.constant 1 : i32
          %sub3A_461 = vector.broadcast %sub3A_460 : i32 to vector<16xi32>
          %sub3A_462 = arith.subi %div3A_435, %sub3A_461 : vector<16xi32>
          %select_n3A_463 = arith.select %and3A_459, %sub3A_462, %div3A_435 : vector<16xi1>, vector<16xi32>
          %jit3A_464 = arith.constant 60 : i32
          %div3A_465 = vector.broadcast %jit3A_464 : i32 to vector<16xi32>
          %div3A_466 = arith.divsi %add3A_238, %div3A_465 : vector<16xi32>
          %sign3A_467 = arith.constant 0 : i32
          %sign3A_468 = vector.broadcast %sign3A_467 : i32 to vector<16xi32>
          %sign3A_469 = arith.cmpi sgt, %add3A_238, %sign3A_468 : vector<16xi32>
          %sign3A_470 = arith.extui %sign3A_469 : vector<16xi1> to vector<16xi32>
          %sign3A_471 = arith.constant 0 : i32
          %sign3A_472 = vector.broadcast %sign3A_471 : i32 to vector<16xi32>
          %sign3A_473 = arith.cmpi slt, %add3A_238, %sign3A_472 : vector<16xi32>
          %sign3A_474 = arith.extui %sign3A_473 : vector<16xi1> to vector<16xi32>
          %sign3A_475 = arith.subi %sign3A_470, %sign3A_474 : vector<16xi32>
          %sign3A_476 = arith.constant 0 : i32
          %sign3A_477 = arith.cmpi sgt, %jit3A_464, %sign3A_476 : i32
          %sign3A_478 = arith.extui %sign3A_477 : i1 to i32
          %sign3A_479 = arith.constant 0 : i32
          %sign3A_480 = arith.cmpi slt, %jit3A_464, %sign3A_479 : i32
          %sign3A_481 = arith.extui %sign3A_480 : i1 to i32
          %sign3A_482 = arith.subi %sign3A_478, %sign3A_481 : i32
          %ne3A_483 = vector.broadcast %sign3A_482 : i32 to vector<16xi32>
          %ne3A_484 = arith.cmpi ne, %sign3A_475, %ne3A_483 : vector<16xi32>
          %rem3A_485 = vector.broadcast %jit3A_464 : i32 to vector<16xi32>
          %rem3A_486 = arith.remsi %add3A_238, %rem3A_485 : vector<16xi32>
          %ne3A_487 = arith.constant 0 : i32
          %ne3A_488 = vector.broadcast %ne3A_487 : i32 to vector<16xi32>
          %ne3A_489 = arith.cmpi ne, %rem3A_486, %ne3A_488 : vector<16xi32>
          %and3A_490 = arith.andi %ne3A_484, %ne3A_489 : vector<16xi1>
          %sub3A_491 = arith.constant 1 : i32
          %sub3A_492 = vector.broadcast %sub3A_491 : i32 to vector<16xi32>
          %sub3A_493 = arith.subi %div3A_466, %sub3A_492 : vector<16xi32>
          %select_n3A_494 = arith.select %and3A_490, %sub3A_493, %div3A_466 : vector<16xi1>, vector<16xi32>
          %jit3A_495 = arith.constant 60 : i32
          %div3A_496 = vector.broadcast %jit3A_495 : i32 to vector<16xi32>
          %div3A_497 = arith.divsi %add3A_246, %div3A_496 : vector<16xi32>
          %sign3A_498 = arith.constant 0 : i32
          %sign3A_499 = vector.broadcast %sign3A_498 : i32 to vector<16xi32>
          %sign3A_500 = arith.cmpi sgt, %add3A_246, %sign3A_499 : vector<16xi32>
          %sign3A_501 = arith.extui %sign3A_500 : vector<16xi1> to vector<16xi32>
          %sign3A_502 = arith.constant 0 : i32
          %sign3A_503 = vector.broadcast %sign3A_502 : i32 to vector<16xi32>
          %sign3A_504 = arith.cmpi slt, %add3A_246, %sign3A_503 : vector<16xi32>
          %sign3A_505 = arith.extui %sign3A_504 : vector<16xi1> to vector<16xi32>
          %sign3A_506 = arith.subi %sign3A_501, %sign3A_505 : vector<16xi32>
          %sign3A_507 = arith.constant 0 : i32
          %sign3A_508 = arith.cmpi sgt, %jit3A_495, %sign3A_507 : i32
          %sign3A_509 = arith.extui %sign3A_508 : i1 to i32
          %sign3A_510 = arith.constant 0 : i32
          %sign3A_511 = arith.cmpi slt, %jit3A_495, %sign3A_510 : i32
          %sign3A_512 = arith.extui %sign3A_511 : i1 to i32
          %sign3A_513 = arith.subi %sign3A_509, %sign3A_512 : i32
          %ne3A_514 = vector.broadcast %sign3A_513 : i32 to vector<16xi32>
          %ne3A_515 = arith.cmpi ne, %sign3A_506, %ne3A_514 : vector<16xi32>
          %rem3A_516 = vector.broadcast %jit3A_495 : i32 to vector<16xi32>
          %rem3A_517 = arith.remsi %add3A_246, %rem3A_516 : vector<16xi32>
          %ne3A_518 = arith.constant 0 : i32
          %ne3A_519 = vector.broadcast %ne3A_518 : i32 to vector<16xi32>
          %ne3A_520 = arith.cmpi ne, %rem3A_517, %ne3A_519 : vector<16xi32>
          %and3A_521 = arith.andi %ne3A_515, %ne3A_520 : vector<16xi1>
          %sub3A_522 = arith.constant 1 : i32
          %sub3A_523 = vector.broadcast %sub3A_522 : i32 to vector<16xi32>
          %sub3A_524 = arith.subi %div3A_497, %sub3A_523 : vector<16xi32>
          %select_n3A_525 = arith.select %and3A_521, %sub3A_524, %div3A_497 : vector<16xi1>, vector<16xi32>
          %jit3A_526 = arith.constant 60 : i32
          %div3A_527 = vector.broadcast %jit3A_526 : i32 to vector<16xi32>
          %div3A_528 = arith.divsi %add3A_254, %div3A_527 : vector<16xi32>
          %sign3A_529 = arith.constant 0 : i32
          %sign3A_530 = vector.broadcast %sign3A_529 : i32 to vector<16xi32>
          %sign3A_531 = arith.cmpi sgt, %add3A_254, %sign3A_530 : vector<16xi32>
          %sign3A_532 = arith.extui %sign3A_531 : vector<16xi1> to vector<16xi32>
          %sign3A_533 = arith.constant 0 : i32
          %sign3A_534 = vector.broadcast %sign3A_533 : i32 to vector<16xi32>
          %sign3A_535 = arith.cmpi slt, %add3A_254, %sign3A_534 : vector<16xi32>
          %sign3A_536 = arith.extui %sign3A_535 : vector<16xi1> to vector<16xi32>
          %sign3A_537 = arith.subi %sign3A_532, %sign3A_536 : vector<16xi32>
          %sign3A_538 = arith.constant 0 : i32
          %sign3A_539 = arith.cmpi sgt, %jit3A_526, %sign3A_538 : i32
          %sign3A_540 = arith.extui %sign3A_539 : i1 to i32
          %sign3A_541 = arith.constant 0 : i32
          %sign3A_542 = arith.cmpi slt, %jit3A_526, %sign3A_541 : i32
          %sign3A_543 = arith.extui %sign3A_542 : i1 to i32
          %sign3A_544 = arith.subi %sign3A_540, %sign3A_543 : i32
          %ne3A_545 = vector.broadcast %sign3A_544 : i32 to vector<16xi32>
          %ne3A_546 = arith.cmpi ne, %sign3A_537, %ne3A_545 : vector<16xi32>
          %rem3A_547 = vector.broadcast %jit3A_526 : i32 to vector<16xi32>
          %rem3A_548 = arith.remsi %add3A_254, %rem3A_547 : vector<16xi32>
          %ne3A_549 = arith.constant 0 : i32
          %ne3A_550 = vector.broadcast %ne3A_549 : i32 to vector<16xi32>
          %ne3A_551 = arith.cmpi ne, %rem3A_548, %ne3A_550 : vector<16xi32>
          %and3A_552 = arith.andi %ne3A_546, %ne3A_551 : vector<16xi1>
          %sub3A_553 = arith.constant 1 : i32
          %sub3A_554 = vector.broadcast %sub3A_553 : i32 to vector<16xi32>
          %sub3A_555 = arith.subi %div3A_528, %sub3A_554 : vector<16xi32>
          %select_n3A_556 = arith.select %and3A_552, %sub3A_555, %div3A_528 : vector<16xi1>, vector<16xi32>
          %mul3A_557 = arith.constant 60 : i32
          %mul3A_558 = vector.broadcast %mul3A_557 : i32 to vector<16xi32>
          %mul3A_559 = arith.muli %select_n3A, %mul3A_558 : vector<16xi32>
          %sub3A_560 = arith.subi %add3A_182, %mul3A_559 : vector<16xi32>
          %mul3A_561 = arith.constant 60 : i32
          %mul3A_562 = vector.broadcast %mul3A_561 : i32 to vector<16xi32>
          %mul3A_563 = arith.muli %select_n3A_308, %mul3A_562 : vector<16xi32>
          %sub3A_564 = arith.subi %add3A_190, %mul3A_563 : vector<16xi32>
          %mul3A_565 = arith.constant 60 : i32
          %mul3A_566 = vector.broadcast %mul3A_565 : i32 to vector<16xi32>
          %mul3A_567 = arith.muli %select_n3A_339, %mul3A_566 : vector<16xi32>
          %sub3A_568 = arith.subi %add3A_198, %mul3A_567 : vector<16xi32>
          %mul3A_569 = arith.constant 60 : i32
          %mul3A_570 = vector.broadcast %mul3A_569 : i32 to vector<16xi32>
          %mul3A_571 = arith.muli %select_n3A_370, %mul3A_570 : vector<16xi32>
          %sub3A_572 = arith.subi %add3A_206, %mul3A_571 : vector<16xi32>
          %mul3A_573 = arith.constant 60 : i32
          %mul3A_574 = vector.broadcast %mul3A_573 : i32 to vector<16xi32>
          %mul3A_575 = arith.muli %select_n3A_401, %mul3A_574 : vector<16xi32>
          %sub3A_576 = arith.subi %add3A_214, %mul3A_575 : vector<16xi32>
          %mul3A_577 = arith.constant 60 : i32
          %mul3A_578 = vector.broadcast %mul3A_577 : i32 to vector<16xi32>
          %mul3A_579 = arith.muli %select_n3A_432, %mul3A_578 : vector<16xi32>
          %sub3A_580 = arith.subi %add3A_222, %mul3A_579 : vector<16xi32>
          %mul3A_581 = arith.constant 60 : i32
          %mul3A_582 = vector.broadcast %mul3A_581 : i32 to vector<16xi32>
          %mul3A_583 = arith.muli %select_n3A_463, %mul3A_582 : vector<16xi32>
          %sub3A_584 = arith.subi %add3A_230, %mul3A_583 : vector<16xi32>
          %mul3A_585 = arith.constant 60 : i32
          %mul3A_586 = vector.broadcast %mul3A_585 : i32 to vector<16xi32>
          %mul3A_587 = arith.muli %select_n3A_494, %mul3A_586 : vector<16xi32>
          %sub3A_588 = arith.subi %add3A_238, %mul3A_587 : vector<16xi32>
          %mul3A_589 = arith.constant 60 : i32
          %mul3A_590 = vector.broadcast %mul3A_589 : i32 to vector<16xi32>
          %mul3A_591 = arith.muli %select_n3A_525, %mul3A_590 : vector<16xi32>
          %sub3A_592 = arith.subi %add3A_246, %mul3A_591 : vector<16xi32>
          %mul3A_593 = arith.constant 60 : i32
          %mul3A_594 = vector.broadcast %mul3A_593 : i32 to vector<16xi32>
          %mul3A_595 = arith.muli %select_n3A_556, %mul3A_594 : vector<16xi32>
          %sub3A_596 = arith.subi %add3A_254, %mul3A_595 : vector<16xi32>
          %mul3A_597 = arith.constant 2 : i32
          %mul3A_598 = vector.broadcast %mul3A_597 : i32 to vector<16xi32>
          %mul3A_599 = arith.muli %mul3A_598, %select_n3A : vector<16xi32>
          %mul3A_600 = arith.constant 2 : i32
          %mul3A_601 = vector.broadcast %mul3A_600 : i32 to vector<16xi32>
          %mul3A_602 = arith.muli %mul3A_601, %sub3A_560 : vector<16xi32>
          %gather3A = tpu.vector_load_idx %arg7[%mul3A_599, %mul3A_602] : memref<80x120xf32, #tpu.memory_space<vmem>>[vector<16xi32>, vector<16xi32>], vector<16xf32>,
          %mul3A_603 = arith.constant 2 : i32
          %mul3A_604 = vector.broadcast %mul3A_603 : i32 to vector<16xi32>
          %mul3A_605 = arith.muli %mul3A_604, %select_n3A_308 : vector<16xi32>
          %mul3A_606 = arith.constant 2 : i32
          %mul3A_607 = vector.broadcast %mul3A_606 : i32 to vector<16xi32>
          %mul3A_608 = arith.muli %mul3A_607, %sub3A_564 : vector<16xi32>
          %gather3A_609 = tpu.vector_load_idx %arg7[%mul3A_605, %mul3A_608] : memref<80x120xf32, #tpu.memory_space<vmem>>[vector<16xi32>, vector<16xi32>], vector<16xf32>,
          %mul3A_610 = arith.constant 2 : i32
          %mul3A_611 = vector.broadcast %mul3A_610 : i32 to vector<16xi32>
          %mul3A_612 = arith.muli %mul3A_611, %select_n3A_339 : vector<16xi32>
          %mul3A_613 = arith.constant 2 : i32
          %mul3A_614 = vector.broadcast %mul3A_613 : i32 to vector<16xi32>
          %mul3A_615 = arith.muli %mul3A_614, %sub3A_568 : vector<16xi32>
          %gather3A_616 = tpu.vector_load_idx %arg7[%mul3A_612, %mul3A_615] : memref<80x120xf32, #tpu.memory_space<vmem>>[vector<16xi32>, vector<16xi32>], vector<16xf32>,
          %mul3A_617 = arith.constant 2 : i32
          %mul3A_618 = vector.broadcast %mul3A_617 : i32 to vector<16xi32>
          %mul3A_619 = arith.muli %mul3A_618, %select_n3A_370 : vector<16xi32>
          %mul3A_620 = arith.constant 2 : i32
          %mul3A_621 = vector.broadcast %mul3A_620 : i32 to vector<16xi32>
          %mul3A_622 = arith.muli %mul3A_621, %sub3A_572 : vector<16xi32>
          %gather3A_623 = tpu.vector_load_idx %arg7[%mul3A_619, %mul3A_622] : memref<80x120xf32, #tpu.memory_space<vmem>>[vector<16xi32>, vector<16xi32>], vector<16xf32>,
          %mul3A_624 = arith.constant 2 : i32
          %mul3A_625 = vector.broadcast %mul3A_624 : i32 to vector<16xi32>
          %mul3A_626 = arith.muli %mul3A_625, %select_n3A_401 : vector<16xi32>
          %mul3A_627 = arith.constant 2 : i32
          %mul3A_628 = vector.broadcast %mul3A_627 : i32 to vector<16xi32>
          %mul3A_629 = arith.muli %mul3A_628, %sub3A_576 : vector<16xi32>
          %gather3A_630 = tpu.vector_load_idx %arg7[%mul3A_626, %mul3A_629] : memref<80x120xf32, #tpu.memory_space<vmem>>[vector<16xi32>, vector<16xi32>], vector<16xf32>,
          %mul3A_631 = arith.constant 2 : i32
          %mul3A_632 = vector.broadcast %mul3A_631 : i32 to vector<16xi32>
          %mul3A_633 = arith.muli %mul3A_632, %select_n3A_432 : vector<16xi32>
          %mul3A_634 = arith.constant 2 : i32
          %mul3A_635 = vector.broadcast %mul3A_634 : i32 to vector<16xi32>
          %mul3A_636 = arith.muli %mul3A_635, %sub3A_580 : vector<16xi32>
          %gather3A_637 = tpu.vector_load_idx %arg7[%mul3A_633, %mul3A_636] : memref<80x120xf32, #tpu.memory_space<vmem>>[vector<16xi32>, vector<16xi32>], vector<16xf32>,
          %mul3A_638 = arith.constant 2 : i32
          %mul3A_639 = vector.broadcast %mul3A_638 : i32 to vector<16xi32>
          %mul3A_640 = arith.muli %mul3A_639, %select_n3A_463 : vector<16xi32>
          %mul3A_641 = arith.constant 2 : i32
          %mul3A_642 = vector.broadcast %mul3A_641 : i32 to vector<16xi32>
          %mul3A_643 = arith.muli %mul3A_642, %sub3A_584 : vector<16xi32>
          %gather3A_644 = tpu.vector_load_idx %arg7[%mul3A_640, %mul3A_643] : memref<80x120xf32, #tpu.memory_space<vmem>>[vector<16xi32>, vector<16xi32>], vector<16xf32>,
          %mul3A_645 = arith.constant 2 : i32
          %mul3A_646 = vector.broadcast %mul3A_645 : i32 to vector<16xi32>
          %mul3A_647 = arith.muli %mul3A_646, %select_n3A_494 : vector<16xi32>
          %mul3A_648 = arith.constant 2 : i32
          %mul3A_649 = vector.broadcast %mul3A_648 : i32 to vector<16xi32>
          %mul3A_650 = arith.muli %mul3A_649, %sub3A_588 : vector<16xi32>
          %gather3A_651 = tpu.vector_load_idx %arg7[%mul3A_647, %mul3A_650] : memref<80x120xf32, #tpu.memory_space<vmem>>[vector<16xi32>, vector<16xi32>], vector<16xf32>,
          %mul3A_652 = arith.constant 2 : i32
          %mul3A_653 = vector.broadcast %mul3A_652 : i32 to vector<16xi32>
          %mul3A_654 = arith.muli %mul3A_653, %select_n3A_525 : vector<16xi32>
          %mul3A_655 = arith.constant 2 : i32
          %mul3A_656 = vector.broadcast %mul3A_655 : i32 to vector<16xi32>
          %mul3A_657 = arith.muli %mul3A_656, %sub3A_592 : vector<16xi32>
          %gather3A_658 = tpu.vector_load_idx %arg7[%mul3A_654, %mul3A_657] : memref<80x120xf32, #tpu.memory_space<vmem>>[vector<16xi32>, vector<16xi32>], vector<16xf32>,
          %mul3A_659 = arith.constant 2 : i32
          %mul3A_660 = vector.broadcast %mul3A_659 : i32 to vector<16xi32>
          %mul3A_661 = arith.muli %mul3A_660, %select_n3A_556 : vector<16xi32>
          %mul3A_662 = arith.constant 2 : i32
          %mul3A_663 = vector.broadcast %mul3A_662 : i32 to vector<16xi32>
          %mul3A_664 = arith.muli %mul3A_663, %sub3A_596 : vector<16xi32>
          %gather3A_665 = tpu.vector_load_idx %arg7[%mul3A_661, %mul3A_664] : memref<80x120xf32, #tpu.memory_space<vmem>>[vector<16xi32>, vector<16xi32>], vector<16xf32>,
          %max3A = arith.constant 6.000000e+01 : f32
          %max3A_666 = vector.broadcast %max3A : f32 to vector<16xf32>
          %max3A_667 = arith.maximumf %gather3A, %max3A_666 : vector<16xf32>
          %bitcast3A = vector.bitcast %max3A_667 : vector<16xf32> to vector<16xi32>
          %convert_element_type3A_668 = arith.sitofp %bitcast3A : vector<16xi32> to vector<16xf32>
          %sub3A_669 = arith.subf %convert_element_type3A_668, %get3A_1 : vector<16xf32>
          %mul3A_670 = arith.mulf %sub3A_669, %get3A_3 : vector<16xf32>
          %convert_element_type3A_671 = arith.fptosi %mul3A_670 : vector<16xf32> to vector<16xi32>
          %min3A = arith.constant 4095 : i32
          %min3A_672 = vector.broadcast %min3A : i32 to vector<16xi32>
          %min3A_673 = arith.minsi %convert_element_type3A_671, %min3A_672 : vector<16xi32>
          %gather3A_674 = tpu.vector_load_idx %arg9[%min3A_673] : memref<4096xi32, #tpu.memory_space<vmem>>[vector<16xi32>], vector<16xi32>,
          %max3A_675 = arith.constant 6.000000e+01 : f32
          %max3A_676 = vector.broadcast %max3A_675 : f32 to vector<16xf32>
          %max3A_677 = arith.maximumf %gather3A_609, %max3A_676 : vector<16xf32>
          %bitcast3A_678 = vector.bitcast %max3A_677 : vector<16xf32> to vector<16xi32>
          %convert_element_type3A_679 = arith.sitofp %bitcast3A_678 : vector<16xi32> to vector<16xf32>
          %sub3A_680 = arith.subf %convert_element_type3A_679, %get3A_1 : vector<16xf32>
          %mul3A_681 = arith.mulf %sub3A_680, %get3A_3 : vector<16xf32>
          %convert_element_type3A_682 = arith.fptosi %mul3A_681 : vector<16xf32> to vector<16xi32>
          %min3A_683 = arith.constant 4095 : i32
          %min3A_684 = vector.broadcast %min3A_683 : i32 to vector<16xi32>
          %min3A_685 = arith.minsi %convert_element_type3A_682, %min3A_684 : vector<16xi32>
          %gather3A_686 = tpu.vector_load_idx %arg9[%min3A_685] : memref<4096xi32, #tpu.memory_space<vmem>>[vector<16xi32>], vector<16xi32>,
          %max3A_687 = arith.constant 6.000000e+01 : f32
          %max3A_688 = vector.broadcast %max3A_687 : f32 to vector<16xf32>
          %max3A_689 = arith.maximumf %gather3A_616, %max3A_688 : vector<16xf32>
          %bitcast3A_690 = vector.bitcast %max3A_689 : vector<16xf32> to vector<16xi32>
          %convert_element_type3A_691 = arith.sitofp %bitcast3A_690 : vector<16xi32> to vector<16xf32>
          %sub3A_692 = arith.subf %convert_element_type3A_691, %get3A_1 : vector<16xf32>
          %mul3A_693 = arith.mulf %sub3A_692, %get3A_3 : vector<16xf32>
          %convert_element_type3A_694 = arith.fptosi %mul3A_693 : vector<16xf32> to vector<16xi32>
          %min3A_695 = arith.constant 4095 : i32
          %min3A_696 = vector.broadcast %min3A_695 : i32 to vector<16xi32>
          %min3A_697 = arith.minsi %convert_element_type3A_694, %min3A_696 : vector<16xi32>
          %gather3A_698 = tpu.vector_load_idx %arg9[%min3A_697] : memref<4096xi32, #tpu.memory_space<vmem>>[vector<16xi32>], vector<16xi32>,
          %max3A_699 = arith.constant 6.000000e+01 : f32
          %max3A_700 = vector.broadcast %max3A_699 : f32 to vector<16xf32>
          %max3A_701 = arith.maximumf %gather3A_623, %max3A_700 : vector<16xf32>
          %bitcast3A_702 = vector.bitcast %max3A_701 : vector<16xf32> to vector<16xi32>
          %convert_element_type3A_703 = arith.sitofp %bitcast3A_702 : vector<16xi32> to vector<16xf32>
          %sub3A_704 = arith.subf %convert_element_type3A_703, %get3A_1 : vector<16xf32>
          %mul3A_705 = arith.mulf %sub3A_704, %get3A_3 : vector<16xf32>
          %convert_element_type3A_706 = arith.fptosi %mul3A_705 : vector<16xf32> to vector<16xi32>
          %min3A_707 = arith.constant 4095 : i32
          %min3A_708 = vector.broadcast %min3A_707 : i32 to vector<16xi32>
          %min3A_709 = arith.minsi %convert_element_type3A_706, %min3A_708 : vector<16xi32>
          %gather3A_710 = tpu.vector_load_idx %arg9[%min3A_709] : memref<4096xi32, #tpu.memory_space<vmem>>[vector<16xi32>], vector<16xi32>,
          %max3A_711 = arith.constant 6.000000e+01 : f32
          %max3A_712 = vector.broadcast %max3A_711 : f32 to vector<16xf32>
          %max3A_713 = arith.maximumf %gather3A_630, %max3A_712 : vector<16xf32>
          %bitcast3A_714 = vector.bitcast %max3A_713 : vector<16xf32> to vector<16xi32>
          %convert_element_type3A_715 = arith.sitofp %bitcast3A_714 : vector<16xi32> to vector<16xf32>
          %sub3A_716 = arith.subf %convert_element_type3A_715, %get3A_1 : vector<16xf32>
          %mul3A_717 = arith.mulf %sub3A_716, %get3A_3 : vector<16xf32>
          %convert_element_type3A_718 = arith.fptosi %mul3A_717 : vector<16xf32> to vector<16xi32>
          %min3A_719 = arith.constant 4095 : i32
          %min3A_720 = vector.broadcast %min3A_719 : i32 to vector<16xi32>
          %min3A_721 = arith.minsi %convert_element_type3A_718, %min3A_720 : vector<16xi32>
          %gather3A_722 = tpu.vector_load_idx %arg9[%min3A_721] : memref<4096xi32, #tpu.memory_space<vmem>>[vector<16xi32>], vector<16xi32>,
          %max3A_723 = arith.constant 6.000000e+01 : f32
          %max3A_724 = vector.broadcast %max3A_723 : f32 to vector<16xf32>
          %max3A_725 = arith.maximumf %gather3A_637, %max3A_724 : vector<16xf32>
          %bitcast3A_726 = vector.bitcast %max3A_725 : vector<16xf32> to vector<16xi32>
          %convert_element_type3A_727 = arith.sitofp %bitcast3A_726 : vector<16xi32> to vector<16xf32>
          %sub3A_728 = arith.subf %convert_element_type3A_727, %get3A_1 : vector<16xf32>
          %mul3A_729 = arith.mulf %sub3A_728, %get3A_3 : vector<16xf32>
          %convert_element_type3A_730 = arith.fptosi %mul3A_729 : vector<16xf32> to vector<16xi32>
          %min3A_731 = arith.constant 4095 : i32
          %min3A_732 = vector.broadcast %min3A_731 : i32 to vector<16xi32>
          %min3A_733 = arith.minsi %convert_element_type3A_730, %min3A_732 : vector<16xi32>
          %gather3A_734 = tpu.vector_load_idx %arg9[%min3A_733] : memref<4096xi32, #tpu.memory_space<vmem>>[vector<16xi32>], vector<16xi32>,
          %max3A_735 = arith.constant 6.000000e+01 : f32
          %max3A_736 = vector.broadcast %max3A_735 : f32 to vector<16xf32>
          %max3A_737 = arith.maximumf %gather3A_644, %max3A_736 : vector<16xf32>
          %bitcast3A_738 = vector.bitcast %max3A_737 : vector<16xf32> to vector<16xi32>
          %convert_element_type3A_739 = arith.sitofp %bitcast3A_738 : vector<16xi32> to vector<16xf32>
          %sub3A_740 = arith.subf %convert_element_type3A_739, %get3A_1 : vector<16xf32>
          %mul3A_741 = arith.mulf %sub3A_740, %get3A_3 : vector<16xf32>
          %convert_element_type3A_742 = arith.fptosi %mul3A_741 : vector<16xf32> to vector<16xi32>
          %min3A_743 = arith.constant 4095 : i32
          %min3A_744 = vector.broadcast %min3A_743 : i32 to vector<16xi32>
          %min3A_745 = arith.minsi %convert_element_type3A_742, %min3A_744 : vector<16xi32>
          %gather3A_746 = tpu.vector_load_idx %arg9[%min3A_745] : memref<4096xi32, #tpu.memory_space<vmem>>[vector<16xi32>], vector<16xi32>,
          %max3A_747 = arith.constant 6.000000e+01 : f32
          %max3A_748 = vector.broadcast %max3A_747 : f32 to vector<16xf32>
          %max3A_749 = arith.maximumf %gather3A_651, %max3A_748 : vector<16xf32>
          %bitcast3A_750 = vector.bitcast %max3A_749 : vector<16xf32> to vector<16xi32>
          %convert_element_type3A_751 = arith.sitofp %bitcast3A_750 : vector<16xi32> to vector<16xf32>
          %sub3A_752 = arith.subf %convert_element_type3A_751, %get3A_1 : vector<16xf32>
          %mul3A_753 = arith.mulf %sub3A_752, %get3A_3 : vector<16xf32>
          %convert_element_type3A_754 = arith.fptosi %mul3A_753 : vector<16xf32> to vector<16xi32>
          %min3A_755 = arith.constant 4095 : i32
          %min3A_756 = vector.broadcast %min3A_755 : i32 to vector<16xi32>
          %min3A_757 = arith.minsi %convert_element_type3A_754, %min3A_756 : vector<16xi32>
          %gather3A_758 = tpu.vector_load_idx %arg9[%min3A_757] : memref<4096xi32, #tpu.memory_space<vmem>>[vector<16xi32>], vector<16xi32>,
          %max3A_759 = arith.constant 6.000000e+01 : f32
          %max3A_760 = vector.broadcast %max3A_759 : f32 to vector<16xf32>
          %max3A_761 = arith.maximumf %gather3A_658, %max3A_760 : vector<16xf32>
          %bitcast3A_762 = vector.bitcast %max3A_761 : vector<16xf32> to vector<16xi32>
          %convert_element_type3A_763 = arith.sitofp %bitcast3A_762 : vector<16xi32> to vector<16xf32>
          %sub3A_764 = arith.subf %convert_element_type3A_763, %get3A_1 : vector<16xf32>
          %mul3A_765 = arith.mulf %sub3A_764, %get3A_3 : vector<16xf32>
          %convert_element_type3A_766 = arith.fptosi %mul3A_765 : vector<16xf32> to vector<16xi32>
          %min3A_767 = arith.constant 4095 : i32
          %min3A_768 = vector.broadcast %min3A_767 : i32 to vector<16xi32>
          %min3A_769 = arith.minsi %convert_element_type3A_766, %min3A_768 : vector<16xi32>
          %gather3A_770 = tpu.vector_load_idx %arg9[%min3A_769] : memref<4096xi32, #tpu.memory_space<vmem>>[vector<16xi32>], vector<16xi32>,
          %max3A_771 = arith.constant 6.000000e+01 : f32
          %max3A_772 = vector.broadcast %max3A_771 : f32 to vector<16xf32>
          %max3A_773 = arith.maximumf %gather3A_665, %max3A_772 : vector<16xf32>
          %bitcast3A_774 = vector.bitcast %max3A_773 : vector<16xf32> to vector<16xi32>
          %convert_element_type3A_775 = arith.sitofp %bitcast3A_774 : vector<16xi32> to vector<16xf32>
          %sub3A_776 = arith.subf %convert_element_type3A_775, %get3A_1 : vector<16xf32>
          %mul3A_777 = arith.mulf %sub3A_776, %get3A_3 : vector<16xf32>
          %convert_element_type3A_778 = arith.fptosi %mul3A_777 : vector<16xf32> to vector<16xi32>
          %min3A_779 = arith.constant 4095 : i32
          %min3A_780 = vector.broadcast %min3A_779 : i32 to vector<16xi32>
          %min3A_781 = arith.minsi %convert_element_type3A_778, %min3A_780 : vector<16xi32>
          %gather3A_782 = tpu.vector_load_idx %arg9[%min3A_781] : memref<4096xi32, #tpu.memory_space<vmem>>[vector<16xi32>], vector<16xi32>,
          %convert_element_type3A_783 = arith.sitofp %gather3A_674 : vector<16xi32> to vector<16xf32>
          %mul3A_784 = vector.broadcast %scan3A : f32 to vector<16xf32>
          %mul3A_785 = arith.mulf %convert_element_type3A_783, %mul3A_784 : vector<16xf32>
          tpu.vector_store_idx %arg10[%select_n3A, %sub3A_560], %mul3A_785 : memref<40x60xf32, #tpu.memory_space<vmem>>[vector<16xi32>, vector<16xi32>], vector<16xf32>,
          %convert_element_type3A_786 = arith.sitofp %gather3A_686 : vector<16xi32> to vector<16xf32>
          %mul3A_787 = vector.broadcast %scan3A : f32 to vector<16xf32>
          %mul3A_788 = arith.mulf %convert_element_type3A_786, %mul3A_787 : vector<16xf32>
          tpu.vector_store_idx %arg10[%select_n3A_308, %sub3A_564], %mul3A_788 : memref<40x60xf32, #tpu.memory_space<vmem>>[vector<16xi32>, vector<16xi32>], vector<16xf32>,
          %convert_element_type3A_789 = arith.sitofp %gather3A_698 : vector<16xi32> to vector<16xf32>
          %mul3A_790 = vector.broadcast %scan3A : f32 to vector<16xf32>
          %mul3A_791 = arith.mulf %convert_element_type3A_789, %mul3A_790 : vector<16xf32>
          tpu.vector_store_idx %arg10[%select_n3A_339, %sub3A_568], %mul3A_791 : memref<40x60xf32, #tpu.memory_space<vmem>>[vector<16xi32>, vector<16xi32>], vector<16xf32>,
          %convert_element_type3A_792 = arith.sitofp %gather3A_710 : vector<16xi32> to vector<16xf32>
          %mul3A_793 = vector.broadcast %scan3A : f32 to vector<16xf32>
          %mul3A_794 = arith.mulf %convert_element_type3A_792, %mul3A_793 : vector<16xf32>
          tpu.vector_store_idx %arg10[%select_n3A_370, %sub3A_572], %mul3A_794 : memref<40x60xf32, #tpu.memory_space<vmem>>[vector<16xi32>, vector<16xi32>], vector<16xf32>,
          %convert_element_type3A_795 = arith.sitofp %gather3A_722 : vector<16xi32> to vector<16xf32>
          %mul3A_796 = vector.broadcast %scan3A : f32 to vector<16xf32>
          %mul3A_797 = arith.mulf %convert_element_type3A_795, %mul3A_796 : vector<16xf32>
          tpu.vector_store_idx %arg10[%select_n3A_401, %sub3A_576], %mul3A_797 : memref<40x60xf32, #tpu.memory_space<vmem>>[vector<16xi32>, vector<16xi32>], vector<16xf32>,
          %convert_element_type3A_798 = arith.sitofp %gather3A_734 : vector<16xi32> to vector<16xf32>
          %mul3A_799 = vector.broadcast %scan3A : f32 to vector<16xf32>
          %mul3A_800 = arith.mulf %convert_element_type3A_798, %mul3A_799 : vector<16xf32>
          tpu.vector_store_idx %arg10[%select_n3A_432, %sub3A_580], %mul3A_800 : memref<40x60xf32, #tpu.memory_space<vmem>>[vector<16xi32>, vector<16xi32>], vector<16xf32>,
          %convert_element_type3A_801 = arith.sitofp %gather3A_746 : vector<16xi32> to vector<16xf32>
          %mul3A_802 = vector.broadcast %scan3A : f32 to vector<16xf32>
          %mul3A_803 = arith.mulf %convert_element_type3A_801, %mul3A_802 : vector<16xf32>
          tpu.vector_store_idx %arg10[%select_n3A_463, %sub3A_584], %mul3A_803 : memref<40x60xf32, #tpu.memory_space<vmem>>[vector<16xi32>, vector<16xi32>], vector<16xf32>,
          %convert_element_type3A_804 = arith.sitofp %gather3A_758 : vector<16xi32> to vector<16xf32>
          %mul3A_805 = vector.broadcast %scan3A : f32 to vector<16xf32>
          %mul3A_806 = arith.mulf %convert_element_type3A_804, %mul3A_805 : vector<16xf32>
          tpu.vector_store_idx %arg10[%select_n3A_494, %sub3A_588], %mul3A_806 : memref<40x60xf32, #tpu.memory_space<vmem>>[vector<16xi32>, vector<16xi32>], vector<16xf32>,
          %convert_element_type3A_807 = arith.sitofp %gather3A_770 : vector<16xi32> to vector<16xf32>
          %mul3A_808 = vector.broadcast %scan3A : f32 to vector<16xf32>
          %mul3A_809 = arith.mulf %convert_element_type3A_807, %mul3A_808 : vector<16xf32>
          tpu.vector_store_idx %arg10[%select_n3A_525, %sub3A_592], %mul3A_809 : memref<40x60xf32, #tpu.memory_space<vmem>>[vector<16xi32>, vector<16xi32>], vector<16xf32>,
          %convert_element_type3A_810 = arith.sitofp %gather3A_782 : vector<16xi32> to vector<16xf32>
          %mul3A_811 = vector.broadcast %scan3A : f32 to vector<16xf32>
          %mul3A_812 = arith.mulf %convert_element_type3A_810, %mul3A_811 : vector<16xf32>
          tpu.vector_store_idx %arg10[%select_n3A_556, %sub3A_596], %mul3A_812 : memref<40x60xf32, #tpu.memory_space<vmem>>[vector<16xi32>, vector<16xi32>], vector<16xf32>,
          %scan3A_813 = arith.constant 0 : i32
          scf.yield %scan3A_813 : i32
        }
        %scan3A_162 = arith.constant 15 : i32
        %mul3A_163 = arith.constant 40 : i32
        %mul3A_164 = arith.muli %add3A_155, %mul3A_163 : i32
        "tpu.region"() ({
          %run_scoped3A = tpu.sem_alloc : memref<!tpu.dma_semaphore, #tpu.memory_space<semaphore_mem>>
          %dma_start3A_173 = arith.constant 0 : i32
          %dma_start3A_174 = tpu.memref_slice %arg5[%add3A_23, %mul3A_164, %dma_start3A_173] : memref<64x600x60xf32, #tpu.memory_space<hbm>> -> memref<1x40x60xf32, #tpu.memory_space<hbm>>
          %dma_start3A_175 = tpu.memref_squeeze %dma_start3A_174 : memref<1x40x60xf32, #tpu.memory_space<hbm>> -> memref<40x60xf32, #tpu.memory_space<hbm>>
          %dma_start3A_176 = arith.constant 0 : i32
          %dma_start3A_177 = tpu.memref_slice %arg5[%add3A_23, %mul3A_164, %dma_start3A_176] : memref<64x600x60xf32, #tpu.memory_space<hbm>> -> memref<1x40x60xf32, #tpu.memory_space<hbm>>
          %dma_start3A_178 = tpu.memref_squeeze %dma_start3A_177 : memref<1x40x60xf32, #tpu.memory_space<hbm>> -> memref<40x60xf32, #tpu.memory_space<hbm>>
          tpu.enqueue_dma source(%arg10 : memref<40x60xf32, #tpu.memory_space<vmem>>) target(%dma_start3A_178 : memref<40x60xf32, #tpu.memory_space<hbm>>) target_semaphore(%run_scoped3A : memref<!tpu.dma_semaphore, #tpu.memory_space<semaphore_mem>>)
          %dma_wait3A_179 = arith.constant 0 : i32
          %dma_wait3A_180 = tpu.memref_slice %arg5[%add3A_23, %mul3A_164, %dma_wait3A_179] : memref<64x600x60xf32, #tpu.memory_space<hbm>> -> memref<1x40x60xf32, #tpu.memory_space<hbm>>
          %dma_wait3A_181 = tpu.memref_squeeze %dma_wait3A_180 : memref<1x40x60xf32, #tpu.memory_space<hbm>> -> memref<40x60xf32, #tpu.memory_space<hbm>>
          %dma_wait3A_182 = arith.constant 0 : i32
          %dma_wait3A_183 = tpu.memref_slice %arg5[%add3A_23, %mul3A_164, %dma_wait3A_182] : memref<64x600x60xf32, #tpu.memory_space<hbm>> -> memref<1x40x60xf32, #tpu.memory_space<hbm>>
          %dma_wait3A_184 = tpu.memref_squeeze %dma_wait3A_183 : memref<1x40x60xf32, #tpu.memory_space<hbm>> -> memref<40x60xf32, #tpu.memory_space<hbm>>
          tpu.wait_dma2 semaphore(%run_scoped3A : memref<!tpu.dma_semaphore, #tpu.memory_space<semaphore_mem>>) src(%arg10 : memref<40x60xf32, #tpu.memory_space<vmem>>) dst(%dma_wait3A_184 : memref<40x60xf32, #tpu.memory_space<hbm>>)
          tpu.yield
        }) : () -> ()
        %add3A_165 = arith.constant 3 : i32
        %add3A_166 = arith.addi %mul3A_124, %add3A_165 : i32
        %lt3A_167 = arith.constant 15 : i32
        %lt3A_168 = arith.cmpi slt, %add3A_166, %lt3A_167 : i32
        %convert_element_type3A_169 = arith.extui %lt3A_168 : i1 to i32
        %cond3A_170 = arith.constant 0 : i32
        %cond3A_171 = arith.cmpi ne, %convert_element_type3A_169, %cond3A_170 : i32
        scf.if %cond3A_171 {
          %add3A_173 = arith.constant 3 : i32
          %add3A_174 = arith.addi %mul3A_124, %add3A_173 : i32
          %mul3A_175 = arith.constant 1200 : i32
          %mul3A_176 = arith.muli %add3A_23, %mul3A_175 : i32
          %mul3A_177 = arith.constant 80 : i32
          %mul3A_178 = arith.muli %add3A_174, %mul3A_177 : i32
          %add3A_179 = arith.addi %mul3A_176, %mul3A_178 : i32
          %dma_start3A_180 = tpu.memref_reshape %arg2 : memref<64x1200x120xf32, #tpu.memory_space<hbm>> -> memref<76800x120xf32, #tpu.memory_space<hbm>>
          %dma_start3A_181 = arith.constant 0 : i32
          %dma_start3A_182 = tpu.memref_slice %dma_start3A_180[%add3A_179, %dma_start3A_181] : memref<76800x120xf32, #tpu.memory_space<hbm>> -> memref<80x120xf32, #tpu.memory_space<hbm>>
          %dma_start3A_183 = tpu.memref_reshape %arg2 : memref<64x1200x120xf32, #tpu.memory_space<hbm>> -> memref<76800x120xf32, #tpu.memory_space<hbm>>
          %dma_start3A_184 = arith.constant 0 : i32
          %dma_start3A_185 = tpu.memref_slice %dma_start3A_183[%add3A_179, %dma_start3A_184] : memref<76800x120xf32, #tpu.memory_space<hbm>> -> memref<80x120xf32, #tpu.memory_space<hbm>>
          tpu.enqueue_dma source(%dma_start3A_185 : memref<80x120xf32, #tpu.memory_space<hbm>>) target(%arg7 : memref<80x120xf32, #tpu.memory_space<vmem>>) target_semaphore(%arg14 : memref<!tpu.dma_semaphore, #tpu.memory_space<semaphore_mem>>)
        } else {
        }
        %scan3A_172 = arith.constant 0 : i32
        scf.yield %scan3A_172 : i32
      }
      %scan3A_104 = arith.constant 7 : i32
      %dma_wait3A_105 = tpu.memref_reshape %arg2 : memref<64x1200x120xf32, #tpu.memory_space<hbm>> -> memref<76800x120xf32, #tpu.memory_space<hbm>>
      %dma_wait3A_106 = arith.constant 0 : i32
      %dma_wait3A_107 = arith.constant 0 : i32
      %dma_wait3A_108 = tpu.memref_slice %dma_wait3A_105[%dma_wait3A_106, %dma_wait3A_107] : memref<76800x120xf32, #tpu.memory_space<hbm>> -> memref<80x120xf32, #tpu.memory_space<hbm>>
      %dma_wait3A_109 = tpu.memref_reshape %arg2 : memref<64x1200x120xf32, #tpu.memory_space<hbm>> -> memref<76800x120xf32, #tpu.memory_space<hbm>>
      %dma_wait3A_110 = arith.constant 0 : i32
      %dma_wait3A_111 = arith.constant 0 : i32
      %dma_wait3A_112 = tpu.memref_slice %dma_wait3A_109[%dma_wait3A_110, %dma_wait3A_111] : memref<76800x120xf32, #tpu.memory_space<hbm>> -> memref<80x120xf32, #tpu.memory_space<hbm>>
      tpu.wait_dma2 semaphore(%arg13 : memref<!tpu.dma_semaphore, #tpu.memory_space<semaphore_mem>>) src(%dma_wait3A_112 : memref<80x120xf32, #tpu.memory_space<hbm>>) dst(%arg6 : memref<80x120xf32, #tpu.memory_space<vmem>>)
      %scan3A_113 = arith.constant 0 : i32
      %scan3A_114 = arith.constant 0 : i32
      %scan3A_115 = arith.constant 15 : i32
      %scan3A_116 = arith.addi %scan3A_114, %scan3A_115 : i32
      %scan3A_117 = arith.constant 1 : i32
      %scan3A_118 = scf.for %scan3A_121 = %scan3A_114 to %scan3A_116 step %scan3A_117 iter_args(%scan3A_122 = %scan3A_113) -> (i32)  : i32 {
        %mul3A_123 = arith.constant 10 : i32
        %mul3A_124 = arith.muli %scan3A_121, %mul3A_123 : i32
        %add3A_125 = arith.constant 0 : i32
        %add3A_126 = arith.addi %mul3A_124, %add3A_125 : i32
        %mul3A_127 = arith.constant 16 : i32
        %mul3A_128 = arith.muli %add3A_126, %mul3A_127 : i32
        %add3A_129 = vector.broadcast %mul3A_128 : i32 to vector<16xi32>
        %add3A_130 = arith.addi %add3A_129, %iota3A : vector<16xi32>
        %mul3A_131 = arith.constant 10 : i32
        %mul3A_132 = arith.muli %scan3A_121, %mul3A_131 : i32
        %add3A_133 = arith.constant 1 : i32
        %add3A_134 = arith.addi %mul3A_132, %add3A_133 : i32
        %mul3A_135 = arith.constant 16 : i32
        %mul3A_136 = arith.muli %add3A_134, %mul3A_135 : i32
        %add3A_137 = vector.broadcast %mul3A_136 : i32 to vector<16xi32>
        %add3A_138 = arith.addi %add3A_137, %iota3A : vector<16xi32>
        %mul3A_139 = arith.constant 10 : i32
        %mul3A_140 = arith.muli %scan3A_121, %mul3A_139 : i32
        %add3A_141 = arith.constant 2 : i32
        %add3A_142 = arith.addi %mul3A_140, %add3A_141 : i32
        %mul3A_143 = arith.constant 16 : i32
        %mul3A_144 = arith.muli %add3A_142, %mul3A_143 : i32
        %add3A_145 = vector.broadcast %mul3A_144 : i32 to vector<16xi32>
        %add3A_146 = arith.addi %add3A_145, %iota3A : vector<16xi32>
        %mul3A_147 = arith.constant 10 : i32
        %mul3A_148 = arith.muli %scan3A_121, %mul3A_147 : i32
        %add3A_149 = arith.constant 3 : i32
        %add3A_150 = arith.addi %mul3A_148, %add3A_149 : i32
        %mul3A_151 = arith.constant 16 : i32
        %mul3A_152 = arith.muli %add3A_150, %mul3A_151 : i32
        %add3A_153 = vector.broadcast %mul3A_152 : i32 to vector<16xi32>
        %add3A_154 = arith.addi %add3A_153, %iota3A : vector<16xi32>
        %mul3A_155 = arith.constant 10 : i32
        %mul3A_156 = arith.muli %scan3A_121, %mul3A_155 : i32
        %add3A_157 = arith.constant 4 : i32
        %add3A_158 = arith.addi %mul3A_156, %add3A_157 : i32
        %mul3A_159 = arith.constant 16 : i32
        %mul3A_160 = arith.muli %add3A_158, %mul3A_159 : i32
        %add3A_161 = vector.broadcast %mul3A_160 : i32 to vector<16xi32>
        %add3A_162 = arith.addi %add3A_161, %iota3A : vector<16xi32>
        %mul3A_163 = arith.constant 10 : i32
        %mul3A_164 = arith.muli %scan3A_121, %mul3A_163 : i32
        %add3A_165 = arith.constant 5 : i32
        %add3A_166 = arith.addi %mul3A_164, %add3A_165 : i32
        %mul3A_167 = arith.constant 16 : i32
        %mul3A_168 = arith.muli %add3A_166, %mul3A_167 : i32
        %add3A_169 = vector.broadcast %mul3A_168 : i32 to vector<16xi32>
        %add3A_170 = arith.addi %add3A_169, %iota3A : vector<16xi32>
        %mul3A_171 = arith.constant 10 : i32
        %mul3A_172 = arith.muli %scan3A_121, %mul3A_171 : i32
        %add3A_173 = arith.constant 6 : i32
        %add3A_174 = arith.addi %mul3A_172, %add3A_173 : i32
        %mul3A_175 = arith.constant 16 : i32
        %mul3A_176 = arith.muli %add3A_174, %mul3A_175 : i32
        %add3A_177 = vector.broadcast %mul3A_176 : i32 to vector<16xi32>
        %add3A_178 = arith.addi %add3A_177, %iota3A : vector<16xi32>
        %mul3A_179 = arith.constant 10 : i32
        %mul3A_180 = arith.muli %scan3A_121, %mul3A_179 : i32
        %add3A_181 = arith.constant 7 : i32
        %add3A_182 = arith.addi %mul3A_180, %add3A_181 : i32
        %mul3A_183 = arith.constant 16 : i32
        %mul3A_184 = arith.muli %add3A_182, %mul3A_183 : i32
        %add3A_185 = vector.broadcast %mul3A_184 : i32 to vector<16xi32>
        %add3A_186 = arith.addi %add3A_185, %iota3A : vector<16xi32>
        %mul3A_187 = arith.constant 10 : i32
        %mul3A_188 = arith.muli %scan3A_121, %mul3A_187 : i32
        %add3A_189 = arith.constant 8 : i32
        %add3A_190 = arith.addi %mul3A_188, %add3A_189 : i32
        %mul3A_191 = arith.constant 16 : i32
        %mul3A_192 = arith.muli %add3A_190, %mul3A_191 : i32
        %add3A_193 = vector.broadcast %mul3A_192 : i32 to vector<16xi32>
        %add3A_194 = arith.addi %add3A_193, %iota3A : vector<16xi32>
        %mul3A_195 = arith.constant 10 : i32
        %mul3A_196 = arith.muli %scan3A_121, %mul3A_195 : i32
        %add3A_197 = arith.constant 9 : i32
        %add3A_198 = arith.addi %mul3A_196, %add3A_197 : i32
        %mul3A_199 = arith.constant 16 : i32
        %mul3A_200 = arith.muli %add3A_198, %mul3A_199 : i32
        %add3A_201 = vector.broadcast %mul3A_200 : i32 to vector<16xi32>
        %add3A_202 = arith.addi %add3A_201, %iota3A : vector<16xi32>
        %jit3A = arith.constant 60 : i32
        %div3A = vector.broadcast %jit3A : i32 to vector<16xi32>
        %div3A_203 = arith.divsi %add3A_130, %div3A : vector<16xi32>
        %sign3A = arith.constant 0 : i32
        %sign3A_204 = vector.broadcast %sign3A : i32 to vector<16xi32>
        %sign3A_205 = arith.cmpi sgt, %add3A_130, %sign3A_204 : vector<16xi32>
        %sign3A_206 = arith.extui %sign3A_205 : vector<16xi1> to vector<16xi32>
        %sign3A_207 = arith.constant 0 : i32
        %sign3A_208 = vector.broadcast %sign3A_207 : i32 to vector<16xi32>
        %sign3A_209 = arith.cmpi slt, %add3A_130, %sign3A_208 : vector<16xi32>
        %sign3A_210 = arith.extui %sign3A_209 : vector<16xi1> to vector<16xi32>
        %sign3A_211 = arith.subi %sign3A_206, %sign3A_210 : vector<16xi32>
        %sign3A_212 = arith.constant 0 : i32
        %sign3A_213 = arith.cmpi sgt, %jit3A, %sign3A_212 : i32
        %sign3A_214 = arith.extui %sign3A_213 : i1 to i32
        %sign3A_215 = arith.constant 0 : i32
        %sign3A_216 = arith.cmpi slt, %jit3A, %sign3A_215 : i32
        %sign3A_217 = arith.extui %sign3A_216 : i1 to i32
        %sign3A_218 = arith.subi %sign3A_214, %sign3A_217 : i32
        %ne3A = vector.broadcast %sign3A_218 : i32 to vector<16xi32>
        %ne3A_219 = arith.cmpi ne, %sign3A_211, %ne3A : vector<16xi32>
        %rem3A = vector.broadcast %jit3A : i32 to vector<16xi32>
        %rem3A_220 = arith.remsi %add3A_130, %rem3A : vector<16xi32>
        %ne3A_221 = arith.constant 0 : i32
        %ne3A_222 = vector.broadcast %ne3A_221 : i32 to vector<16xi32>
        %ne3A_223 = arith.cmpi ne, %rem3A_220, %ne3A_222 : vector<16xi32>
        %and3A = arith.andi %ne3A_219, %ne3A_223 : vector<16xi1>
        %sub3A = arith.constant 1 : i32
        %sub3A_224 = vector.broadcast %sub3A : i32 to vector<16xi32>
        %sub3A_225 = arith.subi %div3A_203, %sub3A_224 : vector<16xi32>
        %select_n3A = arith.select %and3A, %sub3A_225, %div3A_203 : vector<16xi1>, vector<16xi32>
        %jit3A_226 = arith.constant 60 : i32
        %div3A_227 = vector.broadcast %jit3A_226 : i32 to vector<16xi32>
        %div3A_228 = arith.divsi %add3A_138, %div3A_227 : vector<16xi32>
        %sign3A_229 = arith.constant 0 : i32
        %sign3A_230 = vector.broadcast %sign3A_229 : i32 to vector<16xi32>
        %sign3A_231 = arith.cmpi sgt, %add3A_138, %sign3A_230 : vector<16xi32>
        %sign3A_232 = arith.extui %sign3A_231 : vector<16xi1> to vector<16xi32>
        %sign3A_233 = arith.constant 0 : i32
        %sign3A_234 = vector.broadcast %sign3A_233 : i32 to vector<16xi32>
        %sign3A_235 = arith.cmpi slt, %add3A_138, %sign3A_234 : vector<16xi32>
        %sign3A_236 = arith.extui %sign3A_235 : vector<16xi1> to vector<16xi32>
        %sign3A_237 = arith.subi %sign3A_232, %sign3A_236 : vector<16xi32>
        %sign3A_238 = arith.constant 0 : i32
        %sign3A_239 = arith.cmpi sgt, %jit3A_226, %sign3A_238 : i32
        %sign3A_240 = arith.extui %sign3A_239 : i1 to i32
        %sign3A_241 = arith.constant 0 : i32
        %sign3A_242 = arith.cmpi slt, %jit3A_226, %sign3A_241 : i32
        %sign3A_243 = arith.extui %sign3A_242 : i1 to i32
        %sign3A_244 = arith.subi %sign3A_240, %sign3A_243 : i32
        %ne3A_245 = vector.broadcast %sign3A_244 : i32 to vector<16xi32>
        %ne3A_246 = arith.cmpi ne, %sign3A_237, %ne3A_245 : vector<16xi32>
        %rem3A_247 = vector.broadcast %jit3A_226 : i32 to vector<16xi32>
        %rem3A_248 = arith.remsi %add3A_138, %rem3A_247 : vector<16xi32>
        %ne3A_249 = arith.constant 0 : i32
        %ne3A_250 = vector.broadcast %ne3A_249 : i32 to vector<16xi32>
        %ne3A_251 = arith.cmpi ne, %rem3A_248, %ne3A_250 : vector<16xi32>
        %and3A_252 = arith.andi %ne3A_246, %ne3A_251 : vector<16xi1>
        %sub3A_253 = arith.constant 1 : i32
        %sub3A_254 = vector.broadcast %sub3A_253 : i32 to vector<16xi32>
        %sub3A_255 = arith.subi %div3A_228, %sub3A_254 : vector<16xi32>
        %select_n3A_256 = arith.select %and3A_252, %sub3A_255, %div3A_228 : vector<16xi1>, vector<16xi32>
        %jit3A_257 = arith.constant 60 : i32
        %div3A_258 = vector.broadcast %jit3A_257 : i32 to vector<16xi32>
        %div3A_259 = arith.divsi %add3A_146, %div3A_258 : vector<16xi32>
        %sign3A_260 = arith.constant 0 : i32
        %sign3A_261 = vector.broadcast %sign3A_260 : i32 to vector<16xi32>
        %sign3A_262 = arith.cmpi sgt, %add3A_146, %sign3A_261 : vector<16xi32>
        %sign3A_263 = arith.extui %sign3A_262 : vector<16xi1> to vector<16xi32>
        %sign3A_264 = arith.constant 0 : i32
        %sign3A_265 = vector.broadcast %sign3A_264 : i32 to vector<16xi32>
        %sign3A_266 = arith.cmpi slt, %add3A_146, %sign3A_265 : vector<16xi32>
        %sign3A_267 = arith.extui %sign3A_266 : vector<16xi1> to vector<16xi32>
        %sign3A_268 = arith.subi %sign3A_263, %sign3A_267 : vector<16xi32>
        %sign3A_269 = arith.constant 0 : i32
        %sign3A_270 = arith.cmpi sgt, %jit3A_257, %sign3A_269 : i32
        %sign3A_271 = arith.extui %sign3A_270 : i1 to i32
        %sign3A_272 = arith.constant 0 : i32
        %sign3A_273 = arith.cmpi slt, %jit3A_257, %sign3A_272 : i32
        %sign3A_274 = arith.extui %sign3A_273 : i1 to i32
        %sign3A_275 = arith.subi %sign3A_271, %sign3A_274 : i32
        %ne3A_276 = vector.broadcast %sign3A_275 : i32 to vector<16xi32>
        %ne3A_277 = arith.cmpi ne, %sign3A_268, %ne3A_276 : vector<16xi32>
        %rem3A_278 = vector.broadcast %jit3A_257 : i32 to vector<16xi32>
        %rem3A_279 = arith.remsi %add3A_146, %rem3A_278 : vector<16xi32>
        %ne3A_280 = arith.constant 0 : i32
        %ne3A_281 = vector.broadcast %ne3A_280 : i32 to vector<16xi32>
        %ne3A_282 = arith.cmpi ne, %rem3A_279, %ne3A_281 : vector<16xi32>
        %and3A_283 = arith.andi %ne3A_277, %ne3A_282 : vector<16xi1>
        %sub3A_284 = arith.constant 1 : i32
        %sub3A_285 = vector.broadcast %sub3A_284 : i32 to vector<16xi32>
        %sub3A_286 = arith.subi %div3A_259, %sub3A_285 : vector<16xi32>
        %select_n3A_287 = arith.select %and3A_283, %sub3A_286, %div3A_259 : vector<16xi1>, vector<16xi32>
        %jit3A_288 = arith.constant 60 : i32
        %div3A_289 = vector.broadcast %jit3A_288 : i32 to vector<16xi32>
        %div3A_290 = arith.divsi %add3A_154, %div3A_289 : vector<16xi32>
        %sign3A_291 = arith.constant 0 : i32
        %sign3A_292 = vector.broadcast %sign3A_291 : i32 to vector<16xi32>
        %sign3A_293 = arith.cmpi sgt, %add3A_154, %sign3A_292 : vector<16xi32>
        %sign3A_294 = arith.extui %sign3A_293 : vector<16xi1> to vector<16xi32>
        %sign3A_295 = arith.constant 0 : i32
        %sign3A_296 = vector.broadcast %sign3A_295 : i32 to vector<16xi32>
        %sign3A_297 = arith.cmpi slt, %add3A_154, %sign3A_296 : vector<16xi32>
        %sign3A_298 = arith.extui %sign3A_297 : vector<16xi1> to vector<16xi32>
        %sign3A_299 = arith.subi %sign3A_294, %sign3A_298 : vector<16xi32>
        %sign3A_300 = arith.constant 0 : i32
        %sign3A_301 = arith.cmpi sgt, %jit3A_288, %sign3A_300 : i32
        %sign3A_302 = arith.extui %sign3A_301 : i1 to i32
        %sign3A_303 = arith.constant 0 : i32
        %sign3A_304 = arith.cmpi slt, %jit3A_288, %sign3A_303 : i32
        %sign3A_305 = arith.extui %sign3A_304 : i1 to i32
        %sign3A_306 = arith.subi %sign3A_302, %sign3A_305 : i32
        %ne3A_307 = vector.broadcast %sign3A_306 : i32 to vector<16xi32>
        %ne3A_308 = arith.cmpi ne, %sign3A_299, %ne3A_307 : vector<16xi32>
        %rem3A_309 = vector.broadcast %jit3A_288 : i32 to vector<16xi32>
        %rem3A_310 = arith.remsi %add3A_154, %rem3A_309 : vector<16xi32>
        %ne3A_311 = arith.constant 0 : i32
        %ne3A_312 = vector.broadcast %ne3A_311 : i32 to vector<16xi32>
        %ne3A_313 = arith.cmpi ne, %rem3A_310, %ne3A_312 : vector<16xi32>
        %and3A_314 = arith.andi %ne3A_308, %ne3A_313 : vector<16xi1>
        %sub3A_315 = arith.constant 1 : i32
        %sub3A_316 = vector.broadcast %sub3A_315 : i32 to vector<16xi32>
        %sub3A_317 = arith.subi %div3A_290, %sub3A_316 : vector<16xi32>
        %select_n3A_318 = arith.select %and3A_314, %sub3A_317, %div3A_290 : vector<16xi1>, vector<16xi32>
        %jit3A_319 = arith.constant 60 : i32
        %div3A_320 = vector.broadcast %jit3A_319 : i32 to vector<16xi32>
        %div3A_321 = arith.divsi %add3A_162, %div3A_320 : vector<16xi32>
        %sign3A_322 = arith.constant 0 : i32
        %sign3A_323 = vector.broadcast %sign3A_322 : i32 to vector<16xi32>
        %sign3A_324 = arith.cmpi sgt, %add3A_162, %sign3A_323 : vector<16xi32>
        %sign3A_325 = arith.extui %sign3A_324 : vector<16xi1> to vector<16xi32>
        %sign3A_326 = arith.constant 0 : i32
        %sign3A_327 = vector.broadcast %sign3A_326 : i32 to vector<16xi32>
        %sign3A_328 = arith.cmpi slt, %add3A_162, %sign3A_327 : vector<16xi32>
        %sign3A_329 = arith.extui %sign3A_328 : vector<16xi1> to vector<16xi32>
        %sign3A_330 = arith.subi %sign3A_325, %sign3A_329 : vector<16xi32>
        %sign3A_331 = arith.constant 0 : i32
        %sign3A_332 = arith.cmpi sgt, %jit3A_319, %sign3A_331 : i32
        %sign3A_333 = arith.extui %sign3A_332 : i1 to i32
        %sign3A_334 = arith.constant 0 : i32
        %sign3A_335 = arith.cmpi slt, %jit3A_319, %sign3A_334 : i32
        %sign3A_336 = arith.extui %sign3A_335 : i1 to i32
        %sign3A_337 = arith.subi %sign3A_333, %sign3A_336 : i32
        %ne3A_338 = vector.broadcast %sign3A_337 : i32 to vector<16xi32>
        %ne3A_339 = arith.cmpi ne, %sign3A_330, %ne3A_338 : vector<16xi32>
        %rem3A_340 = vector.broadcast %jit3A_319 : i32 to vector<16xi32>
        %rem3A_341 = arith.remsi %add3A_162, %rem3A_340 : vector<16xi32>
        %ne3A_342 = arith.constant 0 : i32
        %ne3A_343 = vector.broadcast %ne3A_342 : i32 to vector<16xi32>
        %ne3A_344 = arith.cmpi ne, %rem3A_341, %ne3A_343 : vector<16xi32>
        %and3A_345 = arith.andi %ne3A_339, %ne3A_344 : vector<16xi1>
        %sub3A_346 = arith.constant 1 : i32
        %sub3A_347 = vector.broadcast %sub3A_346 : i32 to vector<16xi32>
        %sub3A_348 = arith.subi %div3A_321, %sub3A_347 : vector<16xi32>
        %select_n3A_349 = arith.select %and3A_345, %sub3A_348, %div3A_321 : vector<16xi1>, vector<16xi32>
        %jit3A_350 = arith.constant 60 : i32
        %div3A_351 = vector.broadcast %jit3A_350 : i32 to vector<16xi32>
        %div3A_352 = arith.divsi %add3A_170, %div3A_351 : vector<16xi32>
        %sign3A_353 = arith.constant 0 : i32
        %sign3A_354 = vector.broadcast %sign3A_353 : i32 to vector<16xi32>
        %sign3A_355 = arith.cmpi sgt, %add3A_170, %sign3A_354 : vector<16xi32>
        %sign3A_356 = arith.extui %sign3A_355 : vector<16xi1> to vector<16xi32>
        %sign3A_357 = arith.constant 0 : i32
        %sign3A_358 = vector.broadcast %sign3A_357 : i32 to vector<16xi32>
        %sign3A_359 = arith.cmpi slt, %add3A_170, %sign3A_358 : vector<16xi32>
        %sign3A_360 = arith.extui %sign3A_359 : vector<16xi1> to vector<16xi32>
        %sign3A_361 = arith.subi %sign3A_356, %sign3A_360 : vector<16xi32>
        %sign3A_362 = arith.constant 0 : i32
        %sign3A_363 = arith.cmpi sgt, %jit3A_350, %sign3A_362 : i32
        %sign3A_364 = arith.extui %sign3A_363 : i1 to i32
        %sign3A_365 = arith.constant 0 : i32
        %sign3A_366 = arith.cmpi slt, %jit3A_350, %sign3A_365 : i32
        %sign3A_367 = arith.extui %sign3A_366 : i1 to i32
        %sign3A_368 = arith.subi %sign3A_364, %sign3A_367 : i32
        %ne3A_369 = vector.broadcast %sign3A_368 : i32 to vector<16xi32>
        %ne3A_370 = arith.cmpi ne, %sign3A_361, %ne3A_369 : vector<16xi32>
        %rem3A_371 = vector.broadcast %jit3A_350 : i32 to vector<16xi32>
        %rem3A_372 = arith.remsi %add3A_170, %rem3A_371 : vector<16xi32>
        %ne3A_373 = arith.constant 0 : i32
        %ne3A_374 = vector.broadcast %ne3A_373 : i32 to vector<16xi32>
        %ne3A_375 = arith.cmpi ne, %rem3A_372, %ne3A_374 : vector<16xi32>
        %and3A_376 = arith.andi %ne3A_370, %ne3A_375 : vector<16xi1>
        %sub3A_377 = arith.constant 1 : i32
        %sub3A_378 = vector.broadcast %sub3A_377 : i32 to vector<16xi32>
        %sub3A_379 = arith.subi %div3A_352, %sub3A_378 : vector<16xi32>
        %select_n3A_380 = arith.select %and3A_376, %sub3A_379, %div3A_352 : vector<16xi1>, vector<16xi32>
        %jit3A_381 = arith.constant 60 : i32
        %div3A_382 = vector.broadcast %jit3A_381 : i32 to vector<16xi32>
        %div3A_383 = arith.divsi %add3A_178, %div3A_382 : vector<16xi32>
        %sign3A_384 = arith.constant 0 : i32
        %sign3A_385 = vector.broadcast %sign3A_384 : i32 to vector<16xi32>
        %sign3A_386 = arith.cmpi sgt, %add3A_178, %sign3A_385 : vector<16xi32>
        %sign3A_387 = arith.extui %sign3A_386 : vector<16xi1> to vector<16xi32>
        %sign3A_388 = arith.constant 0 : i32
        %sign3A_389 = vector.broadcast %sign3A_388 : i32 to vector<16xi32>
        %sign3A_390 = arith.cmpi slt, %add3A_178, %sign3A_389 : vector<16xi32>
        %sign3A_391 = arith.extui %sign3A_390 : vector<16xi1> to vector<16xi32>
        %sign3A_392 = arith.subi %sign3A_387, %sign3A_391 : vector<16xi32>
        %sign3A_393 = arith.constant 0 : i32
        %sign3A_394 = arith.cmpi sgt, %jit3A_381, %sign3A_393 : i32
        %sign3A_395 = arith.extui %sign3A_394 : i1 to i32
        %sign3A_396 = arith.constant 0 : i32
        %sign3A_397 = arith.cmpi slt, %jit3A_381, %sign3A_396 : i32
        %sign3A_398 = arith.extui %sign3A_397 : i1 to i32
        %sign3A_399 = arith.subi %sign3A_395, %sign3A_398 : i32
        %ne3A_400 = vector.broadcast %sign3A_399 : i32 to vector<16xi32>
        %ne3A_401 = arith.cmpi ne, %sign3A_392, %ne3A_400 : vector<16xi32>
        %rem3A_402 = vector.broadcast %jit3A_381 : i32 to vector<16xi32>
        %rem3A_403 = arith.remsi %add3A_178, %rem3A_402 : vector<16xi32>
        %ne3A_404 = arith.constant 0 : i32
        %ne3A_405 = vector.broadcast %ne3A_404 : i32 to vector<16xi32>
        %ne3A_406 = arith.cmpi ne, %rem3A_403, %ne3A_405 : vector<16xi32>
        %and3A_407 = arith.andi %ne3A_401, %ne3A_406 : vector<16xi1>
        %sub3A_408 = arith.constant 1 : i32
        %sub3A_409 = vector.broadcast %sub3A_408 : i32 to vector<16xi32>
        %sub3A_410 = arith.subi %div3A_383, %sub3A_409 : vector<16xi32>
        %select_n3A_411 = arith.select %and3A_407, %sub3A_410, %div3A_383 : vector<16xi1>, vector<16xi32>
        %jit3A_412 = arith.constant 60 : i32
        %div3A_413 = vector.broadcast %jit3A_412 : i32 to vector<16xi32>
        %div3A_414 = arith.divsi %add3A_186, %div3A_413 : vector<16xi32>
        %sign3A_415 = arith.constant 0 : i32
        %sign3A_416 = vector.broadcast %sign3A_415 : i32 to vector<16xi32>
        %sign3A_417 = arith.cmpi sgt, %add3A_186, %sign3A_416 : vector<16xi32>
        %sign3A_418 = arith.extui %sign3A_417 : vector<16xi1> to vector<16xi32>
        %sign3A_419 = arith.constant 0 : i32
        %sign3A_420 = vector.broadcast %sign3A_419 : i32 to vector<16xi32>
        %sign3A_421 = arith.cmpi slt, %add3A_186, %sign3A_420 : vector<16xi32>
        %sign3A_422 = arith.extui %sign3A_421 : vector<16xi1> to vector<16xi32>
        %sign3A_423 = arith.subi %sign3A_418, %sign3A_422 : vector<16xi32>
        %sign3A_424 = arith.constant 0 : i32
        %sign3A_425 = arith.cmpi sgt, %jit3A_412, %sign3A_424 : i32
        %sign3A_426 = arith.extui %sign3A_425 : i1 to i32
        %sign3A_427 = arith.constant 0 : i32
        %sign3A_428 = arith.cmpi slt, %jit3A_412, %sign3A_427 : i32
        %sign3A_429 = arith.extui %sign3A_428 : i1 to i32
        %sign3A_430 = arith.subi %sign3A_426, %sign3A_429 : i32
        %ne3A_431 = vector.broadcast %sign3A_430 : i32 to vector<16xi32>
        %ne3A_432 = arith.cmpi ne, %sign3A_423, %ne3A_431 : vector<16xi32>
        %rem3A_433 = vector.broadcast %jit3A_412 : i32 to vector<16xi32>
        %rem3A_434 = arith.remsi %add3A_186, %rem3A_433 : vector<16xi32>
        %ne3A_435 = arith.constant 0 : i32
        %ne3A_436 = vector.broadcast %ne3A_435 : i32 to vector<16xi32>
        %ne3A_437 = arith.cmpi ne, %rem3A_434, %ne3A_436 : vector<16xi32>
        %and3A_438 = arith.andi %ne3A_432, %ne3A_437 : vector<16xi1>
        %sub3A_439 = arith.constant 1 : i32
        %sub3A_440 = vector.broadcast %sub3A_439 : i32 to vector<16xi32>
        %sub3A_441 = arith.subi %div3A_414, %sub3A_440 : vector<16xi32>
        %select_n3A_442 = arith.select %and3A_438, %sub3A_441, %div3A_414 : vector<16xi1>, vector<16xi32>
        %jit3A_443 = arith.constant 60 : i32
        %div3A_444 = vector.broadcast %jit3A_443 : i32 to vector<16xi32>
        %div3A_445 = arith.divsi %add3A_194, %div3A_444 : vector<16xi32>
        %sign3A_446 = arith.constant 0 : i32
        %sign3A_447 = vector.broadcast %sign3A_446 : i32 to vector<16xi32>
        %sign3A_448 = arith.cmpi sgt, %add3A_194, %sign3A_447 : vector<16xi32>
        %sign3A_449 = arith.extui %sign3A_448 : vector<16xi1> to vector<16xi32>
        %sign3A_450 = arith.constant 0 : i32
        %sign3A_451 = vector.broadcast %sign3A_450 : i32 to vector<16xi32>
        %sign3A_452 = arith.cmpi slt, %add3A_194, %sign3A_451 : vector<16xi32>
        %sign3A_453 = arith.extui %sign3A_452 : vector<16xi1> to vector<16xi32>
        %sign3A_454 = arith.subi %sign3A_449, %sign3A_453 : vector<16xi32>
        %sign3A_455 = arith.constant 0 : i32
        %sign3A_456 = arith.cmpi sgt, %jit3A_443, %sign3A_455 : i32
        %sign3A_457 = arith.extui %sign3A_456 : i1 to i32
        %sign3A_458 = arith.constant 0 : i32
        %sign3A_459 = arith.cmpi slt, %jit3A_443, %sign3A_458 : i32
        %sign3A_460 = arith.extui %sign3A_459 : i1 to i32
        %sign3A_461 = arith.subi %sign3A_457, %sign3A_460 : i32
        %ne3A_462 = vector.broadcast %sign3A_461 : i32 to vector<16xi32>
        %ne3A_463 = arith.cmpi ne, %sign3A_454, %ne3A_462 : vector<16xi32>
        %rem3A_464 = vector.broadcast %jit3A_443 : i32 to vector<16xi32>
        %rem3A_465 = arith.remsi %add3A_194, %rem3A_464 : vector<16xi32>
        %ne3A_466 = arith.constant 0 : i32
        %ne3A_467 = vector.broadcast %ne3A_466 : i32 to vector<16xi32>
        %ne3A_468 = arith.cmpi ne, %rem3A_465, %ne3A_467 : vector<16xi32>
        %and3A_469 = arith.andi %ne3A_463, %ne3A_468 : vector<16xi1>
        %sub3A_470 = arith.constant 1 : i32
        %sub3A_471 = vector.broadcast %sub3A_470 : i32 to vector<16xi32>
        %sub3A_472 = arith.subi %div3A_445, %sub3A_471 : vector<16xi32>
        %select_n3A_473 = arith.select %and3A_469, %sub3A_472, %div3A_445 : vector<16xi1>, vector<16xi32>
        %jit3A_474 = arith.constant 60 : i32
        %div3A_475 = vector.broadcast %jit3A_474 : i32 to vector<16xi32>
        %div3A_476 = arith.divsi %add3A_202, %div3A_475 : vector<16xi32>
        %sign3A_477 = arith.constant 0 : i32
        %sign3A_478 = vector.broadcast %sign3A_477 : i32 to vector<16xi32>
        %sign3A_479 = arith.cmpi sgt, %add3A_202, %sign3A_478 : vector<16xi32>
        %sign3A_480 = arith.extui %sign3A_479 : vector<16xi1> to vector<16xi32>
        %sign3A_481 = arith.constant 0 : i32
        %sign3A_482 = vector.broadcast %sign3A_481 : i32 to vector<16xi32>
        %sign3A_483 = arith.cmpi slt, %add3A_202, %sign3A_482 : vector<16xi32>
        %sign3A_484 = arith.extui %sign3A_483 : vector<16xi1> to vector<16xi32>
        %sign3A_485 = arith.subi %sign3A_480, %sign3A_484 : vector<16xi32>
        %sign3A_486 = arith.constant 0 : i32
        %sign3A_487 = arith.cmpi sgt, %jit3A_474, %sign3A_486 : i32
        %sign3A_488 = arith.extui %sign3A_487 : i1 to i32
        %sign3A_489 = arith.constant 0 : i32
        %sign3A_490 = arith.cmpi slt, %jit3A_474, %sign3A_489 : i32
        %sign3A_491 = arith.extui %sign3A_490 : i1 to i32
        %sign3A_492 = arith.subi %sign3A_488, %sign3A_491 : i32
        %ne3A_493 = vector.broadcast %sign3A_492 : i32 to vector<16xi32>
        %ne3A_494 = arith.cmpi ne, %sign3A_485, %ne3A_493 : vector<16xi32>
        %rem3A_495 = vector.broadcast %jit3A_474 : i32 to vector<16xi32>
        %rem3A_496 = arith.remsi %add3A_202, %rem3A_495 : vector<16xi32>
        %ne3A_497 = arith.constant 0 : i32
        %ne3A_498 = vector.broadcast %ne3A_497 : i32 to vector<16xi32>
        %ne3A_499 = arith.cmpi ne, %rem3A_496, %ne3A_498 : vector<16xi32>
        %and3A_500 = arith.andi %ne3A_494, %ne3A_499 : vector<16xi1>
        %sub3A_501 = arith.constant 1 : i32
        %sub3A_502 = vector.broadcast %sub3A_501 : i32 to vector<16xi32>
        %sub3A_503 = arith.subi %div3A_476, %sub3A_502 : vector<16xi32>
        %select_n3A_504 = arith.select %and3A_500, %sub3A_503, %div3A_476 : vector<16xi1>, vector<16xi32>
        %mul3A_505 = arith.constant 60 : i32
        %mul3A_506 = vector.broadcast %mul3A_505 : i32 to vector<16xi32>
        %mul3A_507 = arith.muli %select_n3A, %mul3A_506 : vector<16xi32>
        %sub3A_508 = arith.subi %add3A_130, %mul3A_507 : vector<16xi32>
        %mul3A_509 = arith.constant 60 : i32
        %mul3A_510 = vector.broadcast %mul3A_509 : i32 to vector<16xi32>
        %mul3A_511 = arith.muli %select_n3A_256, %mul3A_510 : vector<16xi32>
        %sub3A_512 = arith.subi %add3A_138, %mul3A_511 : vector<16xi32>
        %mul3A_513 = arith.constant 60 : i32
        %mul3A_514 = vector.broadcast %mul3A_513 : i32 to vector<16xi32>
        %mul3A_515 = arith.muli %select_n3A_287, %mul3A_514 : vector<16xi32>
        %sub3A_516 = arith.subi %add3A_146, %mul3A_515 : vector<16xi32>
        %mul3A_517 = arith.constant 60 : i32
        %mul3A_518 = vector.broadcast %mul3A_517 : i32 to vector<16xi32>
        %mul3A_519 = arith.muli %select_n3A_318, %mul3A_518 : vector<16xi32>
        %sub3A_520 = arith.subi %add3A_154, %mul3A_519 : vector<16xi32>
        %mul3A_521 = arith.constant 60 : i32
        %mul3A_522 = vector.broadcast %mul3A_521 : i32 to vector<16xi32>
        %mul3A_523 = arith.muli %select_n3A_349, %mul3A_522 : vector<16xi32>
        %sub3A_524 = arith.subi %add3A_162, %mul3A_523 : vector<16xi32>
        %mul3A_525 = arith.constant 60 : i32
        %mul3A_526 = vector.broadcast %mul3A_525 : i32 to vector<16xi32>
        %mul3A_527 = arith.muli %select_n3A_380, %mul3A_526 : vector<16xi32>
        %sub3A_528 = arith.subi %add3A_170, %mul3A_527 : vector<16xi32>
        %mul3A_529 = arith.constant 60 : i32
        %mul3A_530 = vector.broadcast %mul3A_529 : i32 to vector<16xi32>
        %mul3A_531 = arith.muli %select_n3A_411, %mul3A_530 : vector<16xi32>
        %sub3A_532 = arith.subi %add3A_178, %mul3A_531 : vector<16xi32>
        %mul3A_533 = arith.constant 60 : i32
        %mul3A_534 = vector.broadcast %mul3A_533 : i32 to vector<16xi32>
        %mul3A_535 = arith.muli %select_n3A_442, %mul3A_534 : vector<16xi32>
        %sub3A_536 = arith.subi %add3A_186, %mul3A_535 : vector<16xi32>
        %mul3A_537 = arith.constant 60 : i32
        %mul3A_538 = vector.broadcast %mul3A_537 : i32 to vector<16xi32>
        %mul3A_539 = arith.muli %select_n3A_473, %mul3A_538 : vector<16xi32>
        %sub3A_540 = arith.subi %add3A_194, %mul3A_539 : vector<16xi32>
        %mul3A_541 = arith.constant 60 : i32
        %mul3A_542 = vector.broadcast %mul3A_541 : i32 to vector<16xi32>
        %mul3A_543 = arith.muli %select_n3A_504, %mul3A_542 : vector<16xi32>
        %sub3A_544 = arith.subi %add3A_202, %mul3A_543 : vector<16xi32>
        %mul3A_545 = arith.constant 2 : i32
        %mul3A_546 = vector.broadcast %mul3A_545 : i32 to vector<16xi32>
        %mul3A_547 = arith.muli %mul3A_546, %select_n3A : vector<16xi32>
        %mul3A_548 = arith.constant 2 : i32
        %mul3A_549 = vector.broadcast %mul3A_548 : i32 to vector<16xi32>
        %mul3A_550 = arith.muli %mul3A_549, %sub3A_508 : vector<16xi32>
        %gather3A = tpu.vector_load_idx %arg6[%mul3A_547, %mul3A_550] : memref<80x120xf32, #tpu.memory_space<vmem>>[vector<16xi32>, vector<16xi32>], vector<16xf32>,
        %mul3A_551 = arith.constant 2 : i32
        %mul3A_552 = vector.broadcast %mul3A_551 : i32 to vector<16xi32>
        %mul3A_553 = arith.muli %mul3A_552, %select_n3A_256 : vector<16xi32>
        %mul3A_554 = arith.constant 2 : i32
        %mul3A_555 = vector.broadcast %mul3A_554 : i32 to vector<16xi32>
        %mul3A_556 = arith.muli %mul3A_555, %sub3A_512 : vector<16xi32>
        %gather3A_557 = tpu.vector_load_idx %arg6[%mul3A_553, %mul3A_556] : memref<80x120xf32, #tpu.memory_space<vmem>>[vector<16xi32>, vector<16xi32>], vector<16xf32>,
        %mul3A_558 = arith.constant 2 : i32
        %mul3A_559 = vector.broadcast %mul3A_558 : i32 to vector<16xi32>
        %mul3A_560 = arith.muli %mul3A_559, %select_n3A_287 : vector<16xi32>
        %mul3A_561 = arith.constant 2 : i32
        %mul3A_562 = vector.broadcast %mul3A_561 : i32 to vector<16xi32>
        %mul3A_563 = arith.muli %mul3A_562, %sub3A_516 : vector<16xi32>
        %gather3A_564 = tpu.vector_load_idx %arg6[%mul3A_560, %mul3A_563] : memref<80x120xf32, #tpu.memory_space<vmem>>[vector<16xi32>, vector<16xi32>], vector<16xf32>,
        %mul3A_565 = arith.constant 2 : i32
        %mul3A_566 = vector.broadcast %mul3A_565 : i32 to vector<16xi32>
        %mul3A_567 = arith.muli %mul3A_566, %select_n3A_318 : vector<16xi32>
        %mul3A_568 = arith.constant 2 : i32
        %mul3A_569 = vector.broadcast %mul3A_568 : i32 to vector<16xi32>
        %mul3A_570 = arith.muli %mul3A_569, %sub3A_520 : vector<16xi32>
        %gather3A_571 = tpu.vector_load_idx %arg6[%mul3A_567, %mul3A_570] : memref<80x120xf32, #tpu.memory_space<vmem>>[vector<16xi32>, vector<16xi32>], vector<16xf32>,
        %mul3A_572 = arith.constant 2 : i32
        %mul3A_573 = vector.broadcast %mul3A_572 : i32 to vector<16xi32>
        %mul3A_574 = arith.muli %mul3A_573, %select_n3A_349 : vector<16xi32>
        %mul3A_575 = arith.constant 2 : i32
        %mul3A_576 = vector.broadcast %mul3A_575 : i32 to vector<16xi32>
        %mul3A_577 = arith.muli %mul3A_576, %sub3A_524 : vector<16xi32>
        %gather3A_578 = tpu.vector_load_idx %arg6[%mul3A_574, %mul3A_577] : memref<80x120xf32, #tpu.memory_space<vmem>>[vector<16xi32>, vector<16xi32>], vector<16xf32>,
        %mul3A_579 = arith.constant 2 : i32
        %mul3A_580 = vector.broadcast %mul3A_579 : i32 to vector<16xi32>
        %mul3A_581 = arith.muli %mul3A_580, %select_n3A_380 : vector<16xi32>
        %mul3A_582 = arith.constant 2 : i32
        %mul3A_583 = vector.broadcast %mul3A_582 : i32 to vector<16xi32>
        %mul3A_584 = arith.muli %mul3A_583, %sub3A_528 : vector<16xi32>
        %gather3A_585 = tpu.vector_load_idx %arg6[%mul3A_581, %mul3A_584] : memref<80x120xf32, #tpu.memory_space<vmem>>[vector<16xi32>, vector<16xi32>], vector<16xf32>,
        %mul3A_586 = arith.constant 2 : i32
        %mul3A_587 = vector.broadcast %mul3A_586 : i32 to vector<16xi32>
        %mul3A_588 = arith.muli %mul3A_587, %select_n3A_411 : vector<16xi32>
        %mul3A_589 = arith.constant 2 : i32
        %mul3A_590 = vector.broadcast %mul3A_589 : i32 to vector<16xi32>
        %mul3A_591 = arith.muli %mul3A_590, %sub3A_532 : vector<16xi32>
        %gather3A_592 = tpu.vector_load_idx %arg6[%mul3A_588, %mul3A_591] : memref<80x120xf32, #tpu.memory_space<vmem>>[vector<16xi32>, vector<16xi32>], vector<16xf32>,
        %mul3A_593 = arith.constant 2 : i32
        %mul3A_594 = vector.broadcast %mul3A_593 : i32 to vector<16xi32>
        %mul3A_595 = arith.muli %mul3A_594, %select_n3A_442 : vector<16xi32>
        %mul3A_596 = arith.constant 2 : i32
        %mul3A_597 = vector.broadcast %mul3A_596 : i32 to vector<16xi32>
        %mul3A_598 = arith.muli %mul3A_597, %sub3A_536 : vector<16xi32>
        %gather3A_599 = tpu.vector_load_idx %arg6[%mul3A_595, %mul3A_598] : memref<80x120xf32, #tpu.memory_space<vmem>>[vector<16xi32>, vector<16xi32>], vector<16xf32>,
        %mul3A_600 = arith.constant 2 : i32
        %mul3A_601 = vector.broadcast %mul3A_600 : i32 to vector<16xi32>
        %mul3A_602 = arith.muli %mul3A_601, %select_n3A_473 : vector<16xi32>
        %mul3A_603 = arith.constant 2 : i32
        %mul3A_604 = vector.broadcast %mul3A_603 : i32 to vector<16xi32>
        %mul3A_605 = arith.muli %mul3A_604, %sub3A_540 : vector<16xi32>
        %gather3A_606 = tpu.vector_load_idx %arg6[%mul3A_602, %mul3A_605] : memref<80x120xf32, #tpu.memory_space<vmem>>[vector<16xi32>, vector<16xi32>], vector<16xf32>,
        %mul3A_607 = arith.constant 2 : i32
        %mul3A_608 = vector.broadcast %mul3A_607 : i32 to vector<16xi32>
        %mul3A_609 = arith.muli %mul3A_608, %select_n3A_504 : vector<16xi32>
        %mul3A_610 = arith.constant 2 : i32
        %mul3A_611 = vector.broadcast %mul3A_610 : i32 to vector<16xi32>
        %mul3A_612 = arith.muli %mul3A_611, %sub3A_544 : vector<16xi32>
        %gather3A_613 = tpu.vector_load_idx %arg6[%mul3A_609, %mul3A_612] : memref<80x120xf32, #tpu.memory_space<vmem>>[vector<16xi32>, vector<16xi32>], vector<16xf32>,
        %max3A = arith.constant 6.000000e+01 : f32
        %max3A_614 = vector.broadcast %max3A : f32 to vector<16xf32>
        %max3A_615 = arith.maximumf %gather3A, %max3A_614 : vector<16xf32>
        %bitcast3A = vector.bitcast %max3A_615 : vector<16xf32> to vector<16xi32>
        %convert_element_type3A = arith.sitofp %bitcast3A : vector<16xi32> to vector<16xf32>
        %sub3A_616 = arith.subf %convert_element_type3A, %get3A_1 : vector<16xf32>
        %mul3A_617 = arith.mulf %sub3A_616, %get3A_3 : vector<16xf32>
        %convert_element_type3A_618 = arith.fptosi %mul3A_617 : vector<16xf32> to vector<16xi32>
        %min3A = arith.constant 4095 : i32
        %min3A_619 = vector.broadcast %min3A : i32 to vector<16xi32>
        %min3A_620 = arith.minsi %convert_element_type3A_618, %min3A_619 : vector<16xi32>
        %gather3A_621 = tpu.vector_load_idx %arg9[%min3A_620] : memref<4096xi32, #tpu.memory_space<vmem>>[vector<16xi32>], vector<16xi32>,
        %max3A_622 = arith.constant 6.000000e+01 : f32
        %max3A_623 = vector.broadcast %max3A_622 : f32 to vector<16xf32>
        %max3A_624 = arith.maximumf %gather3A_557, %max3A_623 : vector<16xf32>
        %bitcast3A_625 = vector.bitcast %max3A_624 : vector<16xf32> to vector<16xi32>
        %convert_element_type3A_626 = arith.sitofp %bitcast3A_625 : vector<16xi32> to vector<16xf32>
        %sub3A_627 = arith.subf %convert_element_type3A_626, %get3A_1 : vector<16xf32>
        %mul3A_628 = arith.mulf %sub3A_627, %get3A_3 : vector<16xf32>
        %convert_element_type3A_629 = arith.fptosi %mul3A_628 : vector<16xf32> to vector<16xi32>
        %min3A_630 = arith.constant 4095 : i32
        %min3A_631 = vector.broadcast %min3A_630 : i32 to vector<16xi32>
        %min3A_632 = arith.minsi %convert_element_type3A_629, %min3A_631 : vector<16xi32>
        %gather3A_633 = tpu.vector_load_idx %arg9[%min3A_632] : memref<4096xi32, #tpu.memory_space<vmem>>[vector<16xi32>], vector<16xi32>,
        %max3A_634 = arith.constant 6.000000e+01 : f32
        %max3A_635 = vector.broadcast %max3A_634 : f32 to vector<16xf32>
        %max3A_636 = arith.maximumf %gather3A_564, %max3A_635 : vector<16xf32>
        %bitcast3A_637 = vector.bitcast %max3A_636 : vector<16xf32> to vector<16xi32>
        %convert_element_type3A_638 = arith.sitofp %bitcast3A_637 : vector<16xi32> to vector<16xf32>
        %sub3A_639 = arith.subf %convert_element_type3A_638, %get3A_1 : vector<16xf32>
        %mul3A_640 = arith.mulf %sub3A_639, %get3A_3 : vector<16xf32>
        %convert_element_type3A_641 = arith.fptosi %mul3A_640 : vector<16xf32> to vector<16xi32>
        %min3A_642 = arith.constant 4095 : i32
        %min3A_643 = vector.broadcast %min3A_642 : i32 to vector<16xi32>
        %min3A_644 = arith.minsi %convert_element_type3A_641, %min3A_643 : vector<16xi32>
        %gather3A_645 = tpu.vector_load_idx %arg9[%min3A_644] : memref<4096xi32, #tpu.memory_space<vmem>>[vector<16xi32>], vector<16xi32>,
        %max3A_646 = arith.constant 6.000000e+01 : f32
        %max3A_647 = vector.broadcast %max3A_646 : f32 to vector<16xf32>
        %max3A_648 = arith.maximumf %gather3A_571, %max3A_647 : vector<16xf32>
        %bitcast3A_649 = vector.bitcast %max3A_648 : vector<16xf32> to vector<16xi32>
        %convert_element_type3A_650 = arith.sitofp %bitcast3A_649 : vector<16xi32> to vector<16xf32>
        %sub3A_651 = arith.subf %convert_element_type3A_650, %get3A_1 : vector<16xf32>
        %mul3A_652 = arith.mulf %sub3A_651, %get3A_3 : vector<16xf32>
        %convert_element_type3A_653 = arith.fptosi %mul3A_652 : vector<16xf32> to vector<16xi32>
        %min3A_654 = arith.constant 4095 : i32
        %min3A_655 = vector.broadcast %min3A_654 : i32 to vector<16xi32>
        %min3A_656 = arith.minsi %convert_element_type3A_653, %min3A_655 : vector<16xi32>
        %gather3A_657 = tpu.vector_load_idx %arg9[%min3A_656] : memref<4096xi32, #tpu.memory_space<vmem>>[vector<16xi32>], vector<16xi32>,
        %max3A_658 = arith.constant 6.000000e+01 : f32
        %max3A_659 = vector.broadcast %max3A_658 : f32 to vector<16xf32>
        %max3A_660 = arith.maximumf %gather3A_578, %max3A_659 : vector<16xf32>
        %bitcast3A_661 = vector.bitcast %max3A_660 : vector<16xf32> to vector<16xi32>
        %convert_element_type3A_662 = arith.sitofp %bitcast3A_661 : vector<16xi32> to vector<16xf32>
        %sub3A_663 = arith.subf %convert_element_type3A_662, %get3A_1 : vector<16xf32>
        %mul3A_664 = arith.mulf %sub3A_663, %get3A_3 : vector<16xf32>
        %convert_element_type3A_665 = arith.fptosi %mul3A_664 : vector<16xf32> to vector<16xi32>
        %min3A_666 = arith.constant 4095 : i32
        %min3A_667 = vector.broadcast %min3A_666 : i32 to vector<16xi32>
        %min3A_668 = arith.minsi %convert_element_type3A_665, %min3A_667 : vector<16xi32>
        %gather3A_669 = tpu.vector_load_idx %arg9[%min3A_668] : memref<4096xi32, #tpu.memory_space<vmem>>[vector<16xi32>], vector<16xi32>,
        %max3A_670 = arith.constant 6.000000e+01 : f32
        %max3A_671 = vector.broadcast %max3A_670 : f32 to vector<16xf32>
        %max3A_672 = arith.maximumf %gather3A_585, %max3A_671 : vector<16xf32>
        %bitcast3A_673 = vector.bitcast %max3A_672 : vector<16xf32> to vector<16xi32>
        %convert_element_type3A_674 = arith.sitofp %bitcast3A_673 : vector<16xi32> to vector<16xf32>
        %sub3A_675 = arith.subf %convert_element_type3A_674, %get3A_1 : vector<16xf32>
        %mul3A_676 = arith.mulf %sub3A_675, %get3A_3 : vector<16xf32>
        %convert_element_type3A_677 = arith.fptosi %mul3A_676 : vector<16xf32> to vector<16xi32>
        %min3A_678 = arith.constant 4095 : i32
        %min3A_679 = vector.broadcast %min3A_678 : i32 to vector<16xi32>
        %min3A_680 = arith.minsi %convert_element_type3A_677, %min3A_679 : vector<16xi32>
        %gather3A_681 = tpu.vector_load_idx %arg9[%min3A_680] : memref<4096xi32, #tpu.memory_space<vmem>>[vector<16xi32>], vector<16xi32>,
        %max3A_682 = arith.constant 6.000000e+01 : f32
        %max3A_683 = vector.broadcast %max3A_682 : f32 to vector<16xf32>
        %max3A_684 = arith.maximumf %gather3A_592, %max3A_683 : vector<16xf32>
        %bitcast3A_685 = vector.bitcast %max3A_684 : vector<16xf32> to vector<16xi32>
        %convert_element_type3A_686 = arith.sitofp %bitcast3A_685 : vector<16xi32> to vector<16xf32>
        %sub3A_687 = arith.subf %convert_element_type3A_686, %get3A_1 : vector<16xf32>
        %mul3A_688 = arith.mulf %sub3A_687, %get3A_3 : vector<16xf32>
        %convert_element_type3A_689 = arith.fptosi %mul3A_688 : vector<16xf32> to vector<16xi32>
        %min3A_690 = arith.constant 4095 : i32
        %min3A_691 = vector.broadcast %min3A_690 : i32 to vector<16xi32>
        %min3A_692 = arith.minsi %convert_element_type3A_689, %min3A_691 : vector<16xi32>
        %gather3A_693 = tpu.vector_load_idx %arg9[%min3A_692] : memref<4096xi32, #tpu.memory_space<vmem>>[vector<16xi32>], vector<16xi32>,
        %max3A_694 = arith.constant 6.000000e+01 : f32
        %max3A_695 = vector.broadcast %max3A_694 : f32 to vector<16xf32>
        %max3A_696 = arith.maximumf %gather3A_599, %max3A_695 : vector<16xf32>
        %bitcast3A_697 = vector.bitcast %max3A_696 : vector<16xf32> to vector<16xi32>
        %convert_element_type3A_698 = arith.sitofp %bitcast3A_697 : vector<16xi32> to vector<16xf32>
        %sub3A_699 = arith.subf %convert_element_type3A_698, %get3A_1 : vector<16xf32>
        %mul3A_700 = arith.mulf %sub3A_699, %get3A_3 : vector<16xf32>
        %convert_element_type3A_701 = arith.fptosi %mul3A_700 : vector<16xf32> to vector<16xi32>
        %min3A_702 = arith.constant 4095 : i32
        %min3A_703 = vector.broadcast %min3A_702 : i32 to vector<16xi32>
        %min3A_704 = arith.minsi %convert_element_type3A_701, %min3A_703 : vector<16xi32>
        %gather3A_705 = tpu.vector_load_idx %arg9[%min3A_704] : memref<4096xi32, #tpu.memory_space<vmem>>[vector<16xi32>], vector<16xi32>,
        %max3A_706 = arith.constant 6.000000e+01 : f32
        %max3A_707 = vector.broadcast %max3A_706 : f32 to vector<16xf32>
        %max3A_708 = arith.maximumf %gather3A_606, %max3A_707 : vector<16xf32>
        %bitcast3A_709 = vector.bitcast %max3A_708 : vector<16xf32> to vector<16xi32>
        %convert_element_type3A_710 = arith.sitofp %bitcast3A_709 : vector<16xi32> to vector<16xf32>
        %sub3A_711 = arith.subf %convert_element_type3A_710, %get3A_1 : vector<16xf32>
        %mul3A_712 = arith.mulf %sub3A_711, %get3A_3 : vector<16xf32>
        %convert_element_type3A_713 = arith.fptosi %mul3A_712 : vector<16xf32> to vector<16xi32>
        %min3A_714 = arith.constant 4095 : i32
        %min3A_715 = vector.broadcast %min3A_714 : i32 to vector<16xi32>
        %min3A_716 = arith.minsi %convert_element_type3A_713, %min3A_715 : vector<16xi32>
        %gather3A_717 = tpu.vector_load_idx %arg9[%min3A_716] : memref<4096xi32, #tpu.memory_space<vmem>>[vector<16xi32>], vector<16xi32>,
        %max3A_718 = arith.constant 6.000000e+01 : f32
        %max3A_719 = vector.broadcast %max3A_718 : f32 to vector<16xf32>
        %max3A_720 = arith.maximumf %gather3A_613, %max3A_719 : vector<16xf32>
        %bitcast3A_721 = vector.bitcast %max3A_720 : vector<16xf32> to vector<16xi32>
        %convert_element_type3A_722 = arith.sitofp %bitcast3A_721 : vector<16xi32> to vector<16xf32>
        %sub3A_723 = arith.subf %convert_element_type3A_722, %get3A_1 : vector<16xf32>
        %mul3A_724 = arith.mulf %sub3A_723, %get3A_3 : vector<16xf32>
        %convert_element_type3A_725 = arith.fptosi %mul3A_724 : vector<16xf32> to vector<16xi32>
        %min3A_726 = arith.constant 4095 : i32
        %min3A_727 = vector.broadcast %min3A_726 : i32 to vector<16xi32>
        %min3A_728 = arith.minsi %convert_element_type3A_725, %min3A_727 : vector<16xi32>
        %gather3A_729 = tpu.vector_load_idx %arg9[%min3A_728] : memref<4096xi32, #tpu.memory_space<vmem>>[vector<16xi32>], vector<16xi32>,
        %convert_element_type3A_730 = arith.sitofp %gather3A_621 : vector<16xi32> to vector<16xf32>
        %mul3A_731 = vector.broadcast %scan3A : f32 to vector<16xf32>
        %mul3A_732 = arith.mulf %convert_element_type3A_730, %mul3A_731 : vector<16xf32>
        tpu.vector_store_idx %arg10[%select_n3A, %sub3A_508], %mul3A_732 : memref<40x60xf32, #tpu.memory_space<vmem>>[vector<16xi32>, vector<16xi32>], vector<16xf32>,
        %convert_element_type3A_733 = arith.sitofp %gather3A_633 : vector<16xi32> to vector<16xf32>
        %mul3A_734 = vector.broadcast %scan3A : f32 to vector<16xf32>
        %mul3A_735 = arith.mulf %convert_element_type3A_733, %mul3A_734 : vector<16xf32>
        tpu.vector_store_idx %arg10[%select_n3A_256, %sub3A_512], %mul3A_735 : memref<40x60xf32, #tpu.memory_space<vmem>>[vector<16xi32>, vector<16xi32>], vector<16xf32>,
        %convert_element_type3A_736 = arith.sitofp %gather3A_645 : vector<16xi32> to vector<16xf32>
        %mul3A_737 = vector.broadcast %scan3A : f32 to vector<16xf32>
        %mul3A_738 = arith.mulf %convert_element_type3A_736, %mul3A_737 : vector<16xf32>
        tpu.vector_store_idx %arg10[%select_n3A_287, %sub3A_516], %mul3A_738 : memref<40x60xf32, #tpu.memory_space<vmem>>[vector<16xi32>, vector<16xi32>], vector<16xf32>,
        %convert_element_type3A_739 = arith.sitofp %gather3A_657 : vector<16xi32> to vector<16xf32>
        %mul3A_740 = vector.broadcast %scan3A : f32 to vector<16xf32>
        %mul3A_741 = arith.mulf %convert_element_type3A_739, %mul3A_740 : vector<16xf32>
        tpu.vector_store_idx %arg10[%select_n3A_318, %sub3A_520], %mul3A_741 : memref<40x60xf32, #tpu.memory_space<vmem>>[vector<16xi32>, vector<16xi32>], vector<16xf32>,
        %convert_element_type3A_742 = arith.sitofp %gather3A_669 : vector<16xi32> to vector<16xf32>
        %mul3A_743 = vector.broadcast %scan3A : f32 to vector<16xf32>
        %mul3A_744 = arith.mulf %convert_element_type3A_742, %mul3A_743 : vector<16xf32>
        tpu.vector_store_idx %arg10[%select_n3A_349, %sub3A_524], %mul3A_744 : memref<40x60xf32, #tpu.memory_space<vmem>>[vector<16xi32>, vector<16xi32>], vector<16xf32>,
        %convert_element_type3A_745 = arith.sitofp %gather3A_681 : vector<16xi32> to vector<16xf32>
        %mul3A_746 = vector.broadcast %scan3A : f32 to vector<16xf32>
        %mul3A_747 = arith.mulf %convert_element_type3A_745, %mul3A_746 : vector<16xf32>
        tpu.vector_store_idx %arg10[%select_n3A_380, %sub3A_528], %mul3A_747 : memref<40x60xf32, #tpu.memory_space<vmem>>[vector<16xi32>, vector<16xi32>], vector<16xf32>,
        %convert_element_type3A_748 = arith.sitofp %gather3A_693 : vector<16xi32> to vector<16xf32>
        %mul3A_749 = vector.broadcast %scan3A : f32 to vector<16xf32>
        %mul3A_750 = arith.mulf %convert_element_type3A_748, %mul3A_749 : vector<16xf32>
        tpu.vector_store_idx %arg10[%select_n3A_411, %sub3A_532], %mul3A_750 : memref<40x60xf32, #tpu.memory_space<vmem>>[vector<16xi32>, vector<16xi32>], vector<16xf32>,
        %convert_element_type3A_751 = arith.sitofp %gather3A_705 : vector<16xi32> to vector<16xf32>
        %mul3A_752 = vector.broadcast %scan3A : f32 to vector<16xf32>
        %mul3A_753 = arith.mulf %convert_element_type3A_751, %mul3A_752 : vector<16xf32>
        tpu.vector_store_idx %arg10[%select_n3A_442, %sub3A_536], %mul3A_753 : memref<40x60xf32, #tpu.memory_space<vmem>>[vector<16xi32>, vector<16xi32>], vector<16xf32>,
        %convert_element_type3A_754 = arith.sitofp %gather3A_717 : vector<16xi32> to vector<16xf32>
        %mul3A_755 = vector.broadcast %scan3A : f32 to vector<16xf32>
        %mul3A_756 = arith.mulf %convert_element_type3A_754, %mul3A_755 : vector<16xf32>
        tpu.vector_store_idx %arg10[%select_n3A_473, %sub3A_540], %mul3A_756 : memref<40x60xf32, #tpu.memory_space<vmem>>[vector<16xi32>, vector<16xi32>], vector<16xf32>,
        %convert_element_type3A_757 = arith.sitofp %gather3A_729 : vector<16xi32> to vector<16xf32>
        %mul3A_758 = vector.broadcast %scan3A : f32 to vector<16xf32>
        %mul3A_759 = arith.mulf %convert_element_type3A_757, %mul3A_758 : vector<16xf32>
        tpu.vector_store_idx %arg10[%select_n3A_504, %sub3A_544], %mul3A_759 : memref<40x60xf32, #tpu.memory_space<vmem>>[vector<16xi32>, vector<16xi32>], vector<16xf32>,
        %scan3A_760 = arith.constant 0 : i32
        scf.yield %scan3A_760 : i32
      }
      %scan3A_119 = arith.constant 15 : i32
      "tpu.region"() ({
        %run_scoped3A = tpu.sem_alloc : memref<!tpu.dma_semaphore, #tpu.memory_space<semaphore_mem>>
        %dma_start3A_121 = arith.constant 560 : i32
        %dma_start3A_122 = arith.constant 0 : i32
        %dma_start3A_123 = tpu.memref_slice %arg5[%add3A_23, %dma_start3A_121, %dma_start3A_122] : memref<64x600x60xf32, #tpu.memory_space<hbm>> -> memref<1x40x60xf32, #tpu.memory_space<hbm>>
        %dma_start3A_124 = tpu.memref_squeeze %dma_start3A_123 : memref<1x40x60xf32, #tpu.memory_space<hbm>> -> memref<40x60xf32, #tpu.memory_space<hbm>>
        %dma_start3A_125 = arith.constant 560 : i32
        %dma_start3A_126 = arith.constant 0 : i32
        %dma_start3A_127 = tpu.memref_slice %arg5[%add3A_23, %dma_start3A_125, %dma_start3A_126] : memref<64x600x60xf32, #tpu.memory_space<hbm>> -> memref<1x40x60xf32, #tpu.memory_space<hbm>>
        %dma_start3A_128 = tpu.memref_squeeze %dma_start3A_127 : memref<1x40x60xf32, #tpu.memory_space<hbm>> -> memref<40x60xf32, #tpu.memory_space<hbm>>
        tpu.enqueue_dma source(%arg10 : memref<40x60xf32, #tpu.memory_space<vmem>>) target(%dma_start3A_128 : memref<40x60xf32, #tpu.memory_space<hbm>>) target_semaphore(%run_scoped3A : memref<!tpu.dma_semaphore, #tpu.memory_space<semaphore_mem>>)
        %dma_wait3A_129 = arith.constant 560 : i32
        %dma_wait3A_130 = arith.constant 0 : i32
        %dma_wait3A_131 = tpu.memref_slice %arg5[%add3A_23, %dma_wait3A_129, %dma_wait3A_130] : memref<64x600x60xf32, #tpu.memory_space<hbm>> -> memref<1x40x60xf32, #tpu.memory_space<hbm>>
        %dma_wait3A_132 = tpu.memref_squeeze %dma_wait3A_131 : memref<1x40x60xf32, #tpu.memory_space<hbm>> -> memref<40x60xf32, #tpu.memory_space<hbm>>
        %dma_wait3A_133 = arith.constant 560 : i32
        %dma_wait3A_134 = arith.constant 0 : i32
        %dma_wait3A_135 = tpu.memref_slice %arg5[%add3A_23, %dma_wait3A_133, %dma_wait3A_134] : memref<64x600x60xf32, #tpu.memory_space<hbm>> -> memref<1x40x60xf32, #tpu.memory_space<hbm>>
        %dma_wait3A_136 = tpu.memref_squeeze %dma_wait3A_135 : memref<1x40x60xf32, #tpu.memory_space<hbm>> -> memref<40x60xf32, #tpu.memory_space<hbm>>
        tpu.wait_dma2 semaphore(%run_scoped3A : memref<!tpu.dma_semaphore, #tpu.memory_space<semaphore_mem>>) src(%arg10 : memref<40x60xf32, #tpu.memory_space<vmem>>) dst(%dma_wait3A_136 : memref<40x60xf32, #tpu.memory_space<hbm>>)
        tpu.yield
      }) : () -> ()
      %scan3A_120 = arith.constant 0 : i32
      scf.yield %scan3A_120 : i32
    }
    %scan3A_18 = arith.constant 2 : i32
    return
  }
}

</mosaic_0001>

<sc_bundles>
// kernel: kernel.4.cloned.1.call-start
scs
__scs_entry_jumppad:
0x0: {  	(pc) =	sbr.rel $0x88, $3  }
0x1: {  	(tag) =	ssettag $0x0;
	lr =	simm.s32 $0x1  }
0x2: {  	[smem:$0x3FA0] =	sst lr;
	_ =	strace $0xD0000000  }
0x3: {  	_ = 	snop  }
0x4: {  	_ = 	snop  }
0x5: {  	_ = 	snop  }
0x6: {  	_ = 	snop  }
0x7: {  	_ = 	snop  }
__scs_overlays_trampoline_lowered:
0x8: {  	[smem:$0x3FAF] =	sst s0  }
0x9: {  	[smem:$0x3FB0] =	sst s1  }
0xa: {  	[smem:$0x3FB1] =	sst s2  }
0xb: {  	[smem:$0x3FB2] =	sst s3  }
0xc: {  	[smem:$0x3FB3] =	sst s4  }
0xd: {  	[smem:$0x3FB4] =	sst s5  }
0xe: {  	[smem:$0x3FB5] =	sst s6  }
0xf: {  	[smem:$0x3FB6] =	sst s7  }
0x10: {  	[smem:$0x3FB7] =	sst s8  }
0x11: {  	[smem:$0x3FB8] =	sst s9;
	s0 =	simm.s32 @!p0 $0x0  }
0x12: {  	s1 =	sld [smem:$0x3F9E];
	s0 =	simm.s32 @p0 $0x1  }
0x13: {  	[smem:$0x3FB9] =	sst s0;
	s0 =	simm.s32 @!p1 $0x0  }
0x14: {  	s2 =	sld [smem:$0x3F9D];
	s0 =	simm.s32 @p1 $0x1  }
0x15: {  	[smem:$0x3FBA] =	sst s0;
	s0 =	simm.s32 @!p2 $0x0  }
0x16: {  	s3 =	sld [smem:$0x3FDB];
	s0 =	simm.s32 @p2 $0x1  }
0x17: {  	s4 =	simm.s32 $0x1BF5;
	[smem:$0x3FBC] =	sst s0  }
0x18: {  	s0 =	sld [smem:$0x3F9F];
	_ =	swait.ge [sflag:s4], $0x0  }
0x19: {  	s7 =	sld [smem:$0x3FA0]  }
0x1a: {  	s8 =	sadd.s32 $0xFFFFE003, lr  }
0x1b: {  	s9 =	sadd.s32 $0xFFFFFEF7, lr;
	s5 =	simm.s32 $0xFFFFFFFF;
	p2 =	slt.u32 s8, $0xFFFFF086  }
0x1c: {  	p1 =	slt.u32 s9, $0xF7A;
	s5 =	simm.s32 @!p2 $0x0  }
0x1d: {  	s5 =	simm.s32 @p1 $0x1;
	p0 =	seq.s32 s7, s2  }
0x1e: {  	s7 =	smul.u32 @!p0 $0xF7A, s2;
	p2 =	seq.s32 @!p0 s5, $0x0  }
0x1f: {  	s9 =	smul.u32 $0xF7A, s1;
	s8 =	simm.s32 @!p0 $0x1BF5;
	p2 =	por !p2, p0  }
0x20: {  	[sflag:s8] =	ssyncset.s32 @!p0 $0xFFFFF086;
	s6 =	sadd.s32 @!p0 s3, s7;
	s7 =	simm.s32 @!p0 $0x108  }
0x21: {  	s3 =	sadd.s32 s3, s9;
	s6 =	sadd.s32 @!p0 $0x88, s6;
	s7 =	simm.s32 @p2 $0x1082  }
0x22: {  	[simem:s7], [sflag:s8] =	dma.local @!p0 [hbm:s6], $0xF7A  }
0x23: {  	s9 =	sor.u32 $0xD0000000, s2;
	s6 =	simm.s32 $0x108;
	_ =	swait.ge @!p0 [sflag:s8], $0x0  }
0x24: {  	s3 =	sadd.s32 $0x88, s3;
	s6 =	simm.s32 @!p1 $0x1082;
	[sflag:s4] =	ssyncset.s32 $0xFFFFF086  }
0x25: {  	[simem:s6], [sflag:s4] =	dma.local [hbm:s3], $0xF7A  }
0x26: {  	[smem:$0x3FA0] =	sst s1;
	(tag) =	ssettag s2;
	_ =	strace s9  }
0x27: {  	s1 =	sld [smem:$0x3FB0]  }
0x28: {  	s2 =	sld [smem:$0x3FB1]  }
0x29: {  	s4 =	sld [smem:$0x3FB3]  }
0x2a: {  	p0 =	seq.s32 s5, $0x0;
	s5 =	sld [smem:$0x3FB4]  }
0x2b: {  	s6 =	sld [smem:$0x3FB5]  }
0x2c: {  	s7 =	sld [smem:$0x3FB6]  }
0x2d: {  	s3 =	simm.s32 $0x108;
	s8 =	sld [smem:$0x3FB7]  }
0x2e: {  	s3 =	simm.s32 @!p0 $0x1082;
	s9 =	sld [smem:$0x3FB8]  }
0x2f: {  	lr =	sadd.s32 s0, s3;
	s0 =	sld [smem:$0x3FAF]  }
0x30: {  	s3 =	sld [smem:$0x3FB2]  }
0x31: {  	[smem:$0x3FBB] =	sst s10  }
0x32: {  	s10 =	sld [smem:$0x3FB9];
	_ =	sdelay $0x3  }
0x33: {  	p0 =	seq.s32 s10, $0x1;
	s10 =	sld [smem:$0x3FBB];
	_ =	sdelay $0x3  }
0x34: {  	[smem:$0x3FBB] =	sst s10  }
0x35: {  	s10 =	sld [smem:$0x3FBA];
	_ =	sdelay $0x3  }
0x36: {  	p1 =	seq.s32 s10, $0x1;
	s10 =	sld [smem:$0x3FBB];
	_ =	sdelay $0x3  }
0x37: {  	[smem:$0x3FBB] =	sst s10  }
0x38: {  	s10 =	sld [smem:$0x3FBC]  }
0x39: {  	_ = 	snop;
	(pc) =	sbr.ind lr, $3  }
0x3a: {  	_ = 	snop  }
0x3b: {  	_ = 	snop  }
0x3c: {  	p2 =	seq.s32 s10, $0x1;
	s10 =	sld [smem:$0x3FBB]  }
0x3d: {  	_ =	shalt  }
0x3e: {  	_ =	shalt  }
0x3f: {  	_ =	shalt  }
0x40: {  	_ =	shalt  }
0x41: {  	_ =	shalt  }
0x42: {  	_ =	shalt  }
0x43: {  	_ =	shalt  }
0x44: {  	_ =	shalt  }
0x45: {  	_ =	shalt  }
0x46: {  	_ =	shalt  }
0x47: {  	_ =	shalt  }
0x48: {  	_ =	shalt  }
0x49: {  	_ =	shalt  }
0x4a: {  	_ =	shalt  }
0x4b: {  	_ =	shalt  }
0x4c: {  	_ =	shalt  }
0x4d: {  	_ =	shalt  }
0x4e: {  	_ =	shalt  }
0x4f: {  	_ =	shalt  }
0x50: {  	_ =	shalt  }
0x51: {  	_ =	shalt  }
0x52: {  	_ =	shalt  }
0x53: {  	_ =	shalt  }
0x54: {  	_ =	shalt  }
0x55: {  	_ =	shalt  }
0x56: {  	_ =	shalt  }
0x57: {  	_ =	shalt  }
0x58: {  	_ =	shalt  }
0x59: {  	_ =	shalt  }
0x5a: {  	_ =	shalt  }
0x5b: {  	_ =	shalt  }
0x5c: {  	_ =	shalt  }
0x5d: {  	_ =	shalt  }
0x5e: {  	_ =	shalt  }
0x5f: {  	_ =	shalt  }
0x60: {  	_ =	shalt  }
0x61: {  	_ =	shalt  }
0x62: {  	_ =	shalt  }
0x63: {  	_ =	shalt  }
0x64: {  	_ =	shalt  }
0x65: {  	_ =	shalt  }
0x66: {  	_ =	shalt  }
0x67: {  	_ =	shalt  }
0x68: {  	_ =	shalt  }
0x69: {  	_ =	shalt  }
0x6a: {  	_ =	shalt  }
0x6b: {  	_ =	shalt  }
0x6c: {  	_ =	shalt  }
0x6d: {  	_ =	shalt  }
0x6e: {  	_ =	shalt  }
0x6f: {  	_ =	shalt  }
0x70: {  	_ =	shalt  }
0x71: {  	_ =	shalt  }
0x72: {  	_ =	shalt  }
0x73: {  	_ =	shalt  }
0x74: {  	_ =	shalt  }
0x75: {  	_ =	shalt  }
0x76: {  	_ =	shalt  }
0x77: {  	_ =	shalt  }
0x78: {  	_ =	shalt  }
0x79: {  	_ =	shalt  }
0x7a: {  	_ =	shalt  }
0x7b: {  	_ =	shalt  }
0x7c: {  	_ =	shalt  }
0x7d: {  	_ =	shalt  }
0x7e: {  	_ =	shalt  }
0x7f: {  	_ =	shalt  }
0x80: {  	_ =	shalt  }
0x81: {  	_ =	shalt  }
0x82: {  	_ =	shalt  }
0x83: {  	_ =	shalt  }
0x84: {  	_ =	shalt  }
0x85: {  	_ =	shalt  }
0x86: {  	_ =	shalt  }
0x87: {  	_ =	shalt  }
.Lfunc_end0:
.L_simem_size_0:
called_computation_lowered:
.L_overlay_start_0:
0x88: {  	s2 =	sld [smem:$0x3FD9]  }
0x89: {  	s3 =	sld [smem:$0x3FFE];
	_ =	sdelay $0x1  }
0x8a: {  	s1 =	srdreg.scid  }
0x8b: {  	s0 =	sand.u32 $0x1, s1  }
0x8c: {  	s18 =	sshll.u32 s0, $0xA;
	s2 =	sadd.s32 s3, s2  }
0x8d: {  	s2 =	sadd.s32 s2, s18  }
0x8e: {  	[smem:$0x3FC7] =	sst s2  }
0x8f: {  	_ = 	snop  }
0x90: {  	s2 =	sld [smem:$0x3FC9]  }
0x91: {  	s19 =	sld [smem:$0x3FD0];
	(tm) =	ssettm $0x1  }
0x92: {  	s4 =	sld [smem:$0x3FFB];
	_ =	sdelay $0x3  }
0x93: {  	_ =	strace s4  }
0x94: {  	s4 =	sld [smem:$0x3FFC];
	_ =	sdelay $0x3  }
0x95: {  	_ =	strace s4  }
0x96: {  	s4 =	sld [smem:$0x3FFD];
	_ =	sdelay $0x3  }
0x97: {  	_ =	strace s4  }
0x98: {  	_ =	strace $0x8FFFFFFF  }
0x99: {  	s20 =	sld [smem:$0x3FDB];
	_ =	sdelay $0x1  }
0x9a: {  	s5 =	simm.s32 $_scs_section_size  }
0x9b: {  	s6 =	simm.s32 $_size__tile_overlayer_lowered;
	s7 =	simm.s32 $_tile_overlayer_lowered  }
0x9c: {  	s23 =	simm.s32 $0x1BFF;
	s22 =	sshll.u32 s7, $0x1;
	s4 =	sadd.s32 s5, s20  }
0x9d: {  	s8 =	simm.s32 $0x0;
	s21 =	sshll.u32 s6, $0x1;
	s6 =	sadd.s32 s22, s4  }
0x9e: {  	[timem:s8], [sflag:s23] =	dma.local [hbm:s6], s21  }
0x9f: {  	_ =	swait.ge [sflag:s23], s21  }
0xa0: {  	s5 =	ssub.s32 $0x0, s21;
	[sflag:s23] =	ssyncset.done $0x0  }
0xa1: {  	[sflag:s23] =	ssyncadd.s32 s5;
	_ =	sdelay $0x1  }
0xa2: {  	s24 =	simm.s32 $0x1B8B  }
0xa3: {  	_ =	swait.ge [sflag:s24], $0x1  }
0xa4: {  	[sflag:s24] =	ssyncset.done $0x0  }
0xa5: {  	s25 =	simm.s32 $0x1B8E;
	[sflag:s24] =	ssyncadd.s32 $0xFFFFFFFF  }
0xa6: {  	s26 =	simm.s32 $execute0_lowered;
	[smem:$0x3FD2] =	sst s25  }
0xa7: {  	s5 =	sshll.u32 s26, $0x1;
	_ =	strace $0x80000046;
	[dreg:$0x1] =	wrdreg $0xFFFFFFFF  }
0xa8: {  	s28 =	simm.s32 $_size_execute0_lowered;
	s4 =	sadd.s32 s4, s5;
	[dreg:$0x0] =	wrdreg $0x0  }
0xa9: {  	s5 =	sshll.u32 s28, $0x1;
	[dreg:$0x2] =	wrdreg s4  }
0xaa: {  	[dreg:$0x3] =	wrdreg s5  }
0xab: {  	[dreg:$0x4] =	wrdreg $0xC0  }
0xac: {  	_ =	task [dreg:s8], $0x5FFFF  }
0xad: {  	[dreg:$0x1] =	wrdreg $0xFFFFFFFF  }
0xae: {  	[dreg:$0x0] =	wrdreg $0x60  }
0xaf: {  	[dreg:$0x2] =	wrdreg s2  }
0xb0: {  	[dreg:$0x3] =	wrdreg s19  }
0xb1: {  	[dreg:$0x4] =	wrdreg $0x9  }
0xb2: {  	_ =	task.clear_ibuf [dreg:s8], $0x5FFFF;
	_ =	strace $0x90000046  }
0xb3: {  	s29 =	simm.s32 $0x9;
	_ =	strace $0x80000048  }
0xb4: {  	_ =	swait.ge [sflag:s29], $0x1  }
0xb5: {  	[sflag:s29] =	ssyncadd.s32 $0xFFFFFFFF  }
0xb6: {  	_ =	strace $0x90000048  }
0xb7: {  	_ =	sfence  }
0xb8: {  	s30 =	sld [smem:$0x0];
	_ =	sdelay $0x2  }
0xb9: {  	s31 =	sshll.u32 s1, $0xD;
	s1 =	sshrl.u32 s1, $0x2  }
0xba: {  	s3 =	sand.u32 $0x4000, s31;
	s1 =	sadd.s32 s1, s30  }
0xbb: {  	s0 =	sor.u32 s3, s0;
	s1 =	sshll.u32 s1, $0x11  }
0xbc: {  	s0 =	sor.u32 s1, s0  }
0xbd: {  	s0 =	sadd.s32 $0x8F2B, s0  }
0xbe: {  	[sflag:s0] =	ssyncadd.remote.s32 $0x1  }
0xbf: {  	_ =	sfence.sel $0xFFFF  }
0xc0: {  	[dreg:$0x0] =	wrdreg $0xFFFFFFFF;
	(pc) =	sbr.abs _section_cstart, $3  }
0xc1: {  	[dreg:$0x1] =	wrdreg $0xFFFFFFFF  }
0xc2: {  	_ =	task.clear_ibuf [dreg:s8], $0x2FFFF;
	_ =	strace $0x9FFFFFFF  }
0xc3: {  	(tm) =	ssettm $0x7FFFFFFF  }
tec
execute0_lowered:
.L_overlay_start_1:
0x0: {  	(tag) =	ssettag $0x1  }
0x1: {  	s2 =	rddreg [dreg:$0x0];
	s1 =	srdreg.scid  }
0x2: {  	s0 =	stileid.u32;
	s7 =	rddreg [dreg:$0x1]  }
0x3: {  	s3 =	simm.s32 $0x0;
	s11 =	simm.s32 $0x2800;
	s12 =	simm.s32 $0x1  }
0x4: {  	s13 =	simm.s32 $0x2;
	s4 =	sand.u32 $0x1, s1;
	s5 =	sshll.u32 s0, $0x1  }
0x5: {  	s14 =	simm.s32 $0x5000;
	s15 =	simm.s32 $0x3;
	s5 =	sor.u32 s4, s5  }
0x6: {  	s16 =	simm.s32 $0x0;
	s1 =	rddreg [dreg:$0x2];
	s6 =	smul.u32 $0x4B000, s5  }
0x7: {  	[smem:$0x7FF] =	sst s3;
	s4 =	ssub.s32 $0x2, s4;
	s9 =	smul.u32 $0x9600, s5  }
.Ltmp0:
0x8: {  	_ =	strace $0x80000047;
	s8 =	sshrl.u32 s4, $0x1;
	(pc) =	sbr.rel .LBB2_1-.Ltmp0, $4  }
0x9: {  	s30 =	smul.u32 $0x960, s5;
	s31 =	sshll.u32 s5, $0x1;
	s10 =	ssub.s32 s4, s8  }
0xa: {  	s7 =	sadd.s32 s7, s31;
	s6 =	sshrl.u32 s6, $0x3;
	s4 =	sadd.s32 s2, s9  }
0xb: {  	s8 =	sadd.s32 $0xF0, s30;
	s9 =	sadd.s32 $0x40, s7;
	s6 =	sadd.s32 s2, s6  }
0xc: {  	s10 =	smax.u32 s10, $0x1;
	s5 =	sadd.s32 $0x500, s6;
	s6 =	sadd.s32 $0xA0, s30  }
.LBB2_8:
0xd: {  	v14 =	vmin.f32 v41, v40;
	v15 =	vmin.f32 v39, v38;
	v16 =	vmin.f32 v37, v36  }
0xe: {  	v17 =	vmin.f32 v35, v34;
	v18 =	vmin.f32 v24, v33;
	v8 =	vmin.f32 v9, v8  }
0xf: {  	v6 =	vmin.f32 v7, v6;
	v5 =	vmin.f32 v5, v21;
	v53 =	vmin.f32 v14, v15  }
0x10: {  	v54 =	vmin.f32 v16, v17;
	v8 =	vmin.f32 v18, v8;
	v5 =	vmin.f32 v6, v5  }
0x11: {  	v56 =	vmax.f32 v32, v10;
	v55 =	vmin.f32 v53, v54;
	v5 =	vmin.f32 v8, v5  }
0x12: {  	v57 =	vmax.f32 v22, v11;
	v59 =	vmax.f32 v12, v20;
	v5 =	vmin.f32 v55, v5  }
0x13: {  	v60 =	vmax.f32 v13, v23;
	v61 =	vmax.f32 v25, v30;
	v3 =	vmax.f32 v4, v3;
	[tilespmem:$0x5000] =	vst v5  }
0x14: {  	v1 =	vmax.f32 v2, v1;
	v0 =	vmax.f32 v0, v19;
	v58 =	vmax.f32 v56, v57;
	[hbm4b:s7+s3] =	stream.linear.scatter [tilespmem:s14], [sflag:$0x3], $0x10, $0x38;
	[tilespmem:$0x5080] =	vst v63  }
0x15: {  	v62 =	vmax.f32 v59, v60;
	v3 =	vmax.f32 v61, v3;
	v0 =	vmax.f32 v1, v0;
	_ =	swait.ge [sflag:s15], $0x10  }
0x16: {  	s16 =	sadd.s32 $0x1, s16;
	v63 =	vmax.f32 v58, v62;
	v0 =	vmax.f32 v3, v0;
	[sflag:s15] =	ssyncset.done $0x0  }
0x17: {  	p0 =	sne.s32 s16, s10;
	v0 =	vmax.f32 v63, v0;
	[sflag:s15] =	ssyncadd.s32 $0xFFFFFFF0  }
.Ltmp1:
0x18: {  	[tilespmem:$0x5000] =	vst v0;
	(pc) =	sbr.rel @!p0 .LBB2_9-.Ltmp1, $4  }
0x19: {  	[hbm4b:s9+s3] =	stream.linear.scatter [tilespmem:s14], [sflag:$0x3], $0x10, $0x38;
	[tilespmem:$0x5080] =	vst v63  }
0x1a: {  	_ =	swait.ge [sflag:s15], $0x10  }
0x1b: {  	[sflag:s15] =	ssyncset.done $0x0  }
0x1c: {  	[sflag:s15] =	ssyncadd.s32 $0xFFFFFFF0  }
.LBB2_1:
0x1d: {  	v21 =	vimm.f32 $3.399999950e+38;
	v19 =	vimm.f32 $-3.399999950e+38  }
0x1e: {  	v0 =	vimm.f32 $-3.399999950e+38;
	v1 =	vimm.f32 $-3.399999950e+38;
	v2 =	vimm.f32 $-3.399999950e+38  }
0x1f: {  	v3 =	vimm.f32 $-3.399999950e+38;
	v4 =	vimm.f32 $-3.399999950e+38;
	v30 =	vimm.f32 $-3.399999950e+38  }
0x20: {  	v25 =	vimm.f32 $-3.399999950e+38;
	v23 =	vimm.f32 $-3.399999950e+38;
	v13 =	vimm.f32 $-3.399999950e+38  }
0x21: {  	v20 =	vimm.f32 $-3.399999950e+38;
	v12 =	vimm.f32 $-3.399999950e+38;
	v11 =	vimm.f32 $-3.399999950e+38  }
0x22: {  	v22 =	vimm.f32 $-3.399999950e+38;
	v10 =	vimm.f32 $-3.399999950e+38;
	v32 =	vimm.f32 $-3.399999950e+38  }
0x23: {  	v5 =	vimm.f32 $3.399999950e+38;
	v6 =	vimm.f32 $3.399999950e+38;
	v7 =	vimm.f32 $3.399999950e+38  }
0x24: {  	v8 =	vimm.f32 $3.399999950e+38;
	v9 =	vimm.f32 $3.399999950e+38;
	v33 =	vimm.f32 $3.399999950e+38  }
0x25: {  	[tilespmem:s3], [sflag:$0x1] =	stream.linear.gather [hbm4b:s4+s3], $0x2800, $0x38;
	v24 =	vimm.f32 $3.399999950e+38;
	v34 =	vimm.f32 $3.399999950e+38;
	v35 =	vimm.f32 $3.399999950e+38;
	[tilespmem:$0x5080] =	vst v63  }
0x26: {  	v36 =	vimm.f32 $3.399999950e+38;
	v37 =	vimm.f32 $3.399999950e+38;
	v38 =	vimm.f32 $3.399999950e+38;
	s17 =	simm.s32 $0x0  }
0x27: {  	v39 =	vimm.f32 $3.399999950e+38;
	v40 =	vimm.f32 $3.399999950e+38;
	v41 =	vimm.f32 $3.399999950e+38;
	[tilespmem:s11], [sflag:$0x2] =	stream.linear.gather [hbm4b:s5+s3], $0x2800, $0x38;
	[tilespmem:$0x5080] =	vst v63  }
.LBB2_2:
0x28: {  	_ =	swait.ge [sflag:s12], $0x2800  }
0x29: {  	[sflag:s12] =	ssyncset.done $0x0  }
0x2a: {  	s20 =	simm.s32 $0x0;
	[sflag:s12] =	ssyncadd.s32 $0xFFFFD800  }
0x2b: {  	v15 =	vld [tilespmem:s20+$0xE8]  }
0x2c: {  	v16 =	vld [tilespmem:s20+$0x0]  }
0x2d: {  	v17 =	vld [tilespmem:s20+$0x10]  }
0x2e: {  	v18 =	vld [tilespmem:s20+$0x20]  }
0x2f: {  	v31 =	vld [tilespmem:s20+$0x30]  }
0x30: {  	v42 =	vld [tilespmem:s20+$0x40]  }
0x31: {  	v43 =	vld [tilespmem:s20+$0x50]  }
0x32: {  	v44 =	vld [tilespmem:s20+$0x60]  }
0x33: {  	v45 =	vld [tilespmem:s20+$0x68];
	v14 =	vmin.f32 v21, v15  }
0x34: {  	v62 =	vld [tilespmem:s20+$0x80];
	v26 =	vmax.f32 v19, v15;
	v27 =	vmin.f32 v41, v16;
	v15 =	vmax.f32 v32, v16  }
0x35: {  	v63 =	vld [tilespmem:s20+$0x90];
	v28 =	vmin.f32 v40, v17;
	v29 =	vmax.f32 v10, v17;
	v10 =	vmin.f32 v39, v18  }
0x36: {  	v16 =	vmax.f32 v22, v18;
	v17 =	vmin.f32 v38, v31;
	v11 =	vmax.f32 v11, v31;
	v32 =	vld [tilespmem:s20+$0xA0]  }
0x37: {  	v18 =	vmin.f32 v37, v42;
	v19 =	vmax.f32 v12, v42;
	v12 =	vmin.f32 v36, v43;
	v36 =	vld [tilespmem:s20+$0xB0]  }
0x38: {  	v20 =	vmax.f32 v20, v43;
	v21 =	vmin.f32 v35, v44;
	v13 =	vmax.f32 v13, v44;
	v35 =	vld [tilespmem:s20+$0xC0]  }
0x39: {  	v22 =	vmin.f32 v34, v45;
	v23 =	vmax.f32 v23, v45;
	v34 =	vld [tilespmem:s20+$0xD0];
	v24 =	vmin.f32 v24, v62  }
0x3a: {  	s18 =	simm.s32 $0x100;
	s19 =	simm.s32 $0x800;
	v25 =	vmax.f32 v25, v62;
	v37 =	vld [tilespmem:s20+$0xE0];
	v31 =	vmin.f32 v33, v63;
	v30 =	vmax.f32 v30, v63  }
.LBB2_3:
0x3b: {  	p0 =	sne.s32 s19, $0x9C00;
	v33 =	vld [tilespmem:s18+$0xE8];
	v9 =	vmin.f32 v9, v32;
	v4 =	vmax.f32 v4, v32  }
0x3c: {  	v32 =	vld [tilespmem:s18+$0x0];
	v8 =	vmin.f32 v8, v36;
	v3 =	vmax.f32 v3, v36  }
0x3d: {  	v36 =	vld [tilespmem:s18+$0x10];
	v7 =	vmin.f32 v7, v35;
	v2 =	vmax.f32 v2, v35  }
0x3e: {  	v35 =	vld [tilespmem:s18+$0x20];
	v6 =	vmin.f32 v6, v34;
	v1 =	vmax.f32 v1, v34  }
0x3f: {  	v34 =	vld [tilespmem:s18+$0x30];
	v5 =	vmin.f32 v5, v37;
	v0 =	vmax.f32 v0, v37  }
0x40: {  	v37 =	vld [tilespmem:s18+$0x40];
	v14 =	vmin.f32 v14, v33;
	v26 =	vmax.f32 v26, v33  }
0x41: {  	v33 =	vld [tilespmem:s18+$0x50];
	v27 =	vmin.f32 v27, v32;
	v15 =	vmax.f32 v15, v32  }
0x42: {  	v38 =	vld [tilespmem:s18+$0x60];
	v28 =	vmin.f32 v28, v36;
	v29 =	vmax.f32 v29, v36  }
0x43: {  	v39 =	vld [tilespmem:s18+$0x68];
	v10 =	vmin.f32 v10, v35;
	v16 =	vmax.f32 v16, v35  }
0x44: {  	v40 =	vld [tilespmem:s18+$0x80];
	v17 =	vmin.f32 v17, v34;
	v11 =	vmax.f32 v11, v34  }
0x45: {  	v41 =	vld [tilespmem:s18+$0x90];
	v18 =	vmin.f32 v18, v37;
	v19 =	vmax.f32 v19, v37  }
.Ltmp2:
0x46: {  	v32 =	vld [tilespmem:s18+$0xA0];
	v12 =	vmin.f32 v12, v33;
	v20 =	vmax.f32 v20, v33;
	(pc) =	sbr.rel @p0 .LBB2_3-.Ltmp2, $4  }
0x47: {  	v36 =	vld [tilespmem:s18+$0xB0];
	v21 =	vmin.f32 v21, v38;
	v13 =	vmax.f32 v13, v38  }
0x48: {  	v35 =	vld [tilespmem:s18+$0xC0];
	v22 =	vmin.f32 v22, v39;
	v23 =	vmax.f32 v23, v39  }
0x49: {  	v34 =	vld [tilespmem:s18+$0xD0];
	v24 =	vmin.f32 v24, v40;
	v25 =	vmax.f32 v25, v40  }
0x4a: {  	v37 =	vld [tilespmem:s18+$0xE0];
	s18 =	sshra.s32 s19, $0x2;
	s19 =	sadd.s32 $0x400, s19;
	v31 =	vmin.f32 v31, v41;
	v30 =	vmax.f32 v30, v41  }
0x4b: {  	v33 =	vld [tilespmem:s18+$0xE8]  }
0x4c: {  	v38 =	vld [tilespmem:s18+$0x0]  }
0x4d: {  	v39 =	vld [tilespmem:s18+$0x10]  }
0x4e: {  	v40 =	vld [tilespmem:s18+$0x20]  }
0x4f: {  	v41 =	vld [tilespmem:s18+$0x30]  }
0x50: {  	v42 =	vld [tilespmem:s18+$0x40]  }
0x51: {  	v43 =	vld [tilespmem:s18+$0x50]  }
0x52: {  	v44 =	vld [tilespmem:s18+$0x60]  }
0x53: {  	v45 =	vld [tilespmem:s18+$0x68]  }
0x54: {  	v46 =	vld [tilespmem:s18+$0x80]  }
0x55: {  	v47 =	vld [tilespmem:s18+$0x90];
	p0 =	seq.s32 s17, $0xE  }
0x56: {  	v48 =	vld [tilespmem:s18+$0xA0];
	s19 =	smul.u32 @!p0 $0xA0, s17  }
0x57: {  	v49 =	vld [tilespmem:s18+$0xB0]  }
0x58: {  	v50 =	vld [tilespmem:s18+$0xC0];
	s19 =	sadd.s32 @!p0 s19, s6  }
0x59: {  	v9 =	vmin.f32 v9, v32;
	v51 =	vld [tilespmem:s18+$0xD0];
	s19 =	sshll.u32 @!p0 s19, $0x4  }
0x5a: {  	v4 =	vmax.f32 v4, v32;
	v32 =	vld [tilespmem:s18+$0xE0];
	v8 =	vmin.f32 v8, v36;
	v3 =	vmax.f32 v3, v36;
	s18 =	sadd.s32 @!p0 s2, s19;
	s19 =	simm.s32 @!p0 $0x0  }
0x5b: {  	v7 =	vmin.f32 v7, v35;
	v35 =	vmax.f32 v2, v35;
	v6 =	vmin.f32 v6, v34;
	[tilespmem:s19], [sflag:$0x1] =	stream.linear.gather @!p0 [hbm4b:s18+s19], $0x2800, $0x38;
	[tilespmem:$0x5080] =	vst v63  }
0x5c: {  	v60 =	vmax.f32 v1, v34;
	v61 =	vmin.f32 v5, v37;
	v62 =	vmax.f32 v0, v37;
	_ =	swait.ge [sflag:s13], $0x2800  }
0x5d: {  	v14 =	vmin.f32 v14, v33;
	v26 =	vmax.f32 v26, v33;
	v27 =	vmin.f32 v27, v38;
	[sflag:s13] =	ssyncset.done $0x0  }
0x5e: {  	s20 =	simm.s32 $0x0;
	v15 =	vmax.f32 v15, v38;
	v28 =	vmin.f32 v28, v39;
	v29 =	vmax.f32 v29, v39;
	[sflag:s13] =	ssyncadd.s32 $0xFFFFD800  }
0x5f: {  	v63 =	vmin.f32 v10, v40;
	v16 =	vmax.f32 v16, v40;
	v17 =	vmin.f32 v17, v41;
	v10 =	vld [tilespmem:s20+$0x28E8]  }
0x60: {  	v38 =	vmax.f32 v11, v41;
	v18 =	vmin.f32 v18, v42;
	v39 =	vmax.f32 v19, v42;
	v11 =	vld [tilespmem:s20+$0x2800]  }
0x61: {  	v40 =	vmin.f32 v12, v43;
	v41 =	vmax.f32 v20, v43;
	v56 =	vmin.f32 v21, v44;
	v12 =	vld [tilespmem:s20+$0x2810]  }
0x62: {  	v57 =	vmax.f32 v13, v44;
	v58 =	vmin.f32 v22, v45;
	v45 =	vmax.f32 v23, v45;
	v13 =	vld [tilespmem:s20+$0x2820]  }
0x63: {  	v52 =	vmin.f32 v24, v46;
	v46 =	vmax.f32 v25, v46;
	v31 =	vmin.f32 v31, v47;
	v25 =	vld [tilespmem:s20+$0x2830]  }
0x64: {  	v47 =	vmax.f32 v30, v47;
	v0 =	vmin.f32 v9, v48;
	v1 =	vmax.f32 v4, v48;
	v30 =	vld [tilespmem:s20+$0x2840]  }
0x65: {  	v19 =	vmin.f32 v8, v49;
	v2 =	vmax.f32 v3, v49;
	v3 =	vmin.f32 v7, v50;
	v59 =	vld [tilespmem:s20+$0x2850]  }
0x66: {  	v20 =	vmax.f32 v35, v50;
	v4 =	vmin.f32 v6, v51;
	v5 =	vmax.f32 v60, v51;
	v60 =	vld [tilespmem:s20+$0x2860]  }
0x67: {  	v21 =	vmin.f32 v61, v32;
	v6 =	vmax.f32 v62, v32;
	v61 =	vld [tilespmem:s20+$0x2868];
	v7 =	vmin.f32 v14, v10  }
0x68: {  	v62 =	vld [tilespmem:s20+$0x2880];
	v22 =	vmax.f32 v26, v10;
	v8 =	vmin.f32 v27, v11;
	v9 =	vmax.f32 v15, v11  }
0x69: {  	v23 =	vmin.f32 v28, v12;
	v10 =	vmax.f32 v29, v12;
	v11 =	vmin.f32 v63, v13;
	v63 =	vld [tilespmem:s20+$0x2890]  }
0x6a: {  	v32 =	vld [tilespmem:s20+$0x28A0];
	v24 =	vmax.f32 v16, v13;
	v12 =	vmin.f32 v17, v25;
	v13 =	vmax.f32 v38, v25  }
0x6b: {  	v33 =	vld [tilespmem:s20+$0x28B0];
	v25 =	vmin.f32 v18, v30;
	v14 =	vmax.f32 v39, v30;
	v15 =	vmin.f32 v40, v59  }
0x6c: {  	v34 =	vld [tilespmem:s20+$0x28C0];
	v26 =	vmax.f32 v41, v59;
	v16 =	vmin.f32 v56, v60;
	v17 =	vmax.f32 v57, v60  }
0x6d: {  	v35 =	vld [tilespmem:s20+$0x28D0];
	v27 =	vmin.f32 v58, v61;
	v18 =	vmax.f32 v45, v61;
	v28 =	vmin.f32 v52, v62  }
0x6e: {  	s18 =	simm.s32 $0x100;
	s19 =	simm.s32 $0x800;
	v36 =	vld [tilespmem:s20+$0x28E0];
	v29 =	vmax.f32 v46, v62;
	v30 =	vmin.f32 v31, v63;
	v31 =	vmax.f32 v47, v63  }
.LBB2_5:
0x6f: {  	p1 =	sne.s32 s19, $0x9C00;
	v37 =	vld [tilespmem:s18+$0x28E8];
	v0 =	vmin.f32 v0, v32;
	v1 =	vmax.f32 v1, v32  }
0x70: {  	v32 =	vld [tilespmem:s18+$0x2800];
	v19 =	vmin.f32 v19, v33;
	v2 =	vmax.f32 v2, v33  }
0x71: {  	v33 =	vld [tilespmem:s18+$0x2810];
	v3 =	vmin.f32 v3, v34;
	v20 =	vmax.f32 v20, v34  }
0x72: {  	v34 =	vld [tilespmem:s18+$0x2820];
	v4 =	vmin.f32 v4, v35;
	v5 =	vmax.f32 v5, v35  }
0x73: {  	v35 =	vld [tilespmem:s18+$0x2830];
	v21 =	vmin.f32 v21, v36;
	v6 =	vmax.f32 v6, v36  }
0x74: {  	v36 =	vld [tilespmem:s18+$0x2840];
	v7 =	vmin.f32 v7, v37;
	v22 =	vmax.f32 v22, v37  }
0x75: {  	v37 =	vld [tilespmem:s18+$0x2850];
	v8 =	vmin.f32 v8, v32;
	v9 =	vmax.f32 v9, v32  }
0x76: {  	v38 =	vld [tilespmem:s18+$0x2860];
	v23 =	vmin.f32 v23, v33;
	v10 =	vmax.f32 v10, v33  }
0x77: {  	v39 =	vld [tilespmem:s18+$0x2868];
	v11 =	vmin.f32 v11, v34;
	v24 =	vmax.f32 v24, v34  }
0x78: {  	v40 =	vld [tilespmem:s18+$0x2880];
	v12 =	vmin.f32 v12, v35;
	v13 =	vmax.f32 v13, v35  }
0x79: {  	v41 =	vld [tilespmem:s18+$0x2890];
	v25 =	vmin.f32 v25, v36;
	v14 =	vmax.f32 v14, v36  }
.Ltmp3:
0x7a: {  	v32 =	vld [tilespmem:s18+$0x28A0];
	v15 =	vmin.f32 v15, v37;
	v26 =	vmax.f32 v26, v37;
	(pc) =	sbr.rel @p1 .LBB2_5-.Ltmp3, $4  }
0x7b: {  	v33 =	vld [tilespmem:s18+$0x28B0];
	v16 =	vmin.f32 v16, v38;
	v17 =	vmax.f32 v17, v38  }
0x7c: {  	v34 =	vld [tilespmem:s18+$0x28C0];
	v27 =	vmin.f32 v27, v39;
	v18 =	vmax.f32 v18, v39  }
0x7d: {  	v35 =	vld [tilespmem:s18+$0x28D0];
	v28 =	vmin.f32 v28, v40;
	v29 =	vmax.f32 v29, v40  }
0x7e: {  	v36 =	vld [tilespmem:s18+$0x28E0];
	s18 =	sshra.s32 s19, $0x2;
	s19 =	sadd.s32 $0x400, s19;
	v30 =	vmin.f32 v30, v41;
	v31 =	vmax.f32 v31, v41  }
0x7f: {  	v37 =	vld [tilespmem:s18+$0x28E8]  }
0x80: {  	v38 =	vld [tilespmem:s18+$0x2800]  }
0x81: {  	v39 =	vld [tilespmem:s18+$0x2810]  }
0x82: {  	v42 =	vld [tilespmem:s18+$0x2820]  }
0x83: {  	v43 =	vld [tilespmem:s18+$0x2830]  }
0x84: {  	v44 =	vld [tilespmem:s18+$0x2840]  }
0x85: {  	v45 =	vld [tilespmem:s18+$0x2850]  }
0x86: {  	v0 =	vmin.f32 v0, v32;
	v1 =	vmax.f32 v1, v32;
	v47 =	vld [tilespmem:s18+$0x2860];
	v46 =	vmin.f32 v19, v33  }
0x87: {  	v62 =	vld [tilespmem:s18+$0x28B0];
	v2 =	vmax.f32 v2, v33;
	v48 =	vmin.f32 v3, v34;
	v49 =	vmax.f32 v20, v34  }
0x88: {  	v63 =	vld [tilespmem:s18+$0x28C0];
	v50 =	vmin.f32 v4, v35;
	v5 =	vmax.f32 v5, v35;
	v51 =	vmin.f32 v21, v36  }
0x89: {  	v3 =	vld [tilespmem:s18+$0x2868];
	v52 =	vmax.f32 v6, v36;
	v21 =	vmin.f32 v7, v37;
	v19 =	vmax.f32 v22, v37  }
0x8a: {  	v4 =	vld [tilespmem:s18+$0x2880];
	v41 =	vmin.f32 v8, v38;
	v32 =	vmax.f32 v9, v38;
	v40 =	vmin.f32 v23, v39  }
0x8b: {  	v6 =	vld [tilespmem:s18+$0x2890];
	v10 =	vmax.f32 v10, v39;
	v39 =	vmin.f32 v11, v42;
	v22 =	vmax.f32 v24, v42  }
0x8c: {  	v7 =	vld [tilespmem:s18+$0x28A0];
	v38 =	vmin.f32 v12, v43;
	v11 =	vmax.f32 v13, v43;
	v37 =	vmin.f32 v25, v44  }
0x8d: {  	v12 =	vmax.f32 v14, v44;
	v36 =	vmin.f32 v15, v45;
	v20 =	vmax.f32 v26, v45;
	v14 =	vld [tilespmem:s18+$0x28D0]  }
0x8e: {  	v35 =	vmin.f32 v16, v47;
	v13 =	vmax.f32 v17, v47;
	v15 =	vld [tilespmem:s18+$0x28E0];
	v8 =	vmin.f32 v46, v62  }
.Ltmp4:
0x8f: {  	v34 =	vmin.f32 v27, v3;
	v23 =	vmax.f32 v18, v3;
	v3 =	vmax.f32 v2, v62;
	(pc) =	sbr.rel @p0 .LBB2_8-.Ltmp4, $4  }
0x90: {  	v2 =	vmax.f32 v49, v63;
	v24 =	vmin.f32 v28, v4;
	v25 =	vmax.f32 v29, v4  }
0x91: {  	v33 =	vmin.f32 v30, v6;
	v30 =	vmax.f32 v31, v6;
	v9 =	vmin.f32 v0, v7  }
0x92: {  	v4 =	vmax.f32 v1, v7;
	v7 =	vmin.f32 v48, v63;
	v6 =	vmin.f32 v50, v14  }
0x93: {  	v1 =	vmax.f32 v5, v14;
	v5 =	vmin.f32 v51, v15;
	v0 =	vmax.f32 v52, v15  }
0x94: {  	s18 =	smul.u32 $0xA0, s17  }
.Ltmp5:
0x95: {  	_ = 	snop;
	(pc) =	sbr.rel .LBB2_2-.Ltmp5, $4  }
0x96: {  	s18 =	sadd.s32 s18, s8  }
0x97: {  	s18 =	sshll.u32 s18, $0x4  }
0x98: {  	s17 =	sadd.s32 $0x1, s17;
	s18 =	sadd.s32 s2, s18  }
0x99: {  	[tilespmem:s11], [sflag:$0x2] =	stream.linear.gather [hbm4b:s18+s3], $0x2800, $0x38;
	[tilespmem:$0x5080] =	vst v63  }
.LBB2_9:
0x9a: {  	_ =	sfence.sel $0x180000  }
0x9b: {  	[bflag:$0x0] =	sbarrier.arrive $0xFFFF  }
0x9c: {  	p0 =	sne.s32 s0, $0x0;
	_ =	strace $0x90000047  }
0x9d: {  	s0 =	sadd.s32 @!p0 $0x100000, s1;
	[bflag:$0x2] =	sbarrier.arrive $0xFFFF  }
0x9e: {  	[sflag:s0] =	ssyncadd.tile.s32 @!p0 $0x1;
	_ =	shalt  }
.Lfunc_end2:
_tile_overlayer_lowered:
.L_overlay_start_2:
0x9f: {  	(tag) =	ssettag $0x2  }
0xa0: {  	s0 =	rddreg [dreg:$0x0];
	s2 =	stileid.u32  }
0xa1: {  	s1 =	rddreg [dreg:$0x1];
	p0 =	sne.s32 s2, $0x0  }
0xa2: {  	s3 =	rddreg [dreg:$0x2];
	[bflag:$0x3] =	sbarrier.arrive $0xFFFF;
	s2 =	simm.s32 @!p0 $0x1C03  }
0xa3: {  	[timem:s3], [sflag:s2] =	dma.local @!p0 [hbm:s0], s1  }
0xa4: {  	s0 =	simm.s32 @!p0 $0x3  }
0xa5: {  	_ =	swait.ge @!p0 [sflag:s0], s1  }
0xa6: {  	s1 =	ssub.s32 @!p0 $0x0, s1;
	[sflag:s0] =	ssyncset.done @!p0 $0x0  }
0xa7: {  	[sflag:s0] =	ssyncadd.s32 @!p0 s1  }
0xa8: {  	[bflag:$0x3] =	sbarrier.arrive $0xFFFF  }
0xa9: {  	_ =	shalt  }

// kernel: kernel.7.cloned.1.call-start
scs
__scs_entry_jumppad:
0x0: {  	(pc) =	sbr.rel $0x88, $3  }
0x1: {  	(tag) =	ssettag $0x0;
	lr =	simm.s32 $0x1  }
0x2: {  	[smem:$0x3FA0] =	sst lr;
	_ =	strace $0xD0000000  }
0x3: {  	_ = 	snop  }
0x4: {  	_ = 	snop  }
0x5: {  	_ = 	snop  }
0x6: {  	_ = 	snop  }
0x7: {  	_ = 	snop  }
__scs_overlays_trampoline_lowered:
0x8: {  	[smem:$0x3FAF] =	sst s0  }
0x9: {  	[smem:$0x3FB0] =	sst s1  }
0xa: {  	[smem:$0x3FB1] =	sst s2  }
0xb: {  	[smem:$0x3FB2] =	sst s3  }
0xc: {  	[smem:$0x3FB3] =	sst s4  }
0xd: {  	[smem:$0x3FB4] =	sst s5  }
0xe: {  	[smem:$0x3FB5] =	sst s6  }
0xf: {  	[smem:$0x3FB6] =	sst s7  }
0x10: {  	[smem:$0x3FB7] =	sst s8  }
0x11: {  	[smem:$0x3FB8] =	sst s9;
	s0 =	simm.s32 @!p0 $0x0  }
0x12: {  	s1 =	sld [smem:$0x3F9E];
	s0 =	simm.s32 @p0 $0x1  }
0x13: {  	[smem:$0x3FB9] =	sst s0;
	s0 =	simm.s32 @!p1 $0x0  }
0x14: {  	s2 =	sld [smem:$0x3F9D];
	s0 =	simm.s32 @p1 $0x1  }
0x15: {  	[smem:$0x3FBA] =	sst s0;
	s0 =	simm.s32 @!p2 $0x0  }
0x16: {  	s3 =	sld [smem:$0x3FDB];
	s0 =	simm.s32 @p2 $0x1  }
0x17: {  	s4 =	simm.s32 $0x1BF5;
	[smem:$0x3FBC] =	sst s0  }
0x18: {  	s0 =	sld [smem:$0x3F9F];
	_ =	swait.ge [sflag:s4], $0x0  }
0x19: {  	s7 =	sld [smem:$0x3FA0]  }
0x1a: {  	s8 =	sadd.s32 $0xFFFFE003, lr  }
0x1b: {  	s9 =	sadd.s32 $0xFFFFFEF7, lr;
	s5 =	simm.s32 $0xFFFFFFFF;
	p2 =	slt.u32 s8, $0xFFFFF086  }
0x1c: {  	p1 =	slt.u32 s9, $0xF7A;
	s5 =	simm.s32 @!p2 $0x0  }
0x1d: {  	s5 =	simm.s32 @p1 $0x1;
	p0 =	seq.s32 s7, s2  }
0x1e: {  	s7 =	smul.u32 @!p0 $0xF7A, s2;
	p2 =	seq.s32 @!p0 s5, $0x0  }
0x1f: {  	s9 =	smul.u32 $0xF7A, s1;
	s8 =	simm.s32 @!p0 $0x1BF5;
	p2 =	por !p2, p0  }
0x20: {  	[sflag:s8] =	ssyncset.s32 @!p0 $0xFFFFF086;
	s6 =	sadd.s32 @!p0 s3, s7;
	s7 =	simm.s32 @!p0 $0x108  }
0x21: {  	s3 =	sadd.s32 s3, s9;
	s6 =	sadd.s32 @!p0 $0x88, s6;
	s7 =	simm.s32 @p2 $0x1082  }
0x22: {  	[simem:s7], [sflag:s8] =	dma.local @!p0 [hbm:s6], $0xF7A  }
0x23: {  	s9 =	sor.u32 $0xD0000000, s2;
	s6 =	simm.s32 $0x108;
	_ =	swait.ge @!p0 [sflag:s8], $0x0  }
0x24: {  	s3 =	sadd.s32 $0x88, s3;
	s6 =	simm.s32 @!p1 $0x1082;
	[sflag:s4] =	ssyncset.s32 $0xFFFFF086  }
0x25: {  	[simem:s6], [sflag:s4] =	dma.local [hbm:s3], $0xF7A  }
0x26: {  	[smem:$0x3FA0] =	sst s1;
	(tag) =	ssettag s2;
	_ =	strace s9  }
0x27: {  	s1 =	sld [smem:$0x3FB0]  }
0x28: {  	s2 =	sld [smem:$0x3FB1]  }
0x29: {  	s4 =	sld [smem:$0x3FB3]  }
0x2a: {  	p0 =	seq.s32 s5, $0x0;
	s5 =	sld [smem:$0x3FB4]  }
0x2b: {  	s6 =	sld [smem:$0x3FB5]  }
0x2c: {  	s7 =	sld [smem:$0x3FB6]  }
0x2d: {  	s3 =	simm.s32 $0x108;
	s8 =	sld [smem:$0x3FB7]  }
0x2e: {  	s3 =	simm.s32 @!p0 $0x1082;
	s9 =	sld [smem:$0x3FB8]  }
0x2f: {  	lr =	sadd.s32 s0, s3;
	s0 =	sld [smem:$0x3FAF]  }
0x30: {  	s3 =	sld [smem:$0x3FB2]  }
0x31: {  	[smem:$0x3FBB] =	sst s10  }
0x32: {  	s10 =	sld [smem:$0x3FB9];
	_ =	sdelay $0x3  }
0x33: {  	p0 =	seq.s32 s10, $0x1;
	s10 =	sld [smem:$0x3FBB];
	_ =	sdelay $0x3  }
0x34: {  	[smem:$0x3FBB] =	sst s10  }
0x35: {  	s10 =	sld [smem:$0x3FBA];
	_ =	sdelay $0x3  }
0x36: {  	p1 =	seq.s32 s10, $0x1;
	s10 =	sld [smem:$0x3FBB];
	_ =	sdelay $0x3  }
0x37: {  	[smem:$0x3FBB] =	sst s10  }
0x38: {  	s10 =	sld [smem:$0x3FBC]  }
0x39: {  	_ = 	snop;
	(pc) =	sbr.ind lr, $3  }
0x3a: {  	_ = 	snop  }
0x3b: {  	_ = 	snop  }
0x3c: {  	p2 =	seq.s32 s10, $0x1;
	s10 =	sld [smem:$0x3FBB]  }
0x3d: {  	_ =	shalt  }
0x3e: {  	_ =	shalt  }
0x3f: {  	_ =	shalt  }
0x40: {  	_ =	shalt  }
0x41: {  	_ =	shalt  }
0x42: {  	_ =	shalt  }
0x43: {  	_ =	shalt  }
0x44: {  	_ =	shalt  }
0x45: {  	_ =	shalt  }
0x46: {  	_ =	shalt  }
0x47: {  	_ =	shalt  }
0x48: {  	_ =	shalt  }
0x49: {  	_ =	shalt  }
0x4a: {  	_ =	shalt  }
0x4b: {  	_ =	shalt  }
0x4c: {  	_ =	shalt  }
0x4d: {  	_ =	shalt  }
0x4e: {  	_ =	shalt  }
0x4f: {  	_ =	shalt  }
0x50: {  	_ =	shalt  }
0x51: {  	_ =	shalt  }
0x52: {  	_ =	shalt  }
0x53: {  	_ =	shalt  }
0x54: {  	_ =	shalt  }
0x55: {  	_ =	shalt  }
0x56: {  	_ =	shalt  }
0x57: {  	_ =	shalt  }
0x58: {  	_ =	shalt  }
0x59: {  	_ =	shalt  }
0x5a: {  	_ =	shalt  }
0x5b: {  	_ =	shalt  }
0x5c: {  	_ =	shalt  }
0x5d: {  	_ =	shalt  }
0x5e: {  	_ =	shalt  }
0x5f: {  	_ =	shalt  }
0x60: {  	_ =	shalt  }
0x61: {  	_ =	shalt  }
0x62: {  	_ =	shalt  }
0x63: {  	_ =	shalt  }
0x64: {  	_ =	shalt  }
0x65: {  	_ =	shalt  }
0x66: {  	_ =	shalt  }
0x67: {  	_ =	shalt  }
0x68: {  	_ =	shalt  }
0x69: {  	_ =	shalt  }
0x6a: {  	_ =	shalt  }
0x6b: {  	_ =	shalt  }
0x6c: {  	_ =	shalt  }
0x6d: {  	_ =	shalt  }
0x6e: {  	_ =	shalt  }
0x6f: {  	_ =	shalt  }
0x70: {  	_ =	shalt  }
0x71: {  	_ =	shalt  }
0x72: {  	_ =	shalt  }
0x73: {  	_ =	shalt  }
0x74: {  	_ =	shalt  }
0x75: {  	_ =	shalt  }
0x76: {  	_ =	shalt  }
0x77: {  	_ =	shalt  }
0x78: {  	_ =	shalt  }
0x79: {  	_ =	shalt  }
0x7a: {  	_ =	shalt  }
0x7b: {  	_ =	shalt  }
0x7c: {  	_ =	shalt  }
0x7d: {  	_ =	shalt  }
0x7e: {  	_ =	shalt  }
0x7f: {  	_ =	shalt  }
0x80: {  	_ =	shalt  }
0x81: {  	_ =	shalt  }
0x82: {  	_ =	shalt  }
0x83: {  	_ =	shalt  }
0x84: {  	_ =	shalt  }
0x85: {  	_ =	shalt  }
0x86: {  	_ =	shalt  }
0x87: {  	_ =	shalt  }
.Lfunc_end0:
.L_simem_size_0:
called_computation.1_lowered:
.L_overlay_start_0:
0x88: {  	s2 =	sld [smem:$0x3FD9]  }
0x89: {  	s3 =	sld [smem:$0x3FFE];
	_ =	sdelay $0x1  }
0x8a: {  	s1 =	srdreg.scid  }
0x8b: {  	s0 =	sand.u32 $0x1, s1  }
0x8c: {  	s17 =	sshll.u32 s0, $0xA;
	s2 =	sadd.s32 s3, s2  }
0x8d: {  	s2 =	sadd.s32 s2, s17  }
0x8e: {  	[smem:$0x3FC7] =	sst s2  }
0x8f: {  	_ = 	snop  }
0x90: {  	s2 =	sld [smem:$0x3FC9]  }
0x91: {  	s18 =	sld [smem:$0x3FD0];
	(tm) =	ssettm $0x1  }
0x92: {  	s4 =	sld [smem:$0x3FFB];
	_ =	sdelay $0x3  }
0x93: {  	_ =	strace s4  }
0x94: {  	s4 =	sld [smem:$0x3FFC];
	_ =	sdelay $0x3  }
0x95: {  	_ =	strace s4  }
0x96: {  	s4 =	sld [smem:$0x3FFD];
	_ =	sdelay $0x3  }
0x97: {  	_ =	strace s4  }
0x98: {  	_ =	strace $0x8FFFFFFF  }
0x99: {  	s19 =	sld [smem:$0x3FDB];
	_ =	sdelay $0x1  }
0x9a: {  	s5 =	simm.s32 $_scs_section_size  }
0x9b: {  	s6 =	simm.s32 $_size__tile_overlayer_lowered;
	s7 =	simm.s32 $_tile_overlayer_lowered  }
0x9c: {  	s22 =	simm.s32 $0x1BFF;
	s21 =	sshll.u32 s7, $0x1;
	s4 =	sadd.s32 s5, s19  }
0x9d: {  	s8 =	simm.s32 $0x0;
	s20 =	sshll.u32 s6, $0x1;
	s6 =	sadd.s32 s21, s4  }
0x9e: {  	[timem:s8], [sflag:s22] =	dma.local [hbm:s6], s20  }
0x9f: {  	_ =	swait.ge [sflag:s22], s20  }
0xa0: {  	s5 =	ssub.s32 $0x0, s20;
	[sflag:s22] =	ssyncset.done $0x0  }
0xa1: {  	[sflag:s22] =	ssyncadd.s32 s5;
	_ =	sdelay $0x1  }
0xa2: {  	s23 =	simm.s32 $0x1B8B  }
0xa3: {  	_ =	swait.ge [sflag:s23], $0x1  }
0xa4: {  	[sflag:s23] =	ssyncset.done $0x0  }
0xa5: {  	s25 =	simm.s32 $0x1B8E;
	s24 =	sld [smem:$0x3FFE];
	[sflag:s23] =	ssyncadd.s32 $0xFFFFFFFF  }
0xa6: {  	s26 =	simm.s32 $execute0_lowered;
	[smem:$0x3FD2] =	sst s25  }
0xa7: {  	s6 =	sshll.u32 s26, $0x1;
	_ =	strace $0x80000049;
	[dreg:$0x1] =	wrdreg $0xFFFFFFFF  }
0xa8: {  	s28 =	simm.s32 $_size_execute0_lowered;
	s4 =	sadd.s32 s4, s6;
	[dreg:$0x0] =	wrdreg $0x0  }
0xa9: {  	s6 =	sshll.u32 s28, $0x1;
	[dreg:$0x2] =	wrdreg s4  }
0xaa: {  	[dreg:$0x3] =	wrdreg s6  }
0xab: {  	[dreg:$0x4] =	wrdreg $0xC0  }
0xac: {  	_ =	task [dreg:s8], $0x5FFFF  }
0xad: {  	[dreg:$0x1] =	wrdreg $0xFFFFFFFF  }
0xae: {  	[dreg:$0x0] =	wrdreg $0x60  }
0xaf: {  	[dreg:$0x2] =	wrdreg s2  }
0xb0: {  	[dreg:$0x3] =	wrdreg s18  }
0xb1: {  	[dreg:$0x4] =	wrdreg s24  }
0xb2: {  	[dreg:$0x5] =	wrdreg $0x9  }
0xb3: {  	_ =	task.clear_ibuf [dreg:s8], $0x6FFFF;
	_ =	strace $0x90000049  }
0xb4: {  	s29 =	simm.s32 $0x9;
	_ =	strace $0x8000004B  }
0xb5: {  	_ =	swait.ge [sflag:s29], $0x1  }
0xb6: {  	[sflag:s29] =	ssyncadd.s32 $0xFFFFFFFF  }
0xb7: {  	_ =	strace $0x9000004B  }
0xb8: {  	_ =	sfence  }
0xb9: {  	s30 =	sld [smem:$0x0];
	_ =	sdelay $0x2  }
0xba: {  	s31 =	sshll.u32 s1, $0xD;
	s1 =	sshrl.u32 s1, $0x2  }
0xbb: {  	s3 =	sand.u32 $0x4000, s31;
	s1 =	sadd.s32 s1, s30  }
0xbc: {  	s0 =	sor.u32 s3, s0;
	s1 =	sshll.u32 s1, $0x11  }
0xbd: {  	s0 =	sor.u32 s1, s0  }
0xbe: {  	s0 =	sadd.s32 $0x8F2B, s0  }
0xbf: {  	[sflag:s0] =	ssyncadd.remote.s32 $0x1  }
0xc0: {  	_ =	sfence.sel $0xFFFF  }
0xc1: {  	[dreg:$0x0] =	wrdreg $0xFFFFFFFF;
	(pc) =	sbr.abs _section_cstart, $3  }
0xc2: {  	[dreg:$0x1] =	wrdreg $0xFFFFFFFF  }
0xc3: {  	_ =	task.clear_ibuf [dreg:s8], $0x2FFFF;
	_ =	strace $0x9FFFFFFF  }
0xc4: {  	(tm) =	ssettm $0x7FFFFFFF  }
0xc5: {  	_ =	shalt  }
tec
execute0_lowered:
.L_overlay_start_1:
0x0: {  	(tag) =	ssettag $0x1  }
0x1: {  	s1 =	rddreg [dreg:$0x0]  }
0x2: {  	s2 =	rddreg [dreg:$0x1]  }
0x3: {  	s3 =	rddreg [dreg:$0x2]  }
0x4: {  	s4 =	simm.s32 $0x0;
	s5 =	srdreg.scid;
	s10 =	simm.s32 $0x3  }
0x5: {  	s11 =	simm.s32 $0x17500;
	s12 =	simm.s32 $0x2800;
	s13 =	simm.s32 $0x1  }
0x6: {  	s14 =	simm.s32 $0x5000;
	s15 =	simm.s32 $0x2;
	s16 =	simm.s32 $0x15080  }
0x7: {  	s17 =	simm.s32 $0x16080;
	s18 =	simm.s32 $0x0;
	s7 =	sand.u32 $0x1, s5  }
0x8: {  	[smem:$0x7FF] =	sst s4;
	s6 =	sadd.s32 $0x200, s3;
	s8 =	ssub.s32 $0x2, s7  }
0x9: {  	s5 =	stileid.u32;
	_ =	strace $0x8000004A;
	s9 =	sshrl.u32 s8, $0x1  }
0xa: {  	v0 =	vimm.s32 $0x0;
	v1 =	vlaneseq.u32;
	s31 =	sshll.u32 s5, $0x2;
	s7 =	sshll.u32 s7, $0x1;
	s8 =	ssub.s32 s8, s9  }
0xb: {  	v3 =	vimm.s32 $0x1;
	vm0 =	vcmask $0x3F20;
	v2 =	vmul.u32 $0x1001, v1;
	s7 =	sor.u32 s7, s31;
	s9 =	simm.s32 $0x17480;
	s8 =	smax.u32 s8, $0x1  }
.LBB2_1:
0xc: {  	[tilespmem:s9], [sflag:$0x3] =	stream.linear.gather [hbm4b:s2+s4], $0x80, $0x38;
	[tilespmem:$0x17580] =	vst v63  }
0xd: {  	_ =	swait.ge [sflag:s10], $0x80  }
0xe: {  	[sflag:s10] =	ssyncset.done $0x0  }
0xf: {  	[sflag:s10] =	ssyncadd.s32 $0xFFFFFF80  }
0x10: {  	[tilespmem:s11], [sflag:$0x3] =	stream.linear.gather [hbm4b:s3+s4], $0x80, $0x38;
	[tilespmem:$0x17580] =	vst v63  }
0x11: {  	_ =	swait.ge [sflag:s10], $0x80  }
0x12: {  	[sflag:s10] =	ssyncset.done $0x0  }
0x13: {  	[sflag:s10] =	ssyncadd.s32 $0xFFFFFF80  }
0x14: {  	v4 =	vld [tilespmem:$0x17480];
	_ =	sdelay $0x1  }
0x15: {  	v5 =	vld [tilespmem:$0x17500];
	_ =	sdelay $0x1  }
0x16: {  	p1 =	por $0x1, $0x1;
	s19 =	simm.s32 $0x0  }
.LBB2_2:
0x17: {  	s20 =	simm.s32 $0x5090  }
0x18: {  	[tilespmem:s20+$0xFFFFFF70] =	vst v0  }
0x19: {  	[tilespmem:s20+$0xFFFFFFE0] =	vst v0  }
0x1a: {  	[tilespmem:s20+$0xFFFFFFD0] =	vst v0  }
0x1b: {  	[tilespmem:s20+$0xFFFFFFC0] =	vst v0  }
0x1c: {  	[tilespmem:s20+$0xFFFFFFB0] =	vst v0  }
0x1d: {  	[tilespmem:s20+$0xFFFFFFA0] =	vst v0  }
0x1e: {  	s21 =	simm.s32 $0x0;
	[tilespmem:s20+$0xFFFFFF90] =	vst v0  }
0x1f: {  	[tilespmem:s20+$0xFFFFFF80] =	vst v0;
	s23 =	sand.u32 $0x1FFF0, s21  }
0x20: {  	[tilespmem:s23+$0x5080] =	vst v0  }
0x21: {  	p0 =	por p1, p1;
	s22 =	simm.s32 $0x5090;
	s21 =	simm.s32 $0x110;
	[tilespmem:s20+$0x60] =	vst v0  }
.LBB2_3:
0x22: {  	p1 =	sne.s32 s21, $0xFF00  }
0x23: {  	[tilespmem:s20+$0x40] =	vst v0;
	s22 =	sadd.s32 $0x110, s22;
	s24 =	smov.u32 s21;
	s21 =	sadd.s32 $0x110, s21  }
0x24: {  	[tilespmem:s20+$0x50] =	vst v0  }
0x25: {  	[tilespmem:s20+$0x30] =	vst v0  }
0x26: {  	[tilespmem:s20+$0x20] =	vst v0  }
0x27: {  	[tilespmem:s20+$0x10] =	vst v0  }
0x28: {  	[tilespmem:s20+$0x0] =	vst v0;
	s20 =	smov.u32 s22  }
0x29: {  	[tilespmem:s23+$0x5100] =	vst v0  }
0x2a: {  	[tilespmem:s22+$0xFFFFFF70] =	vst v0  }
0x2b: {  	[tilespmem:s22+$0xFFFFFFE0] =	vst v0  }
0x2c: {  	[tilespmem:s22+$0xFFFFFFD0] =	vst v0  }
0x2d: {  	[tilespmem:s22+$0xFFFFFFC0] =	vst v0  }
0x2e: {  	[tilespmem:s22+$0xFFFFFFB0] =	vst v0  }
.Ltmp0:
0x2f: {  	[tilespmem:s22+$0xFFFFFFA0] =	vst v0;
	(pc) =	sbr.rel @p1 .LBB2_3-.Ltmp0, $4  }
0x30: {  	[tilespmem:s22+$0xFFFFFF90] =	vst v0  }
0x31: {  	s23 =	sand.u32 $0x1FFF0, s24;
	[tilespmem:s22+$0xFFFFFF80] =	vst v0  }
0x32: {  	[tilespmem:s23+$0x5080] =	vst v0  }
0x33: {  	[tilespmem:s22+$0x60] =	vst v0  }
0x34: {  	[tilespmem:s20+$0x40] =	vst v0  }
0x35: {  	[tilespmem:s20+$0x50] =	vst v0  }
0x36: {  	[tilespmem:s20+$0x30] =	vst v0;
	s21 =	sor.u32 s7, s19  }
0x37: {  	[tilespmem:s20+$0x20] =	vst v0;
	s19 =	smul.u32 $0x4B00, s21  }
0x38: {  	[tilespmem:s20+$0x10] =	vst v0;
	s30 =	smul.u32 $0x25800, s21  }
0x39: {  	[tilespmem:s20+$0x0] =	vst v0;
	s24 =	simm.s32 $0x0  }
0x3a: {  	[tilespmem:s23+$0x5100] =	vst v0;
	s31 =	smul.u32 $0x4B0, s21;
	s22 =	sadd.s32 s1, s19;
	s19 =	sshrl.u32 s30, $0x3  }
0x3b: {  	[tilespmem:s24], [sflag:$0x1] =	stream.linear.gather [hbm4b:s22+s24], $0x2800, $0x38;
	[tilespmem:$0x17580] =	vst v63  }
0x3c: {  	s19 =	sadd.s32 s1, s19  }
0x3d: {  	s20 =	sadd.s32 $0xF0, s31;
	s23 =	sadd.s32 $0x500, s19;
	s19 =	sadd.s32 $0xA0, s31  }
0x3e: {  	[tilespmem:s12], [sflag:$0x2] =	stream.linear.gather [hbm4b:s23+s24], $0x2800, $0x38;
	[tilespmem:$0x17580] =	vst v63  }
.LBB2_5:
0x3f: {  	_ =	swait.ge [sflag:s13], $0x2800  }
0x40: {  	[sflag:s13] =	ssyncset.done $0x0  }
0x41: {  	s25 =	simm.s32 $0x0;
	[sflag:s13] =	ssyncadd.s32 $0xFFFFD800  }
0x42: {  	v6 =	vld [tilespmem:s25+$0x10]  }
0x43: {  	v7 =	vld [tilespmem:s25+$0x20]  }
0x44: {  	v8 =	vld [tilespmem:s25+$0x30]  }
0x45: {  	v9 =	vld [tilespmem:s25+$0x40]  }
0x46: {  	v10 =	vld [tilespmem:s25+$0x0]  }
0x47: {  	v11 =	vld [tilespmem:s25+$0x50]  }
0x48: {  	v12 =	vld [tilespmem:s25+$0x60];
	_ =	sdelay $0x1  }
0x49: {  	v13 =	vld [tilespmem:s25+$0x68]  }
0x4a: {  	v14 =	vld [tilespmem:s25+$0xE0];
	v6 =	vmax.f32 v6, $6.000000000e+01;
	v7 =	vmax.f32 v7, $6.000000000e+01;
	v8 =	vmax.f32 v8, $6.000000000e+01  }
0x4b: {  	v9 =	vmax.f32 v9, $6.000000000e+01;
	v10 =	vmax.f32 v10, $6.000000000e+01;
	v6 =	vcvt.s32.f32 v6  }
0x4c: {  	v11 =	vmax.f32 v11, $6.000000000e+01;
	v12 =	vmax.f32 v12, $6.000000000e+01;
	v7 =	vcvt.s32.f32 v7  }
0x4d: {  	v8 =	vcvt.s32.f32 v8;
	v9 =	vcvt.s32.f32 v9;
	v6 =	vsub.f32 v6, v4  }
0x4e: {  	v13 =	vmax.f32 v13, $6.000000000e+01;
	v10 =	vcvt.s32.f32 v10;
	v11 =	vcvt.s32.f32 v11  }
0x4f: {  	v14 =	vmax.f32 v14, $6.000000000e+01;
	v13 =	vcvt.s32.f32 v13;
	v6 =	vmul.f32 v6, v5  }
0x50: {  	v12 =	vcvt.s32.f32 v12;
	v14 =	vcvt.s32.f32 v14;
	v7 =	vsub.f32 v7, v4  }
0x51: {  	v8 =	vsub.f32 v8, v4;
	v10 =	vsub.f32 v10, v4;
	v6 =	vtrunc.f32 v6  }
0x52: {  	v9 =	vsub.f32 v9, v4;
	v7 =	vmul.f32 v7, v5;
	v6 =	vcvt.f32.s32 v6  }
0x53: {  	v10 =	vmul.f32 v10, v5;
	v8 =	vmul.f32 v8, v5  }
0x54: {  	v9 =	vmul.f32 v9, v5;
	v7 =	vtrunc.f32 v7;
	vm1 =	vlt.s32 v6, $0xFFF  }
0x55: {  	v10 =	vtrunc.f32 v10;
	v8 =	vtrunc.f32 v8;
	v6 =	vnsel vm1, $0xFFF, v6  }
0x56: {  	v15 =	vadd.s32 v2, v6;
	v6 =	vcvt.f32.s32 v8;
	v8 =	vsub.f32 v11, v4  }
0x57: {  	v9 =	vtrunc.f32 v9;
	v10 =	vcvt.f32.s32 v10;
	v11 =	vld [tilespmem:s25+$0xB0]  }
0x58: {  	v7 =	vcvt.f32.s32 v7;
	vm2 =	vlt.s32 v6, $0xFFF;
	v8 =	vmul.f32 v8, v5  }
0x59: {  	v9 =	vcvt.f32.s32 v9;
	vm3 =	vlt.s32 v10, $0xFFF;
	v6 =	vnsel vm2, $0xFFF, v6  }
0x5a: {  	v16 =	vld [tilespmem:s25+$0x80];
	vm1 =	vlt.s32 v7, $0xFFF;
	v17 =	vadd.s32 v2, v6;
	v6 =	vtrunc.f32 v8  }
0x5b: {  	v18 =	vld [tilespmem:s25+$0x90];
	v10 =	vnsel vm3, $0xFFF, v10;
	v7 =	vnsel vm1, $0xFFF, v7;
	v6 =	vcvt.f32.s32 v6  }
0x5c: {  	v10 =	vadd.s32 v2, v10;
	vm1 =	vlt.s32 v9, $0xFFF;
	v8 =	vld [tilespmem:s25+$0xD0];
	v11 =	vmax.f32 v11, $6.000000000e+01  }
0x5d: {  	v19 =	vadd.s32 v2, v7;
	v7 =	vcvt.s32.f32 v11;
	v11 =	vld [tilespmem:s25+$0xC0];
	vm2 =	vlt.s32 v6, $0xFFF  }
0x5e: {  	v20 =	vld [tilespmem:s25+$0xA0];
	v12 =	vsub.f32 v12, v4;
	v9 =	vnsel vm1, $0xFFF, v9;
	v6 =	vnsel vm2, $0xFFF, v6  }
0x5f: {  	v21 =	vadd.s32 v2, v6;
	v6 =	vmax.f32 v16, $6.000000000e+01;
	v16 =	vadd.s32 v2, v9  }
0x60: {  	v22 =	vld [tilespmem:s25+$0xE8];
	v9 =	vsub.f32 v13, v4;
	v13 =	vmax.f32 v18, $6.000000000e+01;
	v6 =	vcvt.s32.f32 v6  }
0x61: {  	[tilespmem:v10+s14+$0x0] =	vst.idx.add.s32.msk $0xffff, v3;
	v8 =	vmax.f32 v8, $6.000000000e+01;
	v10 =	vcvt.s32.f32 v13;
	v13 =	vmul.f32 v12, v5  }
0x62: {  	[tilespmem:v15+s14+$0x0] =	vst.idx.add.s32.msk $0xffff, v3;
	v11 =	vmax.f32 v11, $6.000000000e+01;
	v62 =	vsub.f32 v6, v4;
	v6 =	vcvt.s32.f32 v8  }
0x63: {  	v20 =	vmax.f32 v20, $6.000000000e+01;
	[tilespmem:v19+s14+$0x0] =	vst.idx.add.s32.msk $0xffff, v3;
	v8 =	vmul.f32 v9, v5;
	v12 =	vcvt.s32.f32 v11  }
0x64: {  	[tilespmem:v17+s14+$0x0] =	vst.idx.add.s32.msk $0xffff, v3;
	v63 =	vsub.f32 v10, v4;
	v11 =	vtrunc.f32 v13;
	v15 =	vmul.f32 v62, v5  }
0x65: {  	v10 =	vsub.f32 v14, v4;
	v14 =	vcvt.s32.f32 v20;
	v9 =	vtrunc.f32 v8;
	[tilespmem:v16+s14+$0x0] =	vst.idx.add.s32.msk $0xffff, v3  }
0x66: {  	s25 =	simm.s32 $0x400;
	v13 =	vmul.f32 v63, v5;
	[tilespmem:v21+s14+$0x0] =	vst.idx.add.s32.msk $0xffff, v3;
	v8 =	vtrunc.f32 v15;
	v15 =	vmax.f32 v22, $6.000000000e+01  }
.LBB2_6:
0x67: {  	p1 =	sne.s32 s25, $0x9C00;
	v7 =	vsub.f32 v7, v4;
	v12 =	vsub.f32 v12, v4;
	v15 =	vcvt.s32.f32 v15;
	s26 =	smov.u32 s25;
	s25 =	sadd.s32 $0x400, s25  }
0x68: {  	v11 =	vcvt.f32.s32 v11;
	v13 =	vtrunc.f32 v13;
	v14 =	vsub.f32 v14, v4  }
0x69: {  	v10 =	vmul.f32 v10, v5;
	v13 =	vcvt.f32.s32 v13;
	v15 =	vsub.f32 v15, v4  }
0x6a: {  	v9 =	vcvt.f32.s32 v9;
	vm1 =	vlt.s32 v11, $0xFFF;
	v12 =	vmul.f32 v12, v5  }
0x6b: {  	v11 =	vnsel vm1, $0xFFF, v11;
	vm1 =	vlt.s32 v13, $0xFFF;
	v15 =	vmul.f32 v15, v5  }
0x6c: {  	v8 =	vcvt.f32.s32 v8;
	v14 =	vmul.f32 v14, v5;
	v13 =	vnsel vm1, $0xFFF, v13  }
0x6d: {  	v7 =	vmul.f32 v7, v5;
	v12 =	vtrunc.f32 v12;
	v13 =	vadd.s32 v2, v13  }
0x6e: {  	v11 =	vadd.s32 v2, v11;
	vm1 =	vlt.s32 v9, $0xFFF;
	v12 =	vcvt.f32.s32 v12  }
0x6f: {  	v6 =	vsub.f32 v6, v4;
	v14 =	vtrunc.f32 v14;
	v9 =	vnsel vm1, $0xFFF, v9  }
0x70: {  	v15 =	vtrunc.f32 v15;
	v9 =	vadd.s32 v2, v9;
	vm1 =	vlt.s32 v12, $0xFFF  }
0x71: {  	v7 =	vtrunc.f32 v7;
	v14 =	vcvt.f32.s32 v14;
	v12 =	vnsel vm1, $0xFFF, v12  }
0x72: {  	v7 =	vcvt.f32.s32 v7;
	vm1 =	vlt.s32 v8, $0xFFF;
	v12 =	vadd.s32 v2, v12  }
0x73: {  	v6 =	vmul.f32 v6, v5;
	v8 =	vnsel vm1, $0xFFF, v8;
	vm1 =	vlt.s32 v14, $0xFFF;
	[tilespmem:v11+s14+$0x0] =	vst.idx.add.s32.msk $0xffff, v3  }
0x74: {  	v10 =	vtrunc.f32 v10;
	v8 =	vadd.s32 v2, v8;
	v11 =	vnsel vm1, $0xFFF, v14  }
0x75: {  	v10 =	vcvt.f32.s32 v10;
	v6 =	vtrunc.f32 v6;
	vm1 =	vlt.s32 v7, $0xFFF  }
0x76: {  	v6 =	vcvt.f32.s32 v6;
	v14 =	vcvt.f32.s32 v15;
	v7 =	vnsel vm1, $0xFFF, v7  }
0x77: {  	v11 =	vadd.s32 v2, v11;
	vm1 =	vlt.s32 v10, $0xFFF;
	v7 =	vadd.s32 v2, v7  }
0x78: {  	vm2 =	vlt.s32 v6, $0xFFF;
	v10 =	vnsel vm1, $0xFFF, v10;
	vm1 =	vlt.s32 v14, $0xFFF  }
0x79: {  	v6 =	vnsel vm2, $0xFFF, v6;
	v10 =	vadd.s32 v2, v10;
	v14 =	vnsel vm1, $0xFFF, v14;
	[tilespmem:v9+s14+$0x0] =	vst.idx.add.s32.msk vm0, v3  }
0x7a: {  	v6 =	vadd.s32 v2, v6;
	[tilespmem:v8+s14+$0x0] =	vst.idx.add.s32.msk $0xffff, v3  }
0x7b: {  	v8 =	vadd.s32 v2, v14;
	[tilespmem:v13+s14+$0x0] =	vst.idx.add.s32.msk $0xffff, v3  }
0x7c: {  	[tilespmem:v11+s14+$0x0] =	vst.idx.add.s32.msk $0xffff, v3  }
0x7d: {  	[tilespmem:v7+s14+$0x0] =	vst.idx.add.s32.msk $0xffff, v3  }
0x7e: {  	[tilespmem:v12+s14+$0x0] =	vst.idx.add.s32.msk $0xffff, v3  }
0x7f: {  	[tilespmem:v6+s14+$0x0] =	vst.idx.add.s32.msk $0xffff, v3  }
0x80: {  	s26 =	sshra.s32 s26, $0x2;
	[tilespmem:v10+s14+$0x0] =	vst.idx.add.s32.msk $0xffff, v3  }
0x81: {  	[tilespmem:v8+s14+$0x0] =	vst.idx.add.s32.msk vm0, v3  }
0x82: {  	v6 =	vld [tilespmem:s26+$0x10]  }
0x83: {  	v7 =	vld [tilespmem:s26+$0x20]  }
0x84: {  	v8 =	vld [tilespmem:s26+$0x30]  }
0x85: {  	v9 =	vld [tilespmem:s26+$0x40];
	_ =	sdelay $0x1  }
0x86: {  	v10 =	vld [tilespmem:s26+$0x0];
	v6 =	vmax.f32 v6, $6.000000000e+01  }
0x87: {  	v6 =	vcvt.s32.f32 v6;
	v7 =	vmax.f32 v7, $6.000000000e+01  }
0x88: {  	v11 =	vld [tilespmem:s26+$0x50];
	v7 =	vcvt.s32.f32 v7;
	v8 =	vmax.f32 v8, $6.000000000e+01  }
0x89: {  	v6 =	vsub.f32 v6, v4;
	v8 =	vcvt.s32.f32 v8;
	v9 =	vmax.f32 v9, $6.000000000e+01  }
0x8a: {  	v7 =	vsub.f32 v7, v4;
	v9 =	vcvt.s32.f32 v9  }
0x8b: {  	v10 =	vmax.f32 v10, $6.000000000e+01;
	v6 =	vmul.f32 v6, v5;
	v8 =	vsub.f32 v8, v4  }
0x8c: {  	v12 =	vld [tilespmem:s26+$0x60];
	v10 =	vcvt.s32.f32 v10;
	v7 =	vmul.f32 v7, v5;
	v9 =	vsub.f32 v9, v4  }
0x8d: {  	v15 =	vld [tilespmem:s26+$0xE8];
	v6 =	vtrunc.f32 v6;
	v11 =	vmax.f32 v11, $6.000000000e+01  }
0x8e: {  	v13 =	vld [tilespmem:s26+$0x68];
	v10 =	vsub.f32 v10, v4;
	v6 =	vcvt.f32.s32 v6;
	v11 =	vcvt.s32.f32 v11  }
0x8f: {  	v7 =	vtrunc.f32 v7;
	v9 =	vmul.f32 v9, v5;
	v14 =	vld [tilespmem:s26+$0xE0]  }
0x90: {  	v8 =	vmul.f32 v8, v5;
	v16 =	vld [tilespmem:s26+$0x80];
	v10 =	vmul.f32 v10, v5;
	vm1 =	vlt.s32 v6, $0xFFF  }
0x91: {  	v7 =	vcvt.f32.s32 v7;
	v17 =	vld [tilespmem:s26+$0xD0];
	v6 =	vnsel vm1, $0xFFF, v6;
	v12 =	vmax.f32 v12, $6.000000000e+01  }
0x92: {  	v18 =	vld [tilespmem:s26+$0xC0];
	v10 =	vtrunc.f32 v10;
	v19 =	vadd.s32 v2, v6;
	v6 =	vtrunc.f32 v8  }
0x93: {  	v11 =	vsub.f32 v11, v4;
	v8 =	vld [tilespmem:s26+$0xB0];
	v10 =	vcvt.f32.s32 v10;
	v6 =	vcvt.f32.s32 v6  }
0x94: {  	v9 =	vtrunc.f32 v9;
	vm1 =	vlt.s32 v7, $0xFFF;
	v13 =	vmax.f32 v13, $6.000000000e+01;
	v20 =	vld [tilespmem:s26+$0xA0]  }
0x95: {  	v11 =	vmul.f32 v11, v5;
	v14 =	vmax.f32 v14, $6.000000000e+01;
	v21 =	vld [tilespmem:s26+$0x90];
	vm2 =	vlt.s32 v6, $0xFFF  }
0x96: {  	v9 =	vcvt.f32.s32 v9;
	vm3 =	vlt.s32 v10, $0xFFF;
	v6 =	vnsel vm2, $0xFFF, v6  }
0x97: {  	v22 =	vadd.s32 v2, v6;
	v6 =	vtrunc.f32 v11;
	v11 =	vcvt.s32.f32 v13  }
0x98: {  	v7 =	vnsel vm1, $0xFFF, v7;
	v6 =	vcvt.f32.s32 v6;
	v8 =	vmax.f32 v8, $6.000000000e+01  }
0x99: {  	v10 =	vnsel vm3, $0xFFF, v10;
	v13 =	vadd.s32 v2, v7;
	v7 =	vcvt.s32.f32 v8  }
0x9a: {  	vm1 =	vlt.s32 v9, $0xFFF;
	v8 =	vadd.s32 v2, v10;
	vm2 =	vlt.s32 v6, $0xFFF  }
0x9b: {  	v9 =	vnsel vm1, $0xFFF, v9;
	v10 =	vcvt.s32.f32 v12;
	v6 =	vnsel vm2, $0xFFF, v6  }
0x9c: {  	v12 =	vmax.f32 v17, $6.000000000e+01;
	v23 =	vadd.s32 v2, v6;
	v6 =	vmax.f32 v16, $6.000000000e+01  }
0x9d: {  	v16 =	vadd.s32 v2, v9;
	v9 =	vsub.f32 v11, v4;
	v6 =	vcvt.s32.f32 v6  }
0x9e: {  	v17 =	vmax.f32 v20, $6.000000000e+01;
	v10 =	vsub.f32 v10, v4;
	v11 =	vmax.f32 v21, $6.000000000e+01  }
0x9f: {  	v14 =	vcvt.s32.f32 v14;
	v20 =	vsub.f32 v6, v4;
	v6 =	vcvt.s32.f32 v12;
	[tilespmem:v8+s14+$0x0] =	vst.idx.add.s32.msk $0xffff, v3  }
.Ltmp1:
0xa0: {  	v11 =	vcvt.s32.f32 v11;
	v8 =	vmul.f32 v9, v5;
	[tilespmem:v19+s14+$0x0] =	vst.idx.add.s32.msk $0xffff, v3;
	(pc) =	sbr.rel @p1 .LBB2_6-.Ltmp1, $4  }
0xa1: {  	v10 =	vmul.f32 v10, v5;
	v12 =	vmax.f32 v18, $6.000000000e+01;
	v19 =	vmul.f32 v20, v5;
	[tilespmem:v13+s14+$0x0] =	vst.idx.add.s32.msk $0xffff, v3  }
0xa2: {  	v12 =	vcvt.s32.f32 v12;
	v9 =	vtrunc.f32 v8;
	v13 =	vsub.f32 v11, v4;
	[tilespmem:v22+s14+$0x0] =	vst.idx.add.s32.msk $0xffff, v3  }
0xa3: {  	v11 =	vtrunc.f32 v10;
	v10 =	vsub.f32 v14, v4;
	v8 =	vtrunc.f32 v19;
	[tilespmem:v16+s14+$0x0] =	vst.idx.add.s32.msk $0xffff, v3  }
0xa4: {  	v15 =	vmax.f32 v15, $6.000000000e+01;
	v14 =	vcvt.s32.f32 v17;
	v13 =	vmul.f32 v13, v5;
	[tilespmem:v23+s14+$0x0] =	vst.idx.add.s32.msk $0xffff, v3  }
0xa5: {  	v15 =	vcvt.s32.f32 v15;
	v11 =	vcvt.f32.s32 v11  }
0xa6: {  	v7 =	vsub.f32 v7, v4;
	v10 =	vmul.f32 v10, v5;
	v9 =	vcvt.f32.s32 v9  }
0xa7: {  	v12 =	vsub.f32 v12, v4;
	v8 =	vcvt.f32.s32 v8;
	v13 =	vtrunc.f32 v13  }
0xa8: {  	v6 =	vsub.f32 v6, v4;
	v14 =	vsub.f32 v14, v4;
	v13 =	vcvt.f32.s32 v13  }
0xa9: {  	v15 =	vsub.f32 v15, v4;
	v12 =	vmul.f32 v12, v5;
	v7 =	vmul.f32 v7, v5  }
0xaa: {  	vm1 =	vlt.s32 v11, $0xFFF;
	v6 =	vmul.f32 v6, v5;
	v10 =	vtrunc.f32 v10  }
0xab: {  	v11 =	vnsel vm1, $0xFFF, v11;
	v14 =	vmul.f32 v14, v5;
	v10 =	vcvt.f32.s32 v10  }
0xac: {  	vm1 =	vlt.s32 v13, $0xFFF;
	v15 =	vmul.f32 v15, v5;
	v12 =	vtrunc.f32 v12  }
0xad: {  	v11 =	vadd.s32 v2, v11;
	v7 =	vtrunc.f32 v7;
	v12 =	vcvt.f32.s32 v12  }
0xae: {  	v6 =	vtrunc.f32 v6;
	v13 =	vnsel vm1, $0xFFF, v13;
	vm1 =	vlt.s32 v9, $0xFFF  }
0xaf: {  	v14 =	vtrunc.f32 v14;
	v9 =	vnsel vm1, $0xFFF, v9;
	vm1 =	vlt.s32 v12, $0xFFF  }
0xb0: {  	v14 =	vcvt.f32.s32 v14;
	v12 =	vnsel vm1, $0xFFF, v12;
	vm1 =	vlt.s32 v8, $0xFFF  }
0xb1: {  	v7 =	vcvt.f32.s32 v7;
	v9 =	vadd.s32 v2, v9;
	v8 =	vnsel vm1, $0xFFF, v8  }
0xb2: {  	v6 =	vcvt.f32.s32 v6;
	vm1 =	vlt.s32 v14, $0xFFF;
	v8 =	vadd.s32 v2, v8  }
0xb3: {  	v13 =	vadd.s32 v2, v13;
	v14 =	vnsel vm1, $0xFFF, v14;
	vm1 =	vlt.s32 v7, $0xFFF  }
0xb4: {  	v15 =	vtrunc.f32 v15;
	v7 =	vnsel vm1, $0xFFF, v7;
	v14 =	vadd.s32 v2, v14  }
0xb5: {  	[tilespmem:v11+s14+$0x0] =	vst.idx.add.s32.msk $0xffff, v3;
	v11 =	vcvt.f32.s32 v15;
	vm1 =	vlt.s32 v6, $0xFFF;
	v7 =	vadd.s32 v2, v7  }
0xb6: {  	vm2 =	vlt.s32 v10, $0xFFF;
	v12 =	vadd.s32 v2, v12;
	v6 =	vnsel vm1, $0xFFF, v6;
	[tilespmem:v9+s14+$0x0] =	vst.idx.add.s32.msk vm0, v3  }
0xb7: {  	v9 =	vnsel vm2, $0xFFF, v10;
	vm1 =	vlt.s32 v11, $0xFFF;
	v6 =	vadd.s32 v2, v6;
	[tilespmem:v8+s14+$0x0] =	vst.idx.add.s32.msk $0xffff, v3  }
0xb8: {  	v8 =	vadd.s32 v2, v9;
	v9 =	vnsel vm1, $0xFFF, v11;
	[tilespmem:v13+s14+$0x0] =	vst.idx.add.s32.msk $0xffff, v3  }
0xb9: {  	v9 =	vadd.s32 v2, v9;
	[tilespmem:v14+s14+$0x0] =	vst.idx.add.s32.msk $0xffff, v3  }
0xba: {  	s25 =	smul.u32 $0xA0, s24;
	[tilespmem:v7+s14+$0x0] =	vst.idx.add.s32.msk $0xffff, v3  }
0xbb: {  	[tilespmem:v12+s14+$0x0] =	vst.idx.add.s32.msk $0xffff, v3  }
0xbc: {  	s26 =	sadd.s32 s25, s19;
	[tilespmem:v6+s14+$0x0] =	vst.idx.add.s32.msk $0xffff, v3  }
0xbd: {  	s26 =	sshll.u32 s26, $0x4;
	[tilespmem:v8+s14+$0x0] =	vst.idx.add.s32.msk $0xffff, v3  }
0xbe: {  	s28 =	simm.s32 $0x0;
	s26 =	sadd.s32 s1, s26;
	[tilespmem:v9+s14+$0x0] =	vst.idx.add.s32.msk vm0, v3  }
0xbf: {  	[tilespmem:s28], [sflag:$0x1] =	stream.linear.gather [hbm4b:s26+s28], $0x2800, $0x38;
	[tilespmem:$0x17580] =	vst v63  }
0xc0: {  	_ =	swait.ge [sflag:s15], $0x2800  }
0xc1: {  	[sflag:s15] =	ssyncset.done $0x0  }
0xc2: {  	s31 =	simm.s32 $0x0;
	[sflag:s15] =	ssyncadd.s32 $0xFFFFD800  }
0xc3: {  	v6 =	vld [tilespmem:s31+$0x2810]  }
0xc4: {  	v7 =	vld [tilespmem:s31+$0x2820]  }
0xc5: {  	v8 =	vld [tilespmem:s31+$0x2830]  }
0xc6: {  	v9 =	vld [tilespmem:s31+$0x2840]  }
0xc7: {  	v10 =	vld [tilespmem:s31+$0x2800]  }
0xc8: {  	v11 =	vld [tilespmem:s31+$0x2850]  }
0xc9: {  	v12 =	vld [tilespmem:s31+$0x2860];
	_ =	sdelay $0x1  }
0xca: {  	v13 =	vld [tilespmem:s31+$0x2868]  }
0xcb: {  	v14 =	vld [tilespmem:s31+$0x28E0];
	v6 =	vmax.f32 v6, $6.000000000e+01;
	v7 =	vmax.f32 v7, $6.000000000e+01;
	v8 =	vmax.f32 v8, $6.000000000e+01  }
0xcc: {  	v9 =	vmax.f32 v9, $6.000000000e+01;
	v10 =	vmax.f32 v10, $6.000000000e+01;
	v6 =	vcvt.s32.f32 v6  }
0xcd: {  	v11 =	vmax.f32 v11, $6.000000000e+01;
	v12 =	vmax.f32 v12, $6.000000000e+01;
	v7 =	vcvt.s32.f32 v7  }
0xce: {  	v8 =	vcvt.s32.f32 v8;
	v9 =	vcvt.s32.f32 v9;
	v6 =	vsub.f32 v6, v4  }
0xcf: {  	v13 =	vmax.f32 v13, $6.000000000e+01;
	v10 =	vcvt.s32.f32 v10;
	v11 =	vcvt.s32.f32 v11  }
0xd0: {  	v14 =	vmax.f32 v14, $6.000000000e+01;
	v13 =	vcvt.s32.f32 v13;
	v6 =	vmul.f32 v6, v5  }
0xd1: {  	v12 =	vcvt.s32.f32 v12;
	v14 =	vcvt.s32.f32 v14;
	v7 =	vsub.f32 v7, v4  }
0xd2: {  	v8 =	vsub.f32 v8, v4;
	v10 =	vsub.f32 v10, v4;
	v6 =	vtrunc.f32 v6  }
0xd3: {  	v9 =	vsub.f32 v9, v4;
	v7 =	vmul.f32 v7, v5;
	v6 =	vcvt.f32.s32 v6  }
0xd4: {  	v10 =	vmul.f32 v10, v5;
	v8 =	vmul.f32 v8, v5  }
0xd5: {  	v9 =	vmul.f32 v9, v5;
	v7 =	vtrunc.f32 v7;
	vm1 =	vlt.s32 v6, $0xFFF  }
0xd6: {  	v10 =	vtrunc.f32 v10;
	v8 =	vtrunc.f32 v8;
	v6 =	vnsel vm1, $0xFFF, v6  }
0xd7: {  	v15 =	vadd.s32 v2, v6;
	v6 =	vcvt.f32.s32 v8;
	v8 =	vsub.f32 v11, v4  }
0xd8: {  	v9 =	vtrunc.f32 v9;
	v10 =	vcvt.f32.s32 v10;
	v11 =	vld [tilespmem:s31+$0x28B0]  }
0xd9: {  	v7 =	vcvt.f32.s32 v7;
	vm2 =	vlt.s32 v6, $0xFFF;
	v8 =	vmul.f32 v8, v5  }
0xda: {  	v9 =	vcvt.f32.s32 v9;
	vm3 =	vlt.s32 v10, $0xFFF;
	v6 =	vnsel vm2, $0xFFF, v6  }
0xdb: {  	v16 =	vld [tilespmem:s31+$0x2880];
	vm1 =	vlt.s32 v7, $0xFFF;
	v17 =	vadd.s32 v2, v6;
	v6 =	vtrunc.f32 v8  }
0xdc: {  	v18 =	vld [tilespmem:s31+$0x2890];
	v10 =	vnsel vm3, $0xFFF, v10;
	v7 =	vnsel vm1, $0xFFF, v7;
	v6 =	vcvt.f32.s32 v6  }
0xdd: {  	v10 =	vadd.s32 v2, v10;
	vm1 =	vlt.s32 v9, $0xFFF;
	v8 =	vld [tilespmem:s31+$0x28D0];
	v11 =	vmax.f32 v11, $6.000000000e+01  }
0xde: {  	v19 =	vadd.s32 v2, v7;
	v7 =	vcvt.s32.f32 v11;
	v11 =	vld [tilespmem:s31+$0x28C0];
	vm2 =	vlt.s32 v6, $0xFFF  }
0xdf: {  	v20 =	vld [tilespmem:s31+$0x28A0];
	v12 =	vsub.f32 v12, v4;
	v9 =	vnsel vm1, $0xFFF, v9;
	v6 =	vnsel vm2, $0xFFF, v6  }
0xe0: {  	v21 =	vadd.s32 v2, v6;
	v6 =	vmax.f32 v16, $6.000000000e+01;
	v16 =	vadd.s32 v2, v9  }
0xe1: {  	v22 =	vld [tilespmem:s31+$0x28E8];
	v9 =	vsub.f32 v13, v4;
	v13 =	vmax.f32 v18, $6.000000000e+01;
	v6 =	vcvt.s32.f32 v6  }
0xe2: {  	[tilespmem:v10+s14+$0x0] =	vst.idx.add.s32.msk $0xffff, v3;
	v8 =	vmax.f32 v8, $6.000000000e+01;
	v10 =	vcvt.s32.f32 v13;
	v13 =	vmul.f32 v12, v5  }
0xe3: {  	[tilespmem:v15+s14+$0x0] =	vst.idx.add.s32.msk $0xffff, v3;
	v11 =	vmax.f32 v11, $6.000000000e+01;
	v62 =	vsub.f32 v6, v4;
	v6 =	vcvt.s32.f32 v8  }
0xe4: {  	v20 =	vmax.f32 v20, $6.000000000e+01;
	[tilespmem:v19+s14+$0x0] =	vst.idx.add.s32.msk $0xffff, v3;
	v8 =	vmul.f32 v9, v5;
	v12 =	vcvt.s32.f32 v11  }
0xe5: {  	[tilespmem:v17+s14+$0x0] =	vst.idx.add.s32.msk $0xffff, v3;
	v63 =	vsub.f32 v10, v4;
	v11 =	vtrunc.f32 v13;
	v15 =	vmul.f32 v62, v5  }
0xe6: {  	v10 =	vsub.f32 v14, v4;
	v14 =	vcvt.s32.f32 v20;
	v9 =	vtrunc.f32 v8;
	[tilespmem:v16+s14+$0x0] =	vst.idx.add.s32.msk $0xffff, v3  }
0xe7: {  	s26 =	simm.s32 $0x400;
	v13 =	vmul.f32 v63, v5;
	[tilespmem:v21+s14+$0x0] =	vst.idx.add.s32.msk $0xffff, v3;
	v8 =	vtrunc.f32 v15;
	v15 =	vmax.f32 v22, $6.000000000e+01  }
.LBB2_8:
0xe8: {  	p1 =	sne.s32 s26, $0x9C00;
	v7 =	vsub.f32 v7, v4;
	v12 =	vsub.f32 v12, v4;
	v15 =	vcvt.s32.f32 v15;
	s28 =	smov.u32 s26;
	s26 =	sadd.s32 $0x400, s26  }
0xe9: {  	v11 =	vcvt.f32.s32 v11;
	v13 =	vtrunc.f32 v13;
	v14 =	vsub.f32 v14, v4  }
0xea: {  	v10 =	vmul.f32 v10, v5;
	v13 =	vcvt.f32.s32 v13;
	v15 =	vsub.f32 v15, v4  }
0xeb: {  	v9 =	vcvt.f32.s32 v9;
	vm1 =	vlt.s32 v11, $0xFFF;
	v12 =	vmul.f32 v12, v5  }
0xec: {  	v11 =	vnsel vm1, $0xFFF, v11;
	vm1 =	vlt.s32 v13, $0xFFF;
	v15 =	vmul.f32 v15, v5  }
0xed: {  	v8 =	vcvt.f32.s32 v8;
	v14 =	vmul.f32 v14, v5;
	v13 =	vnsel vm1, $0xFFF, v13  }
0xee: {  	v7 =	vmul.f32 v7, v5;
	v12 =	vtrunc.f32 v12;
	v13 =	vadd.s32 v2, v13  }
0xef: {  	v11 =	vadd.s32 v2, v11;
	vm1 =	vlt.s32 v9, $0xFFF;
	v12 =	vcvt.f32.s32 v12  }
0xf0: {  	v6 =	vsub.f32 v6, v4;
	v14 =	vtrunc.f32 v14;
	v9 =	vnsel vm1, $0xFFF, v9  }
0xf1: {  	v15 =	vtrunc.f32 v15;
	v9 =	vadd.s32 v2, v9;
	vm1 =	vlt.s32 v12, $0xFFF  }
0xf2: {  	v7 =	vtrunc.f32 v7;
	v14 =	vcvt.f32.s32 v14;
	v12 =	vnsel vm1, $0xFFF, v12  }
0xf3: {  	v7 =	vcvt.f32.s32 v7;
	vm1 =	vlt.s32 v8, $0xFFF;
	v12 =	vadd.s32 v2, v12  }
0xf4: {  	v6 =	vmul.f32 v6, v5;
	v8 =	vnsel vm1, $0xFFF, v8;
	vm1 =	vlt.s32 v14, $0xFFF;
	[tilespmem:v11+s14+$0x0] =	vst.idx.add.s32.msk $0xffff, v3  }
0xf5: {  	v10 =	vtrunc.f32 v10;
	v8 =	vadd.s32 v2, v8;
	v11 =	vnsel vm1, $0xFFF, v14  }
0xf6: {  	v10 =	vcvt.f32.s32 v10;
	v6 =	vtrunc.f32 v6;
	vm1 =	vlt.s32 v7, $0xFFF  }
0xf7: {  	v6 =	vcvt.f32.s32 v6;
	v14 =	vcvt.f32.s32 v15;
	v7 =	vnsel vm1, $0xFFF, v7  }
0xf8: {  	v11 =	vadd.s32 v2, v11;
	vm1 =	vlt.s32 v10, $0xFFF;
	v7 =	vadd.s32 v2, v7  }
0xf9: {  	vm2 =	vlt.s32 v6, $0xFFF;
	v10 =	vnsel vm1, $0xFFF, v10;
	vm1 =	vlt.s32 v14, $0xFFF  }
0xfa: {  	v6 =	vnsel vm2, $0xFFF, v6;
	v10 =	vadd.s32 v2, v10;
	v14 =	vnsel vm1, $0xFFF, v14;
	[tilespmem:v9+s14+$0x0] =	vst.idx.add.s32.msk vm0, v3  }
0xfb: {  	v6 =	vadd.s32 v2, v6;
	[tilespmem:v8+s14+$0x0] =	vst.idx.add.s32.msk $0xffff, v3  }
0xfc: {  	v8 =	vadd.s32 v2, v14;
	[tilespmem:v13+s14+$0x0] =	vst.idx.add.s32.msk $0xffff, v3  }
0xfd: {  	[tilespmem:v11+s14+$0x0] =	vst.idx.add.s32.msk $0xffff, v3  }
0xfe: {  	[tilespmem:v7+s14+$0x0] =	vst.idx.add.s32.msk $0xffff, v3  }
0xff: {  	[tilespmem:v12+s14+$0x0] =	vst.idx.add.s32.msk $0xffff, v3  }
0x100: {  	[tilespmem:v6+s14+$0x0] =	vst.idx.add.s32.msk $0xffff, v3  }
0x101: {  	s28 =	sshra.s32 s28, $0x2;
	[tilespmem:v10+s14+$0x0] =	vst.idx.add.s32.msk $0xffff, v3  }
0x102: {  	[tilespmem:v8+s14+$0x0] =	vst.idx.add.s32.msk vm0, v3  }
0x103: {  	v6 =	vld [tilespmem:s28+$0x2810]  }
0x104: {  	v7 =	vld [tilespmem:s28+$0x2820]  }
0x105: {  	v8 =	vld [tilespmem:s28+$0x2830]  }
0x106: {  	v9 =	vld [tilespmem:s28+$0x2840];
	_ =	sdelay $0x1  }
0x107: {  	v10 =	vld [tilespmem:s28+$0x2800];
	v6 =	vmax.f32 v6, $6.000000000e+01  }
0x108: {  	v6 =	vcvt.s32.f32 v6;
	v7 =	vmax.f32 v7, $6.000000000e+01  }
0x109: {  	v11 =	vld [tilespmem:s28+$0x2850];
	v7 =	vcvt.s32.f32 v7;
	v8 =	vmax.f32 v8, $6.000000000e+01  }
0x10a: {  	v6 =	vsub.f32 v6, v4;
	v8 =	vcvt.s32.f32 v8;
	v9 =	vmax.f32 v9, $6.000000000e+01  }
0x10b: {  	v7 =	vsub.f32 v7, v4;
	v9 =	vcvt.s32.f32 v9  }
0x10c: {  	v10 =	vmax.f32 v10, $6.000000000e+01;
	v6 =	vmul.f32 v6, v5;
	v8 =	vsub.f32 v8, v4  }
0x10d: {  	v12 =	vld [tilespmem:s28+$0x2860];
	v10 =	vcvt.s32.f32 v10;
	v7 =	vmul.f32 v7, v5;
	v9 =	vsub.f32 v9, v4  }
0x10e: {  	v15 =	vld [tilespmem:s28+$0x28E8];
	v6 =	vtrunc.f32 v6;
	v11 =	vmax.f32 v11, $6.000000000e+01  }
0x10f: {  	v13 =	vld [tilespmem:s28+$0x2868];
	v10 =	vsub.f32 v10, v4;
	v6 =	vcvt.f32.s32 v6;
	v11 =	vcvt.s32.f32 v11  }
0x110: {  	v7 =	vtrunc.f32 v7;
	v9 =	vmul.f32 v9, v5;
	v14 =	vld [tilespmem:s28+$0x28E0]  }
0x111: {  	v8 =	vmul.f32 v8, v5;
	v16 =	vld [tilespmem:s28+$0x2880];
	v10 =	vmul.f32 v10, v5;
	vm1 =	vlt.s32 v6, $0xFFF  }
0x112: {  	v7 =	vcvt.f32.s32 v7;
	v17 =	vld [tilespmem:s28+$0x28D0];
	v6 =	vnsel vm1, $0xFFF, v6;
	v12 =	vmax.f32 v12, $6.000000000e+01  }
0x113: {  	v18 =	vld [tilespmem:s28+$0x28C0];
	v10 =	vtrunc.f32 v10;
	v19 =	vadd.s32 v2, v6;
	v6 =	vtrunc.f32 v8  }
0x114: {  	v11 =	vsub.f32 v11, v4;
	v8 =	vld [tilespmem:s28+$0x28B0];
	v10 =	vcvt.f32.s32 v10;
	v6 =	vcvt.f32.s32 v6  }
0x115: {  	v9 =	vtrunc.f32 v9;
	vm1 =	vlt.s32 v7, $0xFFF;
	v13 =	vmax.f32 v13, $6.000000000e+01;
	v20 =	vld [tilespmem:s28+$0x28A0]  }
0x116: {  	v11 =	vmul.f32 v11, v5;
	v14 =	vmax.f32 v14, $6.000000000e+01;
	v21 =	vld [tilespmem:s28+$0x2890];
	vm2 =	vlt.s32 v6, $0xFFF  }
0x117: {  	v9 =	vcvt.f32.s32 v9;
	vm3 =	vlt.s32 v10, $0xFFF;
	v6 =	vnsel vm2, $0xFFF, v6  }
0x118: {  	v22 =	vadd.s32 v2, v6;
	v6 =	vtrunc.f32 v11;
	v11 =	vcvt.s32.f32 v13  }
0x119: {  	v7 =	vnsel vm1, $0xFFF, v7;
	v6 =	vcvt.f32.s32 v6;
	v8 =	vmax.f32 v8, $6.000000000e+01  }
0x11a: {  	v10 =	vnsel vm3, $0xFFF, v10;
	v13 =	vadd.s32 v2, v7;
	v7 =	vcvt.s32.f32 v8  }
0x11b: {  	vm1 =	vlt.s32 v9, $0xFFF;
	v8 =	vadd.s32 v2, v10;
	vm2 =	vlt.s32 v6, $0xFFF  }
0x11c: {  	v9 =	vnsel vm1, $0xFFF, v9;
	v10 =	vcvt.s32.f32 v12;
	v6 =	vnsel vm2, $0xFFF, v6  }
0x11d: {  	v12 =	vmax.f32 v17, $6.000000000e+01;
	v23 =	vadd.s32 v2, v6;
	v6 =	vmax.f32 v16, $6.000000000e+01  }
0x11e: {  	v16 =	vadd.s32 v2, v9;
	v9 =	vsub.f32 v11, v4;
	v6 =	vcvt.s32.f32 v6  }
0x11f: {  	v17 =	vmax.f32 v20, $6.000000000e+01;
	v10 =	vsub.f32 v10, v4;
	v11 =	vmax.f32 v21, $6.000000000e+01  }
0x120: {  	v14 =	vcvt.s32.f32 v14;
	v20 =	vsub.f32 v6, v4;
	v6 =	vcvt.s32.f32 v12;
	[tilespmem:v8+s14+$0x0] =	vst.idx.add.s32.msk $0xffff, v3  }
.Ltmp2:
0x121: {  	v11 =	vcvt.s32.f32 v11;
	v8 =	vmul.f32 v9, v5;
	[tilespmem:v19+s14+$0x0] =	vst.idx.add.s32.msk $0xffff, v3;
	(pc) =	sbr.rel @p1 .LBB2_8-.Ltmp2, $4  }
0x122: {  	v10 =	vmul.f32 v10, v5;
	v12 =	vmax.f32 v18, $6.000000000e+01;
	v19 =	vmul.f32 v20, v5;
	[tilespmem:v13+s14+$0x0] =	vst.idx.add.s32.msk $0xffff, v3  }
0x123: {  	v12 =	vcvt.s32.f32 v12;
	v9 =	vtrunc.f32 v8;
	v13 =	vsub.f32 v11, v4;
	[tilespmem:v22+s14+$0x0] =	vst.idx.add.s32.msk $0xffff, v3  }
0x124: {  	v11 =	vtrunc.f32 v10;
	v10 =	vsub.f32 v14, v4;
	v8 =	vtrunc.f32 v19;
	[tilespmem:v16+s14+$0x0] =	vst.idx.add.s32.msk $0xffff, v3  }
0x125: {  	v15 =	vmax.f32 v15, $6.000000000e+01;
	v14 =	vcvt.s32.f32 v17;
	v13 =	vmul.f32 v13, v5;
	[tilespmem:v23+s14+$0x0] =	vst.idx.add.s32.msk $0xffff, v3  }
0x126: {  	v15 =	vcvt.s32.f32 v15;
	v11 =	vcvt.f32.s32 v11  }
0x127: {  	v7 =	vsub.f32 v7, v4;
	v10 =	vmul.f32 v10, v5;
	v9 =	vcvt.f32.s32 v9  }
0x128: {  	v12 =	vsub.f32 v12, v4;
	v8 =	vcvt.f32.s32 v8;
	v13 =	vtrunc.f32 v13  }
0x129: {  	v6 =	vsub.f32 v6, v4;
	v14 =	vsub.f32 v14, v4;
	v13 =	vcvt.f32.s32 v13  }
0x12a: {  	v15 =	vsub.f32 v15, v4;
	v12 =	vmul.f32 v12, v5;
	v7 =	vmul.f32 v7, v5  }
0x12b: {  	vm1 =	vlt.s32 v11, $0xFFF;
	v6 =	vmul.f32 v6, v5;
	v10 =	vtrunc.f32 v10  }
0x12c: {  	v11 =	vnsel vm1, $0xFFF, v11;
	v14 =	vmul.f32 v14, v5;
	v10 =	vcvt.f32.s32 v10  }
0x12d: {  	vm1 =	vlt.s32 v13, $0xFFF;
	v15 =	vmul.f32 v15, v5;
	v12 =	vtrunc.f32 v12  }
0x12e: {  	v11 =	vadd.s32 v2, v11;
	v7 =	vtrunc.f32 v7;
	v12 =	vcvt.f32.s32 v12  }
0x12f: {  	v6 =	vtrunc.f32 v6;
	v13 =	vnsel vm1, $0xFFF, v13;
	vm1 =	vlt.s32 v9, $0xFFF  }
0x130: {  	v14 =	vtrunc.f32 v14;
	v9 =	vnsel vm1, $0xFFF, v9;
	vm1 =	vlt.s32 v12, $0xFFF  }
0x131: {  	v14 =	vcvt.f32.s32 v14;
	v12 =	vnsel vm1, $0xFFF, v12;
	vm1 =	vlt.s32 v8, $0xFFF  }
0x132: {  	v7 =	vcvt.f32.s32 v7;
	v9 =	vadd.s32 v2, v9;
	v8 =	vnsel vm1, $0xFFF, v8  }
0x133: {  	v6 =	vcvt.f32.s32 v6;
	vm1 =	vlt.s32 v14, $0xFFF;
	v8 =	vadd.s32 v2, v8  }
0x134: {  	v13 =	vadd.s32 v2, v13;
	v14 =	vnsel vm1, $0xFFF, v14;
	vm1 =	vlt.s32 v7, $0xFFF  }
0x135: {  	v15 =	vtrunc.f32 v15;
	v7 =	vnsel vm1, $0xFFF, v7;
	v14 =	vadd.s32 v2, v14  }
0x136: {  	v60 =	vcvt.f32.s32 v15;
	[tilespmem:v11+s14+$0x0] =	vst.idx.add.s32.msk $0xffff, v3;
	vm1 =	vlt.s32 v6, $0xFFF;
	v7 =	vadd.s32 v2, v7  }
0x137: {  	vm2 =	vlt.s32 v10, $0xFFF;
	v12 =	vadd.s32 v2, v12;
	v6 =	vnsel vm1, $0xFFF, v6;
	[tilespmem:v9+s14+$0x0] =	vst.idx.add.s32.msk vm0, v3  }
0x138: {  	v61 =	vnsel vm2, $0xFFF, v10;
	vm1 =	vlt.s32 v60, $0xFFF;
	v6 =	vadd.s32 v2, v6;
	[tilespmem:v8+s14+$0x0] =	vst.idx.add.s32.msk $0xffff, v3  }
0x139: {  	v62 =	vadd.s32 v2, v61;
	v63 =	vnsel vm1, $0xFFF, v60;
	[tilespmem:v13+s14+$0x0] =	vst.idx.add.s32.msk $0xffff, v3  }
0x13a: {  	p1 =	seq.s32 s24, $0x6;
	v9 =	vadd.s32 v2, v63;
	[tilespmem:v14+s14+$0x0] =	vst.idx.add.s32.msk $0xffff, v3  }
.Ltmp3:
0x13b: {  	[tilespmem:v7+s14+$0x0] =	vst.idx.add.s32.msk $0xffff, v3;
	(pc) =	sbr.rel @p1 .LBB2_11-.Ltmp3, $4  }
0x13c: {  	[tilespmem:v12+s14+$0x0] =	vst.idx.add.s32.msk $0xffff, v3  }
0x13d: {  	[tilespmem:v6+s14+$0x0] =	vst.idx.add.s32.msk $0xffff, v3  }
0x13e: {  	[tilespmem:v62+s14+$0x0] =	vst.idx.add.s32.msk $0xffff, v3  }
0x13f: {  	[tilespmem:v9+s14+$0x0] =	vst.idx.add.s32.msk vm0, v3  }
.Ltmp4:
0x140: {  	(pc) =	sbr.rel .LBB2_5-.Ltmp4, $4  }
0x141: {  	s25 =	sadd.s32 s25, s20  }
0x142: {  	s25 =	sshll.u32 s25, $0x4  }
0x143: {  	s24 =	sadd.s32 $0x1, s24;
	s25 =	sadd.s32 s1, s25  }
0x144: {  	[tilespmem:s12], [sflag:$0x2] =	stream.linear.gather [hbm4b:s25+s4], $0x2800, $0x38;
	[tilespmem:$0x17580] =	vst v63  }
.LBB2_11:
0x145: {  	_ =	swait.ge [sflag:s13], $0x2800  }
0x146: {  	[sflag:s13] =	ssyncset.done $0x0  }
0x147: {  	s24 =	simm.s32 $0x0;
	[sflag:s13] =	ssyncadd.s32 $0xFFFFD800  }
0x148: {  	v6 =	vld [tilespmem:s24+$0x10]  }
0x149: {  	v7 =	vld [tilespmem:s24+$0x20]  }
0x14a: {  	v8 =	vld [tilespmem:s24+$0x30]  }
0x14b: {  	v9 =	vld [tilespmem:s24+$0x40]  }
0x14c: {  	v10 =	vld [tilespmem:s24+$0x0]  }
0x14d: {  	v11 =	vld [tilespmem:s24+$0x50]  }
0x14e: {  	v12 =	vld [tilespmem:s24+$0x60];
	_ =	sdelay $0x1  }
0x14f: {  	v13 =	vld [tilespmem:s24+$0x68]  }
0x150: {  	v14 =	vld [tilespmem:s24+$0xE0];
	v6 =	vmax.f32 v6, $6.000000000e+01;
	v7 =	vmax.f32 v7, $6.000000000e+01;
	v8 =	vmax.f32 v8, $6.000000000e+01  }
0x151: {  	v9 =	vmax.f32 v9, $6.000000000e+01;
	v10 =	vmax.f32 v10, $6.000000000e+01;
	v6 =	vcvt.s32.f32 v6  }
0x152: {  	v11 =	vmax.f32 v11, $6.000000000e+01;
	v12 =	vmax.f32 v12, $6.000000000e+01;
	v7 =	vcvt.s32.f32 v7  }
0x153: {  	v8 =	vcvt.s32.f32 v8;
	v9 =	vcvt.s32.f32 v9;
	v6 =	vsub.f32 v6, v4  }
0x154: {  	v13 =	vmax.f32 v13, $6.000000000e+01;
	v10 =	vcvt.s32.f32 v10;
	v11 =	vcvt.s32.f32 v11  }
0x155: {  	v14 =	vmax.f32 v14, $6.000000000e+01;
	v13 =	vcvt.s32.f32 v13;
	v6 =	vmul.f32 v6, v5  }
0x156: {  	v12 =	vcvt.s32.f32 v12;
	v14 =	vcvt.s32.f32 v14;
	v7 =	vsub.f32 v7, v4  }
0x157: {  	v8 =	vsub.f32 v8, v4;
	v10 =	vsub.f32 v10, v4;
	v6 =	vtrunc.f32 v6  }
0x158: {  	v9 =	vsub.f32 v9, v4;
	v7 =	vmul.f32 v7, v5;
	v6 =	vcvt.f32.s32 v6  }
0x159: {  	v10 =	vmul.f32 v10, v5;
	v8 =	vmul.f32 v8, v5  }
0x15a: {  	v9 =	vmul.f32 v9, v5;
	v7 =	vtrunc.f32 v7;
	vm1 =	vlt.s32 v6, $0xFFF  }
0x15b: {  	v10 =	vtrunc.f32 v10;
	v8 =	vtrunc.f32 v8;
	v6 =	vnsel vm1, $0xFFF, v6  }
0x15c: {  	v15 =	vadd.s32 v2, v6;
	v6 =	vcvt.f32.s32 v8;
	v8 =	vsub.f32 v11, v4  }
0x15d: {  	v9 =	vtrunc.f32 v9;
	v10 =	vcvt.f32.s32 v10;
	v11 =	vld [tilespmem:s24+$0xB0]  }
0x15e: {  	v7 =	vcvt.f32.s32 v7;
	vm2 =	vlt.s32 v6, $0xFFF;
	v8 =	vmul.f32 v8, v5  }
0x15f: {  	v9 =	vcvt.f32.s32 v9;
	vm3 =	vlt.s32 v10, $0xFFF;
	v6 =	vnsel vm2, $0xFFF, v6  }
0x160: {  	v16 =	vld [tilespmem:s24+$0x80];
	vm1 =	vlt.s32 v7, $0xFFF;
	v17 =	vadd.s32 v2, v6;
	v6 =	vtrunc.f32 v8  }
0x161: {  	v18 =	vld [tilespmem:s24+$0x90];
	v10 =	vnsel vm3, $0xFFF, v10;
	v7 =	vnsel vm1, $0xFFF, v7;
	v6 =	vcvt.f32.s32 v6  }
0x162: {  	v10 =	vadd.s32 v2, v10;
	vm1 =	vlt.s32 v9, $0xFFF;
	v8 =	vld [tilespmem:s24+$0xD0];
	v11 =	vmax.f32 v11, $6.000000000e+01  }
0x163: {  	v19 =	vadd.s32 v2, v7;
	v7 =	vcvt.s32.f32 v11;
	v11 =	vld [tilespmem:s24+$0xC0];
	vm2 =	vlt.s32 v6, $0xFFF  }
0x164: {  	v20 =	vld [tilespmem:s24+$0xA0];
	v12 =	vsub.f32 v12, v4;
	v9 =	vnsel vm1, $0xFFF, v9;
	v6 =	vnsel vm2, $0xFFF, v6  }
0x165: {  	v21 =	vadd.s32 v2, v6;
	v6 =	vmax.f32 v16, $6.000000000e+01;
	v16 =	vadd.s32 v2, v9  }
0x166: {  	v22 =	vld [tilespmem:s24+$0xE8];
	v9 =	vsub.f32 v13, v4;
	v13 =	vmax.f32 v18, $6.000000000e+01;
	v6 =	vcvt.s32.f32 v6  }
0x167: {  	[tilespmem:v10+s14+$0x0] =	vst.idx.add.s32.msk $0xffff, v3;
	v8 =	vmax.f32 v8, $6.000000000e+01;
	v10 =	vcvt.s32.f32 v13;
	v13 =	vmul.f32 v12, v5  }
0x168: {  	[tilespmem:v15+s14+$0x0] =	vst.idx.add.s32.msk $0xffff, v3;
	v11 =	vmax.f32 v11, $6.000000000e+01;
	v62 =	vsub.f32 v6, v4;
	v6 =	vcvt.s32.f32 v8  }
0x169: {  	v20 =	vmax.f32 v20, $6.000000000e+01;
	[tilespmem:v19+s14+$0x0] =	vst.idx.add.s32.msk $0xffff, v3;
	v8 =	vmul.f32 v9, v5;
	v12 =	vcvt.s32.f32 v11  }
0x16a: {  	[tilespmem:v17+s14+$0x0] =	vst.idx.add.s32.msk $0xffff, v3;
	v63 =	vsub.f32 v10, v4;
	v11 =	vtrunc.f32 v13;
	v15 =	vmul.f32 v62, v5  }
0x16b: {  	v10 =	vsub.f32 v14, v4;
	v14 =	vcvt.s32.f32 v20;
	v9 =	vtrunc.f32 v8;
	[tilespmem:v16+s14+$0x0] =	vst.idx.add.s32.msk $0xffff, v3  }
0x16c: {  	s25 =	simm.s32 $0x400;
	s24 =	simm.s32 $0x0;
	v13 =	vmul.f32 v63, v5;
	[tilespmem:v21+s14+$0x0] =	vst.idx.add.s32.msk $0xffff, v3;
	v8 =	vtrunc.f32 v15;
	v15 =	vmax.f32 v22, $6.000000000e+01  }
.LBB2_12:
0x16d: {  	p1 =	sne.s32 s25, $0x9C00;
	v7 =	vsub.f32 v7, v4;
	v12 =	vsub.f32 v12, v4;
	v15 =	vcvt.s32.f32 v15;
	s26 =	smov.u32 s25;
	s25 =	sadd.s32 $0x400, s25  }
0x16e: {  	v11 =	vcvt.f32.s32 v11;
	v13 =	vtrunc.f32 v13;
	v14 =	vsub.f32 v14, v4  }
0x16f: {  	v10 =	vmul.f32 v10, v5;
	v13 =	vcvt.f32.s32 v13;
	v15 =	vsub.f32 v15, v4  }
0x170: {  	v9 =	vcvt.f32.s32 v9;
	vm1 =	vlt.s32 v11, $0xFFF;
	v12 =	vmul.f32 v12, v5  }
0x171: {  	v11 =	vnsel vm1, $0xFFF, v11;
	vm1 =	vlt.s32 v13, $0xFFF;
	v15 =	vmul.f32 v15, v5  }
0x172: {  	v8 =	vcvt.f32.s32 v8;
	v14 =	vmul.f32 v14, v5;
	v13 =	vnsel vm1, $0xFFF, v13  }
0x173: {  	v7 =	vmul.f32 v7, v5;
	v12 =	vtrunc.f32 v12;
	v13 =	vadd.s32 v2, v13  }
0x174: {  	v11 =	vadd.s32 v2, v11;
	vm1 =	vlt.s32 v9, $0xFFF;
	v12 =	vcvt.f32.s32 v12  }
0x175: {  	v6 =	vsub.f32 v6, v4;
	v14 =	vtrunc.f32 v14;
	v9 =	vnsel vm1, $0xFFF, v9  }
0x176: {  	v15 =	vtrunc.f32 v15;
	v9 =	vadd.s32 v2, v9;
	vm1 =	vlt.s32 v12, $0xFFF  }
0x177: {  	v7 =	vtrunc.f32 v7;
	v14 =	vcvt.f32.s32 v14;
	v12 =	vnsel vm1, $0xFFF, v12  }
0x178: {  	v7 =	vcvt.f32.s32 v7;
	vm1 =	vlt.s32 v8, $0xFFF;
	v12 =	vadd.s32 v2, v12  }
0x179: {  	v6 =	vmul.f32 v6, v5;
	v8 =	vnsel vm1, $0xFFF, v8;
	vm1 =	vlt.s32 v14, $0xFFF;
	[tilespmem:v11+s14+$0x0] =	vst.idx.add.s32.msk $0xffff, v3  }
0x17a: {  	v10 =	vtrunc.f32 v10;
	v8 =	vadd.s32 v2, v8;
	v11 =	vnsel vm1, $0xFFF, v14  }
0x17b: {  	v10 =	vcvt.f32.s32 v10;
	v6 =	vtrunc.f32 v6;
	vm1 =	vlt.s32 v7, $0xFFF  }
0x17c: {  	v6 =	vcvt.f32.s32 v6;
	v14 =	vcvt.f32.s32 v15;
	v7 =	vnsel vm1, $0xFFF, v7  }
0x17d: {  	v11 =	vadd.s32 v2, v11;
	vm1 =	vlt.s32 v10, $0xFFF;
	v7 =	vadd.s32 v2, v7  }
0x17e: {  	vm2 =	vlt.s32 v6, $0xFFF;
	v10 =	vnsel vm1, $0xFFF, v10;
	vm1 =	vlt.s32 v14, $0xFFF  }
0x17f: {  	v6 =	vnsel vm2, $0xFFF, v6;
	v10 =	vadd.s32 v2, v10;
	v14 =	vnsel vm1, $0xFFF, v14;
	[tilespmem:v9+s14+$0x0] =	vst.idx.add.s32.msk vm0, v3  }
0x180: {  	v6 =	vadd.s32 v2, v6;
	[tilespmem:v8+s14+$0x0] =	vst.idx.add.s32.msk $0xffff, v3  }
0x181: {  	v8 =	vadd.s32 v2, v14;
	[tilespmem:v13+s14+$0x0] =	vst.idx.add.s32.msk $0xffff, v3  }
0x182: {  	[tilespmem:v11+s14+$0x0] =	vst.idx.add.s32.msk $0xffff, v3  }
0x183: {  	[tilespmem:v7+s14+$0x0] =	vst.idx.add.s32.msk $0xffff, v3  }
0x184: {  	[tilespmem:v12+s14+$0x0] =	vst.idx.add.s32.msk $0xffff, v3  }
0x185: {  	[tilespmem:v6+s14+$0x0] =	vst.idx.add.s32.msk $0xffff, v3  }
0x186: {  	s26 =	sshra.s32 s26, $0x2;
	[tilespmem:v10+s14+$0x0] =	vst.idx.add.s32.msk $0xffff, v3  }
0x187: {  	[tilespmem:v8+s14+$0x0] =	vst.idx.add.s32.msk vm0, v3  }
0x188: {  	v6 =	vld [tilespmem:s26+$0x10]  }
0x189: {  	v7 =	vld [tilespmem:s26+$0x20]  }
0x18a: {  	v8 =	vld [tilespmem:s26+$0x30]  }
0x18b: {  	v9 =	vld [tilespmem:s26+$0x40];
	_ =	sdelay $0x1  }
0x18c: {  	v10 =	vld [tilespmem:s26+$0x0];
	v6 =	vmax.f32 v6, $6.000000000e+01  }
0x18d: {  	v6 =	vcvt.s32.f32 v6;
	v7 =	vmax.f32 v7, $6.000000000e+01  }
0x18e: {  	v11 =	vld [tilespmem:s26+$0x50];
	v7 =	vcvt.s32.f32 v7;
	v8 =	vmax.f32 v8, $6.000000000e+01  }
0x18f: {  	v6 =	vsub.f32 v6, v4;
	v8 =	vcvt.s32.f32 v8;
	v9 =	vmax.f32 v9, $6.000000000e+01  }
0x190: {  	v7 =	vsub.f32 v7, v4;
	v9 =	vcvt.s32.f32 v9  }
0x191: {  	v10 =	vmax.f32 v10, $6.000000000e+01;
	v6 =	vmul.f32 v6, v5;
	v8 =	vsub.f32 v8, v4  }
0x192: {  	v12 =	vld [tilespmem:s26+$0x60];
	v10 =	vcvt.s32.f32 v10;
	v7 =	vmul.f32 v7, v5;
	v9 =	vsub.f32 v9, v4  }
0x193: {  	v15 =	vld [tilespmem:s26+$0xE8];
	v6 =	vtrunc.f32 v6;
	v11 =	vmax.f32 v11, $6.000000000e+01  }
0x194: {  	v13 =	vld [tilespmem:s26+$0x68];
	v10 =	vsub.f32 v10, v4;
	v6 =	vcvt.f32.s32 v6;
	v11 =	vcvt.s32.f32 v11  }
0x195: {  	v7 =	vtrunc.f32 v7;
	v9 =	vmul.f32 v9, v5;
	v14 =	vld [tilespmem:s26+$0xE0]  }
0x196: {  	v8 =	vmul.f32 v8, v5;
	v16 =	vld [tilespmem:s26+$0x80];
	v10 =	vmul.f32 v10, v5;
	vm1 =	vlt.s32 v6, $0xFFF  }
0x197: {  	v7 =	vcvt.f32.s32 v7;
	v17 =	vld [tilespmem:s26+$0xD0];
	v6 =	vnsel vm1, $0xFFF, v6;
	v12 =	vmax.f32 v12, $6.000000000e+01  }
0x198: {  	v18 =	vld [tilespmem:s26+$0xC0];
	v10 =	vtrunc.f32 v10;
	v19 =	vadd.s32 v2, v6;
	v6 =	vtrunc.f32 v8  }
0x199: {  	v11 =	vsub.f32 v11, v4;
	v8 =	vld [tilespmem:s26+$0xB0];
	v10 =	vcvt.f32.s32 v10;
	v6 =	vcvt.f32.s32 v6  }
0x19a: {  	v9 =	vtrunc.f32 v9;
	vm1 =	vlt.s32 v7, $0xFFF;
	v13 =	vmax.f32 v13, $6.000000000e+01;
	v20 =	vld [tilespmem:s26+$0xA0]  }
0x19b: {  	v11 =	vmul.f32 v11, v5;
	v14 =	vmax.f32 v14, $6.000000000e+01;
	v21 =	vld [tilespmem:s26+$0x90];
	vm2 =	vlt.s32 v6, $0xFFF  }
0x19c: {  	v9 =	vcvt.f32.s32 v9;
	vm3 =	vlt.s32 v10, $0xFFF;
	v6 =	vnsel vm2, $0xFFF, v6  }
0x19d: {  	v22 =	vadd.s32 v2, v6;
	v6 =	vtrunc.f32 v11;
	v11 =	vcvt.s32.f32 v13  }
0x19e: {  	v7 =	vnsel vm1, $0xFFF, v7;
	v6 =	vcvt.f32.s32 v6;
	v8 =	vmax.f32 v8, $6.000000000e+01  }
0x19f: {  	v10 =	vnsel vm3, $0xFFF, v10;
	v13 =	vadd.s32 v2, v7;
	v7 =	vcvt.s32.f32 v8  }
0x1a0: {  	vm1 =	vlt.s32 v9, $0xFFF;
	v8 =	vadd.s32 v2, v10;
	vm2 =	vlt.s32 v6, $0xFFF  }
0x1a1: {  	v9 =	vnsel vm1, $0xFFF, v9;
	v10 =	vcvt.s32.f32 v12;
	v6 =	vnsel vm2, $0xFFF, v6  }
0x1a2: {  	v12 =	vmax.f32 v17, $6.000000000e+01;
	v23 =	vadd.s32 v2, v6;
	v6 =	vmax.f32 v16, $6.000000000e+01  }
0x1a3: {  	v16 =	vadd.s32 v2, v9;
	v9 =	vsub.f32 v11, v4;
	v6 =	vcvt.s32.f32 v6  }
0x1a4: {  	v17 =	vmax.f32 v20, $6.000000000e+01;
	v10 =	vsub.f32 v10, v4;
	v11 =	vmax.f32 v21, $6.000000000e+01  }
0x1a5: {  	v14 =	vcvt.s32.f32 v14;
	v20 =	vsub.f32 v6, v4;
	v6 =	vcvt.s32.f32 v12;
	[tilespmem:v8+s14+$0x0] =	vst.idx.add.s32.msk $0xffff, v3  }
.Ltmp5:
0x1a6: {  	v11 =	vcvt.s32.f32 v11;
	v8 =	vmul.f32 v9, v5;
	[tilespmem:v19+s14+$0x0] =	vst.idx.add.s32.msk $0xffff, v3;
	(pc) =	sbr.rel @p1 .LBB2_12-.Ltmp5, $4  }
0x1a7: {  	v10 =	vmul.f32 v10, v5;
	v12 =	vmax.f32 v18, $6.000000000e+01;
	v19 =	vmul.f32 v20, v5;
	[tilespmem:v13+s14+$0x0] =	vst.idx.add.s32.msk $0xffff, v3  }
0x1a8: {  	v12 =	vcvt.s32.f32 v12;
	v9 =	vtrunc.f32 v8;
	v13 =	vsub.f32 v11, v4;
	[tilespmem:v22+s14+$0x0] =	vst.idx.add.s32.msk $0xffff, v3  }
0x1a9: {  	v11 =	vtrunc.f32 v10;
	v10 =	vsub.f32 v14, v4;
	v8 =	vtrunc.f32 v19;
	[tilespmem:v16+s14+$0x0] =	vst.idx.add.s32.msk $0xffff, v3  }
0x1aa: {  	v15 =	vmax.f32 v15, $6.000000000e+01;
	v14 =	vcvt.s32.f32 v17;
	v13 =	vmul.f32 v13, v5;
	[tilespmem:v23+s14+$0x0] =	vst.idx.add.s32.msk $0xffff, v3  }
0x1ab: {  	v15 =	vcvt.s32.f32 v15;
	v11 =	vcvt.f32.s32 v11  }
0x1ac: {  	v7 =	vsub.f32 v7, v4;
	v10 =	vmul.f32 v10, v5;
	v9 =	vcvt.f32.s32 v9  }
0x1ad: {  	v12 =	vsub.f32 v12, v4;
	v8 =	vcvt.f32.s32 v8;
	v13 =	vtrunc.f32 v13  }
0x1ae: {  	v6 =	vsub.f32 v6, v4;
	v14 =	vsub.f32 v14, v4;
	v13 =	vcvt.f32.s32 v13  }
0x1af: {  	v15 =	vsub.f32 v15, v4;
	v12 =	vmul.f32 v12, v5;
	v7 =	vmul.f32 v7, v5  }
0x1b0: {  	vm1 =	vlt.s32 v11, $0xFFF;
	v6 =	vmul.f32 v6, v5;
	v10 =	vtrunc.f32 v10  }
0x1b1: {  	v11 =	vnsel vm1, $0xFFF, v11;
	v14 =	vmul.f32 v14, v5;
	v10 =	vcvt.f32.s32 v10  }
0x1b2: {  	vm1 =	vlt.s32 v13, $0xFFF;
	v15 =	vmul.f32 v15, v5;
	v12 =	vtrunc.f32 v12  }
0x1b3: {  	v11 =	vadd.s32 v2, v11;
	v7 =	vtrunc.f32 v7;
	v12 =	vcvt.f32.s32 v12  }
0x1b4: {  	v6 =	vtrunc.f32 v6;
	v13 =	vnsel vm1, $0xFFF, v13;
	vm1 =	vlt.s32 v9, $0xFFF  }
0x1b5: {  	v14 =	vtrunc.f32 v14;
	v9 =	vnsel vm1, $0xFFF, v9;
	vm1 =	vlt.s32 v12, $0xFFF  }
0x1b6: {  	v14 =	vcvt.f32.s32 v14;
	v12 =	vnsel vm1, $0xFFF, v12;
	vm1 =	vlt.s32 v8, $0xFFF  }
0x1b7: {  	v7 =	vcvt.f32.s32 v7;
	v9 =	vadd.s32 v2, v9;
	v8 =	vnsel vm1, $0xFFF, v8  }
0x1b8: {  	v6 =	vcvt.f32.s32 v6;
	vm1 =	vlt.s32 v14, $0xFFF;
	v8 =	vadd.s32 v2, v8  }
0x1b9: {  	v13 =	vadd.s32 v2, v13;
	v14 =	vnsel vm1, $0xFFF, v14;
	vm1 =	vlt.s32 v7, $0xFFF  }
0x1ba: {  	v15 =	vtrunc.f32 v15;
	v7 =	vnsel vm1, $0xFFF, v7;
	v14 =	vadd.s32 v2, v14  }
0x1bb: {  	[tilespmem:v11+s14+$0x0] =	vst.idx.add.s32.msk $0xffff, v3;
	v11 =	vcvt.f32.s32 v15;
	vm1 =	vlt.s32 v6, $0xFFF;
	v7 =	vadd.s32 v2, v7  }
0x1bc: {  	vm2 =	vlt.s32 v10, $0xFFF;
	v12 =	vadd.s32 v2, v12;
	v6 =	vnsel vm1, $0xFFF, v6;
	[tilespmem:v9+s14+$0x0] =	vst.idx.add.s32.msk vm0, v3  }
0x1bd: {  	v9 =	vnsel vm2, $0xFFF, v10;
	vm1 =	vlt.s32 v11, $0xFFF;
	v6 =	vadd.s32 v2, v6;
	[tilespmem:v8+s14+$0x0] =	vst.idx.add.s32.msk $0xffff, v3  }
0x1be: {  	v8 =	vadd.s32 v2, v9;
	v9 =	vnsel vm1, $0xFFF, v11;
	[tilespmem:v13+s14+$0x0] =	vst.idx.add.s32.msk $0xffff, v3  }
0x1bf: {  	v9 =	vadd.s32 v2, v9;
	[tilespmem:v14+s14+$0x0] =	vst.idx.add.s32.msk $0xffff, v3  }
0x1c0: {  	[tilespmem:v7+s14+$0x0] =	vst.idx.add.s32.msk $0xffff, v3  }
0x1c1: {  	[tilespmem:v12+s14+$0x0] =	vst.idx.add.s32.msk $0xffff, v3  }
0x1c2: {  	[tilespmem:v6+s14+$0x0] =	vst.idx.add.s32.msk $0xffff, v3  }
0x1c3: {  	[tilespmem:v8+s14+$0x0] =	vst.idx.add.s32.msk $0xffff, v3  }
0x1c4: {  	s28 =	simm.s32 $0x0;
	[tilespmem:v9+s14+$0x0] =	vst.idx.add.s32.msk vm0, v3  }
0x1c5: {  	v6 =	vld [tilespmem:s28+$0x5000]  }
0x1c6: {  	v7 =	vld [tilespmem:s28+$0x6001]  }
0x1c7: {  	v8 =	vld [tilespmem:s28+$0x7002]  }
0x1c8: {  	v9 =	vld [tilespmem:s28+$0x8003]  }
0x1c9: {  	v10 =	vld [tilespmem:s28+$0x9004]  }
0x1ca: {  	v11 =	vld [tilespmem:s28+$0xA005]  }
0x1cb: {  	v12 =	vld [tilespmem:s28+$0xB006]  }
0x1cc: {  	v13 =	vld [tilespmem:s28+$0xC007]  }
0x1cd: {  	v14 =	vld [tilespmem:s28+$0xD008]  }
0x1ce: {  	v15 =	vld [tilespmem:s28+$0xE009]  }
0x1cf: {  	v16 =	vld [tilespmem:s28+$0xF00A]  }
0x1d0: {  	v17 =	vld [tilespmem:s28+$0x1000B]  }
0x1d1: {  	v18 =	vld [tilespmem:s28+$0x1100C]  }
0x1d2: {  	v19 =	vld [tilespmem:s28+$0x1200D]  }
0x1d3: {  	v20 =	vld [tilespmem:s28+$0x1300E];
	v6 =	vadd.s32 v6, v7  }
0x1d4: {  	s26 =	simm.s32 $0x10;
	v21 =	vld [tilespmem:s28+$0x1400F];
	v6 =	vadd.s32 v8, v6  }
0x1d5: {  	v22 =	vld [tilespmem:s26+$0x5000];
	v6 =	vadd.s32 v9, v6  }
0x1d6: {  	v7 =	vld [tilespmem:s26+$0x6001];
	v6 =	vadd.s32 v10, v6  }
0x1d7: {  	v8 =	vld [tilespmem:s26+$0x7002];
	v6 =	vadd.s32 v11, v6  }
0x1d8: {  	v9 =	vld [tilespmem:s26+$0x8003];
	v6 =	vadd.s32 v12, v6  }
0x1d9: {  	v10 =	vld [tilespmem:s26+$0x9004];
	v6 =	vadd.s32 v13, v6  }
0x1da: {  	v11 =	vld [tilespmem:s26+$0xA005];
	v6 =	vadd.s32 v14, v6  }
0x1db: {  	v12 =	vld [tilespmem:s26+$0xB006];
	v6 =	vadd.s32 v15, v6  }
0x1dc: {  	v7 =	vadd.s32 v22, v7;
	v13 =	vld [tilespmem:s26+$0xC007];
	v6 =	vadd.s32 v16, v6  }
0x1dd: {  	v7 =	vadd.s32 v8, v7;
	v8 =	vld [tilespmem:s26+$0xF00A];
	v6 =	vadd.s32 v17, v6  }
0x1de: {  	v14 =	vld [tilespmem:s26+$0xD008];
	v6 =	vadd.s32 v18, v6  }
0x1df: {  	v7 =	vadd.s32 v9, v7;
	v9 =	vld [tilespmem:s26+$0x1000B];
	v6 =	vadd.s32 v19, v6  }
0x1e0: {  	v15 =	vld [tilespmem:s26+$0xE009];
	v6 =	vadd.s32 v20, v6  }
0x1e1: {  	v7 =	vadd.s32 v10, v7;
	v10 =	vld [tilespmem:s26+$0x1100C];
	v6 =	vadd.s32 v21, v6  }
0x1e2: {  	v7 =	vadd.s32 v11, v7;
	v11 =	vld [tilespmem:s26+$0x1200D];
	(xrf0) =	vadd.scan.msk.s32 $0xffff, v6  }
0x1e3: {  	v7 =	vadd.s32 v12, v7;
	v12 =	vld [tilespmem:s26+$0x1300E]  }
0x1e4: {  	s25 =	simm.s32 $0x20;
	v7 =	vadd.s32 v13, v7;
	v13 =	vld [tilespmem:s26+$0x1400F]  }
0x1e5: {  	v7 =	vadd.s32 v14, v7;
	v14 =	vld [tilespmem:s25+$0x5000]  }
0x1e6: {  	v7 =	vadd.s32 v15, v7;
	v15 =	vld [tilespmem:s25+$0x6001]  }
0x1e7: {  	v7 =	vadd.s32 v8, v7;
	v8 =	vld [tilespmem:s25+$0x7002]  }
0x1e8: {  	v7 =	vadd.s32 v9, v7;
	v9 =	vld [tilespmem:s25+$0x8003];
	v60, _, _ =	vpop (xrf0)  }
0x1e9: {  	v7 =	vadd.s32 v10, v7;
	v10 =	vld [tilespmem:s25+$0x9004];
	v61 =	vxor.u32 $0x80000000, v60  }
0x1ea: {  	v7 =	vadd.s32 v11, v7;
	v11 =	vld [tilespmem:s25+$0xA005];
	(xrf0) =	vmax.scan.msk.u32 $0xffff, v61  }
0x1eb: {  	v7 =	vadd.s32 v12, v7;
	v12 =	vld [tilespmem:s25+$0xB006];
	v14 =	vadd.s32 v14, v15  }
0x1ec: {  	v15 =	vsub.s32 s24, v6;
	v6 =	vadd.s32 v13, v7;
	v7 =	vadd.s32 v8, v14  }
0x1ed: {  	v7 =	vadd.s32 v9, v7  }
0x1ee: {  	v7 =	vadd.s32 v10, v7  }
0x1ef: {  	v7 =	vadd.s32 v11, v7  }
0x1f0: {  	v62 =	vld [tilespmem:s25+$0xC007];
	v7 =	vadd.s32 v12, v7;
	v12, _, _ =	vpop (xrf0)  }
0x1f1: {  	(v2sf) =	vpush v12, $0xF  }
0x1f2: {  	(xrf0) =	vadd.scan.msk.s32 $0xffff, v6  }
0x1f3: {  	v13 =	vld [tilespmem:s25+$0xD008]  }
0x1f4: {  	v8 =	vadd.s32 v60, v15  }
0x1f5: {  	[tilespmem:s28+$0x15080] =	vst v8;
	v7 =	vadd.s32 v62, v7  }
0x1f6: {  	v14 =	vld [tilespmem:s25+$0xE009]  }
0x1f7: {  	v15 =	vld [tilespmem:s25+$0xF00A]  }
0x1f8: {  	v63 =	vld [tilespmem:s25+$0x1000B];
	v11 =	vadd.s32 v13, v7;
	v7, _, _ =	vpop (xrf0)  }
0x1f9: {  	v8 =	vld [tilespmem:s25+$0x1100C];
	v13 =	vxor.u32 $0x80000000, v7  }
0x1fa: {  	v9 =	vld [tilespmem:s25+$0x1200D];
	(xrf0) =	vmax.scan.msk.u32 $0xffff, v13  }
0x1fb: {  	v10 =	vld [tilespmem:s25+$0x1300E];
	v11 =	vadd.s32 v14, v11  }
0x1fc: {  	s28 =	simm.s32 $0x30;
	v14 =	vadd.s32 v15, v11;
	v11 =	vld [tilespmem:s25+$0x1400F]  }
0x1fd: {  	s29 =	simm.s32 $0x100;
	v12 =	vld [tilespmem:s28+$0x5000];
	v13 =	vadd.s32 v63, v14  }
.LBB2_14:
0x1fe: {  	p1 =	sne.s32 s29, $0x3FC0;
	v14 =	vld [tilespmem:s28+$0x6001];
	v8 =	vadd.s32 v8, v13  }
0x1ff: {  	v13 =	vld [tilespmem:s28+$0x7002];
	v8 =	vadd.s32 v9, v8  }
0x200: {  	v9 =	vld [tilespmem:s28+$0x8003];
	v8 =	vadd.s32 v10, v8;
	v10, _, _ =	vpop (xrf0);
	s30 =	spop (v2sf)  }
0x201: {  	v15 =	vld [tilespmem:s28+$0x9004];
	v8 =	vadd.s32 v11, v8;
	(v2sf) =	vpush v10, $0xF;
	s24 =	sadd.s32 s30, s24  }
0x202: {  	v10 =	vld [tilespmem:s28+$0xA005];
	(xrf0) =	vadd.scan.msk.s32 $0xffff, v8;
	s24 =	sadd.s32 $0x80000000, s24  }
0x203: {  	v11 =	vld [tilespmem:s28+$0xB006];
	v12 =	vadd.s32 v12, v14;
	v14 =	vsub.s32 s24, v6;
	v6 =	vmov v8  }
0x204: {  	v16 =	vld [tilespmem:s28+$0xC007];
	v8 =	vadd.s32 v13, v12;
	v7 =	vadd.s32 v7, v14  }
0x205: {  	v12 =	vld [tilespmem:s28+$0xD008];
	v8 =	vadd.s32 v9, v8;
	[tilespmem:s26+$0x15080] =	vst v7;
	s26 =	smov.u32 s25;
	s25 =	smov.u32 s28  }
0x206: {  	v13 =	vld [tilespmem:s25+$0xE009];
	v17 =	vadd.s32 v15, v8  }
0x207: {  	v14 =	vld [tilespmem:s25+$0xF00A];
	v8 =	vadd.s32 v10, v17  }
0x208: {  	v15 =	vld [tilespmem:s25+$0x1000B];
	v9 =	vadd.s32 v11, v8;
	v7, _, _ =	vpop (xrf0)  }
.Ltmp6:
0x209: {  	v8 =	vld [tilespmem:s25+$0x1100C];
	v10 =	vadd.s32 v16, v9;
	v11 =	vxor.u32 $0x80000000, v7;
	(pc) =	sbr.rel @p1 .LBB2_14-.Ltmp6, $4  }
0x20a: {  	v9 =	vld [tilespmem:s25+$0x1200D];
	v12 =	vadd.s32 v12, v10;
	(xrf0) =	vmax.scan.msk.u32 $0xffff, v11  }
0x20b: {  	v10 =	vld [tilespmem:s25+$0x1300E];
	v12 =	vadd.s32 v13, v12  }
0x20c: {  	s28 =	sshra.s32 s29, $0x2;
	v11 =	vld [tilespmem:s25+$0x1400F];
	v13 =	vadd.s32 v14, v12  }
0x20d: {  	s29 =	sadd.s32 $0x40, s29;
	v12 =	vld [tilespmem:s28+$0x5000];
	v13 =	vadd.s32 v15, v13  }
0x20e: {  	v14 =	vld [tilespmem:s28+$0x6001]  }
0x20f: {  	v15 =	vld [tilespmem:s28+$0x7002]  }
0x210: {  	v16 =	vld [tilespmem:s28+$0x8003];
	s29 =	spop (v2sf)  }
0x211: {  	v17 =	vld [tilespmem:s28+$0x9004];
	s24 =	sadd.s32 s29, s24  }
0x212: {  	v18 =	vld [tilespmem:s28+$0xA005];
	s24 =	sadd.s32 $0x80000000, s24  }
0x213: {  	v19 =	vld [tilespmem:s28+$0xB006];
	v12 =	vadd.s32 v12, v14;
	v6 =	vsub.s32 s24, v6  }
0x214: {  	v8 =	vadd.s32 v8, v13;
	v49 =	vld [tilespmem:s28+$0xC007];
	v50 =	vadd.s32 v15, v12;
	v6 =	vadd.s32 v7, v6  }
0x215: {  	v8 =	vadd.s32 v9, v8;
	v7 =	vld [tilespmem:s28+$0xD008];
	v9 =	vadd.s32 v16, v50;
	[tilespmem:s26+$0x15080] =	vst v6  }
0x216: {  	v51 =	vld [tilespmem:s28+$0xE009];
	v9 =	vadd.s32 v17, v9  }
0x217: {  	v8 =	vadd.s32 v10, v8;
	v52 =	vld [tilespmem:s28+$0xF00A];
	v9 =	vadd.s32 v18, v9  }
0x218: {  	v6 =	vadd.s32 v11, v8;
	v53 =	vld [tilespmem:s28+$0x1000B];
	v9 =	vadd.s32 v19, v9  }
0x219: {  	(xrf0) =	vadd.scan.msk.s32 $0xffff, v6;
	v54 =	vld [tilespmem:s28+$0x1100C];
	v9 =	vadd.s32 v49, v9  }
0x21a: {  	v55 =	vld [tilespmem:s28+$0x1200D];
	v7 =	vadd.s32 v7, v9  }
0x21b: {  	v56 =	vld [tilespmem:s28+$0x1300E];
	v7 =	vadd.s32 v51, v7  }
0x21c: {  	v58 =	vld [tilespmem:s28+$0x1400F];
	v7 =	vadd.s32 v52, v7  }
0x21d: {  	v7 =	vadd.s32 v53, v7  }
0x21e: {  	v57, _, _ =	vpop (xrf0);
	v7 =	vadd.s32 v54, v7  }
0x21f: {  	v59, _, _ =	vpop (xrf0);
	v7 =	vadd.s32 v55, v7  }
0x220: {  	v60 =	vxor.u32 $0x80000000, v59;
	v7 =	vadd.s32 v56, v7  }
0x221: {  	(xrf0) =	vmax.scan.msk.u32 $0xffff, v60;
	v7 =	vadd.s32 v58, v7  }
0x222: {  	(xrf0) =	vadd.scan.msk.s32 $0xffff, v7;
	_ =	sdelay $0x3  }
0x223: {  	(v2sf) =	vpush v57, $0xF  }
0x224: {  	v61, _, _ =	vpop (xrf0)  }
0x225: {  	(v2sf) =	vpush v61, $0xF;
	v62, _, _ =	vpop (xrf0)  }
0x226: {  	v63 =	vxor.u32 $0x80000000, v62  }
0x227: {  	(xrf0) =	vmax.scan.msk.u32 $0xffff, v63;
	_ =	sdelay $0x5  }
0x228: {  	v9, _, _ =	vpop (xrf0)  }
0x229: {  	(v2sf) =	vpush v9, $0xF;
	_ =	sdelay $0x3  }
0x22a: {  	s0 =	spop (v2sf)  }
0x22b: {  	s24 =	sadd.s32 s0, s24  }
0x22c: {  	s24 =	sadd.s32 $0x80000000, s24;
	s29 =	spop (v2sf)  }
0x22d: {  	s26 =	sadd.s32 s29, s24  }
0x22e: {  	v6 =	vsub.s32 s24, v6;
	s30 =	sadd.s32 $0x80000000, s26  }
0x22f: {  	v6 =	vadd.s32 v59, v6;
	v7 =	vsub.s32 s30, v7  }
0x230: {  	[tilespmem:s25+$0x15080] =	vst v6;
	v6 =	vadd.s32 v62, v7  }
0x231: {  	s24 =	simm.s32 $0x0;
	[tilespmem:s28+$0x15080] =	vst v6  }
0x232: {  	[tilespmem:s24], [sflag:$0x1] =	stream.linear.gather [hbm4b:s22+s24], $0x2800, $0x38;
	[tilespmem:$0x17580] =	vst v63  }
0x233: {  	s21 =	smul.u32 $0x12C00, s21  }
0x234: {  	[tilespmem:s12], [sflag:$0x2] =	stream.linear.gather [hbm4b:s23+s24], $0x2800, $0x38;
	[tilespmem:$0x17580] =	vst v63  }
0x235: {  	s22 =	sadd.s32 $0x1400, s21;
	s31 =	spop (v2sf)  }
.LBB2_16:
0x236: {  	s23 =	simm.s32 $0x0  }
0x237: {  	s25 =	simm.s32 $0x10;
	s30 =	simm.s32 $0x20;
	v6 =	vmov s23;
	v10 =	vor.u32 s23, v1  }
0x238: {  	s26 =	simm.s32 $0x30;
	s31 =	simm.s32 $0x40;
	v7 =	vor.u32 s30, v1;
	v11 =	vor.u32 s25, v1;
	v8 =	vmulhi.u32 $0x88888889, v10  }
0x239: {  	s0 =	simm.s32 $0x50;
	s28 =	simm.s32 $0x60;
	v9 =	vor.u32 s26, v1;
	v12 =	vor.u32 s31, v1;
	v13 =	vmulhi.u32 $0x88888889, v11  }
0x23a: {  	s29 =	simm.s32 $0x80;
	v15 =	vor.u32 s0, v1;
	v17 =	vor.u32 s28, v1;
	s31 =	simm.s32 $0x90;
	v16 =	vmulhi.u32 $0x88888889, v7  }
0x23b: {  	v18 =	vor.u32 s29, v1;
	v30 =	vmulhi.u32 $0x88888889, v17;
	v42 =	vor.u32 s31, v1  }
0x23c: {  	v14 =	vsub.s32 $0x0, v10;
	vm1 =	veq.s32 v6, v1;
	v54 =	vmulhi.u32 $0x88888889, v42  }
0x23d: {  	v19 =	vshrl.u32 v8, $0x5;
	v8 =	vmulhi.u32 $0x88888889, v9;
	v20 =	vshrl.u32 v16, $0x5  }
0x23e: {  	v16 =	vmulhi.u32 $0x88888889, v18;
	v13 =	vshrl.u32 v13, $0x5;
	v30 =	vshrl.u32 v30, $0x5  }
0x23f: {  	v6 =	vmul.u32 $0xFFFFFFC4, v19;
	v21 =	vmul.u32 $0xFFFFFFC4, v13;
	v22 =	vmul.u32 $0xFFFFFFC4, v20  }
0x240: {  	v24 =	vshll.u32 v20, $0x8;
	v44 =	vmul.u32 $0xFFFFFFC4, v30;
	v38 =	vshll.u32 v30, $0x7  }
0x241: {  	v30 =	vshll.u32 v30, $0x8;
	v59 =	vshrl.u32 v54, $0x5;
	v23 =	vshrl.u32 v8, $0x5  }
0x242: {  	v16 =	vshrl.u32 v16, $0x5;
	vm2 =	vne.s32 v6, v14;
	v6 =	vshll.u32 v13, $0x8  }
0x243: {  	v14 =	vmul.u32 $0xFFFFFFC4, v23;
	v8 =	vadd.s32 v7, v22;
	v7 =	vadd.s32 v11, v21  }
0x244: {  	v22 =	vshll.u32 v23, $0x8;
	v11 =	vshll.u32 v23, $0x7;
	v23 =	vmulhi.u32 $0x88888889, v15  }
0x245: {  	v32 =	vmul.u32 $0xFFFFFFC4, v16;
	v34 =	vshll.u32 v16, $0x8;
	v17 =	vadd.s32 v17, v44  }
0x246: {  	v21 =	vshll.u32 v8, $0x1;
	v25 =	vshll.u32 v7, $0x1;
	vm1 =	vmand vm1, vm2  }
0x247: {  	v51 =	vshll.u32 v17, $0x1;
	v62 =	vand.u32 $0xFFFFFF80, v7;
	v7 =	vand.u32 $0x7F, v7  }
0x248: {  	v9 =	vadd.s32 v9, v14;
	v26 =	vand.u32 $0xFFFFFF80, v21;
	v14 =	vshll.u32 v13, $0x7  }
0x249: {  	v13 =	vsel vm1, $0xFFFFFFFF, v0;
	v63 =	vand.u32 $0x7E, v25;
	v23 =	vshrl.u32 v23, $0x5  }
0x24a: {  	v25 =	vand.u32 $0xFFFFFF80, v25;
	v21 =	vand.u32 $0x7E, v21;
	v53 =	vand.u32 $0xFFFFFF80, v51  }
0x24b: {  	v58 =	vand.u32 $0x7E, v51;
	v27 =	vshll.u32 v9, $0x1;
	v19 =	vadd.s32 v13, v19  }
0x24c: {  	s30 =	simm.s32 $0x70;
	v24 =	vadd.s32 v24, v26;
	v33 =	vmul.u32 $0xFFFFFFC4, v23;
	v6 =	vadd.s32 v6, v25  }
0x24d: {  	v28 =	vand.u32 $0xFFFFFF80, v27;
	v13 =	vand.u32 $0x7E, v27;
	v27 =	vor.u32 s30, v1  }
0x24e: {  	v25 =	vshll.u32 v23, $0x8;
	v22 =	vadd.s32 v22, v28;
	v26 =	vmulhi.u32 $0x88888889, v27  }
0x24f: {  	v30 =	vadd.s32 v30, v53;
	v22 =	vor.u32 v13, v22;
	v13 =	vmulhi.u32 $0x88888889, v12  }
0x250: {  	v40 =	vmul.u32 $0xFFFFFFC4, v19;
	v47 =	vshll.u32 v19, $0x8;
	v19 =	vshll.u32 v19, $0x7  }
0x251: {  	v21 =	vor.u32 v21, v24;
	v26 =	vshrl.u32 v26, $0x5;
	v29 =	vshrl.u32 v13, $0x5  }
0x252: {  	v6 =	vor.u32 v63, v6;
	v49 =	vmul.u32 $0xFFFFFFC4, v26;
	v31 =	vmul.u32 $0xFFFFFFC4, v29  }
0x253: {  	v13 =	vshll.u32 v16, $0x7;
	v39 =	vshll.u32 v26, $0x7;
	v26 =	vshll.u32 v26, $0x8  }
0x254: {  	v27 =	vadd.s32 v27, v49;
	v16 =	vadd.s32 v12, v31;
	v12 =	vadd.s32 v18, v32  }
0x255: {  	v18 =	vadd.s32 v15, v33;
	v55 =	vshll.u32 v27, $0x1;
	v56 =	vand.u32 $0xFFFFFF80, v27  }
0x256: {  	_ =	swait.ge [sflag:s13], $0x2800;
	v27 =	vand.u32 $0x7F, v27;
	v15 =	vshll.u32 v16, $0x1;
	v46 =	vshll.u32 v12, $0x1  }
0x257: {  	[sflag:s13] =	ssyncset.done $0x0;
	v37 =	vshll.u32 v18, $0x1;
	v43 =	vand.u32 $0xFFFFFF80, v55;
	v57 =	vand.u32 $0x7E, v55  }
0x258: {  	[sflag:s13] =	ssyncadd.s32 $0xFFFFD800;
	v60 =	vand.u32 $0xFFFFFF80, v16;
	v61 =	vadd.s32 v39, v56;
	v54 =	vand.u32 $0xFFFFFF80, v12  }
0x259: {  	v6 =	vld.idx.msk [tilespmem:v6+s4+$0x0], $0xffff;
	v16 =	vand.u32 $0x7F, v16;
	v45 =	vand.u32 $0xFFFFFF80, v15;
	v35 =	vand.u32 $0x7E, v15  }
0x25a: {  	v21 =	vld.idx.msk [tilespmem:v21+s4+$0x0], $0xffff;
	v15 =	vshll.u32 v29, $0x8;
	v36 =	vand.u32 $0xFFFFFF80, v46;
	v33 =	vand.u32 $0x7E, v46  }
0x25b: {  	v41 =	vand.u32 $0x7E, v37;
	v37 =	vand.u32 $0xFFFFFF80, v37;
	v26 =	vadd.s32 v26, v43  }
0x25c: {  	v29 =	vshll.u32 v29, $0x7;
	v32 =	vadd.s32 v15, v45;
	v15 =	vadd.s32 v10, v40  }
0x25d: {  	v48 =	vadd.s32 v34, v36;
	v25 =	vadd.s32 v25, v37;
	v26 =	vor.u32 v57, v26  }
0x25e: {  	v22 =	vld.idx.msk [tilespmem:v22+s4+$0x0], $0xffff;
	v37 =	vshll.u32 v59, $0x8;
	v29 =	vadd.s32 v29, v60;
	v6 =	vmax.f32 v6, $6.000000000e+01  }
0x25f: {  	v21 =	vmax.f32 v21, $6.000000000e+01;
	v57 =	vadd.s32 v14, v62;
	v10 =	vor.u32 v35, v32  }
0x260: {  	v35 =	vand.u32 $0xFFFFFF80, v17;
	v50 =	vshll.u32 v15, $0x1;
	v25 =	vor.u32 v41, v25  }
0x261: {  	v32 =	vor.u32 v33, v48;
	v28 =	vand.u32 $0xFFFFFF80, v15;
	v33 =	vshll.u32 v20, $0x7  }
0x262: {  	v20 =	vmul.u32 $0xFFFFFFC4, v59;
	v21 =	vcvt.s32.f32 v21;
	v16 =	vor.u32 v16, v29  }
0x263: {  	v17 =	vand.u32 $0x7F, v17;
	v15 =	vand.u32 $0x7F, v15;
	v22 =	vmax.f32 v22, $6.000000000e+01  }
0x264: {  	v52 =	vand.u32 $0xFFFFFF80, v50;
	v36 =	vand.u32 $0x7E, v50;
	v35 =	vadd.s32 v38, v35;
	v10 =	vld.idx.msk [tilespmem:v10+s4+$0x0], $0xffff  }
0x265: {  	v50 =	vcvt.s32.f32 v6;
	v19 =	vadd.s32 v19, v28;
	v24 =	vld.idx.msk [tilespmem:v25+s4+$0x0], $0xffff;
	v25 =	vor.u32 v58, v30  }
0x266: {  	v22 =	vcvt.s32.f32 v22;
	v31 =	vadd.s32 v47, v52;
	v20 =	vadd.s32 v42, v20  }
0x267: {  	v47 =	vshll.u32 v23, $0x7;
	v21 =	vsub.f32 v21, v4;
	v17 =	vor.u32 v17, v35  }
0x268: {  	v31 =	vor.u32 v36, v31;
	v63 =	vshll.u32 v20, $0x1;
	v22 =	vsub.f32 v22, v4;
	v26 =	vld.idx.msk [tilespmem:v26+s4+$0x0], $0xffff  }
0x269: {  	v45 =	vand.u32 $0xFFFFFF80, v20;
	v20 =	vand.u32 $0x7F, v20;
	v46 =	vand.u32 $0xFFFFFF80, v63  }
0x26a: {  	v22 =	vmul.f32 v22, v5;
	v10 =	vmax.f32 v10, $6.000000000e+01;
	v25 =	vld.idx.msk [tilespmem:v25+s4+$0x0], $0xffff;
	v24 =	vmax.f32 v24, $6.000000000e+01  }
0x26b: {  	v49 =	vand.u32 $0x7E, v63;
	v10 =	vcvt.s32.f32 v10;
	v24 =	vcvt.s32.f32 v24  }
0x26c: {  	v21 =	vmul.f32 v21, v5;
	v30 =	vshll.u32 v59, $0x7;
	v22 =	vtrunc.f32 v22  }
0x26d: {  	v26 =	vmax.f32 v26, $6.000000000e+01;
	v10 =	vsub.f32 v10, v4;
	v24 =	vsub.f32 v24, v4  }
0x26e: {  	v48 =	vadd.s32 v37, v46;
	v22 =	vcvt.f32.s32 v22;
	v26 =	vcvt.s32.f32 v26  }
0x26f: {  	v32 =	vld.idx.msk [tilespmem:v32+s4+$0x0], $0xffff;
	v10 =	vmul.f32 v10, v5;
	v25 =	vmax.f32 v25, $6.000000000e+01;
	v24 =	vmul.f32 v24, v5  }
0x270: {  	vm1 =	vlt.s32 v22, $0xFFF;
	v26 =	vsub.f32 v26, v4;
	v25 =	vcvt.s32.f32 v25  }
0x271: {  	v22 =	vnsel vm1, $0xFFF, v22;
	v10 =	vtrunc.f32 v10;
	v24 =	vtrunc.f32 v24  }
0x272: {  	v6 =	vcvt.f32.s32 v24;
	v24 =	vmul.f32 v26, v5;
	v26 =	vor.u32 v49, v48  }
0x273: {  	v58 =	vand.u32 $0xFFFFFF80, v18;
	v31 =	vld.idx.msk [tilespmem:v31+s4+$0x0], $0xffff;
	v10 =	vcvt.f32.s32 v10;
	v25 =	vsub.f32 v25, v4  }
0x274: {  	v18 =	vand.u32 $0x7F, v18;
	v30 =	vadd.s32 v30, v45;
	v23 =	vmax.f32 v32, $6.000000000e+01  }
0x275: {  	v23 =	vcvt.s32.f32 v23;
	vm1 =	vlt.s32 v10, $0xFFF;
	v25 =	vmul.f32 v25, v5  }
0x276: {  	v22 =	vld.idx.msk [tilespmem:v22+s16+$0x0], $0xffff;
	v24 =	vtrunc.f32 v24;
	v10 =	vnsel vm1, $0xFFF, v10;
	vm1 =	vlt.s32 v6, $0xFFF  }
0x277: {  	v24 =	vcvt.f32.s32 v24;
	v51 =	vnsel vm1, $0xFFF, v6;
	v6 =	vtrunc.f32 v25;
	v26 =	vld.idx.msk [tilespmem:v26+s4+$0x0], $0xffff  }
0x278: {  	v31 =	vmax.f32 v31, $6.000000000e+01;
	v23 =	vsub.f32 v23, v4;
	v25 =	vcvt.f32.s32 v6  }
0x279: {  	v6 =	vor.u32 v20, v30;
	v20 =	vsub.f32 v50, v4;
	vm1 =	vlt.s32 v24, $0xFFF  }
0x27a: {  	v31 =	vcvt.s32.f32 v31;
	v23 =	vmul.f32 v23, v5;
	v24 =	vnsel vm1, $0xFFF, v24  }
0x27b: {  	vm2 =	vlt.s32 v25, $0xFFF;
	v53 =	vmul.f32 v20, v5;
	v20 =	vcvt.s32.f32 v22  }
0x27c: {  	v22 =	vtrunc.f32 v23;
	v23 =	vsub.f32 v31, v4;
	v26 =	vmax.f32 v26, $6.000000000e+01  }
0x27d: {  	v25 =	vnsel vm2, $0xFFF, v25;
	v22 =	vcvt.f32.s32 v22;
	v26 =	vcvt.s32.f32 v26  }
0x27e: {  	v52 =	vld.idx.msk [tilespmem:v10+s16+$0x0], $0xffff;
	v10 =	vor.u32 v27, v61;
	v27 =	vtrunc.f32 v53;
	v55 =	vmul.f32 v23, v5  }
0x27f: {  	v27 =	vcvt.f32.s32 v27;
	vm1 =	vlt.s32 v22, $0xFFF;
	v26 =	vsub.f32 v26, v4  }
0x280: {  	v21 =	vtrunc.f32 v21;
	v32 =	vadd.s32 v47, v58;
	v22 =	vnsel vm1, $0xFFF, v22  }
0x281: {  	v14 =	vtrunc.f32 v55;
	vm1 =	vlt.s32 v27, $0xFFF;
	v26 =	vmul.f32 v26, v5  }
0x282: {  	v56 =	vld.idx.msk [tilespmem:v51+s16+$0x0], $0xffff;
	v34 =	vcvt.f32.s32 v14;
	v14 =	vor.u32 v18, v32;
	v18 =	vnsel vm1, $0xFFF, v27  }
0x283: {  	v19 =	vor.u32 v15, v19;
	v21 =	vcvt.f32.s32 v21;
	v25 =	vld.idx.msk [tilespmem:v25+s16+$0x0], $0xffff;
	v26 =	vtrunc.f32 v26  }
0x284: {  	v15 =	vand.u32 $0x7F, v12;
	v60 =	vld.idx.msk [tilespmem:v24+s16+$0x0], $0xffff;
	vm1 =	vlt.s32 v34, $0xFFF;
	v24 =	vcvt.f32.s32 v26  }
0x285: {  	v12 =	vor.u32 v7, v57;
	vm2 =	vlt.s32 v21, $0xFFF;
	v59 =	vnsel vm1, $0xFFF, v34  }
0x286: {  	v61 =	vand.u32 $0xFFFFFF80, v9;
	v21 =	vnsel vm2, $0xFFF, v21;
	v22 =	vld.idx.msk [tilespmem:v22+s16+$0x0], $0xffff;
	vm1 =	vlt.s32 v24, $0xFFF  }
0x287: {  	v11 =	vadd.s32 v11, v61;
	v23 =	vcvt.s32.f32 v52;
	v62 =	vld.idx.msk [tilespmem:v18+s16+$0x0], $0xffff;
	v63 =	vnsel vm1, $0xFFF, v24  }
0x288: {  	v27 =	vcvt.s32.f32 v56;
	v25 =	vcvt.s32.f32 v25;
	v26 =	vand.u32 $0xFFFFFF80, v8  }
0x289: {  	v24 =	vadd.s32 v13, v54;
	v13 =	vand.u32 $0x7F, v8;
	v8 =	vand.u32 $0x7F, v9  }
0x28a: {  	v9 =	vmul.f32 $6.944444520e-06, v25;
	v25 =	vld.idx.msk [tilespmem:v59+s16+$0x0], $0xffff;
	v8 =	vor.u32 v8, v11;
	v11 =	vcvt.s32.f32 v60  }
0x28b: {  	v7 =	vmul.f32 $6.944444520e-06, v27;
	v26 =	vadd.s32 v33, v26;
	v18 =	vcvt.s32.f32 v22;
	v22 =	vld.idx.msk [tilespmem:v21+s16+$0x0], $0xffff  }
0x28c: {  	s26 =	simm.s32 $0x130;
	v13 =	vor.u32 v13, v26;
	v26 =	vcvt.s32.f32 v62;
	v11 =	vmul.f32 $6.944444520e-06, v11;
	v21 =	vld.idx.msk [tilespmem:v63+s16+$0x0], $0xffff  }
.LBB2_17:
0x28d: {  	s28 =	sadd.s32 $0xFFFFFF70, s26  }
0x28e: {  	s29 =	sadd.s32 $0xFFFFFF80, s26;
	v27 =	vmul.f32 $6.944444520e-06, v20;
	v23 =	vmul.f32 $6.944444520e-06, v23;
	v24 =	vor.u32 v15, v24;
	s25 =	smov.u32 s26;
	s23 =	sadd.s32 $0xA0, s26  }
0x28f: {  	p1 =	sne.s32 s26, $0x950;
	v25 =	vcvt.s32.f32 v25;
	v20 =	vmov s28;
	v15 =	vor.u32 s28, v1;
	s28 =	sadd.s32 $0xFFFFFF90, s25;
	s30 =	sadd.s32 $0xFFFFFFA0, s25  }
0x290: {  	s26 =	sadd.s32 $0xFFFFFFB0, s25;
	v26 =	vmul.f32 $6.944444520e-06, v26;
	v28 =	vor.u32 s28, v1;
	v29 =	vor.u32 s30, v1;
	s28 =	sadd.s32 $0xFFFFFFC0, s25  }
0x291: {  	v30 =	vor.u32 s29, v1;
	v31 =	vor.u32 s26, v1;
	s26 =	sadd.s32 $0xFFFFFFD0, s25;
	v32 =	vor.u32 s28, v1  }
0x292: {  	v34 =	vmulhi.u32 $0x88888889, v15;
	v25 =	vmul.f32 $6.944444520e-06, v25;
	v33 =	vor.u32 s26, v1;
	s26 =	sadd.s32 $0xFFFFFFF0, s25  }
0x293: {  	v36 =	vmulhi.u32 $0x88888889, v30;
	v22 =	vcvt.s32.f32 v22;
	v35 =	vor.u32 s26, v1  }
0x294: {  	v18 =	vmul.f32 $6.944444520e-06, v18;
	v37 =	vsub.s32 $0x0, v15;
	v38 =	vmulhi.u32 $0x88888889, v28;
	[tilespmem:v19+s17+$0x0] =	vst.idx.msk $0xffff, v25  }
0x295: {  	vm1 =	veq.s32 v20, v1;
	v19 =	vshrl.u32 v34, $0x5;
	[tilespmem:v12+s17+$0x0] =	vst.idx.msk $0xffff, v26;
	v12 =	vmul.f32 $6.944444520e-06, v22  }
0x296: {  	v20 =	vshrl.u32 v38, $0x5;
	v25 =	vmulhi.u32 $0x88888889, v35;
	v22 =	vmul.u32 $0xFFFFFFC4, v19  }
0x297: {  	v34 =	vmulhi.u32 $0x88888889, v29;
	v26 =	vshrl.u32 v36, $0x5;
	[tilespmem:v13+s17+$0x0] =	vst.idx.msk $0xffff, v12;
	v12 =	vcvt.s32.f32 v21  }
0x298: {  	vm2 =	vne.s32 v22, v37;
	v13 =	vmul.u32 $0xFFFFFFC4, v26;
	v21 =	vmul.u32 $0xFFFFFFC4, v20;
	[tilespmem:v8+s17+$0x0] =	vst.idx.msk $0xffff, v27  }
0x299: {  	v22 =	vshrl.u32 v34, $0x5;
	v34 =	vshll.u32 v20, $0x8;
	v27 =	vshll.u32 v26, $0x8;
	[tilespmem:v16+s17+$0x0] =	vst.idx.msk $0xffff, v23  }
0x29a: {  	v8 =	vadd.s32 v28, v21;
	v16 =	vmul.u32 $0xFFFFFFC4, v22;
	v12 =	vmul.f32 $6.944444520e-06, v12;
	[tilespmem:v14+s17+$0x0] =	vst.idx.msk $0xffff, v7  }
0x29b: {  	v7 =	vadd.s32 v30, v13;
	v21 =	vshll.u32 v8, $0x1;
	v13 =	vshll.u32 v22, $0x8;
	[tilespmem:v17+s17+$0x0] =	vst.idx.msk $0xffff, v9  }
0x29c: {  	v9 =	vadd.s32 v29, v16;
	v17 =	vshll.u32 v7, $0x1;
	v16 =	vand.u32 $0xFFFFFF80, v21;
	[tilespmem:v10+s17+$0x0] =	vst.idx.msk $0xffff, v11  }
0x29d: {  	vm1 =	vmand vm1, vm2;
	v14 =	vshll.u32 v26, $0x7;
	v10 =	vshll.u32 v9, $0x1;
	[tilespmem:v24+s17+$0x0] =	vst.idx.msk $0xffff, v18  }
0x29e: {  	v11 =	vshll.u32 v22, $0x7;
	v18 =	vsel vm1, $0xFFFFFFFF, v0;
	v23 =	vand.u32 $0xFFFFFF80, v10;
	[tilespmem:v6+s17+$0x0] =	vst.idx.msk $0xffff, v12  }
0x29f: {  	v19 =	vadd.s32 v18, v19;
	v6 =	vand.u32 $0x7E, v10;
	v10 =	vadd.s32 v13, v23  }
0x2a0: {  	s26 =	sadd.s32 $0xFFFFFFE0, s25;
	v22 =	vadd.s32 v34, v16;
	v12 =	vmulhi.u32 $0x88888889, v32;
	v10 =	vor.u32 v6, v10  }
0x2a1: {  	v23 =	vor.u32 s26, v1;
	v6 =	vmulhi.u32 $0x88888889, v31  }
0x2a2: {  	v24 =	vand.u32 $0x7E, v17;
	v18 =	vshrl.u32 v25, $0x5;
	v16 =	vmulhi.u32 $0x88888889, v23  }
0x2a3: {  	v26 =	vmulhi.u32 $0x88888889, v33;
	v13 =	vshll.u32 v18, $0x7;
	v25 =	vshrl.u32 v6, $0x5  }
0x2a4: {  	v28 =	vmul.u32 $0xFFFFFFC4, v18;
	v6 =	vshrl.u32 v12, $0x5;
	v12 =	vmul.u32 $0xFFFFFFC4, v25  }
0x2a5: {  	v34 =	vshll.u32 v18, $0x8;
	v29 =	vshrl.u32 v16, $0x5;
	v30 =	vmul.u32 $0xFFFFFFC4, v6;
	v10 =	vld.idx.msk [tilespmem:v10+s4+$0x0], $0xffff  }
0x2a6: {  	v26 =	vshrl.u32 v26, $0x5;
	v16 =	vadd.s32 v31, v12;
	v12 =	vadd.s32 v35, v28  }
0x2a7: {  	v18 =	vadd.s32 v32, v30;
	v28 =	vand.u32 $0xFFFFFF80, v17;
	v17 =	vshll.u32 v16, $0x1  }
0x2a8: {  	v30 =	vmul.u32 $0xFFFFFFC4, v26;
	v32 =	vshll.u32 v12, $0x1;
	v31 =	vand.u32 $0xFFFFFF80, v17  }
0x2a9: {  	v36 =	vshll.u32 v25, $0x8;
	v35 =	vand.u32 $0x7E, v17;
	v37 =	vand.u32 $0xFFFFFF80, v32  }
0x2aa: {  	v39 =	vshll.u32 v26, $0x7;
	v40 =	vshll.u32 v29, $0x7;
	v38 =	vshll.u32 v18, $0x1  }
0x2ab: {  	v41 =	vmul.u32 $0xFFFFFFC4, v19;
	v32 =	vand.u32 $0x7E, v32;
	v10 =	vmax.f32 v10, $6.000000000e+01  }
0x2ac: {  	v17 =	vadd.s32 v33, v30;
	v30 =	vshll.u32 v19, $0x8;
	v10 =	vcvt.s32.f32 v10  }
0x2ad: {  	v33 =	vand.u32 $0x7E, v38;
	v19 =	vshll.u32 v19, $0x7;
	v31 =	vadd.s32 v36, v31  }
0x2ae: {  	v27 =	vadd.s32 v27, v28;
	v28 =	vshll.u32 v6, $0x8;
	v10 =	vsub.f32 v10, v4  }
0x2af: {  	v15 =	vadd.s32 v15, v41;
	v34 =	vadd.s32 v34, v37;
	v31 =	vor.u32 v35, v31  }
0x2b0: {  	v36 =	vand.u32 $0xFFFFFF80, v17;
	v35 =	vmul.u32 $0xFFFFFFC4, v29;
	v10 =	vmul.f32 v10, v5  }
0x2b1: {  	v38 =	vand.u32 $0xFFFFFF80, v38;
	v37 =	vshll.u32 v15, $0x1;
	v41 =	vshll.u32 v17, $0x1  }
0x2b2: {  	v23 =	vadd.s32 v23, v35;
	v35 =	vand.u32 $0xFFFFFF80, v37;
	v10 =	vtrunc.f32 v10  }
0x2b3: {  	v42 =	vor.u32 s25, v1;
	v37 =	vand.u32 $0x7E, v37;
	v10 =	vcvt.f32.s32 v10  }
0x2b4: {  	v26 =	vshll.u32 v26, $0x8;
	v28 =	vadd.s32 v28, v38;
	v30 =	vadd.s32 v30, v35;
	v31 =	vld.idx.msk [tilespmem:v31+s4+$0x0], $0xffff  }
0x2b5: {  	v21 =	vand.u32 $0x7E, v21;
	v35 =	vand.u32 $0xFFFFFF80, v41;
	vm1 =	vlt.s32 v10, $0xFFF  }
0x2b6: {  	v38 =	vmulhi.u32 $0x88888889, v42;
	v28 =	vor.u32 v33, v28;
	v10 =	vnsel vm1, $0xFFF, v10  }
0x2b7: {  	v33 =	vshll.u32 v23, $0x1;
	v26 =	vadd.s32 v26, v35;
	v35 =	vand.u32 $0xFFFFFF80, v23  }
0x2b8: {  	v29 =	vshll.u32 v29, $0x8;
	v32 =	vor.u32 v32, v34;
	v43 =	vand.u32 $0xFFFFFF80, v33  }
0x2b9: {  	v30 =	vor.u32 v37, v30;
	v33 =	vand.u32 $0x7E, v33;
	v29 =	vadd.s32 v29, v43  }
0x2ba: {  	v34 =	vand.u32 $0x7E, v41;
	v29 =	vor.u32 v33, v29;
	v31 =	vmax.f32 v31, $6.000000000e+01  }
0x2bb: {  	v26 =	vor.u32 v34, v26;
	v33 =	vor.u32 v21, v22;
	v21 =	vcvt.s32.f32 v31;
	v28 =	vld.idx.msk [tilespmem:v28+s4+$0x0], $0xffff  }
0x2bc: {  	v24 =	vor.u32 v24, v27;
	v23 =	vand.u32 $0x7F, v23;
	v22 =	vand.u32 $0xFFFFFF80, v15  }
0x2bd: {  	v27 =	vshrl.u32 v38, $0x5;
	v31 =	vld.idx.msk [tilespmem:v32+s4+$0x0], $0xffff;
	v32 =	vsub.f32 v21, v4;
	v21 =	vshll.u32 v20, $0x7  }
0x2be: {  	v34 =	vand.u32 $0xFFFFFF80, v16;
	v35 =	vadd.s32 v40, v35;
	v20 =	vmul.u32 $0xFFFFFFC4, v27;
	v30 =	vld.idx.msk [tilespmem:v30+s4+$0x0], $0xffff  }
0x2bf: {  	v25 =	vshll.u32 v25, $0x7;
	v37 =	vshll.u32 v27, $0x8;
	v29 =	vld.idx.msk [tilespmem:v29+s4+$0x0], $0xffff;
	v32 =	vmul.f32 v32, v5  }
0x2c0: {  	v38 =	vand.u32 $0xFFFFFF80, v7;
	v27 =	vshll.u32 v27, $0x7;
	v20 =	vadd.s32 v42, v20;
	v26 =	vld.idx.msk [tilespmem:v26+s4+$0x0], $0xffff  }
0x2c1: {  	v40 =	vshll.u32 v20, $0x1;
	v28 =	vmax.f32 v28, $6.000000000e+01;
	v41 =	vand.u32 $0xFFFFFF80, v20;
	v24 =	vld.idx.msk [tilespmem:v24+s4+$0x0], $0xffff  }
0x2c2: {  	v43 =	vshll.u32 v6, $0x7;
	v42 =	vand.u32 $0xFFFFFF80, v40;
	v28 =	vcvt.s32.f32 v28  }
0x2c3: {  	v25 =	vadd.s32 v25, v34;
	v6 =	vtrunc.f32 v32;
	v31 =	vmax.f32 v31, $6.000000000e+01  }
0x2c4: {  	v32 =	vadd.s32 v37, v42;
	v30 =	vmax.f32 v30, $6.000000000e+01;
	v28 =	vsub.f32 v28, v4  }
0x2c5: {  	v34 =	vand.u32 $0x7E, v40;
	v6 =	vcvt.f32.s32 v6;
	v29 =	vmax.f32 v29, $6.000000000e+01  }
0x2c6: {  	v28 =	vmul.f32 v28, v5;
	v26 =	vmax.f32 v26, $6.000000000e+01;
	v29 =	vcvt.s32.f32 v29  }
0x2c7: {  	v36 =	vadd.s32 v39, v36;
	v24 =	vmax.f32 v24, $6.000000000e+01;
	v26 =	vcvt.s32.f32 v26  }
0x2c8: {  	v20 =	vand.u32 $0x7F, v20;
	vm1 =	vlt.s32 v6, $0xFFF;
	v29 =	vsub.f32 v29, v4  }
0x2c9: {  	v24 =	vcvt.s32.f32 v24;
	v28 =	vtrunc.f32 v28;
	v26 =	vsub.f32 v26, v4;
	v33 =	vld.idx.msk [tilespmem:v33+s4+$0x0], $0xffff  }
0x2ca: {  	v37 =	vnsel vm1, $0xFFF, v6;
	v6 =	vcvt.f32.s32 v28;
	v28 =	vmul.f32 v29, v5  }
0x2cb: {  	v27 =	vadd.s32 v27, v41;
	v29 =	vor.u32 v34, v32;
	v26 =	vmul.f32 v26, v5  }
0x2cc: {  	v31 =	vcvt.s32.f32 v31;
	vm1 =	vlt.s32 v6, $0xFFF;
	v28 =	vtrunc.f32 v28;
	v10 =	vld.idx.msk [tilespmem:v10+s16+$0x0], $0xffff  }
0x2cd: {  	v32 =	vnsel vm1, $0xFFF, v6;
	v6 =	vtrunc.f32 v26;
	v26 =	vcvt.f32.s32 v28  }
0x2ce: {  	v31 =	vsub.f32 v31, v4;
	v28 =	vcvt.f32.s32 v6;
	v6 =	vor.u32 v20, v27  }
0x2cf: {  	v20 =	vsub.f32 v24, v4;
	v24 =	vmax.f32 v33, $6.000000000e+01;
	vm1 =	vlt.s32 v26, $0xFFF  }
0x2d0: {  	v31 =	vmul.f32 v31, v5;
	v24 =	vcvt.s32.f32 v24;
	vm2 =	vlt.s32 v28, $0xFFF;
	v27 =	vld.idx.msk [tilespmem:v37+s16+$0x0], $0xffff  }
0x2d1: {  	v30 =	vcvt.s32.f32 v30;
	v26 =	vnsel vm1, $0xFFF, v26;
	v28 =	vnsel vm2, $0xFFF, v28;
	v29 =	vld.idx.msk [tilespmem:v29+s4+$0x0], $0xffff  }
0x2d2: {  	v33 =	vmul.f32 v20, v5;
	v20 =	vcvt.s32.f32 v10;
	v10 =	vor.u32 v23, v35;
	v32 =	vld.idx.msk [tilespmem:v32+s16+$0x0], $0xffff  }
0x2d3: {  	v23 =	vsub.f32 v30, v4;
	v24 =	vsub.f32 v24, v4;
	v30 =	vtrunc.f32 v31  }
0x2d4: {  	v31 =	vtrunc.f32 v33;
	v33 =	vand.u32 $0xFFFFFF80, v12;
	v30 =	vcvt.f32.s32 v30  }
0x2d5: {  	v16 =	vand.u32 $0x7F, v16;
	v31 =	vcvt.f32.s32 v31;
	v24 =	vmul.f32 v24, v5  }
0x2d6: {  	v34 =	vmul.f32 v23, v5;
	vm1 =	vlt.s32 v30, $0xFFF;
	v23 =	vcvt.s32.f32 v27;
	v28 =	vld.idx.msk [tilespmem:v28+s16+$0x0], $0xffff  }
0x2d7: {  	v16 =	vor.u32 v16, v25;
	v27 =	vnsel vm1, $0xFFF, v30;
	v29 =	vmax.f32 v29, $6.000000000e+01;
	v26 =	vld.idx.msk [tilespmem:v26+s16+$0x0], $0xffff  }
0x2d8: {  	vm1 =	vlt.s32 v31, $0xFFF;
	v25 =	vcvt.s32.f32 v29;
	v29 =	vadd.s32 v14, v38  }
0x2d9: {  	v30 =	vand.u32 $0xFFFFFF80, v18;
	v18 =	vand.u32 $0x7F, v18;
	v14 =	vtrunc.f32 v34  }
0x2da: {  	v24 =	vtrunc.f32 v24;
	v30 =	vadd.s32 v43, v30;
	v25 =	vsub.f32 v25, v4  }
0x2db: {  	v24 =	vcvt.f32.s32 v24;
	v34 =	vcvt.f32.s32 v14;
	v14 =	vor.u32 v18, v30  }
0x2dc: {  	v18 =	vnsel vm1, $0xFFF, v31;
	v25 =	vmul.f32 v25, v5;
	v28 =	vcvt.s32.f32 v28;
	v27 =	vld.idx.msk [tilespmem:v27+s16+$0x0], $0xffff  }
0x2dd: {  	vm2 =	vlt.s32 v24, $0xFFF;
	v30 =	vcvt.s32.f32 v32;
	vm1 =	vlt.s32 v34, $0xFFF  }
0x2de: {  	v32 =	vnsel vm2, $0xFFF, v24;
	v31 =	vnsel vm1, $0xFFF, v34;
	v24 =	vtrunc.f32 v25  }
0x2df: {  	v17 =	vand.u32 $0x7F, v17;
	v19 =	vadd.s32 v19, v22;
	v24 =	vcvt.f32.s32 v24  }
0x2e0: {  	v17 =	vor.u32 v17, v36;
	v22 =	vand.u32 $0xFFFFFF80, v8;
	v25 =	vand.u32 $0xFFFFFF80, v9  }
0x2e1: {  	v21 =	vadd.s32 v21, v22;
	v11 =	vadd.s32 v11, v25;
	vm1 =	vlt.s32 v24, $0xFFF;
	v34 =	vld.idx.msk [tilespmem:v18+s16+$0x0], $0xffff  }
0x2e2: {  	v35 =	vnsel vm1, $0xFFF, v24;
	v18 =	vcvt.s32.f32 v27;
	v24 =	vadd.s32 v13, v33  }
.Ltmp7:
0x2e3: {  	v13 =	vand.u32 $0x7F, v8;
	v8 =	vand.u32 $0x7F, v9;
	v25 =	vld.idx.msk [tilespmem:v31+s16+$0x0], $0xffff;
	(pc) =	sbr.rel @p1 .LBB2_17-.Ltmp7, $4  }
0x2e4: {  	v9 =	vmul.f32 $6.944444520e-06, v28;
	v8 =	vor.u32 v8, v11;
	v11 =	vcvt.s32.f32 v26  }
0x2e5: {  	v7 =	vand.u32 $0x7F, v7;
	v15 =	vand.u32 $0x7F, v15;
	v13 =	vor.u32 v13, v21;
	v22 =	vld.idx.msk [tilespmem:v32+s16+$0x0], $0xffff  }
0x2e6: {  	v19 =	vor.u32 v15, v19;
	v15 =	vand.u32 $0x7F, v12;
	v11 =	vmul.f32 $6.944444520e-06, v11  }
0x2e7: {  	s26 =	smov.u32 s23;
	v12 =	vor.u32 v7, v29;
	v7 =	vmul.f32 $6.944444520e-06, v30;
	v26 =	vcvt.s32.f32 v34;
	v21 =	vld.idx.msk [tilespmem:v35+s16+$0x0], $0xffff  }
0x2e8: {  	v20 =	vmul.f32 $6.944444520e-06, v20  }
0x2e9: {  	v23 =	vmul.f32 $6.944444520e-06, v23;
	v25 =	vcvt.s32.f32 v25;
	v15 =	vor.u32 v15, v24;
	s23 =	simm.s32 $0x0  }
0x2ea: {  	v18 =	vmul.f32 $6.944444520e-06, v18;
	s0 =	simm.s32 $0x20;
	s26 =	simm.s32 $0x30;
	v26 =	vmul.f32 $6.944444520e-06, v26;
	v24 =	vmov s23  }
0x2eb: {  	s25 =	simm.s32 $0x10;
	v27 =	vor.u32 s23, v1;
	v28 =	vor.u32 s0, v1;
	v29 =	vor.u32 s26, v1  }
0x2ec: {  	v30 =	vor.u32 s25, v1;
	v22 =	vcvt.s32.f32 v22;
	v31 =	vmulhi.u32 $0x88888889, v27  }
0x2ed: {  	s0 =	simm.s32 $0x80;
	v25 =	vmul.f32 $6.944444520e-06, v25;
	vm1 =	veq.s32 v24, v1;
	v24 =	vmulhi.u32 $0x88888889, v29  }
0x2ee: {  	s28 =	simm.s32 $0x40;
	s30 =	simm.s32 $0x50;
	v32 =	vor.u32 s0, v1;
	v21 =	vcvt.s32.f32 v21;
	v22 =	vmul.f32 $6.944444520e-06, v22  }
0x2ef: {  	s31 =	simm.s32 $0x60;
	[tilespmem:v19+s17+$0x0] =	vst.idx.msk $0xffff, v25;
	v19 =	vor.u32 s28, v1;
	v25 =	vor.u32 s30, v1;
	v31 =	vshrl.u32 v31, $0x5  }
0x2f0: {  	[tilespmem:v12+s17+$0x0] =	vst.idx.msk $0xffff, v26;
	v26 =	vor.u32 s31, v1;
	v12 =	vmulhi.u32 $0x88888889, v30;
	s31 =	simm.s32 $0x90;
	v21 =	vmul.f32 $6.944444520e-06, v21  }
0x2f1: {  	[tilespmem:v13+s17+$0x0] =	vst.idx.msk $0xffff, v22;
	v13 =	vsub.s32 $0x0, v27;
	v22 =	vmulhi.u32 $0x88888889, v28;
	v42 =	vor.u32 s31, v1  }
0x2f2: {  	[tilespmem:v8+s17+$0x0] =	vst.idx.msk $0xffff, v20;
	v20 =	vmul.u32 $0xFFFFFFC4, v31;
	v12 =	vshrl.u32 v12, $0x5;
	v56 =	vmulhi.u32 $0x88888889, v42  }
0x2f3: {  	[tilespmem:v16+s17+$0x0] =	vst.idx.msk $0xffff, v23;
	v8 =	vshrl.u32 v22, $0x5;
	v16 =	vmulhi.u32 $0x88888889, v32;
	v22 =	vshrl.u32 v24, $0x5  }
0x2f4: {  	[tilespmem:v14+s17+$0x0] =	vst.idx.msk $0xffff, v7;
	v7 =	vmul.u32 $0xFFFFFFC4, v12;
	v14 =	vmul.u32 $0xFFFFFFC4, v8;
	vm2 =	vne.s32 v20, v13  }
0x2f5: {  	v13 =	vshll.u32 v12, $0x8;
	v61 =	vshrl.u32 v56, $0x5;
	v62 =	vshll.u32 v8, $0x7  }
0x2f6: {  	[tilespmem:v17+s17+$0x0] =	vst.idx.msk $0xffff, v9;
	v17 =	vmul.u32 $0xFFFFFFC4, v22;
	vm1 =	vmand vm1, vm2;
	v16 =	vshrl.u32 v16, $0x5  }
0x2f7: {  	s23 =	smul.u32 $0x2800, s24;
	[tilespmem:v10+s17+$0x0] =	vst.idx.msk $0xffff, v11;
	v11 =	vshll.u32 v8, $0x8;
	v9 =	vadd.s32 v28, v14;
	v7 =	vadd.s32 v30, v7  }
0x2f8: {  	v14 =	vshll.u32 v12, $0x7;
	v12 =	vsel vm1, $0xFFFFFFFF, v0;
	v44 =	vmul.u32 $0xFFFFFFC4, v16  }
0x2f9: {  	s26 =	sadd.s32 s21, s23;
	v35 =	vshll.u32 v16, $0x8;
	v8 =	vmul.u32 $0xFFFFFFC4, v61;
	v20 =	vshll.u32 v9, $0x1  }
0x2fa: {  	s25 =	sshrl.u32 s26, $0x3;
	[tilespmem:v15+s17+$0x0] =	vst.idx.msk $0xffff, v18;
	v15 =	vshll.u32 v22, $0x8;
	v10 =	vadd.s32 v29, v17;
	v18 =	vshll.u32 v7, $0x1  }
0x2fb: {  	s28 =	sadd.s32 s6, s25;
	[tilespmem:v6+s17+$0x0] =	vst.idx.msk $0xffff, v21;
	v17 =	vand.u32 $0xFFFFFF80, v20;
	v21 =	vshll.u32 v10, $0x1;
	v6 =	vshll.u32 v22, $0x7  }
0x2fc: {  	v22 =	vadd.s32 v12, v31;
	v63 =	vand.u32 $0x7E, v18;
	v20 =	vand.u32 $0x7E, v20;
	[hbm4b:s28+s4] =	stream.linear.scatter [tilespmem:s17], [sflag:$0x3], $0x1400, $0x38;
	[tilespmem:$0x17580] =	vst v63  }
0x2fd: {  	v23 =	vand.u32 $0xFFFFFF80, v21;
	v12 =	vand.u32 $0x7E, v21;
	v21 =	vmulhi.u32 $0x88888889, v25  }
0x2fe: {  	v8 =	vadd.s32 v42, v8;
	s28 =	simm.s32 $0x70;
	v24 =	vadd.s32 v11, v17;
	v17 =	vmulhi.u32 $0x88888889, v26  }
0x2ff: {  	v41 =	vmul.u32 $0xFFFFFFC4, v22;
	v15 =	vadd.s32 v15, v23;
	v23 =	vor.u32 s28, v1  }
0x300: {  	v20 =	vor.u32 v20, v24;
	v15 =	vor.u32 v12, v15;
	v12 =	vmulhi.u32 $0x88888889, v19  }
0x301: {  	v11 =	vmulhi.u32 $0x88888889, v23;
	v21 =	vshrl.u32 v21, $0x5;
	v36 =	vshrl.u32 v17, $0x5  }
0x302: {  	v34 =	vmul.u32 $0xFFFFFFC4, v21;
	v39 =	vshll.u32 v36, $0x7;
	v54 =	vshll.u32 v36, $0x8  }
0x303: {  	v29 =	vshrl.u32 v12, $0x5;
	v12 =	vshll.u32 v16, $0x7;
	v33 =	vshrl.u32 v11, $0x5  }
0x304: {  	s25 =	smul.u32 $0xA0, s24;
	v11 =	vadd.s32 v32, v44;
	v43 =	vmul.u32 $0xFFFFFFC4, v29;
	v17 =	vadd.s32 v25, v34  }
0x305: {  	v25 =	vand.u32 $0xFFFFFF80, v18;
	v18 =	vmul.u32 $0xFFFFFFC4, v36;
	v31 =	vshll.u32 v11, $0x1  }
0x306: {  	s30 =	sadd.s32 s25, s19;
	_ =	swait.ge [sflag:s10], $0x1400;
	v47 =	vshll.u32 v29, $0x8;
	v40 =	vshll.u32 v33, $0x7;
	v50 =	vmul.u32 $0xFFFFFFC4, v33  }
0x307: {  	s26 =	sshll.u32 s30, $0x4;
	[sflag:s10] =	ssyncset.done $0x0;
	v33 =	vshll.u32 v33, $0x8;
	v29 =	vshll.u32 v29, $0x7;
	v56 =	vand.u32 $0xFFFFFF80, v11  }
0x308: {  	s26 =	sadd.s32 s1, s26;
	[sflag:s10] =	ssyncadd.s32 $0xFFFFEC00;
	v37 =	vand.u32 $0xFFFFFF80, v31;
	v38 =	vshll.u32 v17, $0x1;
	v31 =	vand.u32 $0x7E, v31  }
0x309: {  	[tilespmem:s4], [sflag:$0x1] =	stream.linear.gather [hbm4b:s26+s4], $0x2800, $0x38;
	v13 =	vadd.s32 v13, v25;
	v25 =	vshll.u32 v21, $0x8;
	v21 =	vshll.u32 v21, $0x7;
	[tilespmem:$0x17580] =	vst v63  }
0x30a: {  	_ =	swait.ge [sflag:s15], $0x2800;
	v19 =	vadd.s32 v19, v43;
	v48 =	vand.u32 $0x7E, v38;
	v49 =	vadd.s32 v35, v37  }
0x30b: {  	[sflag:s15] =	ssyncset.done $0x0;
	v38 =	vand.u32 $0xFFFFFF80, v38;
	v23 =	vadd.s32 v23, v50;
	v13 =	vor.u32 v63, v13  }
0x30c: {  	[sflag:s15] =	ssyncadd.s32 $0xFFFFD800;
	v16 =	vshll.u32 v19, $0x1;
	v25 =	vadd.s32 v25, v38;
	v57 =	vshll.u32 v23, $0x1  }
0x30d: {  	v15 =	vld.idx.msk [tilespmem:v15+s12+$0x0], $0xffff;
	v58 =	vand.u32 $0xFFFFFF80, v23;
	v23 =	vand.u32 $0x7F, v23;
	v63 =	vand.u32 $0xFFFFFF80, v19  }
0x30e: {  	v19 =	vand.u32 $0x7F, v19;
	v45 =	vand.u32 $0xFFFFFF80, v16;
	v46 =	vand.u32 $0x7E, v16  }
0x30f: {  	v16 =	vadd.s32 v26, v18;
	v26 =	vshll.u32 v22, $0x8;
	v18 =	vshll.u32 v22, $0x7  }
0x310: {  	v25 =	vor.u32 v48, v25;
	v43 =	vand.u32 $0xFFFFFF80, v57;
	v59 =	vand.u32 $0x7E, v57  }
0x311: {  	v36 =	vadd.s32 v40, v58;
	v48 =	vand.u32 $0xFFFFFF80, v8;
	v29 =	vadd.s32 v29, v63  }
0x312: {  	v20 =	vld.idx.msk [tilespmem:v20+s12+$0x0], $0xffff;
	v30 =	vadd.s32 v47, v45;
	v35 =	vand.u32 $0xFFFFFF80, v16;
	v15 =	vmax.f32 v15, $6.000000000e+01  }
0x313: {  	v52 =	vshll.u32 v16, $0x1;
	v33 =	vadd.s32 v33, v43;
	v15 =	vcvt.s32.f32 v15  }
0x314: {  	v45 =	vshll.u32 v61, $0x8;
	v47 =	vshll.u32 v8, $0x1;
	v8 =	vand.u32 $0x7F, v8  }
0x315: {  	v22 =	vsub.f32 v15, v4;
	v15 =	vadd.s32 v27, v41;
	v27 =	vor.u32 v46, v30  }
0x316: {  	v19 =	vor.u32 v19, v29;
	v16 =	vand.u32 $0x7F, v16;
	v55 =	vand.u32 $0xFFFFFF80, v52;
	v13 =	vld.idx.msk [tilespmem:v13+s12+$0x0], $0xffff  }
0x317: {  	v60 =	vand.u32 $0x7E, v52;
	v35 =	vadd.s32 v39, v35;
	v20 =	vmax.f32 v20, $6.000000000e+01  }
0x318: {  	v32 =	vadd.s32 v54, v55;
	v25 =	vld.idx.msk [tilespmem:v25+s12+$0x0], $0xffff;
	v52 =	vcvt.s32.f32 v20;
	v30 =	vor.u32 v31, v49  }
0x319: {  	v31 =	vor.u32 v59, v33;
	v46 =	vand.u32 $0xFFFFFF80, v7;
	v49 =	vand.u32 $0xFFFFFF80, v47  }
0x31a: {  	v51 =	vshll.u32 v15, $0x1;
	v28 =	vand.u32 $0xFFFFFF80, v15;
	v50 =	vadd.s32 v45, v49;
	v27 =	vld.idx.msk [tilespmem:v27+s12+$0x0], $0xffff  }
0x31b: {  	v13 =	vmax.f32 v13, $6.000000000e+01;
	v22 =	vmul.f32 v22, v5;
	v53 =	vand.u32 $0xFFFFFF80, v51  }
0x31c: {  	v37 =	vand.u32 $0x7E, v51;
	v51 =	vand.u32 $0x7E, v47;
	v13 =	vcvt.s32.f32 v13  }
0x31d: {  	v26 =	vadd.s32 v26, v53;
	v25 =	vmax.f32 v25, $6.000000000e+01;
	v34 =	vor.u32 v51, v50  }
0x31e: {  	v22 =	vtrunc.f32 v22;
	v26 =	vor.u32 v37, v26;
	v25 =	vcvt.s32.f32 v25;
	v31 =	vld.idx.msk [tilespmem:v31+s12+$0x0], $0xffff  }
0x31f: {  	v13 =	vsub.f32 v13, v4;
	v22 =	vcvt.f32.s32 v22;
	v30 =	vld.idx.msk [tilespmem:v30+s12+$0x0], $0xffff;
	v27 =	vmax.f32 v27, $6.000000000e+01  }
0x320: {  	v59 =	vadd.s32 v14, v46;
	v24 =	vcvt.s32.f32 v27;
	v27 =	vor.u32 v60, v32  }
0x321: {  	v25 =	vsub.f32 v25, v4;
	v53 =	vmul.f32 v13, v5;
	vm1 =	vlt.s32 v22, $0xFFF  }
0x322: {  	v28 =	vadd.s32 v18, v28;
	v22 =	vnsel vm1, $0xFFF, v22;
	v34 =	vld.idx.msk [tilespmem:v34+s12+$0x0], $0xffff;
	v24 =	vsub.f32 v24, v4  }
0x323: {  	v25 =	vmul.f32 v25, v5;
	v54 =	vtrunc.f32 v53;
	v26 =	vld.idx.msk [tilespmem:v26+s12+$0x0], $0xffff;
	v31 =	vmax.f32 v31, $6.000000000e+01  }
0x324: {  	v30 =	vmax.f32 v30, $6.000000000e+01;
	v31 =	vcvt.s32.f32 v31;
	v24 =	vmul.f32 v24, v5  }
0x325: {  	v18 =	vand.u32 $0xFFFFFF80, v9;
	v25 =	vtrunc.f32 v25;
	v30 =	vcvt.s32.f32 v30;
	v27 =	vld.idx.msk [tilespmem:v27+s12+$0x0], $0xffff  }
0x326: {  	v25 =	vcvt.f32.s32 v25;
	v31 =	vsub.f32 v31, v4;
	v24 =	vtrunc.f32 v24  }
0x327: {  	v30 =	vsub.f32 v30, v4;
	v57 =	vmax.f32 v34, $6.000000000e+01;
	v24 =	vcvt.f32.s32 v24  }
0x328: {  	v22 =	vld.idx.msk [tilespmem:v22+s16+$0x0], $0xffff;
	v26 =	vmax.f32 v26, $6.000000000e+01;
	v58 =	vcvt.s32.f32 v57;
	v31 =	vmul.f32 v31, v5  }
0x329: {  	v30 =	vmul.f32 v30, v5;
	v26 =	vcvt.s32.f32 v26;
	vm1 =	vlt.s32 v24, $0xFFF  }
0x32a: {  	v31 =	vtrunc.f32 v31;
	v27 =	vmax.f32 v27, $6.000000000e+01;
	v24 =	vnsel vm1, $0xFFF, v24  }
0x32b: {  	v13 =	vor.u32 v23, v36;
	v23 =	vtrunc.f32 v30;
	v27 =	vcvt.s32.f32 v27  }
0x32c: {  	v26 =	vsub.f32 v26, v4;
	v30 =	vcvt.f32.s32 v54;
	v31 =	vcvt.f32.s32 v31  }
0x32d: {  	v20 =	vcvt.s32.f32 v22;
	vm1 =	vlt.s32 v25, $0xFFF;
	v27 =	vsub.f32 v27, v4  }
0x32e: {  	v22 =	vsub.f32 v52, v4;
	v26 =	vmul.f32 v26, v5;
	v25 =	vnsel vm1, $0xFFF, v25  }
0x32f: {  	v29 =	vsub.f32 v58, v4;
	v55 =	vcvt.f32.s32 v23;
	v27 =	vmul.f32 v27, v5;
	v24 =	vld.idx.msk [tilespmem:v24+s16+$0x0], $0xffff  }
0x330: {  	v22 =	vmul.f32 v22, v5;
	v14 =	vtrunc.f32 v26;
	v26 =	vand.u32 $0xFFFFFF80, v17  }
0x331: {  	v17 =	vand.u32 $0x7F, v17;
	vm1 =	vlt.s32 v31, $0xFFF;
	v27 =	vtrunc.f32 v27  }
0x332: {  	v22 =	vtrunc.f32 v22;
	v21 =	vadd.s32 v21, v26;
	v27 =	vcvt.f32.s32 v27  }
0x333: {  	v26 =	vcvt.f32.s32 v14;
	v31 =	vnsel vm1, $0xFFF, v31;
	vm1 =	vlt.s32 v55, $0xFFF;
	v25 =	vld.idx.msk [tilespmem:v25+s16+$0x0], $0xffff  }
0x334: {  	vm2 =	vlt.s32 v27, $0xFFF;
	v23 =	vcvt.s32.f32 v24;
	v24 =	vnsel vm1, $0xFFF, v55  }
0x335: {  	v14 =	vor.u32 v17, v21;
	v21 =	vmul.f32 v29, v5;
	v27 =	vnsel vm2, $0xFFF, v27  }
0x336: {  	v32 =	vshll.u32 v61, $0x7;
	v22 =	vcvt.f32.s32 v22;
	vm1 =	vlt.s32 v30, $0xFFF  }
0x337: {  	v21 =	vtrunc.f32 v21;
	v17 =	vnsel vm1, $0xFFF, v30;
	vm1 =	vlt.s32 v26, $0xFFF  }
0x338: {  	v21 =	vcvt.f32.s32 v21;
	v60 =	vcvt.s32.f32 v25;
	v25 =	vnsel vm1, $0xFFF, v26;
	v26 =	vld.idx.msk [tilespmem:v31+s16+$0x0], $0xffff  }
0x339: {  	v16 =	vor.u32 v16, v35;
	v18 =	vadd.s32 v62, v18;
	v32 =	vadd.s32 v32, v48;
	v24 =	vld.idx.msk [tilespmem:v24+s16+$0x0], $0xffff  }
0x33a: {  	v8 =	vor.u32 v8, v32;
	vm2 =	vlt.s32 v22, $0xFFF;
	vm1 =	vlt.s32 v21, $0xFFF;
	v27 =	vld.idx.msk [tilespmem:v27+s16+$0x0], $0xffff  }
0x33b: {  	v61 =	vnsel vm2, $0xFFF, v22;
	v22 =	vand.u32 $0xFFFFFF80, v10;
	v63 =	vnsel vm1, $0xFFF, v21  }
0x33c: {  	v6 =	vadd.s32 v6, v22;
	v22 =	vadd.s32 v12, v56;
	v21 =	vand.u32 $0x7F, v9;
	v62 =	vld.idx.msk [tilespmem:v17+s16+$0x0], $0xffff  }
0x33d: {  	v9 =	vand.u32 $0x7F, v10;
	v10 =	vand.u32 $0x7F, v15;
	v15 =	vand.u32 $0x7F, v11  }
0x33e: {  	v12 =	vor.u32 v9, v6;
	v6 =	vcvt.s32.f32 v26;
	v17 =	vcvt.s32.f32 v24  }
0x33f: {  	v25 =	vld.idx.msk [tilespmem:v25+s16+$0x0], $0xffff;
	v24 =	vand.u32 $0x7F, v7;
	v7 =	vor.u32 v21, v18;
	v27 =	vcvt.s32.f32 v27  }
0x340: {  	v11 =	vld.idx.msk [tilespmem:v63+s16+$0x0], $0xffff;
	v21 =	vor.u32 v10, v28;
	v10 =	vmul.f32 $6.944444520e-06, v6;
	v6 =	vmul.f32 $6.944444520e-06, v60  }
0x341: {  	s29 =	simm.s32 $0x130;
	v18 =	vld.idx.msk [tilespmem:v61+s16+$0x0], $0xffff;
	v26 =	vcvt.s32.f32 v62;
	v24 =	vor.u32 v24, v59;
	v9 =	vmul.f32 $6.944444520e-06, v27  }
.LBB2_19:
0x342: {  	s30 =	sadd.s32 $0xFFFFFF70, s29  }
0x343: {  	s31 =	sadd.s32 $0xFFFFFF80, s29;
	v27 =	vmul.f32 $6.944444520e-06, v20;
	v23 =	vmul.f32 $6.944444520e-06, v23;
	v22 =	vor.u32 v15, v22;
	s28 =	smov.u32 s29;
	s26 =	sadd.s32 $0xA0, s29  }
0x344: {  	p1 =	sne.s32 s29, $0x950;
	v25 =	vcvt.s32.f32 v25;
	v20 =	vmov s30;
	v15 =	vor.u32 s30, v1;
	s30 =	sadd.s32 $0xFFFFFF90, s28;
	s0 =	sadd.s32 $0xFFFFFFA0, s28  }
0x345: {  	s29 =	sadd.s32 $0xFFFFFFC0, s28;
	v26 =	vmul.f32 $6.944444520e-06, v26;
	v28 =	vor.u32 s30, v1;
	v29 =	vor.u32 s0, v1;
	s0 =	sadd.s32 $0xFFFFFFB0, s28  }
0x346: {  	v30 =	vor.u32 s31, v1;
	v32 =	vor.u32 s29, v1;
	v31 =	vor.u32 s0, v1;
	s0 =	sadd.s32 $0xFFFFFFD0, s28  }
0x347: {  	v34 =	vmulhi.u32 $0x88888889, v15;
	v25 =	vmul.f32 $6.944444520e-06, v25;
	v33 =	vor.u32 s0, v1;
	s0 =	sadd.s32 $0xFFFFFFF0, s28  }
0x348: {  	v36 =	vmulhi.u32 $0x88888889, v30;
	v18 =	vcvt.s32.f32 v18;
	v35 =	vor.u32 s0, v1  }
0x349: {  	v17 =	vmul.f32 $6.944444520e-06, v17;
	v37 =	vsub.s32 $0x0, v15;
	v38 =	vmulhi.u32 $0x88888889, v28;
	[tilespmem:v21+s17+$0x0] =	vst.idx.msk $0xffff, v25  }
0x34a: {  	vm1 =	veq.s32 v20, v1;
	v18 =	vmul.f32 $6.944444520e-06, v18;
	v21 =	vshrl.u32 v34, $0x5;
	[tilespmem:v24+s17+$0x0] =	vst.idx.msk $0xffff, v26  }
0x34b: {  	v20 =	vshrl.u32 v38, $0x5;
	v25 =	vmulhi.u32 $0x88888889, v35;
	v24 =	vmul.u32 $0xFFFFFFC4, v21  }
0x34c: {  	v11 =	vcvt.s32.f32 v11;
	v34 =	vmulhi.u32 $0x88888889, v29;
	v26 =	vshrl.u32 v36, $0x5;
	[tilespmem:v7+s17+$0x0] =	vst.idx.msk $0xffff, v18  }
0x34d: {  	vm2 =	vne.s32 v24, v37;
	v18 =	vmul.u32 $0xFFFFFFC4, v26;
	v7 =	vmul.u32 $0xFFFFFFC4, v20;
	[tilespmem:v12+s17+$0x0] =	vst.idx.msk $0xffff, v27  }
0x34e: {  	v24 =	vshll.u32 v26, $0x8;
	v12 =	vshrl.u32 v34, $0x5;
	v27 =	vshll.u32 v20, $0x8;
	[tilespmem:v19+s17+$0x0] =	vst.idx.msk $0xffff, v23  }
0x34f: {  	v11 =	vmul.f32 $6.944444520e-06, v11;
	v7 =	vadd.s32 v28, v7;
	v19 =	vmul.u32 $0xFFFFFFC4, v12;
	[tilespmem:v14+s17+$0x0] =	vst.idx.msk $0xffff, v6  }
0x350: {  	v6 =	vadd.s32 v30, v18;
	v23 =	vshll.u32 v7, $0x1;
	v18 =	vshll.u32 v12, $0x8;
	[tilespmem:v16+s17+$0x0] =	vst.idx.msk $0xffff, v9  }
0x351: {  	v9 =	vadd.s32 v29, v19;
	v16 =	vshll.u32 v6, $0x1;
	v19 =	vand.u32 $0xFFFFFF80, v23;
	[tilespmem:v13+s17+$0x0] =	vst.idx.msk $0xffff, v10  }
0x352: {  	vm1 =	vmand vm1, vm2;
	v14 =	vshll.u32 v26, $0x7;
	v13 =	vshll.u32 v9, $0x1;
	[tilespmem:v22+s17+$0x0] =	vst.idx.msk $0xffff, v17  }
0x353: {  	v10 =	vshll.u32 v12, $0x7;
	v17 =	vsel vm1, $0xFFFFFFFF, v0;
	v22 =	vand.u32 $0xFFFFFF80, v13;
	[tilespmem:v8+s17+$0x0] =	vst.idx.msk $0xffff, v11  }
0x354: {  	v21 =	vadd.s32 v17, v21;
	v8 =	vand.u32 $0x7E, v13;
	v11 =	vadd.s32 v18, v22  }
0x355: {  	s0 =	sadd.s32 $0xFFFFFFE0, s28;
	v13 =	vmulhi.u32 $0x88888889, v32;
	v22 =	vadd.s32 v27, v19;
	v11 =	vor.u32 v8, v11  }
0x356: {  	v26 =	vor.u32 s0, v1;
	v8 =	vmulhi.u32 $0x88888889, v31  }
0x357: {  	v17 =	vmulhi.u32 $0x88888889, v26;
	v18 =	vshrl.u32 v25, $0x5;
	v25 =	vand.u32 $0x7E, v16  }
0x358: {  	v19 =	vmulhi.u32 $0x88888889, v33;
	v12 =	vshll.u32 v18, $0x7;
	v27 =	vshrl.u32 v8, $0x5  }
0x359: {  	v28 =	vmul.u32 $0xFFFFFFC4, v18;
	v8 =	vshrl.u32 v13, $0x5;
	v13 =	vmul.u32 $0xFFFFFFC4, v27  }
0x35a: {  	v34 =	vshll.u32 v18, $0x8;
	v29 =	vshrl.u32 v17, $0x5;
	v17 =	vmul.u32 $0xFFFFFFC4, v8;
	v30 =	vld.idx.msk [tilespmem:v11+s12+$0x0], $0xffff  }
0x35b: {  	v36 =	vshrl.u32 v19, $0x5;
	v19 =	vadd.s32 v31, v13;
	v11 =	vadd.s32 v35, v28  }
0x35c: {  	v17 =	vadd.s32 v32, v17;
	v13 =	vand.u32 $0xFFFFFF80, v16;
	v16 =	vshll.u32 v19, $0x1  }
0x35d: {  	v18 =	vmul.u32 $0xFFFFFFC4, v36;
	v28 =	vand.u32 $0xFFFFFF80, v16;
	v31 =	vshll.u32 v11, $0x1  }
0x35e: {  	v35 =	vshll.u32 v27, $0x8;
	v32 =	vand.u32 $0x7E, v16;
	v37 =	vand.u32 $0xFFFFFF80, v31  }
0x35f: {  	v39 =	vshll.u32 v36, $0x7;
	v40 =	vshll.u32 v29, $0x7;
	v38 =	vshll.u32 v17, $0x1  }
0x360: {  	v41 =	vmul.u32 $0xFFFFFFC4, v21;
	v31 =	vand.u32 $0x7E, v31;
	v30 =	vmax.f32 v30, $6.000000000e+01  }
0x361: {  	v16 =	vadd.s32 v33, v18;
	v33 =	vshll.u32 v21, $0x8;
	v30 =	vcvt.s32.f32 v30  }
0x362: {  	v18 =	vshll.u32 v21, $0x7;
	v28 =	vadd.s32 v35, v28;
	v35 =	vand.u32 $0x7E, v38  }
0x363: {  	v13 =	vadd.s32 v24, v13;
	v21 =	vshll.u32 v8, $0x8;
	v24 =	vsub.f32 v30, v4  }
0x364: {  	v15 =	vadd.s32 v15, v41;
	v28 =	vor.u32 v32, v28;
	v30 =	vadd.s32 v34, v37  }
0x365: {  	v32 =	vmul.u32 $0xFFFFFFC4, v29;
	v34 =	vand.u32 $0xFFFFFF80, v16;
	v24 =	vmul.f32 v24, v5  }
0x366: {  	v38 =	vand.u32 $0xFFFFFF80, v38;
	v41 =	vshll.u32 v16, $0x1;
	v37 =	vshll.u32 v15, $0x1  }
0x367: {  	v26 =	vadd.s32 v26, v32;
	v32 =	vand.u32 $0xFFFFFF80, v37;
	v24 =	vtrunc.f32 v24  }
0x368: {  	v42 =	vor.u32 s28, v1;
	v37 =	vand.u32 $0x7E, v37;
	v24 =	vcvt.f32.s32 v24  }
0x369: {  	v21 =	vadd.s32 v21, v38;
	v32 =	vadd.s32 v33, v32;
	v33 =	vshll.u32 v36, $0x8;
	v28 =	vld.idx.msk [tilespmem:v28+s12+$0x0], $0xffff  }
0x36a: {  	v23 =	vand.u32 $0x7E, v23;
	v36 =	vand.u32 $0xFFFFFF80, v41;
	vm1 =	vlt.s32 v24, $0xFFF  }
0x36b: {  	v38 =	vmulhi.u32 $0x88888889, v42;
	v21 =	vor.u32 v35, v21;
	v24 =	vnsel vm1, $0xFFF, v24  }
0x36c: {  	v35 =	vshll.u32 v26, $0x1;
	v33 =	vadd.s32 v33, v36;
	v36 =	vand.u32 $0xFFFFFF80, v26  }
0x36d: {  	v29 =	vshll.u32 v29, $0x8;
	v43 =	vand.u32 $0xFFFFFF80, v35;
	v30 =	vor.u32 v31, v30  }
0x36e: {  	v29 =	vadd.s32 v29, v43;
	v31 =	vor.u32 v37, v32;
	v32 =	vand.u32 $0x7E, v35  }
0x36f: {  	v35 =	vand.u32 $0x7E, v41;
	v29 =	vor.u32 v32, v29;
	v28 =	vmax.f32 v28, $6.000000000e+01  }
0x370: {  	v23 =	vor.u32 v23, v22;
	v33 =	vor.u32 v35, v33;
	v32 =	vld.idx.msk [tilespmem:v21+s12+$0x0], $0xffff;
	v21 =	vcvt.s32.f32 v28  }
0x371: {  	v22 =	vand.u32 $0xFFFFFF80, v15;
	v13 =	vor.u32 v25, v13;
	v25 =	vand.u32 $0x7F, v26  }
0x372: {  	v26 =	vshrl.u32 v38, $0x5;
	v28 =	vld.idx.msk [tilespmem:v30+s12+$0x0], $0xffff;
	v30 =	vsub.f32 v21, v4;
	v21 =	vshll.u32 v20, $0x7  }
0x373: {  	v35 =	vand.u32 $0xFFFFFF80, v19;
	v36 =	vadd.s32 v40, v36;
	v20 =	vmul.u32 $0xFFFFFFC4, v26;
	v31 =	vld.idx.msk [tilespmem:v31+s12+$0x0], $0xffff  }
0x374: {  	v27 =	vshll.u32 v27, $0x7;
	v37 =	vshll.u32 v26, $0x8;
	v29 =	vld.idx.msk [tilespmem:v29+s12+$0x0], $0xffff;
	v30 =	vmul.f32 v30, v5  }
0x375: {  	v38 =	vand.u32 $0xFFFFFF80, v6;
	v26 =	vshll.u32 v26, $0x7;
	v20 =	vadd.s32 v42, v20;
	v33 =	vld.idx.msk [tilespmem:v33+s12+$0x0], $0xffff  }
0x376: {  	v40 =	vshll.u32 v20, $0x1;
	v32 =	vmax.f32 v32, $6.000000000e+01;
	v41 =	vand.u32 $0xFFFFFF80, v20;
	v13 =	vld.idx.msk [tilespmem:v13+s12+$0x0], $0xffff  }
0x377: {  	v43 =	vshll.u32 v8, $0x7;
	v42 =	vand.u32 $0xFFFFFF80, v40;
	v32 =	vcvt.s32.f32 v32  }
0x378: {  	v27 =	vadd.s32 v27, v35;
	v8 =	vtrunc.f32 v30;
	v28 =	vmax.f32 v28, $6.000000000e+01  }
0x379: {  	v30 =	vadd.s32 v37, v42;
	v31 =	vmax.f32 v31, $6.000000000e+01;
	v32 =	vsub.f32 v32, v4  }
0x37a: {  	v35 =	vand.u32 $0x7E, v40;
	v8 =	vcvt.f32.s32 v8;
	v29 =	vmax.f32 v29, $6.000000000e+01  }
0x37b: {  	v32 =	vmul.f32 v32, v5;
	v33 =	vmax.f32 v33, $6.000000000e+01;
	v29 =	vcvt.s32.f32 v29  }
0x37c: {  	v34 =	vadd.s32 v39, v34;
	v13 =	vmax.f32 v13, $6.000000000e+01;
	v33 =	vcvt.s32.f32 v33  }
0x37d: {  	v20 =	vand.u32 $0x7F, v20;
	vm1 =	vlt.s32 v8, $0xFFF;
	v29 =	vsub.f32 v29, v4  }
0x37e: {  	v13 =	vcvt.s32.f32 v13;
	v32 =	vtrunc.f32 v32;
	v33 =	vsub.f32 v33, v4;
	v23 =	vld.idx.msk [tilespmem:v23+s12+$0x0], $0xffff  }
0x37f: {  	v37 =	vnsel vm1, $0xFFF, v8;
	v8 =	vcvt.f32.s32 v32;
	v29 =	vmul.f32 v29, v5  }
0x380: {  	v26 =	vadd.s32 v26, v41;
	v30 =	vor.u32 v35, v30;
	v32 =	vmul.f32 v33, v5  }
0x381: {  	v28 =	vcvt.s32.f32 v28;
	vm1 =	vlt.s32 v8, $0xFFF;
	v29 =	vtrunc.f32 v29;
	v24 =	vld.idx.msk [tilespmem:v24+s16+$0x0], $0xffff  }
0x382: {  	v33 =	vnsel vm1, $0xFFF, v8;
	v8 =	vtrunc.f32 v32;
	v29 =	vcvt.f32.s32 v29  }
0x383: {  	v28 =	vsub.f32 v28, v4;
	v32 =	vcvt.f32.s32 v8;
	v8 =	vor.u32 v20, v26  }
0x384: {  	v13 =	vsub.f32 v13, v4;
	v20 =	vmax.f32 v23, $6.000000000e+01;
	vm1 =	vlt.s32 v29, $0xFFF  }
0x385: {  	v28 =	vmul.f32 v28, v5;
	v23 =	vcvt.s32.f32 v20;
	vm2 =	vlt.s32 v32, $0xFFF;
	v26 =	vld.idx.msk [tilespmem:v37+s16+$0x0], $0xffff  }
0x386: {  	v31 =	vcvt.s32.f32 v31;
	v29 =	vnsel vm1, $0xFFF, v29;
	v32 =	vnsel vm2, $0xFFF, v32;
	v30 =	vld.idx.msk [tilespmem:v30+s12+$0x0], $0xffff  }
0x387: {  	v35 =	vmul.f32 v13, v5;
	v13 =	vor.u32 v25, v36;
	v20 =	vcvt.s32.f32 v24;
	v33 =	vld.idx.msk [tilespmem:v33+s16+$0x0], $0xffff  }
0x388: {  	v25 =	vtrunc.f32 v28;
	v24 =	vsub.f32 v31, v4;
	v23 =	vsub.f32 v23, v4  }
0x389: {  	v25 =	vcvt.f32.s32 v25;
	v28 =	vtrunc.f32 v35;
	v31 =	vand.u32 $0xFFFFFF80, v11  }
0x38a: {  	v19 =	vand.u32 $0x7F, v19;
	v28 =	vcvt.f32.s32 v28;
	v35 =	vmul.f32 v23, v5  }
0x38b: {  	vm1 =	vlt.s32 v25, $0xFFF;
	v24 =	vmul.f32 v24, v5;
	v23 =	vcvt.s32.f32 v26;
	v32 =	vld.idx.msk [tilespmem:v32+s16+$0x0], $0xffff  }
0x38c: {  	v19 =	vor.u32 v19, v27;
	v25 =	vnsel vm1, $0xFFF, v25;
	v26 =	vld.idx.msk [tilespmem:v29+s16+$0x0], $0xffff;
	v29 =	vmax.f32 v30, $6.000000000e+01  }
0x38d: {  	vm1 =	vlt.s32 v28, $0xFFF;
	v27 =	vcvt.s32.f32 v29;
	v29 =	vadd.s32 v14, v38  }
0x38e: {  	v14 =	vtrunc.f32 v24;
	v24 =	vand.u32 $0xFFFFFF80, v17;
	v17 =	vand.u32 $0x7F, v17  }
0x38f: {  	v30 =	vtrunc.f32 v35;
	v24 =	vadd.s32 v43, v24;
	v27 =	vsub.f32 v27, v4  }
0x390: {  	v30 =	vcvt.f32.s32 v30;
	v35 =	vcvt.f32.s32 v14;
	v14 =	vor.u32 v17, v24  }
0x391: {  	v17 =	vnsel vm1, $0xFFF, v28;
	v24 =	vld.idx.msk [tilespmem:v25+s16+$0x0], $0xffff;
	v25 =	vmul.f32 v27, v5;
	v27 =	vcvt.s32.f32 v32  }
0x392: {  	vm2 =	vlt.s32 v30, $0xFFF;
	v28 =	vcvt.s32.f32 v33;
	vm1 =	vlt.s32 v35, $0xFFF  }
0x393: {  	v30 =	vnsel vm2, $0xFFF, v30;
	v32 =	vnsel vm1, $0xFFF, v35;
	v25 =	vtrunc.f32 v25  }
0x394: {  	v16 =	vand.u32 $0x7F, v16;
	v33 =	vadd.s32 v18, v22;
	v25 =	vcvt.f32.s32 v25  }
0x395: {  	v16 =	vor.u32 v16, v34;
	v18 =	vand.u32 $0xFFFFFF80, v7;
	v22 =	vand.u32 $0xFFFFFF80, v9  }
0x396: {  	v21 =	vadd.s32 v21, v18;
	v10 =	vadd.s32 v10, v22;
	v34 =	vld.idx.msk [tilespmem:v17+s16+$0x0], $0xffff;
	vm1 =	vlt.s32 v25, $0xFFF  }
0x397: {  	v22 =	vadd.s32 v12, v31;
	v17 =	vcvt.s32.f32 v24;
	v35 =	vnsel vm1, $0xFFF, v25  }
.Ltmp8:
0x398: {  	v7 =	vand.u32 $0x7F, v7;
	v9 =	vand.u32 $0x7F, v9;
	v25 =	vld.idx.msk [tilespmem:v32+s16+$0x0], $0xffff;
	(pc) =	sbr.rel @p1 .LBB2_19-.Ltmp8, $4  }
0x399: {  	v12 =	vor.u32 v9, v10;
	v10 =	vcvt.s32.f32 v26;
	v9 =	vmul.f32 $6.944444520e-06, v27  }
0x39a: {  	v15 =	vand.u32 $0x7F, v15;
	v6 =	vand.u32 $0x7F, v6;
	v7 =	vor.u32 v7, v21;
	v18 =	vld.idx.msk [tilespmem:v30+s16+$0x0], $0xffff  }
0x39b: {  	v21 =	vor.u32 v15, v33;
	v15 =	vand.u32 $0x7F, v11;
	v10 =	vmul.f32 $6.944444520e-06, v10  }
0x39c: {  	s29 =	smov.u32 s26;
	v24 =	vor.u32 v6, v29;
	v6 =	vmul.f32 $6.944444520e-06, v28;
	v26 =	vcvt.s32.f32 v34;
	v11 =	vld.idx.msk [tilespmem:v35+s16+$0x0], $0xffff  }
0x39d: {  	v25 =	vcvt.s32.f32 v25;
	_ =	sdelay $0x1  }
0x39e: {  	v25 =	vmul.f32 $6.944444520e-06, v25;
	v18 =	vcvt.s32.f32 v18  }
0x39f: {  	v26 =	vmul.f32 $6.944444520e-06, v26  }
0x3a0: {  	[tilespmem:v21+s17+$0x0] =	vst.idx.msk $0xffff, v25;
	v18 =	vmul.f32 $6.944444520e-06, v18  }
0x3a1: {  	v20 =	vmul.f32 $6.944444520e-06, v20;
	[tilespmem:v24+s17+$0x0] =	vst.idx.msk $0xffff, v26  }
0x3a2: {  	v62 =	vmul.f32 $6.944444520e-06, v23;
	[tilespmem:v7+s17+$0x0] =	vst.idx.msk $0xffff, v18  }
0x3a3: {  	v7 =	vor.u32 v15, v22;
	[tilespmem:v12+s17+$0x0] =	vst.idx.msk $0xffff, v20  }
0x3a4: {  	[tilespmem:v19+s17+$0x0] =	vst.idx.msk $0xffff, v62  }
0x3a5: {  	v11 =	vcvt.s32.f32 v11;
	[tilespmem:v14+s17+$0x0] =	vst.idx.msk $0xffff, v6  }
0x3a6: {  	v6 =	vmul.f32 $6.944444520e-06, v17;
	[tilespmem:v16+s17+$0x0] =	vst.idx.msk $0xffff, v9  }
0x3a7: {  	s0 =	sadd.s32 s22, s23;
	v63 =	vmul.f32 $6.944444520e-06, v11;
	[tilespmem:v13+s17+$0x0] =	vst.idx.msk $0xffff, v10  }
0x3a8: {  	p1 =	seq.s32 s24, $0x6;
	s0 =	sshrl.u32 s0, $0x3;
	[tilespmem:v7+s17+$0x0] =	vst.idx.msk $0xffff, v6  }
.Ltmp9:
0x3a9: {  	s0 =	sadd.s32 s6, s0;
	[tilespmem:v8+s17+$0x0] =	vst.idx.msk $0xffff, v63;
	(pc) =	sbr.rel @p1 .LBB2_22-.Ltmp9, $4  }
0x3aa: {  	[hbm4b:s0+s4] =	stream.linear.scatter [tilespmem:s17], [sflag:$0x3], $0x1400, $0x38;
	[tilespmem:$0x17580] =	vst v63  }
0x3ab: {  	_ =	swait.ge [sflag:s10], $0x1400  }
0x3ac: {  	[sflag:s10] =	ssyncset.done $0x0  }
0x3ad: {  	[sflag:s10] =	ssyncadd.s32 $0xFFFFEC00  }
.Ltmp10:
0x3ae: {  	(pc) =	sbr.rel .LBB2_16-.Ltmp10, $4  }
0x3af: {  	s0 =	sadd.s32 s25, s20  }
0x3b0: {  	s0 =	sshll.u32 s0, $0x4  }
0x3b1: {  	s24 =	sadd.s32 $0x1, s24;
	s0 =	sadd.s32 s1, s0  }
0x3b2: {  	[tilespmem:s12], [sflag:$0x2] =	stream.linear.gather [hbm4b:s0+s4], $0x2800, $0x38;
	[tilespmem:$0x17580] =	vst v63  }
.LBB2_22:
0x3b3: {  	s0 =	simm.s32 $0x0  }
0x3b4: {  	s19 =	simm.s32 $0x10;
	s24 =	simm.s32 $0x20;
	v6 =	vmov s0;
	v8 =	vor.u32 s0, v1  }
0x3b5: {  	s20 =	simm.s32 $0x30;
	s25 =	simm.s32 $0x40;
	v7 =	vor.u32 s24, v1;
	v10 =	vor.u32 s19, v1;
	v12 =	vmulhi.u32 $0x88888889, v8  }
0x3b6: {  	s26 =	simm.s32 $0x50;
	s28 =	simm.s32 $0x60;
	v9 =	vor.u32 s20, v1;
	v11 =	vor.u32 s25, v1;
	v14 =	vmulhi.u32 $0x88888889, v10  }
0x3b7: {  	s29 =	simm.s32 $0x80;
	s31 =	simm.s32 $0x90;
	v13 =	vor.u32 s26, v1;
	v15 =	vor.u32 s28, v1;
	v18 =	vmulhi.u32 $0x88888889, v7  }
0x3b8: {  	v16 =	vor.u32 s29, v1;
	v42 =	vor.u32 s31, v1;
	v19 =	vmulhi.u32 $0x88888889, v9  }
0x3b9: {  	v17 =	vsub.s32 $0x0, v8;
	vm1 =	veq.s32 v6, v1;
	v30 =	vmulhi.u32 $0x88888889, v15  }
0x3ba: {  	v54 =	vmulhi.u32 $0x88888889, v42;
	v12 =	vshrl.u32 v12, $0x5;
	v20 =	vshrl.u32 v18, $0x5  }
0x3bb: {  	v18 =	vmulhi.u32 $0x88888889, v16;
	v14 =	vshrl.u32 v14, $0x5;
	v19 =	vshrl.u32 v19, $0x5  }
0x3bc: {  	v30 =	vshrl.u32 v30, $0x5;
	v60 =	vshrl.u32 v54, $0x5;
	v6 =	vmul.u32 $0xFFFFFFC4, v12  }
0x3bd: {  	v21 =	vmul.u32 $0xFFFFFFC4, v14;
	v22 =	vmul.u32 $0xFFFFFFC4, v20;
	v23 =	vshll.u32 v14, $0x8  }
0x3be: {  	v24 =	vshll.u32 v20, $0x8;
	v14 =	vshll.u32 v14, $0x7;
	v38 =	vshll.u32 v30, $0x7  }
0x3bf: {  	v18 =	vshrl.u32 v18, $0x5;
	vm2 =	vne.s32 v6, v17;
	v17 =	vmul.u32 $0xFFFFFFC4, v19  }
0x3c0: {  	v7 =	vadd.s32 v7, v22;
	v6 =	vadd.s32 v10, v21;
	v22 =	vshll.u32 v19, $0x8  }
0x3c1: {  	v10 =	vshll.u32 v19, $0x7;
	v32 =	vmul.u32 $0xFFFFFFC4, v18;
	v35 =	vshll.u32 v18, $0x8  }
0x3c2: {  	v21 =	vshll.u32 v7, $0x1;
	v25 =	vshll.u32 v6, $0x1;
	vm1 =	vmand vm1, vm2  }
0x3c3: {  	v63 =	vand.u32 $0xFFFFFF80, v6;
	v6 =	vand.u32 $0x7F, v6;
	v9 =	vadd.s32 v9, v17  }
0x3c4: {  	v17 =	vand.u32 $0xFFFFFF80, v21;
	v27 =	vsel vm1, $0xFFFFFFFF, v0;
	v45 =	vand.u32 $0x7E, v25  }
0x3c5: {  	v25 =	vand.u32 $0xFFFFFF80, v25;
	v21 =	vand.u32 $0x7E, v21;
	v26 =	vshll.u32 v9, $0x1  }
0x3c6: {  	s30 =	simm.s32 $0x70;
	v27 =	vadd.s32 v27, v12;
	v28 =	vand.u32 $0xFFFFFF80, v26;
	v12 =	vand.u32 $0x7E, v26  }
0x3c7: {  	v26 =	vor.u32 s30, v1;
	v19 =	vadd.s32 v22, v28;
	v22 =	vmulhi.u32 $0x88888889, v13  }
0x3c8: {  	v24 =	vadd.s32 v24, v17;
	v23 =	vadd.s32 v23, v25;
	v17 =	vmulhi.u32 $0x88888889, v26  }
0x3c9: {  	v40 =	vmul.u32 $0xFFFFFFC4, v27;
	v19 =	vor.u32 v12, v19;
	v12 =	vmulhi.u32 $0x88888889, v11  }
0x3ca: {  	v48 =	vshll.u32 v27, $0x8;
	v21 =	vor.u32 v21, v24;
	v23 =	vor.u32 v45, v23  }
0x3cb: {  	v22 =	vshrl.u32 v22, $0x5;
	v33 =	vshrl.u32 v17, $0x5;
	v29 =	vshrl.u32 v12, $0x5  }
0x3cc: {  	_ =	swait.ge [sflag:s13], $0x2800;
	v12 =	vshll.u32 v18, $0x7;
	v17 =	vmul.u32 $0xFFFFFFC4, v22;
	v39 =	vshll.u32 v33, $0x7  }
0x3cd: {  	[sflag:s13] =	ssyncset.done $0x0;
	v49 =	vmul.u32 $0xFFFFFFC4, v33;
	v33 =	vshll.u32 v33, $0x8;
	v31 =	vmul.u32 $0xFFFFFFC4, v29  }
0x3ce: {  	[sflag:s13] =	ssyncadd.s32 $0xFFFFD800;
	v47 =	vshll.u32 v29, $0x8;
	v29 =	vshll.u32 v29, $0x7;
	v17 =	vadd.s32 v13, v17  }
0x3cf: {  	v26 =	vadd.s32 v26, v49;
	v34 =	vld.idx.msk [tilespmem:v19+s4+$0x0], $0xffff;
	v19 =	vadd.s32 v11, v31;
	v11 =	vadd.s32 v16, v32  }
0x3d0: {  	v16 =	vmul.u32 $0xFFFFFFC4, v30;
	v37 =	vshll.u32 v17, $0x1;
	v30 =	vshll.u32 v30, $0x8  }
0x3d1: {  	v55 =	vshll.u32 v26, $0x1;
	v56 =	vand.u32 $0xFFFFFF80, v26;
	v26 =	vand.u32 $0x7F, v26  }
0x3d2: {  	v13 =	vshll.u32 v19, $0x1;
	v46 =	vshll.u32 v11, $0x1;
	v41 =	vand.u32 $0x7E, v37  }
0x3d3: {  	v37 =	vand.u32 $0xFFFFFF80, v37;
	v43 =	vand.u32 $0xFFFFFF80, v55;
	v58 =	vand.u32 $0x7E, v55  }
0x3d4: {  	v23 =	vld.idx.msk [tilespmem:v23+s4+$0x0], $0xffff;
	v61 =	vand.u32 $0xFFFFFF80, v19;
	v62 =	vadd.s32 v39, v56;
	v56 =	vand.u32 $0xFFFFFF80, v11  }
0x3d5: {  	v21 =	vld.idx.msk [tilespmem:v21+s4+$0x0], $0xffff;
	v19 =	vand.u32 $0x7F, v19;
	v18 =	vand.u32 $0xFFFFFF80, v13;
	v13 =	vand.u32 $0x7E, v13  }
0x3d6: {  	v36 =	vand.u32 $0xFFFFFF80, v46;
	v31 =	vand.u32 $0x7E, v46;
	v16 =	vadd.s32 v15, v16  }
0x3d7: {  	v33 =	vadd.s32 v33, v43;
	v29 =	vadd.s32 v29, v61;
	v61 =	vand.u32 $0xFFFFFF80, v9  }
0x3d8: {  	v32 =	vadd.s32 v47, v18;
	v18 =	vshll.u32 v27, $0x7;
	v27 =	vshll.u32 v22, $0x8  }
0x3d9: {  	v51 =	vshll.u32 v16, $0x1;
	v22 =	vshll.u32 v22, $0x7;
	v23 =	vmax.f32 v23, $6.000000000e+01  }
0x3da: {  	v21 =	vmax.f32 v21, $6.000000000e+01;
	v19 =	vor.u32 v19, v29;
	v34 =	vmax.f32 v34, $6.000000000e+01  }
0x3db: {  	v10 =	vadd.s32 v10, v61;
	v27 =	vadd.s32 v27, v37;
	v15 =	vcvt.s32.f32 v34  }
0x3dc: {  	v53 =	vand.u32 $0xFFFFFF80, v51;
	v59 =	vand.u32 $0x7E, v51;
	v27 =	vor.u32 v41, v27  }
0x3dd: {  	v25 =	vsub.f32 v15, v4;
	v15 =	vadd.s32 v8, v40;
	v8 =	vor.u32 v13, v32  }
0x3de: {  	v37 =	vshll.u32 v60, $0x8;
	v23 =	vcvt.s32.f32 v23;
	v21 =	vcvt.s32.f32 v21  }
0x3df: {  	v30 =	vadd.s32 v30, v53;
	v13 =	vadd.s32 v35, v36;
	v50 =	vshll.u32 v15, $0x1  }
0x3e0: {  	v21 =	vsub.f32 v21, v4;
	v13 =	vor.u32 v31, v13;
	v52 =	vand.u32 $0xFFFFFF80, v50  }
0x3e1: {  	v36 =	vand.u32 $0x7E, v50;
	v24 =	vld.idx.msk [tilespmem:v27+s4+$0x0], $0xffff;
	v27 =	vor.u32 v59, v30;
	v32 =	vadd.s32 v48, v52  }
0x3e2: {  	v35 =	vand.u32 $0xFFFFFF80, v16;
	v25 =	vmul.f32 v25, v5;
	v57 =	vor.u32 v36, v32;
	v8 =	vld.idx.msk [tilespmem:v8+s4+$0x0], $0xffff  }
0x3e3: {  	v21 =	vmul.f32 v21, v5;
	v16 =	vand.u32 $0x7F, v16;
	v32 =	vor.u32 v58, v33  }
0x3e4: {  	v25 =	vtrunc.f32 v25;
	v33 =	vshll.u32 v20, $0x7;
	v20 =	vmul.u32 $0xFFFFFFC4, v60  }
0x3e5: {  	v30 =	vshll.u32 v60, $0x7;
	v59 =	vadd.s32 v14, v63;
	v25 =	vcvt.f32.s32 v25;
	v13 =	vld.idx.msk [tilespmem:v13+s4+$0x0], $0xffff  }
0x3e6: {  	v21 =	vtrunc.f32 v21;
	v20 =	vadd.s32 v42, v20;
	v27 =	vld.idx.msk [tilespmem:v27+s4+$0x0], $0xffff;
	v24 =	vmax.f32 v24, $6.000000000e+01  }
0x3e7: {  	vm1 =	vlt.s32 v25, $0xFFF;
	v24 =	vcvt.s32.f32 v24;
	v31 =	vld.idx.msk [tilespmem:v57+s4+$0x0], $0xffff;
	v8 =	vmax.f32 v8, $6.000000000e+01  }
0x3e8: {  	v45 =	vshll.u32 v20, $0x1;
	v46 =	vand.u32 $0xFFFFFF80, v20;
	v32 =	vld.idx.msk [tilespmem:v32+s4+$0x0], $0xffff;
	v8 =	vcvt.s32.f32 v8  }
0x3e9: {  	v25 =	vnsel vm1, $0xFFF, v25;
	v47 =	vand.u32 $0xFFFFFF80, v45;
	v24 =	vsub.f32 v24, v4  }
0x3ea: {  	v49 =	vand.u32 $0x7E, v45;
	v13 =	vmax.f32 v13, $6.000000000e+01;
	v8 =	vsub.f32 v8, v4  }
0x3eb: {  	v27 =	vmax.f32 v27, $6.000000000e+01;
	v24 =	vmul.f32 v24, v5;
	v13 =	vcvt.s32.f32 v13  }
0x3ec: {  	v48 =	vadd.s32 v37, v47;
	v27 =	vcvt.s32.f32 v27;
	v8 =	vmul.f32 v8, v5  }
0x3ed: {  	v31 =	vmax.f32 v31, $6.000000000e+01;
	v32 =	vmax.f32 v32, $6.000000000e+01;
	v24 =	vtrunc.f32 v24  }
0x3ee: {  	v13 =	vsub.f32 v13, v4;
	v32 =	vcvt.s32.f32 v32;
	v8 =	vtrunc.f32 v8  }
0x3ef: {  	v51 =	vor.u32 v49, v48;
	v31 =	vcvt.s32.f32 v31;
	v8 =	vcvt.f32.s32 v8  }
0x3f0: {  	v27 =	vsub.f32 v27, v4;
	v53 =	vmul.f32 v13, v5;
	v32 =	vsub.f32 v32, v4  }
0x3f1: {  	v13 =	vor.u32 v26, v62;
	v26 =	vsub.f32 v31, v4;
	vm1 =	vlt.s32 v8, $0xFFF  }
0x3f2: {  	v50 =	vnsel vm1, $0xFFF, v8;
	v8 =	vcvt.f32.s32 v24;
	v24 =	vmul.f32 v32, v5  }
0x3f3: {  	v20 =	vand.u32 $0x7F, v20;
	v30 =	vadd.s32 v30, v46;
	v25 =	vld.idx.msk [tilespmem:v25+s16+$0x0], $0xffff;
	v27 =	vmul.f32 v27, v5  }
0x3f4: {  	v26 =	vmul.f32 v26, v5;
	v32 =	vld.idx.msk [tilespmem:v51+s4+$0x0], $0xffff;
	vm1 =	vlt.s32 v8, $0xFFF;
	v24 =	vtrunc.f32 v24  }
0x3f5: {  	v52 =	vnsel vm1, $0xFFF, v8;
	v8 =	vtrunc.f32 v27;
	v24 =	vcvt.f32.s32 v24  }
0x3f6: {  	v27 =	vcvt.f32.s32 v8;
	v8 =	vor.u32 v20, v30;
	v20 =	vsub.f32 v23, v4  }
0x3f7: {  	v21 =	vcvt.f32.s32 v21;
	v14 =	vtrunc.f32 v26;
	v26 =	vand.u32 $0xFFFFFF80, v17  }
0x3f8: {  	v17 =	vand.u32 $0x7F, v17;
	vm1 =	vlt.s32 v24, $0xFFF;
	v54 =	vmul.f32 v20, v5  }
0x3f9: {  	v32 =	vmax.f32 v32, $6.000000000e+01;
	v20 =	vcvt.s32.f32 v25;
	v25 =	vtrunc.f32 v53  }
0x3fa: {  	vm2 =	vlt.s32 v27, $0xFFF;
	v57 =	vcvt.s32.f32 v32;
	v25 =	vcvt.f32.s32 v25  }
0x3fb: {  	v24 =	vnsel vm1, $0xFFF, v24;
	v27 =	vnsel vm2, $0xFFF, v27;
	v55 =	vtrunc.f32 v54  }
0x3fc: {  	v29 =	vsub.f32 v57, v4;
	v30 =	vcvt.f32.s32 v55;
	vm1 =	vlt.s32 v25, $0xFFF  }
0x3fd: {  	v22 =	vadd.s32 v22, v26;
	v26 =	vcvt.f32.s32 v14;
	v25 =	vnsel vm1, $0xFFF, v25  }
0x3fe: {  	v14 =	vor.u32 v17, v22;
	v23 =	vld.idx.msk [tilespmem:v50+s16+$0x0], $0xffff;
	v22 =	vmul.f32 v29, v5;
	vm1 =	vlt.s32 v30, $0xFFF  }
0x3ff: {  	v28 =	vand.u32 $0xFFFFFF80, v15;
	v35 =	vadd.s32 v38, v35;
	v58 =	vld.idx.msk [tilespmem:v52+s16+$0x0], $0xffff;
	v17 =	vnsel vm1, $0xFFF, v30  }
0x400: {  	v15 =	vand.u32 $0x7F, v15;
	vm2 =	vlt.s32 v21, $0xFFF;
	v24 =	vld.idx.msk [tilespmem:v24+s16+$0x0], $0xffff;
	v22 =	vtrunc.f32 v22  }
0x401: {  	v21 =	vnsel vm2, $0xFFF, v21;
	v27 =	vld.idx.msk [tilespmem:v27+s16+$0x0], $0xffff;
	vm1 =	vlt.s32 v26, $0xFFF;
	v22 =	vcvt.f32.s32 v22  }
0x402: {  	v28 =	vadd.s32 v18, v28;
	v18 =	vand.u32 $0xFFFFFF80, v7;
	v26 =	vnsel vm1, $0xFFF, v26;
	v25 =	vld.idx.msk [tilespmem:v25+s16+$0x0], $0xffff  }
0x403: {  	v16 =	vor.u32 v16, v35;
	v18 =	vadd.s32 v33, v18;
	vm1 =	vlt.s32 v22, $0xFFF  }
0x404: {  	v23 =	vcvt.s32.f32 v23;
	v60 =	vcvt.s32.f32 v58;
	v63 =	vnsel vm1, $0xFFF, v22;
	v62 =	vld.idx.msk [tilespmem:v17+s16+$0x0], $0xffff  }
0x405: {  	v22 =	vadd.s32 v12, v56;
	v12 =	vand.u32 $0x7F, v7;
	v7 =	vand.u32 $0x7F, v9  }
0x406: {  	v27 =	vcvt.s32.f32 v27;
	v7 =	vor.u32 v7, v10;
	v12 =	vor.u32 v12, v18;
	v18 =	vld.idx.msk [tilespmem:v21+s16+$0x0], $0xffff  }
0x407: {  	v10 =	vcvt.s32.f32 v24;
	v21 =	vor.u32 v15, v28;
	v17 =	vcvt.s32.f32 v25;
	v25 =	vld.idx.msk [tilespmem:v26+s16+$0x0], $0xffff  }
0x408: {  	v24 =	vor.u32 v6, v59;
	v6 =	vmul.f32 $6.944444520e-06, v60;
	v9 =	vmul.f32 $6.944444520e-06, v27  }
0x409: {  	s22 =	simm.s32 $0x130;
	v15 =	vand.u32 $0x7F, v11;
	v10 =	vmul.f32 $6.944444520e-06, v10;
	v11 =	vld.idx.msk [tilespmem:v63+s16+$0x0], $0xffff;
	v26 =	vcvt.s32.f32 v62  }
.LBB2_23:
0x40a: {  	s0 =	sadd.s32 $0xFFFFFF70, s22  }
0x40b: {  	s23 =	sadd.s32 $0xFFFFFF80, s22;
	v27 =	vmul.f32 $6.944444520e-06, v20;
	v23 =	vmul.f32 $6.944444520e-06, v23;
	v22 =	vor.u32 v15, v22;
	s20 =	smov.u32 s22;
	s19 =	sadd.s32 $0xA0, s22  }
0x40c: {  	p1 =	sne.s32 s22, $0x950;
	v25 =	vcvt.s32.f32 v25;
	v20 =	vmov s0;
	v15 =	vor.u32 s0, v1;
	s0 =	sadd.s32 $0xFFFFFF90, s20;
	s24 =	sadd.s32 $0xFFFFFFA0, s20  }
0x40d: {  	s22 =	sadd.s32 $0xFFFFFFC0, s20;
	v26 =	vmul.f32 $6.944444520e-06, v26;
	v28 =	vor.u32 s0, v1;
	v29 =	vor.u32 s24, v1;
	s0 =	sadd.s32 $0xFFFFFFB0, s20  }
0x40e: {  	v30 =	vor.u32 s23, v1;
	v32 =	vor.u32 s22, v1;
	v31 =	vor.u32 s0, v1;
	s0 =	sadd.s32 $0xFFFFFFD0, s20  }
0x40f: {  	v34 =	vmulhi.u32 $0x88888889, v15;
	v25 =	vmul.f32 $6.944444520e-06, v25;
	v33 =	vor.u32 s0, v1;
	s0 =	sadd.s32 $0xFFFFFFF0, s20  }
0x410: {  	v36 =	vmulhi.u32 $0x88888889, v30;
	v18 =	vcvt.s32.f32 v18;
	v35 =	vor.u32 s0, v1  }
0x411: {  	v17 =	vmul.f32 $6.944444520e-06, v17;
	v37 =	vsub.s32 $0x0, v15;
	v38 =	vmulhi.u32 $0x88888889, v28;
	[tilespmem:v21+s17+$0x0] =	vst.idx.msk $0xffff, v25  }
0x412: {  	vm1 =	veq.s32 v20, v1;
	v18 =	vmul.f32 $6.944444520e-06, v18;
	v21 =	vshrl.u32 v34, $0x5;
	[tilespmem:v24+s17+$0x0] =	vst.idx.msk $0xffff, v26  }
0x413: {  	v20 =	vshrl.u32 v38, $0x5;
	v25 =	vmulhi.u32 $0x88888889, v35;
	v24 =	vmul.u32 $0xFFFFFFC4, v21  }
0x414: {  	v11 =	vcvt.s32.f32 v11;
	v34 =	vmulhi.u32 $0x88888889, v29;
	v26 =	vshrl.u32 v36, $0x5;
	[tilespmem:v12+s17+$0x0] =	vst.idx.msk $0xffff, v18  }
0x415: {  	vm2 =	vne.s32 v24, v37;
	v12 =	vmul.u32 $0xFFFFFFC4, v26;
	v18 =	vmul.u32 $0xFFFFFFC4, v20;
	[tilespmem:v7+s17+$0x0] =	vst.idx.msk $0xffff, v27  }
0x416: {  	v24 =	vshrl.u32 v34, $0x5;
	v34 =	vshll.u32 v20, $0x8;
	v27 =	vshll.u32 v26, $0x8;
	[tilespmem:v19+s17+$0x0] =	vst.idx.msk $0xffff, v23  }
0x417: {  	v11 =	vmul.f32 $6.944444520e-06, v11;
	v7 =	vadd.s32 v28, v18;
	v18 =	vmul.u32 $0xFFFFFFC4, v24;
	[tilespmem:v14+s17+$0x0] =	vst.idx.msk $0xffff, v6  }
0x418: {  	v6 =	vadd.s32 v30, v12;
	v23 =	vshll.u32 v7, $0x1;
	v12 =	vshll.u32 v24, $0x8;
	[tilespmem:v16+s17+$0x0] =	vst.idx.msk $0xffff, v9  }
0x419: {  	v9 =	vadd.s32 v29, v18;
	v16 =	vshll.u32 v6, $0x1;
	v18 =	vand.u32 $0xFFFFFF80, v23;
	[tilespmem:v13+s17+$0x0] =	vst.idx.msk $0xffff, v10  }
0x41a: {  	vm1 =	vmand vm1, vm2;
	v14 =	vshll.u32 v26, $0x7;
	v13 =	vshll.u32 v9, $0x1;
	[tilespmem:v22+s17+$0x0] =	vst.idx.msk $0xffff, v17  }
0x41b: {  	v10 =	vshll.u32 v24, $0x7;
	v17 =	vsel vm1, $0xFFFFFFFF, v0;
	v19 =	vand.u32 $0xFFFFFF80, v13;
	[tilespmem:v8+s17+$0x0] =	vst.idx.msk $0xffff, v11  }
0x41c: {  	v21 =	vadd.s32 v17, v21;
	v8 =	vand.u32 $0x7E, v13;
	v11 =	vadd.s32 v12, v19  }
0x41d: {  	s0 =	sadd.s32 $0xFFFFFFE0, s20;
	v22 =	vadd.s32 v34, v18;
	v13 =	vmulhi.u32 $0x88888889, v32;
	v11 =	vor.u32 v8, v11  }
0x41e: {  	v24 =	vor.u32 s0, v1;
	v8 =	vmulhi.u32 $0x88888889, v31  }
0x41f: {  	v18 =	vshrl.u32 v25, $0x5;
	v25 =	vand.u32 $0x7E, v16;
	v17 =	vmulhi.u32 $0x88888889, v24  }
0x420: {  	v19 =	vmulhi.u32 $0x88888889, v33;
	v12 =	vshll.u32 v18, $0x7;
	v26 =	vshrl.u32 v8, $0x5  }
0x421: {  	v28 =	vmul.u32 $0xFFFFFFC4, v18;
	v8 =	vshrl.u32 v13, $0x5;
	v13 =	vmul.u32 $0xFFFFFFC4, v26  }
0x422: {  	v34 =	vshll.u32 v18, $0x8;
	v29 =	vshrl.u32 v17, $0x5;
	v17 =	vmul.u32 $0xFFFFFFC4, v8;
	v30 =	vld.idx.msk [tilespmem:v11+s4+$0x0], $0xffff  }
0x423: {  	v36 =	vshrl.u32 v19, $0x5;
	v19 =	vadd.s32 v31, v13;
	v11 =	vadd.s32 v35, v28  }
0x424: {  	v17 =	vadd.s32 v32, v17;
	v13 =	vand.u32 $0xFFFFFF80, v16;
	v16 =	vshll.u32 v19, $0x1  }
0x425: {  	v18 =	vmul.u32 $0xFFFFFFC4, v36;
	v28 =	vand.u32 $0xFFFFFF80, v16;
	v31 =	vshll.u32 v11, $0x1  }
0x426: {  	v35 =	vshll.u32 v26, $0x8;
	v32 =	vand.u32 $0x7E, v16;
	v37 =	vand.u32 $0xFFFFFF80, v31  }
0x427: {  	v39 =	vshll.u32 v36, $0x7;
	v40 =	vshll.u32 v29, $0x7;
	v38 =	vshll.u32 v17, $0x1  }
0x428: {  	v41 =	vmul.u32 $0xFFFFFFC4, v21;
	v31 =	vand.u32 $0x7E, v31;
	v30 =	vmax.f32 v30, $6.000000000e+01  }
0x429: {  	v16 =	vadd.s32 v33, v18;
	v33 =	vshll.u32 v21, $0x8;
	v30 =	vcvt.s32.f32 v30  }
0x42a: {  	v18 =	vshll.u32 v21, $0x7;
	v28 =	vadd.s32 v35, v28;
	v35 =	vand.u32 $0x7E, v38  }
0x42b: {  	v13 =	vadd.s32 v27, v13;
	v21 =	vshll.u32 v8, $0x8;
	v27 =	vsub.f32 v30, v4  }
0x42c: {  	v15 =	vadd.s32 v15, v41;
	v28 =	vor.u32 v32, v28;
	v30 =	vadd.s32 v34, v37  }
0x42d: {  	v32 =	vmul.u32 $0xFFFFFFC4, v29;
	v34 =	vand.u32 $0xFFFFFF80, v16;
	v27 =	vmul.f32 v27, v5  }
0x42e: {  	v38 =	vand.u32 $0xFFFFFF80, v38;
	v41 =	vshll.u32 v16, $0x1;
	v37 =	vshll.u32 v15, $0x1  }
0x42f: {  	v24 =	vadd.s32 v24, v32;
	v32 =	vand.u32 $0xFFFFFF80, v37;
	v27 =	vtrunc.f32 v27  }
0x430: {  	v42 =	vor.u32 s20, v1;
	v37 =	vand.u32 $0x7E, v37;
	v27 =	vcvt.f32.s32 v27  }
0x431: {  	v21 =	vadd.s32 v21, v38;
	v32 =	vadd.s32 v33, v32;
	v33 =	vshll.u32 v36, $0x8;
	v28 =	vld.idx.msk [tilespmem:v28+s4+$0x0], $0xffff  }
0x432: {  	v23 =	vand.u32 $0x7E, v23;
	v36 =	vand.u32 $0xFFFFFF80, v41;
	vm1 =	vlt.s32 v27, $0xFFF  }
0x433: {  	v38 =	vmulhi.u32 $0x88888889, v42;
	v21 =	vor.u32 v35, v21;
	v27 =	vnsel vm1, $0xFFF, v27  }
0x434: {  	v35 =	vshll.u32 v24, $0x1;
	v33 =	vadd.s32 v33, v36;
	v36 =	vand.u32 $0xFFFFFF80, v24  }
0x435: {  	v29 =	vshll.u32 v29, $0x8;
	v43 =	vand.u32 $0xFFFFFF80, v35;
	v30 =	vor.u32 v31, v30  }
0x436: {  	v29 =	vadd.s32 v29, v43;
	v31 =	vor.u32 v37, v32;
	v32 =	vand.u32 $0x7E, v35  }
0x437: {  	v35 =	vand.u32 $0x7E, v41;
	v29 =	vor.u32 v32, v29;
	v28 =	vmax.f32 v28, $6.000000000e+01  }
0x438: {  	v23 =	vor.u32 v23, v22;
	v33 =	vor.u32 v35, v33;
	v32 =	vld.idx.msk [tilespmem:v21+s4+$0x0], $0xffff;
	v21 =	vcvt.s32.f32 v28  }
0x439: {  	v22 =	vand.u32 $0xFFFFFF80, v15;
	v13 =	vor.u32 v25, v13;
	v24 =	vand.u32 $0x7F, v24  }
0x43a: {  	v25 =	vshrl.u32 v38, $0x5;
	v28 =	vld.idx.msk [tilespmem:v30+s4+$0x0], $0xffff;
	v30 =	vsub.f32 v21, v4;
	v21 =	vshll.u32 v20, $0x7  }
0x43b: {  	v35 =	vand.u32 $0xFFFFFF80, v19;
	v36 =	vadd.s32 v40, v36;
	v20 =	vmul.u32 $0xFFFFFFC4, v25;
	v31 =	vld.idx.msk [tilespmem:v31+s4+$0x0], $0xffff  }
0x43c: {  	v26 =	vshll.u32 v26, $0x7;
	v37 =	vshll.u32 v25, $0x8;
	v29 =	vld.idx.msk [tilespmem:v29+s4+$0x0], $0xffff;
	v30 =	vmul.f32 v30, v5  }
0x43d: {  	v38 =	vand.u32 $0xFFFFFF80, v6;
	v25 =	vshll.u32 v25, $0x7;
	v20 =	vadd.s32 v42, v20;
	v33 =	vld.idx.msk [tilespmem:v33+s4+$0x0], $0xffff  }
0x43e: {  	v40 =	vshll.u32 v20, $0x1;
	v32 =	vmax.f32 v32, $6.000000000e+01;
	v41 =	vand.u32 $0xFFFFFF80, v20;
	v13 =	vld.idx.msk [tilespmem:v13+s4+$0x0], $0xffff  }
0x43f: {  	v43 =	vshll.u32 v8, $0x7;
	v42 =	vand.u32 $0xFFFFFF80, v40;
	v32 =	vcvt.s32.f32 v32  }
0x440: {  	v26 =	vadd.s32 v26, v35;
	v8 =	vtrunc.f32 v30;
	v28 =	vmax.f32 v28, $6.000000000e+01  }
0x441: {  	v30 =	vadd.s32 v37, v42;
	v31 =	vmax.f32 v31, $6.000000000e+01;
	v32 =	vsub.f32 v32, v4  }
0x442: {  	v35 =	vand.u32 $0x7E, v40;
	v8 =	vcvt.f32.s32 v8;
	v29 =	vmax.f32 v29, $6.000000000e+01  }
0x443: {  	v32 =	vmul.f32 v32, v5;
	v33 =	vmax.f32 v33, $6.000000000e+01;
	v29 =	vcvt.s32.f32 v29  }
0x444: {  	v34 =	vadd.s32 v39, v34;
	v13 =	vmax.f32 v13, $6.000000000e+01;
	v33 =	vcvt.s32.f32 v33  }
0x445: {  	v20 =	vand.u32 $0x7F, v20;
	vm1 =	vlt.s32 v8, $0xFFF;
	v29 =	vsub.f32 v29, v4  }
0x446: {  	v13 =	vcvt.s32.f32 v13;
	v32 =	vtrunc.f32 v32;
	v33 =	vsub.f32 v33, v4;
	v23 =	vld.idx.msk [tilespmem:v23+s4+$0x0], $0xffff  }
0x447: {  	v37 =	vnsel vm1, $0xFFF, v8;
	v8 =	vcvt.f32.s32 v32;
	v29 =	vmul.f32 v29, v5  }
0x448: {  	v25 =	vadd.s32 v25, v41;
	v30 =	vor.u32 v35, v30;
	v32 =	vmul.f32 v33, v5  }
0x449: {  	v28 =	vcvt.s32.f32 v28;
	vm1 =	vlt.s32 v8, $0xFFF;
	v29 =	vtrunc.f32 v29;
	v27 =	vld.idx.msk [tilespmem:v27+s16+$0x0], $0xffff  }
0x44a: {  	v33 =	vnsel vm1, $0xFFF, v8;
	v8 =	vtrunc.f32 v32;
	v29 =	vcvt.f32.s32 v29  }
0x44b: {  	v28 =	vsub.f32 v28, v4;
	v32 =	vcvt.f32.s32 v8;
	v8 =	vor.u32 v20, v25  }
0x44c: {  	v13 =	vsub.f32 v13, v4;
	v20 =	vmax.f32 v23, $6.000000000e+01;
	vm1 =	vlt.s32 v29, $0xFFF  }
0x44d: {  	v28 =	vmul.f32 v28, v5;
	v23 =	vcvt.s32.f32 v20;
	vm2 =	vlt.s32 v32, $0xFFF;
	v25 =	vld.idx.msk [tilespmem:v37+s16+$0x0], $0xffff  }
0x44e: {  	v31 =	vcvt.s32.f32 v31;
	v29 =	vnsel vm1, $0xFFF, v29;
	v32 =	vnsel vm2, $0xFFF, v32;
	v30 =	vld.idx.msk [tilespmem:v30+s4+$0x0], $0xffff  }
0x44f: {  	v35 =	vmul.f32 v13, v5;
	v13 =	vor.u32 v24, v36;
	v20 =	vcvt.s32.f32 v27;
	v33 =	vld.idx.msk [tilespmem:v33+s16+$0x0], $0xffff  }
0x450: {  	v24 =	vsub.f32 v31, v4;
	v23 =	vsub.f32 v23, v4;
	v27 =	vtrunc.f32 v28  }
0x451: {  	v31 =	vand.u32 $0xFFFFFF80, v11;
	v28 =	vtrunc.f32 v35;
	v27 =	vcvt.f32.s32 v27  }
0x452: {  	v19 =	vand.u32 $0x7F, v19;
	v28 =	vcvt.f32.s32 v28;
	v35 =	vmul.f32 v23, v5  }
0x453: {  	v24 =	vmul.f32 v24, v5;
	vm1 =	vlt.s32 v27, $0xFFF;
	v23 =	vcvt.s32.f32 v25;
	v32 =	vld.idx.msk [tilespmem:v32+s16+$0x0], $0xffff  }
0x454: {  	v19 =	vor.u32 v19, v26;
	v25 =	vnsel vm1, $0xFFF, v27;
	v27 =	vmax.f32 v30, $6.000000000e+01;
	v29 =	vld.idx.msk [tilespmem:v29+s16+$0x0], $0xffff  }
0x455: {  	vm1 =	vlt.s32 v28, $0xFFF;
	v26 =	vcvt.s32.f32 v27;
	v27 =	vadd.s32 v14, v38  }
0x456: {  	v14 =	vtrunc.f32 v24;
	v24 =	vand.u32 $0xFFFFFF80, v17;
	v17 =	vand.u32 $0x7F, v17  }
0x457: {  	v30 =	vtrunc.f32 v35;
	v24 =	vadd.s32 v43, v24;
	v26 =	vsub.f32 v26, v4  }
0x458: {  	v30 =	vcvt.f32.s32 v30;
	v35 =	vcvt.f32.s32 v14;
	v14 =	vor.u32 v17, v24  }
0x459: {  	v17 =	vnsel vm1, $0xFFF, v28;
	v24 =	vld.idx.msk [tilespmem:v25+s16+$0x0], $0xffff;
	v25 =	vmul.f32 v26, v5;
	v26 =	vcvt.s32.f32 v32  }
0x45a: {  	vm2 =	vlt.s32 v30, $0xFFF;
	v28 =	vcvt.s32.f32 v33;
	vm1 =	vlt.s32 v35, $0xFFF  }
0x45b: {  	v30 =	vnsel vm2, $0xFFF, v30;
	v32 =	vnsel vm1, $0xFFF, v35;
	v25 =	vtrunc.f32 v25  }
0x45c: {  	v16 =	vand.u32 $0x7F, v16;
	v33 =	vadd.s32 v18, v22;
	v25 =	vcvt.f32.s32 v25  }
0x45d: {  	v16 =	vor.u32 v16, v34;
	v18 =	vand.u32 $0xFFFFFF80, v7;
	v22 =	vand.u32 $0xFFFFFF80, v9  }
0x45e: {  	v21 =	vadd.s32 v21, v18;
	v10 =	vadd.s32 v10, v22;
	v34 =	vld.idx.msk [tilespmem:v17+s16+$0x0], $0xffff;
	vm1 =	vlt.s32 v25, $0xFFF  }
0x45f: {  	v22 =	vadd.s32 v12, v31;
	v17 =	vcvt.s32.f32 v24;
	v35 =	vnsel vm1, $0xFFF, v25  }
.Ltmp11:
0x460: {  	v12 =	vand.u32 $0x7F, v7;
	v7 =	vand.u32 $0x7F, v9;
	v25 =	vld.idx.msk [tilespmem:v32+s16+$0x0], $0xffff;
	(pc) =	sbr.rel @p1 .LBB2_23-.Ltmp11, $4  }
0x461: {  	v7 =	vor.u32 v7, v10;
	v10 =	vcvt.s32.f32 v29;
	v9 =	vmul.f32 $6.944444520e-06, v26  }
0x462: {  	v6 =	vand.u32 $0x7F, v6;
	v15 =	vand.u32 $0x7F, v15;
	v12 =	vor.u32 v12, v21;
	v18 =	vld.idx.msk [tilespmem:v30+s16+$0x0], $0xffff  }
0x463: {  	v21 =	vor.u32 v15, v33;
	v15 =	vand.u32 $0x7F, v11;
	v10 =	vmul.f32 $6.944444520e-06, v10  }
0x464: {  	s22 =	smov.u32 s19;
	v24 =	vor.u32 v6, v27;
	v6 =	vmul.f32 $6.944444520e-06, v28;
	v26 =	vcvt.s32.f32 v34;
	v11 =	vld.idx.msk [tilespmem:v35+s16+$0x0], $0xffff  }
0x465: {  	v25 =	vcvt.s32.f32 v25;
	_ =	sdelay $0x1  }
0x466: {  	v25 =	vmul.f32 $6.944444520e-06, v25;
	v18 =	vcvt.s32.f32 v18  }
0x467: {  	v26 =	vmul.f32 $6.944444520e-06, v26  }
0x468: {  	[tilespmem:v21+s17+$0x0] =	vst.idx.msk $0xffff, v25;
	v18 =	vmul.f32 $6.944444520e-06, v18  }
0x469: {  	v20 =	vmul.f32 $6.944444520e-06, v20;
	[tilespmem:v24+s17+$0x0] =	vst.idx.msk $0xffff, v26  }
0x46a: {  	v62 =	vmul.f32 $6.944444520e-06, v23;
	[tilespmem:v12+s17+$0x0] =	vst.idx.msk $0xffff, v18  }
0x46b: {  	v63 =	vor.u32 v15, v22;
	[tilespmem:v7+s17+$0x0] =	vst.idx.msk $0xffff, v20  }
0x46c: {  	[tilespmem:v19+s17+$0x0] =	vst.idx.msk $0xffff, v62  }
0x46d: {  	v7 =	vcvt.s32.f32 v11;
	[tilespmem:v14+s17+$0x0] =	vst.idx.msk $0xffff, v6  }
0x46e: {  	v6 =	vmul.f32 $6.944444520e-06, v17;
	[tilespmem:v16+s17+$0x0] =	vst.idx.msk $0xffff, v9  }
0x46f: {  	s0 =	sshrl.u32 s21, $0x3;
	v7 =	vmul.f32 $6.944444520e-06, v7;
	[tilespmem:v13+s17+$0x0] =	vst.idx.msk $0xffff, v10  }
0x470: {  	s0 =	sadd.s32 s6, s0;
	[tilespmem:v63+s17+$0x0] =	vst.idx.msk $0xffff, v6  }
.Ltmp12:
0x471: {  	s0 =	sadd.s32 $0x2300, s0;
	[tilespmem:v8+s17+$0x0] =	vst.idx.msk $0xffff, v7;
	(pc) =	sbr.rel @p0 .LBB2_2-.Ltmp12, $4  }
0x472: {  	[hbm4b:s0+s4] =	stream.linear.scatter [tilespmem:s17], [sflag:$0x3], $0x1400, $0x38;
	[tilespmem:$0x17580] =	vst v63  }
0x473: {  	_ =	swait.ge [sflag:s10], $0x1400  }
0x474: {  	[sflag:s10] =	ssyncset.done $0x0  }
0x475: {  	s19 =	simm.s32 $0x1;
	p1 =	por $0x0, $0x0;
	[sflag:s10] =	ssyncadd.s32 $0xFFFFEC00  }
0x476: {  	s18 =	sadd.s32 $0x1, s18  }
0x477: {  	p0 =	sne.s32 s18, s8  }
.Ltmp13:
0x478: {  	_ = 	snop;
	(pc) =	sbr.rel @p0 .LBB2_1-.Ltmp13, $1  }
0x479: {  	_ =	sdelay $0x3  }
0x47a: {  	_ =	sfence.sel $0x180000  }
0x47b: {  	[bflag:$0x0] =	sbarrier.arrive $0xFFFF  }
0x47c: {  	_ =	strace $0x9000004A  }
0x47d: {  	[bflag:$0x2] =	sbarrier.arrive $0xFFFF  }
0x47e: {  	p0 =	sne.s32 s5, $0x0;
	s0 =	rddreg [dreg:$0x3]  }
0x47f: {  	s0 =	sadd.s32 @!p0 $0x100000, s0  }
0x480: {  	[sflag:s0] =	ssyncadd.tile.s32 @!p0 $0x1;
	_ =	shalt  }
.Lfunc_end2:
_tile_overlayer_lowered:
.L_overlay_start_2:
0x481: {  	(tag) =	ssettag $0x2  }
0x482: {  	s0 =	rddreg [dreg:$0x0];
	s2 =	stileid.u32  }
0x483: {  	s1 =	rddreg [dreg:$0x1];
	p0 =	sne.s32 s2, $0x0  }
0x484: {  	s3 =	rddreg [dreg:$0x2];
	[bflag:$0x3] =	sbarrier.arrive $0xFFFF;
	s2 =	simm.s32 @!p0 $0x1C03  }
0x485: {  	[timem:s3], [sflag:s2] =	dma.local @!p0 [hbm:s0], s1  }
0x486: {  	s0 =	simm.s32 @!p0 $0x3  }
0x487: {  	_ =	swait.ge @!p0 [sflag:s0], s1  }
0x488: {  	s1 =	ssub.s32 @!p0 $0x0, s1;
	[sflag:s0] =	ssyncset.done @!p0 $0x0  }
0x489: {  	[sflag:s0] =	ssyncadd.s32 @!p0 s1  }
0x48a: {  	[bflag:$0x3] =	sbarrier.arrive $0xFFFF  }
0x48b: {  	_ =	shalt  }

</sc_bundles>
